<compile_context>
chip_gen: v7x
topology: tpu7x:2x2x1
jax: 0.10.2.dev20260603
libtpu: 0.0.44.dev20260713+nightly
codegen_flags: <defaults>
</compile_context>

<pallas_src>
import functools

import jax
import jax.numpy as jnp
from jax import lax
from jax.experimental import pallas as pl
from jax.experimental.pallas import tpu as pltpu
from jax.experimental.pallas import tpu_sc as plsc

NN = 10000
NE = 160000
D = 128
DH = 384

NC = 2
NS = 16
NW = NC * NS
CH = 128

E_BLK = 2000
E_MSG = 4000
R_BLK = 2000

_SC_MESH = plsc.VectorSubcoreMesh(core_axis_name="c", subcore_axis_name="s")



def _gather_rows(table, idx):
    B = idx.shape[0]
    n_chunks = B // CH
    npw = -(-n_chunks // NW)
    last_n = n_chunks - (NW - 1) * npw

    @functools.partial(
        pl.kernel,
        out_type=jax.ShapeDtypeStruct((B, D), jnp.float32),
        mesh=_SC_MESH,
        scratch_types=[
            pltpu.VMEM((npw * CH,), jnp.int32),
            pltpu.VMEM((CH, D), jnp.float32),
            pltpu.VMEM((CH, D), jnp.float32),
            pltpu.SemaphoreType.DMA,
            pltpu.SemaphoreType.DMA,
            pltpu.SemaphoreType.DMA,
        ],
    )
    def k(table_hbm, idx_hbm, out_hbm, idx_v, r0_v, r1_v, gsem, w0sem, w1sem):
        wid = lax.axis_index("s") * NC + lax.axis_index("c")
        base = wid * npw
        my_n = jnp.where(wid < NW - 1, npw, last_n)
        rows = (r0_v, r1_v)
        wsems = (w0sem, w1sem)

        @pl.when(wid < NW - 1)
        def _():
            pltpu.sync_copy(idx_hbm.at[pl.ds(base * CH, npw * CH)], idx_v)

        @pl.when(wid == NW - 1)
        def _():
            pltpu.sync_copy(idx_hbm.at[pl.ds(base * CH, last_n * CH)],
                            idx_v.at[pl.ds(0, last_n * CH)])

        @pl.loop(0, npw, step=2)
        def _(t0):
            for b in range(2):
                t = t0 + b

                @pl.when((t >= 2) & (t < my_n))
                def _():
                    pltpu.make_async_copy(
                        rows[b], out_hbm.at[pl.ds(0, CH)], wsems[b]).wait()

            for b in range(2):
                t = t0 + b

                @pl.when(t < my_n)
                def _():
                    pltpu.async_copy(
                        table_hbm.at[idx_v.at[pl.ds(t * CH, CH)]],
                        rows[b], gsem)

            for b in range(2):
                t = t0 + b

                @pl.when(t < my_n)
                def _():
                    pltpu.make_async_copy(
                        table_hbm.at[idx_v.at[pl.ds(t * CH, CH)]],
                        rows[b], gsem).wait()

            for b in range(2):
                t = t0 + b

                @pl.when(t < my_n)
                def _():
                    pltpu.async_copy(
                        rows[b], out_hbm.at[pl.ds((base + t) * CH, CH)],
                        wsems[b])

        @pl.when(my_n >= 2)
        def _():
            pltpu.make_async_copy(r0_v, out_hbm.at[pl.ds(0, CH)], w0sem).wait()
            pltpu.make_async_copy(r1_v, out_hbm.at[pl.ds(0, CH)], w1sem).wait()

        @pl.when(my_n == 1)
        def _():
            pltpu.make_async_copy(r0_v, out_hbm.at[pl.ds(0, CH)], w0sem).wait()

    return k(table, idx)


def _per_sub_slices(sid, fn):
    rps = 624

    @pl.when(sid < NS - 1)
    def _():
        fn(sid * rps, rps)

    @pl.when(sid == NS - 1)
    def _():
        fn((NS - 1) * rps, NN - (NS - 1) * rps)


def _segment_sum(m, dst2, zeros_d):
    n_chunks = m.shape[0] // CH
    npw = -(--(-n_chunks // NW) // 8) * 8

    @functools.partial(
        pl.kernel,
        out_type=jax.ShapeDtypeStruct((NC, NN, D), jnp.float32),
        mesh=_SC_MESH,
        scratch_types=[
            pltpu.VMEM((npw, CH), jnp.int32),
            pltpu.VMEM((CH, D), jnp.float32),
            pltpu.VMEM((CH, D), jnp.float32),
            pltpu.VMEM_SHARED((NN, D), jnp.float32),
            pltpu.SemaphoreType.DMA,
            pltpu.SemaphoreType.DMA,
        ],
    )
    def k(m_hbm, dst_hbm, z_d_hbm, agg_hbm, idx_v, m0_v, m1_v, acc_sh,
          l0sem, l1sem):
        cid = lax.axis_index("c")
        sid = lax.axis_index("s")
        wid = sid * NC + cid
        base = wid * npw
        my_n = jnp.clip(n_chunks - base, 0, npw)
        bufs = (m0_v, m1_v)
        sems = (l0sem, l1sem)

        _per_sub_slices(sid, lambda o, n: pltpu.sync_copy(
            z_d_hbm.at[pl.ds(o, n)], acc_sh.at[pl.ds(o, n)]))

        @pl.when(my_n > 0)
        def _():
            pltpu.sync_copy(dst_hbm.at[pl.ds(base, npw)], idx_v)

        plsc.subcore_barrier()

        @pl.loop(0, npw, step=2)
        def _(t0):
            for b in range(2):
                t = t0 + b

                @pl.when(t < my_n)
                def _():
                    pltpu.async_copy(m_hbm.at[pl.ds((base + t) * CH, CH)],
                                     bufs[b], sems[b])

            for b in range(2):
                t = t0 + b

                @pl.when(t < my_n)
                def _():
                    pltpu.make_async_copy(
                        m_hbm.at[pl.ds((base + t) * CH, CH)],
                        bufs[b], sems[b]).wait()
                    pltpu.sync_copy(bufs[b], acc_sh.at[idx_v.at[t]],
                                    add=True)

        plsc.subcore_barrier()
        _per_sub_slices(sid, lambda o, n: pltpu.sync_copy(
            acc_sh.at[pl.ds(o, n)], agg_hbm.at[cid, pl.ds(o, n)]))

    return k(m, dst2, zeros_d)


def _segment_count(dst2, zeros_d, ones_d):
    n_chunks = NE // CH
    npw = -(-n_chunks // NW)
    last_n = n_chunks - (NW - 1) * npw

    @functools.partial(
        pl.kernel,
        out_type=jax.ShapeDtypeStruct((NC, NN, D), jnp.float32),
        mesh=_SC_MESH,
        scratch_types=[
            pltpu.VMEM((npw, CH), jnp.int32),
            pltpu.VMEM((CH, D), jnp.float32),
            pltpu.VMEM_SHARED((NN, D), jnp.float32),
            pltpu.SemaphoreType.DMA,
        ],
    )
    def k(dst_hbm, z_d_hbm, ones_hbm, deg_hbm, idx_v, ones_v, acc_sh, sem):
        cid = lax.axis_index("c")
        sid = lax.axis_index("s")
        wid = sid * NC + cid
        base = wid * npw
        my_n = jnp.where(wid < NW - 1, npw, last_n)

        _per_sub_slices(sid, lambda o, n: pltpu.sync_copy(
            z_d_hbm.at[pl.ds(o, n)], acc_sh.at[pl.ds(o, n)]))
        pltpu.sync_copy(ones_hbm, ones_v)

        @pl.when(wid < NW - 1)
        def _():
            pltpu.sync_copy(dst_hbm.at[pl.ds(base, npw)], idx_v)

        last_ld = -(-last_n // 8) * 8

        @pl.when(wid == NW - 1)
        def _():
            pltpu.sync_copy(dst_hbm.at[pl.ds(base, last_ld)],
                            idx_v.at[pl.ds(0, last_ld)])

        plsc.subcore_barrier()

        @pl.loop(0, npw)
        def _(t):
            @pl.when(t < my_n)
            def _():
                pltpu.sync_copy(ones_v, acc_sh.at[idx_v.at[t]], add=True)

        plsc.subcore_barrier()
        _per_sub_slices(sid, lambda o, n: pltpu.sync_copy(
            acc_sh.at[pl.ds(o, n)], deg_hbm.at[cid, pl.ds(o, n)]))

    return k(dst2, zeros_d, ones_d)



def _chain(a, ws_ref, bs_ref, bs_f32, n_hidden):
    for i in range(n_hidden - 1):
        a = jnp.dot(a, ws_ref[i], preferred_element_type=jnp.float32)
        a = jnp.maximum(a.astype(jnp.bfloat16) + bs_ref[i + 1],
                        jnp.bfloat16(0.0))
    a = jnp.dot(a, ws_ref[n_hidden - 1], preferred_element_type=jnp.float32)
    return a + bs_f32


def _msg_body(gs_ref, gd_ref, ang_ref, w0_ref, ws_ref, bs_ref, bl_ref, m_ref):
    h = jnp.concatenate([gs_ref[...], gd_ref[...]], axis=1)
    a = jnp.dot(h, w0_ref[...], preferred_element_type=jnp.float32)
    a = jnp.maximum(a.astype(jnp.bfloat16) + bs_ref[0], jnp.bfloat16(0.0))
    a = _chain(a, ws_ref, bs_ref, bl_ref[...], 5)
    m_ref[...] = a * ang_ref[...]


N_BLKS = NE // E_BLK
N_BLKS_MSG = NE // E_MSG


def _msg_mlp(g, ang, w0, ws, bs, bl, half=None):
    if half is None:
        nb, b0, gdo = N_BLKS_MSG, 0, NE // E_MSG
    else:
        nb = NE // (2 * E_MSG)
        b0 = half * nb
        gdo = NE // E_MSG if g.shape[0] == 2 * NE else NE // (2 * E_MSG)
    n_out = nb * E_MSG
    return pl.pallas_call(
        _msg_body,
        grid=(nb,),
        in_specs=[
            pl.BlockSpec((E_MSG, D), lambda i: (i + b0, 0)),
            pl.BlockSpec((E_MSG, D), lambda i: (i + b0 + gdo, 0)),
            pl.BlockSpec((E_MSG, 1), lambda i: (i + b0, 0)),
            pl.BlockSpec((2 * D, D), lambda i: (0, 0)),
            pl.BlockSpec((5, D, D), lambda i: (0, 0, 0)),
            pl.BlockSpec((5, D), lambda i: (0, 0)),
            pl.BlockSpec((1, D), lambda i: (0, 0)),
        ],
        out_specs=pl.BlockSpec((E_MSG, D), lambda i: (i, 0)),
        out_shape=jax.ShapeDtypeStruct((n_out, D), jnp.float32),
    )(g, g, ang, w0, ws, bs, bl)


def _upd_body(x_ref, agg_ref, agg2_ref, deg_ref, w_ref, b_ref, o_ref):
    agg = (agg_ref[0] + agg_ref[1]) + (agg2_ref[0] + agg2_ref[1])
    deg = deg_ref[0, :, 0:1] + deg_ref[1, :, 0:1]
    agg = agg / jnp.maximum(deg, 1.0)
    h = jnp.concatenate([x_ref[...], agg], axis=1).astype(jnp.bfloat16)
    o = jnp.dot(h, w_ref[...], preferred_element_type=jnp.float32)
    o = o + b_ref[...]
    o_ref[...] = jnp.maximum(o, 0.0)


def _upd_mlp(x, agg_a, agg_b, deg_p, w, b):
    grid = NN // R_BLK
    return pl.pallas_call(
        _upd_body,
        grid=(grid,),
        in_specs=[
            pl.BlockSpec((R_BLK, D), lambda i: (i, 0)),
            pl.BlockSpec((NC, R_BLK, D), lambda i: (0, i, 0)),
            pl.BlockSpec((NC, R_BLK, D), lambda i: (0, i, 0)),
            pl.BlockSpec((NC, R_BLK, D), lambda i: (0, i, 0)),
            pl.BlockSpec((2 * D, D), lambda i: (0, 0)),
            pl.BlockSpec((1, D), lambda i: (0, 0)),
        ],
        out_specs=pl.BlockSpec((R_BLK, D), lambda i: (i, 0)),
        out_shape=jax.ShapeDtypeStruct((NN, D), jnp.float32),
    )(x, agg_a, agg_b, deg_p, w, b)


def _edge_stack(gs_ref, gd_ref, w0_ref, ws_ref, bs_ref, bl_ref):
    hf = jnp.concatenate([gs_ref[...], gd_ref[...]], axis=1)
    hr = jnp.concatenate([gd_ref[...], gs_ref[...]], axis=1)
    h = jnp.concatenate([hf, hr], axis=0)
    a = jnp.dot(h, w0_ref[...], preferred_element_type=jnp.float32)
    a = jnp.maximum(a.astype(jnp.bfloat16) + bs_ref[0], jnp.bfloat16(0.0))
    a = _chain(a, ws_ref, bs_ref, bl_ref[...], 5)
    return a[:E_BLK], a[E_BLK:]


def _edge1_body(gs_ref, gd_ref, w0_ref, ws_ref, bs_ref, bl_ref, ef_ref, sl_ref):
    e1, e2 = _edge_stack(gs_ref, gd_ref, w0_ref, ws_ref, bs_ref, bl_ref)

    @pl.when(pl.program_id(0) == 0)
    def _():
        sl_ref[...] = jnp.zeros((1, 1), jnp.float32)

    d = e1 - e2
    sl_ref[...] += jnp.sum(d * d).reshape(1, 1)
    ef_ref[...] = (0.5 * (e1 + e2)).astype(jnp.bfloat16)


def _edge1_mlp(g, w0, ws, bs, bl):
    return pl.pallas_call(
        _edge1_body,
        grid=(N_BLKS,),
        in_specs=[
            pl.BlockSpec((E_BLK, D), lambda i: (i, 0)),
            pl.BlockSpec((E_BLK, D), lambda i: (i + N_BLKS, 0)),
            pl.BlockSpec((2 * D, DH), lambda i: (0, 0)),
            pl.BlockSpec((5, DH, DH), lambda i: (0, 0, 0)),
            pl.BlockSpec((5, DH), lambda i: (0, 0)),
            pl.BlockSpec((1, DH), lambda i: (0, 0)),
        ],
        out_specs=[
            pl.BlockSpec((E_BLK, DH), lambda i: (i, 0)),
            pl.BlockSpec((1, 1), lambda i: (0, 0)),
        ],
        out_shape=[
            jax.ShapeDtypeStruct((NE, DH), jnp.bfloat16),
            jax.ShapeDtypeStruct((1, 1), jnp.float32),
        ],
    )(g, g, w0, ws, bs, bl)


def _edge2_body(gs_ref, gd_ref, ef1_ref, w0_ref, ws_ref, bs_ref, bl_ref,
                wfe_ref, wfp_ref, fb_ref, ef_ref, sl_ref):
    e1, e2 = _edge_stack(gs_ref, gd_ref, w0_ref, ws_ref, bs_ref, bl_ref)

    @pl.when(pl.program_id(0) == 0)
    def _():
        sl_ref[...] = jnp.zeros((1, 1), jnp.float32)

    d = e1 - e2
    sl_ref[...] += jnp.sum(d * d).reshape(1, 1)
    e = (0.5 * (e1 + e2)).astype(jnp.bfloat16)
    o = jnp.dot(e, wfe_ref[...], preferred_element_type=jnp.float32)
    o += jnp.dot(ef1_ref[...], wfp_ref[...], preferred_element_type=jnp.float32)
    ef_ref[...] = o + fb_ref[...]


def _edge2_mlp(g, ef1, w0, ws, bs, bl, wfe, wfp, fb):
    return pl.pallas_call(
        _edge2_body,
        grid=(N_BLKS,),
        in_specs=[
            pl.BlockSpec((E_BLK, D), lambda i: (i, 0)),
            pl.BlockSpec((E_BLK, D), lambda i: (i + N_BLKS, 0)),
            pl.BlockSpec((E_BLK, DH), lambda i: (i, 0)),
            pl.BlockSpec((2 * D, DH), lambda i: (0, 0)),
            pl.BlockSpec((5, DH, DH), lambda i: (0, 0, 0)),
            pl.BlockSpec((5, DH), lambda i: (0, 0)),
            pl.BlockSpec((1, DH), lambda i: (0, 0)),
            pl.BlockSpec((DH, D), lambda i: (0, 0)),
            pl.BlockSpec((DH, D), lambda i: (0, 0)),
            pl.BlockSpec((1, D), lambda i: (0, 0)),
        ],
        out_specs=[
            pl.BlockSpec((E_BLK, D), lambda i: (i, 0)),
            pl.BlockSpec((1, 1), lambda i: (0, 0)),
        ],
        out_shape=[
            jax.ShapeDtypeStruct((NE, D), jnp.float32),
            jax.ShapeDtypeStruct((1, 1), jnp.float32),
        ],
    )(g, g, ef1, w0, ws, bs, bl, wfe, wfp, fb)



def _stack_mlp(p):
    w0 = p[0][0].astype(jnp.bfloat16)
    ws = jnp.stack([w for (w, _) in p[1:]]).astype(jnp.bfloat16)
    bs = jnp.stack([b for (_, b) in p[:-1]]).astype(jnp.bfloat16)
    bl = p[-1][1].reshape(1, -1)
    return w0, ws, bs, bl


def kernel(node_features, edge_index, angles, gt_edges, params):
    del gt_edges
    src = edge_index[0]
    dst = edge_index[1]
    idx_all = jnp.concatenate([src, dst])
    NHC = NE // (2 * CH)
    npw_h = -(--(-NHC // NW) // 8) * 8
    lim_h = -(-NHC // npw_h) * npw_h
    pad = NHC + lim_h - (NE // CH)
    dst2 = jnp.concatenate(
        [dst, jnp.zeros((pad * CH,), jnp.int32)]).reshape(-1, CH)
    dstA = dst2[:lim_h]
    dstB = dst2[NHC:NHC + lim_h]
    ang = angles.reshape(NE, 1)

    m1w0, m1ws, m1bs, m1bl = _stack_mlp(params["nc1"]["msg"])
    m2w0, m2ws, m2bs, m2bl = _stack_mlp(params["nc2"]["msg"])
    e1w0, e1ws, e1bs, e1bl = _stack_mlp(params["ec1"]["edge"])
    e2w0, e2ws, e2bs, e2bl = _stack_mlp(params["ec2"]["edge"])
    u1w, u1b = params["nc1"]["upd"][0]
    u2w, u2b = params["nc2"]["upd"][0]
    fw, fb = params["ec2"]["fuse"][0]
    u1w = u1w.astype(jnp.bfloat16)
    u2w = u2w.astype(jnp.bfloat16)
    fw = fw.astype(jnp.bfloat16)
    u1b = u1b.reshape(1, D)
    u2b = u2b.reshape(1, D)
    fb = fb.reshape(1, D)
    wfe, wfp = fw[:DH], fw[DH:]

    zeros_d = jnp.zeros((NN, D), jnp.float32)
    ones_d = jnp.ones((CH, D), jnp.float32)

    x0 = node_features

    dp = _segment_count(dst2, zeros_d, ones_d)

    H = NE // 2
    idxA = jnp.concatenate([src[:H], dst[:H]])
    idxB = jnp.concatenate([src[H:], dst[H:]])
    g0a = _gather_rows(x0, idxA)
    g0b = _gather_rows(x0, idxB)
    m1a = _msg_mlp(g0a, ang, m1w0, m1ws, m1bs, m1bl, half=0)
    m1b = _msg_mlp(g0b, ang[H:], m1w0, m1ws, m1bs, m1bl, half=0)
    a1a = _segment_sum(m1a, dstA, zeros_d)
    a1b = _segment_sum(m1b, dstB, zeros_d)
    x1 = _upd_mlp(x0, a1a, a1b, dp, u1w, u1b)

    g1 = _gather_rows(x1, idx_all)

    m2a = _msg_mlp(g1, ang, m2w0, m2ws, m2bs, m2bl, half=0)
    m2b = _msg_mlp(g1, ang, m2w0, m2ws, m2bs, m2bl, half=1)
    ef1, sl1 = _edge1_mlp(g1, e1w0, e1ws, e1bs, e1bl)
    a2a = _segment_sum(m2a, dstA, zeros_d)
    a2b = _segment_sum(m2b, dstB, zeros_d)
    x2 = _upd_mlp(x1, a2a, a2b, dp, u2w, u2b)
    g2 = _gather_rows(x2, idx_all)

    ef, sl2 = _edge2_mlp(g2, ef1, e2w0, e2ws, e2bs, e2bl, wfe, wfp, fb)

    side_loss = (sl1[0, 0] + sl2[0, 0]) / (2.0 * NE * DH)
    return ef, side_loss

# --- scband reference (transcript-rebuilt; emitter-appended) ---
"""Pipeline reference for scband-gcnn-18348100288872 (READ-ONLY COPY).

The authoritative reference and input builder live on the scoring server;
editing this copy changes nothing except your own understanding.
"""

import jax, jax.numpy as jnp
import numpy as np

N_NODES = 10000
N_EDGES = 160000
D = 128
DH = 3 * D
D_OUT = 128


def _init_mlp(key, dims):
    params = []
    for i in range(len(dims) - 1):
        key, k = jax.random.split(key)
        w = jax.random.normal(k, (dims[i], dims[i + 1]), dtype=jnp.float32) * (1.0 / np.sqrt(dims[i]))
        b = jnp.zeros((dims[i + 1],), dtype=jnp.float32)
        params.append((w, b))
    return key, params


def _mlp(params, x):
    n = len(params)
    for i, (w, b) in enumerate(params):
        x = x @ w + b
        if i < n - 1:
            x = jax.nn.relu(x)
    return x


def _node_conv(p, x, src, dst, angles):
    # message MLP over gathered endpoint features, weighted by per-edge angle
    h = jnp.concatenate([x[src], x[dst]], axis=1)
    m = _mlp(p["msg"], h) * angles[:, None]
    agg = jax.ops.segment_sum(m, dst, num_segments=x.shape[0])
    deg = jax.ops.segment_sum(jnp.ones((dst.shape[0],), dtype=x.dtype), dst, num_segments=x.shape[0])
    agg = agg / jnp.maximum(deg, 1.0)[:, None]
    out = jax.nn.relu(_mlp(p["upd"], jnp.concatenate([x, agg], axis=1)))
    return out, None


def _edge_conv(p, x, src, dst, init_edge=None):
    # symmetric directed edge features; side loss penalizes direction asymmetry
    e1 = _mlp(p["edge"], jnp.concatenate([x[src], x[dst]], axis=1))
    e2 = _mlp(p["edge"], jnp.concatenate([x[dst], x[src]], axis=1))
    side_loss = jnp.mean((e1 - e2) ** 2)
    e = 0.5 * (e1 + e2)
    if init_edge is not None:
        e = _mlp(p["fuse"], jnp.concatenate([e, init_edge], axis=1))
    return side_loss, e


def init_params(key):
    key, msg1 = _init_mlp(key, [2 * D] + [D] * 5 + [D])
    key, upd1 = _init_mlp(key, [2 * D, D])
    key, msg2 = _init_mlp(key, [2 * D] + [D] * 5 + [D])
    key, upd2 = _init_mlp(key, [2 * D, D])
    key, e1 = _init_mlp(key, [2 * D] + [DH] * 5 + [DH])
    key, e2 = _init_mlp(key, [2 * D] + [DH] * 5 + [DH])
    key, fuse = _init_mlp(key, [2 * DH, D_OUT])
    return {
        "nc1": {"msg": msg1, "upd": upd1},
        "nc2": {"msg": msg2, "upd": upd2},
        "ec1": {"edge": e1},
        "ec2": {"edge": e2, "fuse": fuse},
    }


def setup_inputs(seed: int = 0):
    key = jax.random.key(seed)
    k1, k2, k3, k4, k5 = jax.random.split(key, 5)
    node_features = jax.random.normal(k1, (N_NODES, D), dtype=jnp.float32)
    edge_index = jax.random.randint(k2, (2, N_EDGES), 0, N_NODES, dtype=jnp.int32)
    angles = jax.random.uniform(k3, (N_EDGES,), dtype=jnp.float32)
    gt_edges = jax.random.uniform(k4, (N_EDGES,), dtype=jnp.float32)
    params = init_params(k5)
    return {
        "node_features": node_features,
        "edge_index": edge_index,
        "angles": angles,
        "gt_edges": gt_edges,
        "params": params,
    }


def reference(node_features, edge_index, angles, gt_edges, params):
    # gt_edges only used in the (disabled) tensorboard visualization branch (post_input=False)
    src = edge_index[0]
    dst = edge_index[1]
    x, _ = _node_conv(params["nc1"], node_features, src, dst, angles)
    sl1, ef = _edge_conv(params["ec1"], x, src, dst)
    x, _ = _node_conv(params["nc2"], x, src, dst, angles)
    sl2, ef = _edge_conv(params["ec2"], x, src, dst, init_edge=ef)
    side_loss = (sl1 + sl2) / 2.0
    return ef, side_loss

if __name__ == "__main__":
    import jax
    _d = setup_inputs()
    print(jax.jit(kernel)(*tuple(_d.values())))

</pallas_src>

<mosaic_0001>
#map = affine_map<(d0, d1) -> (0, 0)>
#map1 = affine_map<(d0, d1) -> (0)>
module attributes {stable_mosaic.version = 14 : i64} {
  func.func @k(%arg0: i32, %arg1: i32, %arg2: memref<10000x128xf32, #tpu.memory_space<hbm>>, %arg3: memref<160000xi32, #tpu.memory_space<hbm>>, %arg4: memref<160000x128xf32, #tpu.memory_space<hbm>>, %arg5: memref<5120xi32, #tpu.memory_space<vmem>>, %arg6: memref<128x128xf32, #tpu.memory_space<vmem>>, %arg7: memref<128x128xf32, #tpu.memory_space<vmem>>, %arg8: memref<!tpu.dma_semaphore, #tpu.memory_space<semaphore_mem>>, %arg9: memref<!tpu.dma_semaphore, #tpu.memory_space<semaphore_mem>>, %arg10: memref<!tpu.dma_semaphore, #tpu.memory_space<semaphore_mem>>) attributes {dimension_semantics = [#tpu.dimension_semantics<core_parallel>, #tpu.dimension_semantics<subcore_parallel>], iteration_bounds = array<i64: 2, 16>, scalar_prefetch = 0 : i64, scratch_operands = 6 : i64, tpu.core_type = #tpu.core_type<sc_vector_subcore>, window_params = [{transform_indices = #map}, {transform_indices = #map1}, {transform_indices = #map}]} {
    %mul3A = arith.constant 2 : i32
    %mul3A_0 = arith.muli %arg1, %mul3A : i32
    %add3A = arith.addi %mul3A_0, %arg0 : i32
    %mul3A_1 = arith.constant 40 : i32
    %mul3A_2 = arith.muli %add3A, %mul3A_1 : i32
    %lt3A = arith.constant 31 : i32
    %lt3A_3 = arith.cmpi slt, %add3A, %lt3A : i32
    %jit3A = arith.constant 40 : i32
    %jit3A_4 = arith.constant 10 : i32
    %select_n3A = arith.select %lt3A_3, %jit3A, %jit3A_4 : i32
    %lt3A_5 = arith.constant 31 : i32
    %lt3A_6 = arith.cmpi slt, %add3A, %lt3A_5 : i32
    %convert_element_type3A = arith.extui %lt3A_6 : i1 to i32
    %cond3A = arith.constant 0 : i32
    %cond3A_7 = arith.cmpi ne, %convert_element_type3A, %cond3A : i32
    scf.if %cond3A_7 {
      %mul3A_25 = arith.constant 128 : i32
      %mul3A_26 = arith.muli %mul3A_2, %mul3A_25 : i32
      "tpu.region"() ({
        %run_scoped3A = tpu.sem_alloc : memref<!tpu.dma_semaphore, #tpu.memory_space<semaphore_mem>>
        %dma_start3A = tpu.memref_slice %arg3[%mul3A_26] : memref<160000xi32, #tpu.memory_space<hbm>> -> memref<5120xi32, #tpu.memory_space<hbm>>
        %dma_start3A_27 = tpu.memref_slice %arg3[%mul3A_26] : memref<160000xi32, #tpu.memory_space<hbm>> -> memref<5120xi32, #tpu.memory_space<hbm>>
        tpu.enqueue_dma source(%dma_start3A_27 : memref<5120xi32, #tpu.memory_space<hbm>>) target(%arg5 : memref<5120xi32, #tpu.memory_space<vmem>>) target_semaphore(%run_scoped3A : memref<!tpu.dma_semaphore, #tpu.memory_space<semaphore_mem>>)
        %dma_wait3A = tpu.memref_slice %arg3[%mul3A_26] : memref<160000xi32, #tpu.memory_space<hbm>> -> memref<5120xi32, #tpu.memory_space<hbm>>
        %dma_wait3A_28 = tpu.memref_slice %arg3[%mul3A_26] : memref<160000xi32, #tpu.memory_space<hbm>> -> memref<5120xi32, #tpu.memory_space<hbm>>
        tpu.wait_dma2 semaphore(%run_scoped3A : memref<!tpu.dma_semaphore, #tpu.memory_space<semaphore_mem>>) src(%dma_wait3A_28 : memref<5120xi32, #tpu.memory_space<hbm>>) dst(%arg5 : memref<5120xi32, #tpu.memory_space<vmem>>)
        tpu.yield
      }) : () -> ()
    } else {
    }
    %eq3A = arith.constant 31 : i32
    %eq3A_8 = arith.cmpi eq, %add3A, %eq3A : i32
    %convert_element_type3A_9 = arith.extui %eq3A_8 : i1 to i32
    %cond3A_10 = arith.constant 0 : i32
    %cond3A_11 = arith.cmpi ne, %convert_element_type3A_9, %cond3A_10 : i32
    scf.if %cond3A_11 {
      %mul3A_25 = arith.constant 128 : i32
      %mul3A_26 = arith.muli %mul3A_2, %mul3A_25 : i32
      "tpu.region"() ({
        %run_scoped3A = tpu.sem_alloc : memref<!tpu.dma_semaphore, #tpu.memory_space<semaphore_mem>>
        %dma_start3A = arith.constant 0 : i32
        %dma_start3A_27 = tpu.memref_slice %arg5[%dma_start3A] : memref<5120xi32, #tpu.memory_space<vmem>> -> memref<1280xi32, #tpu.memory_space<vmem>>
        %dma_start3A_28 = tpu.memref_slice %arg3[%mul3A_26] : memref<160000xi32, #tpu.memory_space<hbm>> -> memref<1280xi32, #tpu.memory_space<hbm>>
        %dma_start3A_29 = arith.constant 0 : i32
        %dma_start3A_30 = tpu.memref_slice %arg5[%dma_start3A_29] : memref<5120xi32, #tpu.memory_space<vmem>> -> memref<1280xi32, #tpu.memory_space<vmem>>
        %dma_start3A_31 = tpu.memref_slice %arg3[%mul3A_26] : memref<160000xi32, #tpu.memory_space<hbm>> -> memref<1280xi32, #tpu.memory_space<hbm>>
        tpu.enqueue_dma source(%dma_start3A_31 : memref<1280xi32, #tpu.memory_space<hbm>>) target(%dma_start3A_30 : memref<1280xi32, #tpu.memory_space<vmem>>) target_semaphore(%run_scoped3A : memref<!tpu.dma_semaphore, #tpu.memory_space<semaphore_mem>>)
        %dma_wait3A = arith.constant 0 : i32
        %dma_wait3A_32 = tpu.memref_slice %arg5[%dma_wait3A] : memref<5120xi32, #tpu.memory_space<vmem>> -> memref<1280xi32, #tpu.memory_space<vmem>>
        %dma_wait3A_33 = tpu.memref_slice %arg3[%mul3A_26] : memref<160000xi32, #tpu.memory_space<hbm>> -> memref<1280xi32, #tpu.memory_space<hbm>>
        %dma_wait3A_34 = arith.constant 0 : i32
        %dma_wait3A_35 = tpu.memref_slice %arg5[%dma_wait3A_34] : memref<5120xi32, #tpu.memory_space<vmem>> -> memref<1280xi32, #tpu.memory_space<vmem>>
        %dma_wait3A_36 = tpu.memref_slice %arg3[%mul3A_26] : memref<160000xi32, #tpu.memory_space<hbm>> -> memref<1280xi32, #tpu.memory_space<hbm>>
        tpu.wait_dma2 semaphore(%run_scoped3A : memref<!tpu.dma_semaphore, #tpu.memory_space<semaphore_mem>>) src(%dma_wait3A_36 : memref<1280xi32, #tpu.memory_space<hbm>>) dst(%dma_wait3A_35 : memref<1280xi32, #tpu.memory_space<vmem>>)
        tpu.yield
      }) : () -> ()
    } else {
    }
    %scan3A = arith.constant 0 : i32
    %scan3A_12 = arith.constant 20 : i32
    %scan3A_13 = arith.addi %scan3A, %scan3A_12 : i32
    %scan3A_14 = arith.constant 1 : i32
    scf.for %scan3A_25 = %scan3A to %scan3A_13 step %scan3A_14  : i32 {
      %mul3A_26 = arith.constant 2 : i32
      %mul3A_27 = arith.muli %scan3A_25, %mul3A_26 : i32
      %add3A_28 = arith.constant 0 : i32
      %add3A_29 = arith.addi %add3A_28, %mul3A_27 : i32
      %add3A_30 = arith.constant 0 : i32
      %add3A_31 = arith.addi %add3A_29, %add3A_30 : i32
      %ge3A_32 = arith.constant 2 : i32
      %ge3A_33 = arith.cmpi sge, %add3A_31, %ge3A_32 : i32
      %lt3A_34 = arith.cmpi slt, %add3A_31, %select_n3A : i32
      %and3A = arith.andi %ge3A_33, %lt3A_34 : i1
      %convert_element_type3A_35 = arith.extui %and3A : i1 to i32
      %cond3A_36 = arith.constant 0 : i32
      %cond3A_37 = arith.cmpi ne, %convert_element_type3A_35, %cond3A_36 : i32
      scf.if %cond3A_37 {
        %dma_wait3A = arith.constant 0 : i32
        %dma_wait3A_83 = arith.constant 0 : i32
        %dma_wait3A_84 = tpu.memref_slice %arg4[%dma_wait3A, %dma_wait3A_83] : memref<160000x128xf32, #tpu.memory_space<hbm>> -> memref<128x128xf32, #tpu.memory_space<hbm>>
        %dma_wait3A_85 = arith.constant 0 : i32
        %dma_wait3A_86 = arith.constant 0 : i32
        %dma_wait3A_87 = tpu.memref_slice %arg4[%dma_wait3A_85, %dma_wait3A_86] : memref<160000x128xf32, #tpu.memory_space<hbm>> -> memref<128x128xf32, #tpu.memory_space<hbm>>
        tpu.wait_dma2 semaphore(%arg9 : memref<!tpu.dma_semaphore, #tpu.memory_space<semaphore_mem>>) src(%arg6 : memref<128x128xf32, #tpu.memory_space<vmem>>) dst(%dma_wait3A_87 : memref<128x128xf32, #tpu.memory_space<hbm>>)
      } else {
      }
      %add3A_38 = arith.constant 1 : i32
      %add3A_39 = arith.addi %add3A_29, %add3A_38 : i32
      %ge3A_40 = arith.constant 2 : i32
      %ge3A_41 = arith.cmpi sge, %add3A_39, %ge3A_40 : i32
      %lt3A_42 = arith.cmpi slt, %add3A_39, %select_n3A : i32
      %and3A_43 = arith.andi %ge3A_41, %lt3A_42 : i1
      %convert_element_type3A_44 = arith.extui %and3A_43 : i1 to i32
      %cond3A_45 = arith.constant 0 : i32
      %cond3A_46 = arith.cmpi ne, %convert_element_type3A_44, %cond3A_45 : i32
      scf.if %cond3A_46 {
        %dma_wait3A = arith.constant 0 : i32
        %dma_wait3A_83 = arith.constant 0 : i32
        %dma_wait3A_84 = tpu.memref_slice %arg4[%dma_wait3A, %dma_wait3A_83] : memref<160000x128xf32, #tpu.memory_space<hbm>> -> memref<128x128xf32, #tpu.memory_space<hbm>>
        %dma_wait3A_85 = arith.constant 0 : i32
        %dma_wait3A_86 = arith.constant 0 : i32
        %dma_wait3A_87 = tpu.memref_slice %arg4[%dma_wait3A_85, %dma_wait3A_86] : memref<160000x128xf32, #tpu.memory_space<hbm>> -> memref<128x128xf32, #tpu.memory_space<hbm>>
        tpu.wait_dma2 semaphore(%arg10 : memref<!tpu.dma_semaphore, #tpu.memory_space<semaphore_mem>>) src(%arg7 : memref<128x128xf32, #tpu.memory_space<vmem>>) dst(%dma_wait3A_87 : memref<128x128xf32, #tpu.memory_space<hbm>>)
      } else {
      }
      %add3A_47 = arith.constant 0 : i32
      %add3A_48 = arith.addi %add3A_29, %add3A_47 : i32
      %lt3A_49 = arith.cmpi slt, %add3A_48, %select_n3A : i32
      %convert_element_type3A_50 = arith.extui %lt3A_49 : i1 to i32
      %cond3A_51 = arith.constant 0 : i32
      %cond3A_52 = arith.cmpi ne, %convert_element_type3A_50, %cond3A_51 : i32
      scf.if %cond3A_52 {
        %mul3A_83 = arith.constant 128 : i32
        %mul3A_84 = arith.muli %add3A_48, %mul3A_83 : i32
        %dma_start3A = tpu.memref_slice %arg5[%mul3A_84] : memref<5120xi32, #tpu.memory_space<vmem>> -> memref<128xi32, #tpu.memory_space<vmem>>
        %dma_start3A_85 = arith.constant 0 : i32
        %dma_start3A_86 = arith.constant 0 : i32
        %dma_start3A_87 = tpu.memref_slice %arg2[%dma_start3A_85, %dma_start3A_86] : memref<10000x128xf32, #tpu.memory_space<hbm>> -> memref<10000x128xf32, #tpu.memory_space<hbm>>
        tpu.enqueue_indirect_dma source(%dma_start3A_87 : memref<10000x128xf32, #tpu.memory_space<hbm>>) target(%arg6 : memref<128x128xf32, #tpu.memory_space<vmem>>) offsets(%dma_start3A : memref<128xi32, #tpu.memory_space<vmem>>) semaphore(%arg8 : memref<!tpu.dma_semaphore, #tpu.memory_space<semaphore_mem>>)
      } else {
      }
      %add3A_53 = arith.constant 1 : i32
      %add3A_54 = arith.addi %add3A_29, %add3A_53 : i32
      %lt3A_55 = arith.cmpi slt, %add3A_54, %select_n3A : i32
      %convert_element_type3A_56 = arith.extui %lt3A_55 : i1 to i32
      %cond3A_57 = arith.constant 0 : i32
      %cond3A_58 = arith.cmpi ne, %convert_element_type3A_56, %cond3A_57 : i32
      scf.if %cond3A_58 {
        %mul3A_83 = arith.constant 128 : i32
        %mul3A_84 = arith.muli %add3A_54, %mul3A_83 : i32
        %dma_start3A = tpu.memref_slice %arg5[%mul3A_84] : memref<5120xi32, #tpu.memory_space<vmem>> -> memref<128xi32, #tpu.memory_space<vmem>>
        %dma_start3A_85 = arith.constant 0 : i32
        %dma_start3A_86 = arith.constant 0 : i32
        %dma_start3A_87 = tpu.memref_slice %arg2[%dma_start3A_85, %dma_start3A_86] : memref<10000x128xf32, #tpu.memory_space<hbm>> -> memref<10000x128xf32, #tpu.memory_space<hbm>>
        tpu.enqueue_indirect_dma source(%dma_start3A_87 : memref<10000x128xf32, #tpu.memory_space<hbm>>) target(%arg7 : memref<128x128xf32, #tpu.memory_space<vmem>>) offsets(%dma_start3A : memref<128xi32, #tpu.memory_space<vmem>>) semaphore(%arg8 : memref<!tpu.dma_semaphore, #tpu.memory_space<semaphore_mem>>)
      } else {
      }
      %add3A_59 = arith.constant 0 : i32
      %add3A_60 = arith.addi %add3A_29, %add3A_59 : i32
      %lt3A_61 = arith.cmpi slt, %add3A_60, %select_n3A : i32
      %convert_element_type3A_62 = arith.extui %lt3A_61 : i1 to i32
      %cond3A_63 = arith.constant 0 : i32
      %cond3A_64 = arith.cmpi ne, %convert_element_type3A_62, %cond3A_63 : i32
      scf.if %cond3A_64 {
        %mul3A_83 = arith.constant 128 : i32
        %mul3A_84 = arith.muli %add3A_60, %mul3A_83 : i32
        %dma_wait3A = tpu.memref_slice %arg5[%mul3A_84] : memref<5120xi32, #tpu.memory_space<vmem>> -> memref<128xi32, #tpu.memory_space<vmem>>
        %dma_wait3A_85 = arith.constant 0 : i32
        %dma_wait3A_86 = arith.constant 0 : i32
        %dma_wait3A_87 = tpu.memref_slice %arg2[%dma_wait3A_85, %dma_wait3A_86] : memref<10000x128xf32, #tpu.memory_space<hbm>> -> memref<10000x128xf32, #tpu.memory_space<hbm>>
        tpu.wait_indirect_dma semaphore(%arg8 : memref<!tpu.dma_semaphore, #tpu.memory_space<semaphore_mem>>) src(%dma_wait3A_87 : memref<10000x128xf32, #tpu.memory_space<hbm>>) dst(%arg6 : memref<128x128xf32, #tpu.memory_space<vmem>>)
      } else {
      }
      %add3A_65 = arith.constant 1 : i32
      %add3A_66 = arith.addi %add3A_29, %add3A_65 : i32
      %lt3A_67 = arith.cmpi slt, %add3A_66, %select_n3A : i32
      %convert_element_type3A_68 = arith.extui %lt3A_67 : i1 to i32
      %cond3A_69 = arith.constant 0 : i32
      %cond3A_70 = arith.cmpi ne, %convert_element_type3A_68, %cond3A_69 : i32
      scf.if %cond3A_70 {
        %mul3A_83 = arith.constant 128 : i32
        %mul3A_84 = arith.muli %add3A_66, %mul3A_83 : i32
        %dma_wait3A = tpu.memref_slice %arg5[%mul3A_84] : memref<5120xi32, #tpu.memory_space<vmem>> -> memref<128xi32, #tpu.memory_space<vmem>>
        %dma_wait3A_85 = arith.constant 0 : i32
        %dma_wait3A_86 = arith.constant 0 : i32
        %dma_wait3A_87 = tpu.memref_slice %arg2[%dma_wait3A_85, %dma_wait3A_86] : memref<10000x128xf32, #tpu.memory_space<hbm>> -> memref<10000x128xf32, #tpu.memory_space<hbm>>
        tpu.wait_indirect_dma semaphore(%arg8 : memref<!tpu.dma_semaphore, #tpu.memory_space<semaphore_mem>>) src(%dma_wait3A_87 : memref<10000x128xf32, #tpu.memory_space<hbm>>) dst(%arg7 : memref<128x128xf32, #tpu.memory_space<vmem>>)
      } else {
      }
      %add3A_71 = arith.constant 0 : i32
      %add3A_72 = arith.addi %add3A_29, %add3A_71 : i32
      %lt3A_73 = arith.cmpi slt, %add3A_72, %select_n3A : i32
      %convert_element_type3A_74 = arith.extui %lt3A_73 : i1 to i32
      %cond3A_75 = arith.constant 0 : i32
      %cond3A_76 = arith.cmpi ne, %convert_element_type3A_74, %cond3A_75 : i32
      scf.if %cond3A_76 {
        %add3A_83 = arith.addi %mul3A_2, %add3A_72 : i32
        %mul3A_84 = arith.constant 128 : i32
        %mul3A_85 = arith.muli %add3A_83, %mul3A_84 : i32
        %dma_start3A = arith.constant 0 : i32
        %dma_start3A_86 = tpu.memref_slice %arg4[%mul3A_85, %dma_start3A] : memref<160000x128xf32, #tpu.memory_space<hbm>> -> memref<128x128xf32, #tpu.memory_space<hbm>>
        %dma_start3A_87 = arith.constant 0 : i32
        %dma_start3A_88 = tpu.memref_slice %arg4[%mul3A_85, %dma_start3A_87] : memref<160000x128xf32, #tpu.memory_space<hbm>> -> memref<128x128xf32, #tpu.memory_space<hbm>>
        tpu.enqueue_dma source(%arg6 : memref<128x128xf32, #tpu.memory_space<vmem>>) target(%dma_start3A_88 : memref<128x128xf32, #tpu.memory_space<hbm>>) target_semaphore(%arg9 : memref<!tpu.dma_semaphore, #tpu.memory_space<semaphore_mem>>)
      } else {
      }
      %add3A_77 = arith.constant 1 : i32
      %add3A_78 = arith.addi %add3A_29, %add3A_77 : i32
      %lt3A_79 = arith.cmpi slt, %add3A_78, %select_n3A : i32
      %convert_element_type3A_80 = arith.extui %lt3A_79 : i1 to i32
      %cond3A_81 = arith.constant 0 : i32
      %cond3A_82 = arith.cmpi ne, %convert_element_type3A_80, %cond3A_81 : i32
      scf.if %cond3A_82 {
        %add3A_83 = arith.addi %mul3A_2, %add3A_78 : i32
        %mul3A_84 = arith.constant 128 : i32
        %mul3A_85 = arith.muli %add3A_83, %mul3A_84 : i32
        %dma_start3A = arith.constant 0 : i32
        %dma_start3A_86 = tpu.memref_slice %arg4[%mul3A_85, %dma_start3A] : memref<160000x128xf32, #tpu.memory_space<hbm>> -> memref<128x128xf32, #tpu.memory_space<hbm>>
        %dma_start3A_87 = arith.constant 0 : i32
        %dma_start3A_88 = tpu.memref_slice %arg4[%mul3A_85, %dma_start3A_87] : memref<160000x128xf32, #tpu.memory_space<hbm>> -> memref<128x128xf32, #tpu.memory_space<hbm>>
        tpu.enqueue_dma source(%arg7 : memref<128x128xf32, #tpu.memory_space<vmem>>) target(%dma_start3A_88 : memref<128x128xf32, #tpu.memory_space<hbm>>) target_semaphore(%arg10 : memref<!tpu.dma_semaphore, #tpu.memory_space<semaphore_mem>>)
      } else {
      }
    }
    %scan3A_15 = arith.constant 20 : i32
    %ge3A = arith.constant 2 : i32
    %ge3A_16 = arith.cmpi sge, %select_n3A, %ge3A : i32
    %convert_element_type3A_17 = arith.extui %ge3A_16 : i1 to i32
    %cond3A_18 = arith.constant 0 : i32
    %cond3A_19 = arith.cmpi ne, %convert_element_type3A_17, %cond3A_18 : i32
    scf.if %cond3A_19 {
      %dma_wait3A = arith.constant 0 : i32
      %dma_wait3A_25 = arith.constant 0 : i32
      %dma_wait3A_26 = tpu.memref_slice %arg4[%dma_wait3A, %dma_wait3A_25] : memref<160000x128xf32, #tpu.memory_space<hbm>> -> memref<128x128xf32, #tpu.memory_space<hbm>>
      %dma_wait3A_27 = arith.constant 0 : i32
      %dma_wait3A_28 = arith.constant 0 : i32
      %dma_wait3A_29 = tpu.memref_slice %arg4[%dma_wait3A_27, %dma_wait3A_28] : memref<160000x128xf32, #tpu.memory_space<hbm>> -> memref<128x128xf32, #tpu.memory_space<hbm>>
      tpu.wait_dma2 semaphore(%arg9 : memref<!tpu.dma_semaphore, #tpu.memory_space<semaphore_mem>>) src(%arg6 : memref<128x128xf32, #tpu.memory_space<vmem>>) dst(%dma_wait3A_29 : memref<128x128xf32, #tpu.memory_space<hbm>>)
      %dma_wait3A_30 = arith.constant 0 : i32
      %dma_wait3A_31 = arith.constant 0 : i32
      %dma_wait3A_32 = tpu.memref_slice %arg4[%dma_wait3A_30, %dma_wait3A_31] : memref<160000x128xf32, #tpu.memory_space<hbm>> -> memref<128x128xf32, #tpu.memory_space<hbm>>
      %dma_wait3A_33 = arith.constant 0 : i32
      %dma_wait3A_34 = arith.constant 0 : i32
      %dma_wait3A_35 = tpu.memref_slice %arg4[%dma_wait3A_33, %dma_wait3A_34] : memref<160000x128xf32, #tpu.memory_space<hbm>> -> memref<128x128xf32, #tpu.memory_space<hbm>>
      tpu.wait_dma2 semaphore(%arg10 : memref<!tpu.dma_semaphore, #tpu.memory_space<semaphore_mem>>) src(%arg7 : memref<128x128xf32, #tpu.memory_space<vmem>>) dst(%dma_wait3A_35 : memref<128x128xf32, #tpu.memory_space<hbm>>)
    } else {
    }
    %eq3A_20 = arith.constant 1 : i32
    %eq3A_21 = arith.cmpi eq, %select_n3A, %eq3A_20 : i32
    %convert_element_type3A_22 = arith.extui %eq3A_21 : i1 to i32
    %cond3A_23 = arith.constant 0 : i32
    %cond3A_24 = arith.cmpi ne, %convert_element_type3A_22, %cond3A_23 : i32
    scf.if %cond3A_24 {
      %dma_wait3A = arith.constant 0 : i32
      %dma_wait3A_25 = arith.constant 0 : i32
      %dma_wait3A_26 = tpu.memref_slice %arg4[%dma_wait3A, %dma_wait3A_25] : memref<160000x128xf32, #tpu.memory_space<hbm>> -> memref<128x128xf32, #tpu.memory_space<hbm>>
      %dma_wait3A_27 = arith.constant 0 : i32
      %dma_wait3A_28 = arith.constant 0 : i32
      %dma_wait3A_29 = tpu.memref_slice %arg4[%dma_wait3A_27, %dma_wait3A_28] : memref<160000x128xf32, #tpu.memory_space<hbm>> -> memref<128x128xf32, #tpu.memory_space<hbm>>
      tpu.wait_dma2 semaphore(%arg9 : memref<!tpu.dma_semaphore, #tpu.memory_space<semaphore_mem>>) src(%arg6 : memref<128x128xf32, #tpu.memory_space<vmem>>) dst(%dma_wait3A_29 : memref<128x128xf32, #tpu.memory_space<hbm>>)
    } else {
    }
    return
  }
}

#map = affine_map<(d0, d1) -> (0, 0)>
#map1 = affine_map<(d0, d1) -> (0)>
module attributes {stable_mosaic.version = 14 : i64} {
  func.func @k(%arg0: i32, %arg1: i32, %arg2: memref<10000x128xf32, #tpu.memory_space<hbm>>, %arg3: memref<160000xi32, #tpu.memory_space<hbm>>, %arg4: memref<160000x128xf32, #tpu.memory_space<hbm>>, %arg5: memref<5120xi32, #tpu.memory_space<vmem>>, %arg6: memref<128x128xf32, #tpu.memory_space<vmem>>, %arg7: memref<128x128xf32, #tpu.memory_space<vmem>>, %arg8: memref<!tpu.dma_semaphore, #tpu.memory_space<semaphore_mem>>, %arg9: memref<!tpu.dma_semaphore, #tpu.memory_space<semaphore_mem>>, %arg10: memref<!tpu.dma_semaphore, #tpu.memory_space<semaphore_mem>>) attributes {dimension_semantics = [#tpu.dimension_semantics<core_parallel>, #tpu.dimension_semantics<subcore_parallel>], iteration_bounds = array<i64: 2, 16>, scalar_prefetch = 0 : i64, scratch_operands = 6 : i64, tpu.core_type = #tpu.core_type<sc_vector_subcore>, window_params = [{transform_indices = #map}, {transform_indices = #map1}, {transform_indices = #map}]} {
    %mul3A = arith.constant 2 : i32
    %mul3A_0 = arith.muli %arg1, %mul3A : i32
    %add3A = arith.addi %mul3A_0, %arg0 : i32
    %mul3A_1 = arith.constant 40 : i32
    %mul3A_2 = arith.muli %add3A, %mul3A_1 : i32
    %lt3A = arith.constant 31 : i32
    %lt3A_3 = arith.cmpi slt, %add3A, %lt3A : i32
    %jit3A = arith.constant 40 : i32
    %jit3A_4 = arith.constant 10 : i32
    %select_n3A = arith.select %lt3A_3, %jit3A, %jit3A_4 : i32
    %lt3A_5 = arith.constant 31 : i32
    %lt3A_6 = arith.cmpi slt, %add3A, %lt3A_5 : i32
    %convert_element_type3A = arith.extui %lt3A_6 : i1 to i32
    %cond3A = arith.constant 0 : i32
    %cond3A_7 = arith.cmpi ne, %convert_element_type3A, %cond3A : i32
    scf.if %cond3A_7 {
      %mul3A_25 = arith.constant 128 : i32
      %mul3A_26 = arith.muli %mul3A_2, %mul3A_25 : i32
      "tpu.region"() ({
        %run_scoped3A = tpu.sem_alloc : memref<!tpu.dma_semaphore, #tpu.memory_space<semaphore_mem>>
        %dma_start3A = tpu.memref_slice %arg3[%mul3A_26] : memref<160000xi32, #tpu.memory_space<hbm>> -> memref<5120xi32, #tpu.memory_space<hbm>>
        %dma_start3A_27 = tpu.memref_slice %arg3[%mul3A_26] : memref<160000xi32, #tpu.memory_space<hbm>> -> memref<5120xi32, #tpu.memory_space<hbm>>
        tpu.enqueue_dma source(%dma_start3A_27 : memref<5120xi32, #tpu.memory_space<hbm>>) target(%arg5 : memref<5120xi32, #tpu.memory_space<vmem>>) target_semaphore(%run_scoped3A : memref<!tpu.dma_semaphore, #tpu.memory_space<semaphore_mem>>)
        %dma_wait3A = tpu.memref_slice %arg3[%mul3A_26] : memref<160000xi32, #tpu.memory_space<hbm>> -> memref<5120xi32, #tpu.memory_space<hbm>>
        %dma_wait3A_28 = tpu.memref_slice %arg3[%mul3A_26] : memref<160000xi32, #tpu.memory_space<hbm>> -> memref<5120xi32, #tpu.memory_space<hbm>>
        tpu.wait_dma2 semaphore(%run_scoped3A : memref<!tpu.dma_semaphore, #tpu.memory_space<semaphore_mem>>) src(%dma_wait3A_28 : memref<5120xi32, #tpu.memory_space<hbm>>) dst(%arg5 : memref<5120xi32, #tpu.memory_space<vmem>>)
        tpu.yield
      }) : () -> ()
    } else {
    }
    %eq3A = arith.constant 31 : i32
    %eq3A_8 = arith.cmpi eq, %add3A, %eq3A : i32
    %convert_element_type3A_9 = arith.extui %eq3A_8 : i1 to i32
    %cond3A_10 = arith.constant 0 : i32
    %cond3A_11 = arith.cmpi ne, %convert_element_type3A_9, %cond3A_10 : i32
    scf.if %cond3A_11 {
      %mul3A_25 = arith.constant 128 : i32
      %mul3A_26 = arith.muli %mul3A_2, %mul3A_25 : i32
      "tpu.region"() ({
        %run_scoped3A = tpu.sem_alloc : memref<!tpu.dma_semaphore, #tpu.memory_space<semaphore_mem>>
        %dma_start3A = arith.constant 0 : i32
        %dma_start3A_27 = tpu.memref_slice %arg5[%dma_start3A] : memref<5120xi32, #tpu.memory_space<vmem>> -> memref<1280xi32, #tpu.memory_space<vmem>>
        %dma_start3A_28 = tpu.memref_slice %arg3[%mul3A_26] : memref<160000xi32, #tpu.memory_space<hbm>> -> memref<1280xi32, #tpu.memory_space<hbm>>
        %dma_start3A_29 = arith.constant 0 : i32
        %dma_start3A_30 = tpu.memref_slice %arg5[%dma_start3A_29] : memref<5120xi32, #tpu.memory_space<vmem>> -> memref<1280xi32, #tpu.memory_space<vmem>>
        %dma_start3A_31 = tpu.memref_slice %arg3[%mul3A_26] : memref<160000xi32, #tpu.memory_space<hbm>> -> memref<1280xi32, #tpu.memory_space<hbm>>
        tpu.enqueue_dma source(%dma_start3A_31 : memref<1280xi32, #tpu.memory_space<hbm>>) target(%dma_start3A_30 : memref<1280xi32, #tpu.memory_space<vmem>>) target_semaphore(%run_scoped3A : memref<!tpu.dma_semaphore, #tpu.memory_space<semaphore_mem>>)
        %dma_wait3A = arith.constant 0 : i32
        %dma_wait3A_32 = tpu.memref_slice %arg5[%dma_wait3A] : memref<5120xi32, #tpu.memory_space<vmem>> -> memref<1280xi32, #tpu.memory_space<vmem>>
        %dma_wait3A_33 = tpu.memref_slice %arg3[%mul3A_26] : memref<160000xi32, #tpu.memory_space<hbm>> -> memref<1280xi32, #tpu.memory_space<hbm>>
        %dma_wait3A_34 = arith.constant 0 : i32
        %dma_wait3A_35 = tpu.memref_slice %arg5[%dma_wait3A_34] : memref<5120xi32, #tpu.memory_space<vmem>> -> memref<1280xi32, #tpu.memory_space<vmem>>
        %dma_wait3A_36 = tpu.memref_slice %arg3[%mul3A_26] : memref<160000xi32, #tpu.memory_space<hbm>> -> memref<1280xi32, #tpu.memory_space<hbm>>
        tpu.wait_dma2 semaphore(%run_scoped3A : memref<!tpu.dma_semaphore, #tpu.memory_space<semaphore_mem>>) src(%dma_wait3A_36 : memref<1280xi32, #tpu.memory_space<hbm>>) dst(%dma_wait3A_35 : memref<1280xi32, #tpu.memory_space<vmem>>)
        tpu.yield
      }) : () -> ()
    } else {
    }
    %scan3A = arith.constant 0 : i32
    %scan3A_12 = arith.constant 20 : i32
    %scan3A_13 = arith.addi %scan3A, %scan3A_12 : i32
    %scan3A_14 = arith.constant 1 : i32
    scf.for %scan3A_25 = %scan3A to %scan3A_13 step %scan3A_14  : i32 {
      %mul3A_26 = arith.constant 2 : i32
      %mul3A_27 = arith.muli %scan3A_25, %mul3A_26 : i32
      %add3A_28 = arith.constant 0 : i32
      %add3A_29 = arith.addi %add3A_28, %mul3A_27 : i32
      %add3A_30 = arith.constant 0 : i32
      %add3A_31 = arith.addi %add3A_29, %add3A_30 : i32
      %ge3A_32 = arith.constant 2 : i32
      %ge3A_33 = arith.cmpi sge, %add3A_31, %ge3A_32 : i32
      %lt3A_34 = arith.cmpi slt, %add3A_31, %select_n3A : i32
      %and3A = arith.andi %ge3A_33, %lt3A_34 : i1
      %convert_element_type3A_35 = arith.extui %and3A : i1 to i32
      %cond3A_36 = arith.constant 0 : i32
      %cond3A_37 = arith.cmpi ne, %convert_element_type3A_35, %cond3A_36 : i32
      scf.if %cond3A_37 {
        %dma_wait3A = arith.constant 0 : i32
        %dma_wait3A_83 = arith.constant 0 : i32
        %dma_wait3A_84 = tpu.memref_slice %arg4[%dma_wait3A, %dma_wait3A_83] : memref<160000x128xf32, #tpu.memory_space<hbm>> -> memref<128x128xf32, #tpu.memory_space<hbm>>
        %dma_wait3A_85 = arith.constant 0 : i32
        %dma_wait3A_86 = arith.constant 0 : i32
        %dma_wait3A_87 = tpu.memref_slice %arg4[%dma_wait3A_85, %dma_wait3A_86] : memref<160000x128xf32, #tpu.memory_space<hbm>> -> memref<128x128xf32, #tpu.memory_space<hbm>>
        tpu.wait_dma2 semaphore(%arg9 : memref<!tpu.dma_semaphore, #tpu.memory_space<semaphore_mem>>) src(%arg6 : memref<128x128xf32, #tpu.memory_space<vmem>>) dst(%dma_wait3A_87 : memref<128x128xf32, #tpu.memory_space<hbm>>)
      } else {
      }
      %add3A_38 = arith.constant 1 : i32
      %add3A_39 = arith.addi %add3A_29, %add3A_38 : i32
      %ge3A_40 = arith.constant 2 : i32
      %ge3A_41 = arith.cmpi sge, %add3A_39, %ge3A_40 : i32
      %lt3A_42 = arith.cmpi slt, %add3A_39, %select_n3A : i32
      %and3A_43 = arith.andi %ge3A_41, %lt3A_42 : i1
      %convert_element_type3A_44 = arith.extui %and3A_43 : i1 to i32
      %cond3A_45 = arith.constant 0 : i32
      %cond3A_46 = arith.cmpi ne, %convert_element_type3A_44, %cond3A_45 : i32
      scf.if %cond3A_46 {
        %dma_wait3A = arith.constant 0 : i32
        %dma_wait3A_83 = arith.constant 0 : i32
        %dma_wait3A_84 = tpu.memref_slice %arg4[%dma_wait3A, %dma_wait3A_83] : memref<160000x128xf32, #tpu.memory_space<hbm>> -> memref<128x128xf32, #tpu.memory_space<hbm>>
        %dma_wait3A_85 = arith.constant 0 : i32
        %dma_wait3A_86 = arith.constant 0 : i32
        %dma_wait3A_87 = tpu.memref_slice %arg4[%dma_wait3A_85, %dma_wait3A_86] : memref<160000x128xf32, #tpu.memory_space<hbm>> -> memref<128x128xf32, #tpu.memory_space<hbm>>
        tpu.wait_dma2 semaphore(%arg10 : memref<!tpu.dma_semaphore, #tpu.memory_space<semaphore_mem>>) src(%arg7 : memref<128x128xf32, #tpu.memory_space<vmem>>) dst(%dma_wait3A_87 : memref<128x128xf32, #tpu.memory_space<hbm>>)
      } else {
      }
      %add3A_47 = arith.constant 0 : i32
      %add3A_48 = arith.addi %add3A_29, %add3A_47 : i32
      %lt3A_49 = arith.cmpi slt, %add3A_48, %select_n3A : i32
      %convert_element_type3A_50 = arith.extui %lt3A_49 : i1 to i32
      %cond3A_51 = arith.constant 0 : i32
      %cond3A_52 = arith.cmpi ne, %convert_element_type3A_50, %cond3A_51 : i32
      scf.if %cond3A_52 {
        %mul3A_83 = arith.constant 128 : i32
        %mul3A_84 = arith.muli %add3A_48, %mul3A_83 : i32
        %dma_start3A = tpu.memref_slice %arg5[%mul3A_84] : memref<5120xi32, #tpu.memory_space<vmem>> -> memref<128xi32, #tpu.memory_space<vmem>>
        %dma_start3A_85 = arith.constant 0 : i32
        %dma_start3A_86 = arith.constant 0 : i32
        %dma_start3A_87 = tpu.memref_slice %arg2[%dma_start3A_85, %dma_start3A_86] : memref<10000x128xf32, #tpu.memory_space<hbm>> -> memref<10000x128xf32, #tpu.memory_space<hbm>>
        tpu.enqueue_indirect_dma source(%dma_start3A_87 : memref<10000x128xf32, #tpu.memory_space<hbm>>) target(%arg6 : memref<128x128xf32, #tpu.memory_space<vmem>>) offsets(%dma_start3A : memref<128xi32, #tpu.memory_space<vmem>>) semaphore(%arg8 : memref<!tpu.dma_semaphore, #tpu.memory_space<semaphore_mem>>)
      } else {
      }
      %add3A_53 = arith.constant 1 : i32
      %add3A_54 = arith.addi %add3A_29, %add3A_53 : i32
      %lt3A_55 = arith.cmpi slt, %add3A_54, %select_n3A : i32
      %convert_element_type3A_56 = arith.extui %lt3A_55 : i1 to i32
      %cond3A_57 = arith.constant 0 : i32
      %cond3A_58 = arith.cmpi ne, %convert_element_type3A_56, %cond3A_57 : i32
      scf.if %cond3A_58 {
        %mul3A_83 = arith.constant 128 : i32
        %mul3A_84 = arith.muli %add3A_54, %mul3A_83 : i32
        %dma_start3A = tpu.memref_slice %arg5[%mul3A_84] : memref<5120xi32, #tpu.memory_space<vmem>> -> memref<128xi32, #tpu.memory_space<vmem>>
        %dma_start3A_85 = arith.constant 0 : i32
        %dma_start3A_86 = arith.constant 0 : i32
        %dma_start3A_87 = tpu.memref_slice %arg2[%dma_start3A_85, %dma_start3A_86] : memref<10000x128xf32, #tpu.memory_space<hbm>> -> memref<10000x128xf32, #tpu.memory_space<hbm>>
        tpu.enqueue_indirect_dma source(%dma_start3A_87 : memref<10000x128xf32, #tpu.memory_space<hbm>>) target(%arg7 : memref<128x128xf32, #tpu.memory_space<vmem>>) offsets(%dma_start3A : memref<128xi32, #tpu.memory_space<vmem>>) semaphore(%arg8 : memref<!tpu.dma_semaphore, #tpu.memory_space<semaphore_mem>>)
      } else {
      }
      %add3A_59 = arith.constant 0 : i32
      %add3A_60 = arith.addi %add3A_29, %add3A_59 : i32
      %lt3A_61 = arith.cmpi slt, %add3A_60, %select_n3A : i32
      %convert_element_type3A_62 = arith.extui %lt3A_61 : i1 to i32
      %cond3A_63 = arith.constant 0 : i32
      %cond3A_64 = arith.cmpi ne, %convert_element_type3A_62, %cond3A_63 : i32
      scf.if %cond3A_64 {
        %mul3A_83 = arith.constant 128 : i32
        %mul3A_84 = arith.muli %add3A_60, %mul3A_83 : i32
        %dma_wait3A = tpu.memref_slice %arg5[%mul3A_84] : memref<5120xi32, #tpu.memory_space<vmem>> -> memref<128xi32, #tpu.memory_space<vmem>>
        %dma_wait3A_85 = arith.constant 0 : i32
        %dma_wait3A_86 = arith.constant 0 : i32
        %dma_wait3A_87 = tpu.memref_slice %arg2[%dma_wait3A_85, %dma_wait3A_86] : memref<10000x128xf32, #tpu.memory_space<hbm>> -> memref<10000x128xf32, #tpu.memory_space<hbm>>
        tpu.wait_indirect_dma semaphore(%arg8 : memref<!tpu.dma_semaphore, #tpu.memory_space<semaphore_mem>>) src(%dma_wait3A_87 : memref<10000x128xf32, #tpu.memory_space<hbm>>) dst(%arg6 : memref<128x128xf32, #tpu.memory_space<vmem>>)
      } else {
      }
      %add3A_65 = arith.constant 1 : i32
      %add3A_66 = arith.addi %add3A_29, %add3A_65 : i32
      %lt3A_67 = arith.cmpi slt, %add3A_66, %select_n3A : i32
      %convert_element_type3A_68 = arith.extui %lt3A_67 : i1 to i32
      %cond3A_69 = arith.constant 0 : i32
      %cond3A_70 = arith.cmpi ne, %convert_element_type3A_68, %cond3A_69 : i32
      scf.if %cond3A_70 {
        %mul3A_83 = arith.constant 128 : i32
        %mul3A_84 = arith.muli %add3A_66, %mul3A_83 : i32
        %dma_wait3A = tpu.memref_slice %arg5[%mul3A_84] : memref<5120xi32, #tpu.memory_space<vmem>> -> memref<128xi32, #tpu.memory_space<vmem>>
        %dma_wait3A_85 = arith.constant 0 : i32
        %dma_wait3A_86 = arith.constant 0 : i32
        %dma_wait3A_87 = tpu.memref_slice %arg2[%dma_wait3A_85, %dma_wait3A_86] : memref<10000x128xf32, #tpu.memory_space<hbm>> -> memref<10000x128xf32, #tpu.memory_space<hbm>>
        tpu.wait_indirect_dma semaphore(%arg8 : memref<!tpu.dma_semaphore, #tpu.memory_space<semaphore_mem>>) src(%dma_wait3A_87 : memref<10000x128xf32, #tpu.memory_space<hbm>>) dst(%arg7 : memref<128x128xf32, #tpu.memory_space<vmem>>)
      } else {
      }
      %add3A_71 = arith.constant 0 : i32
      %add3A_72 = arith.addi %add3A_29, %add3A_71 : i32
      %lt3A_73 = arith.cmpi slt, %add3A_72, %select_n3A : i32
      %convert_element_type3A_74 = arith.extui %lt3A_73 : i1 to i32
      %cond3A_75 = arith.constant 0 : i32
      %cond3A_76 = arith.cmpi ne, %convert_element_type3A_74, %cond3A_75 : i32
      scf.if %cond3A_76 {
        %add3A_83 = arith.addi %mul3A_2, %add3A_72 : i32
        %mul3A_84 = arith.constant 128 : i32
        %mul3A_85 = arith.muli %add3A_83, %mul3A_84 : i32
        %dma_start3A = arith.constant 0 : i32
        %dma_start3A_86 = tpu.memref_slice %arg4[%mul3A_85, %dma_start3A] : memref<160000x128xf32, #tpu.memory_space<hbm>> -> memref<128x128xf32, #tpu.memory_space<hbm>>
        %dma_start3A_87 = arith.constant 0 : i32
        %dma_start3A_88 = tpu.memref_slice %arg4[%mul3A_85, %dma_start3A_87] : memref<160000x128xf32, #tpu.memory_space<hbm>> -> memref<128x128xf32, #tpu.memory_space<hbm>>
        tpu.enqueue_dma source(%arg6 : memref<128x128xf32, #tpu.memory_space<vmem>>) target(%dma_start3A_88 : memref<128x128xf32, #tpu.memory_space<hbm>>) target_semaphore(%arg9 : memref<!tpu.dma_semaphore, #tpu.memory_space<semaphore_mem>>)
      } else {
      }
      %add3A_77 = arith.constant 1 : i32
      %add3A_78 = arith.addi %add3A_29, %add3A_77 : i32
      %lt3A_79 = arith.cmpi slt, %add3A_78, %select_n3A : i32
      %convert_element_type3A_80 = arith.extui %lt3A_79 : i1 to i32
      %cond3A_81 = arith.constant 0 : i32
      %cond3A_82 = arith.cmpi ne, %convert_element_type3A_80, %cond3A_81 : i32
      scf.if %cond3A_82 {
        %add3A_83 = arith.addi %mul3A_2, %add3A_78 : i32
        %mul3A_84 = arith.constant 128 : i32
        %mul3A_85 = arith.muli %add3A_83, %mul3A_84 : i32
        %dma_start3A = arith.constant 0 : i32
        %dma_start3A_86 = tpu.memref_slice %arg4[%mul3A_85, %dma_start3A] : memref<160000x128xf32, #tpu.memory_space<hbm>> -> memref<128x128xf32, #tpu.memory_space<hbm>>
        %dma_start3A_87 = arith.constant 0 : i32
        %dma_start3A_88 = tpu.memref_slice %arg4[%mul3A_85, %dma_start3A_87] : memref<160000x128xf32, #tpu.memory_space<hbm>> -> memref<128x128xf32, #tpu.memory_space<hbm>>
        tpu.enqueue_dma source(%arg7 : memref<128x128xf32, #tpu.memory_space<vmem>>) target(%dma_start3A_88 : memref<128x128xf32, #tpu.memory_space<hbm>>) target_semaphore(%arg10 : memref<!tpu.dma_semaphore, #tpu.memory_space<semaphore_mem>>)
      } else {
      }
    }
    %scan3A_15 = arith.constant 20 : i32
    %ge3A = arith.constant 2 : i32
    %ge3A_16 = arith.cmpi sge, %select_n3A, %ge3A : i32
    %convert_element_type3A_17 = arith.extui %ge3A_16 : i1 to i32
    %cond3A_18 = arith.constant 0 : i32
    %cond3A_19 = arith.cmpi ne, %convert_element_type3A_17, %cond3A_18 : i32
    scf.if %cond3A_19 {
      %dma_wait3A = arith.constant 0 : i32
      %dma_wait3A_25 = arith.constant 0 : i32
      %dma_wait3A_26 = tpu.memref_slice %arg4[%dma_wait3A, %dma_wait3A_25] : memref<160000x128xf32, #tpu.memory_space<hbm>> -> memref<128x128xf32, #tpu.memory_space<hbm>>
      %dma_wait3A_27 = arith.constant 0 : i32
      %dma_wait3A_28 = arith.constant 0 : i32
      %dma_wait3A_29 = tpu.memref_slice %arg4[%dma_wait3A_27, %dma_wait3A_28] : memref<160000x128xf32, #tpu.memory_space<hbm>> -> memref<128x128xf32, #tpu.memory_space<hbm>>
      tpu.wait_dma2 semaphore(%arg9 : memref<!tpu.dma_semaphore, #tpu.memory_space<semaphore_mem>>) src(%arg6 : memref<128x128xf32, #tpu.memory_space<vmem>>) dst(%dma_wait3A_29 : memref<128x128xf32, #tpu.memory_space<hbm>>)
      %dma_wait3A_30 = arith.constant 0 : i32
      %dma_wait3A_31 = arith.constant 0 : i32
      %dma_wait3A_32 = tpu.memref_slice %arg4[%dma_wait3A_30, %dma_wait3A_31] : memref<160000x128xf32, #tpu.memory_space<hbm>> -> memref<128x128xf32, #tpu.memory_space<hbm>>
      %dma_wait3A_33 = arith.constant 0 : i32
      %dma_wait3A_34 = arith.constant 0 : i32
      %dma_wait3A_35 = tpu.memref_slice %arg4[%dma_wait3A_33, %dma_wait3A_34] : memref<160000x128xf32, #tpu.memory_space<hbm>> -> memref<128x128xf32, #tpu.memory_space<hbm>>
      tpu.wait_dma2 semaphore(%arg10 : memref<!tpu.dma_semaphore, #tpu.memory_space<semaphore_mem>>) src(%arg7 : memref<128x128xf32, #tpu.memory_space<vmem>>) dst(%dma_wait3A_35 : memref<128x128xf32, #tpu.memory_space<hbm>>)
    } else {
    }
    %eq3A_20 = arith.constant 1 : i32
    %eq3A_21 = arith.cmpi eq, %select_n3A, %eq3A_20 : i32
    %convert_element_type3A_22 = arith.extui %eq3A_21 : i1 to i32
    %cond3A_23 = arith.constant 0 : i32
    %cond3A_24 = arith.cmpi ne, %convert_element_type3A_22, %cond3A_23 : i32
    scf.if %cond3A_24 {
      %dma_wait3A = arith.constant 0 : i32
      %dma_wait3A_25 = arith.constant 0 : i32
      %dma_wait3A_26 = tpu.memref_slice %arg4[%dma_wait3A, %dma_wait3A_25] : memref<160000x128xf32, #tpu.memory_space<hbm>> -> memref<128x128xf32, #tpu.memory_space<hbm>>
      %dma_wait3A_27 = arith.constant 0 : i32
      %dma_wait3A_28 = arith.constant 0 : i32
      %dma_wait3A_29 = tpu.memref_slice %arg4[%dma_wait3A_27, %dma_wait3A_28] : memref<160000x128xf32, #tpu.memory_space<hbm>> -> memref<128x128xf32, #tpu.memory_space<hbm>>
      tpu.wait_dma2 semaphore(%arg9 : memref<!tpu.dma_semaphore, #tpu.memory_space<semaphore_mem>>) src(%arg6 : memref<128x128xf32, #tpu.memory_space<vmem>>) dst(%dma_wait3A_29 : memref<128x128xf32, #tpu.memory_space<hbm>>)
    } else {
    }
    return
  }
}

#map = affine_map<(d0, d1) -> (0, 0)>
#map1 = affine_map<(d0, d1) -> (0, 0, 0)>
module attributes {stable_mosaic.version = 14 : i64} {
  func.func @k(%arg0: i32, %arg1: i32, %arg2: memref<1273x128xi32, #tpu.memory_space<hbm>>, %arg3: memref<10000x128xf32, #tpu.memory_space<hbm>>, %arg4: memref<128x128xf32, #tpu.memory_space<hbm>>, %arg5: memref<2x10000x128xf32, #tpu.memory_space<hbm>>, %arg6: memref<40x128xi32, #tpu.memory_space<vmem>>, %arg7: memref<128x128xf32, #tpu.memory_space<vmem>>, %arg8: memref<10000x128xf32, #tpu.memory_space<vmem_shared>>, %arg9: memref<!tpu.dma_semaphore, #tpu.memory_space<semaphore_mem>>) attributes {dimension_semantics = [#tpu.dimension_semantics<core_parallel>, #tpu.dimension_semantics<subcore_parallel>], iteration_bounds = array<i64: 2, 16>, scalar_prefetch = 0 : i64, scratch_operands = 4 : i64, tpu.core_type = #tpu.core_type<sc_vector_subcore>, window_params = [{transform_indices = #map}, {transform_indices = #map}, {transform_indices = #map}, {transform_indices = #map1}]} {
    %mul3A = arith.constant 2 : i32
    %mul3A_0 = arith.muli %arg1, %mul3A : i32
    %add3A = arith.addi %mul3A_0, %arg0 : i32
    %mul3A_1 = arith.constant 40 : i32
    %mul3A_2 = arith.muli %add3A, %mul3A_1 : i32
    %lt3A = arith.constant 31 : i32
    %lt3A_3 = arith.cmpi slt, %add3A, %lt3A : i32
    %jit3A = arith.constant 40 : i32
    %jit3A_4 = arith.constant 10 : i32
    %select_n3A = arith.select %lt3A_3, %jit3A, %jit3A_4 : i32
    %lt3A_5 = arith.constant 15 : i32
    %lt3A_6 = arith.cmpi slt, %arg1, %lt3A_5 : i32
    %convert_element_type3A = arith.extui %lt3A_6 : i1 to i32
    %cond3A = arith.constant 0 : i32
    %cond3A_7 = arith.cmpi ne, %convert_element_type3A, %cond3A : i32
    scf.if %cond3A_7 {
      %mul3A_37 = arith.constant 624 : i32
      %mul3A_38 = arith.muli %arg1, %mul3A_37 : i32
      "tpu.region"() ({
        %run_scoped3A = tpu.sem_alloc : memref<!tpu.dma_semaphore, #tpu.memory_space<semaphore_mem>>
        %dma_start3A = arith.constant 0 : i32
        %dma_start3A_39 = tpu.memref_slice %arg8[%mul3A_38, %dma_start3A] : memref<10000x128xf32, #tpu.memory_space<vmem_shared>> -> memref<624x128xf32, #tpu.memory_space<vmem_shared>>
        %dma_start3A_40 = arith.constant 0 : i32
        %dma_start3A_41 = tpu.memref_slice %arg3[%mul3A_38, %dma_start3A_40] : memref<10000x128xf32, #tpu.memory_space<hbm>> -> memref<624x128xf32, #tpu.memory_space<hbm>>
        tpu.enqueue_dma source(%dma_start3A_41 : memref<624x128xf32, #tpu.memory_space<hbm>>) target(%dma_start3A_39 : memref<624x128xf32, #tpu.memory_space<vmem_shared>>) target_semaphore(%run_scoped3A : memref<!tpu.dma_semaphore, #tpu.memory_space<semaphore_mem>>)
        %dma_wait3A = arith.constant 0 : i32
        %dma_wait3A_42 = tpu.memref_slice %arg8[%mul3A_38, %dma_wait3A] : memref<10000x128xf32, #tpu.memory_space<vmem_shared>> -> memref<624x128xf32, #tpu.memory_space<vmem_shared>>
        %dma_wait3A_43 = arith.constant 0 : i32
        %dma_wait3A_44 = tpu.memref_slice %arg3[%mul3A_38, %dma_wait3A_43] : memref<10000x128xf32, #tpu.memory_space<hbm>> -> memref<624x128xf32, #tpu.memory_space<hbm>>
        tpu.wait_dma2 semaphore(%run_scoped3A : memref<!tpu.dma_semaphore, #tpu.memory_space<semaphore_mem>>) src(%dma_wait3A_44 : memref<624x128xf32, #tpu.memory_space<hbm>>) dst(%dma_wait3A_42 : memref<624x128xf32, #tpu.memory_space<vmem_shared>>)
        tpu.yield
      }) : () -> ()
    } else {
    }
    %eq3A = arith.constant 15 : i32
    %eq3A_8 = arith.cmpi eq, %arg1, %eq3A : i32
    %convert_element_type3A_9 = arith.extui %eq3A_8 : i1 to i32
    %cond3A_10 = arith.constant 0 : i32
    %cond3A_11 = arith.cmpi ne, %convert_element_type3A_9, %cond3A_10 : i32
    scf.if %cond3A_11 {
      "tpu.region"() ({
        %run_scoped3A = tpu.sem_alloc : memref<!tpu.dma_semaphore, #tpu.memory_space<semaphore_mem>>
        %dma_start3A = arith.constant 9360 : i32
        %dma_start3A_37 = arith.constant 0 : i32
        %dma_start3A_38 = tpu.memref_slice %arg8[%dma_start3A, %dma_start3A_37] : memref<10000x128xf32, #tpu.memory_space<vmem_shared>> -> memref<640x128xf32, #tpu.memory_space<vmem_shared>>
        %dma_start3A_39 = arith.constant 9360 : i32
        %dma_start3A_40 = arith.constant 0 : i32
        %dma_start3A_41 = tpu.memref_slice %arg3[%dma_start3A_39, %dma_start3A_40] : memref<10000x128xf32, #tpu.memory_space<hbm>> -> memref<640x128xf32, #tpu.memory_space<hbm>>
        tpu.enqueue_dma source(%dma_start3A_41 : memref<640x128xf32, #tpu.memory_space<hbm>>) target(%dma_start3A_38 : memref<640x128xf32, #tpu.memory_space<vmem_shared>>) target_semaphore(%run_scoped3A : memref<!tpu.dma_semaphore, #tpu.memory_space<semaphore_mem>>)
        %dma_wait3A = arith.constant 9360 : i32
        %dma_wait3A_42 = arith.constant 0 : i32
        %dma_wait3A_43 = tpu.memref_slice %arg8[%dma_wait3A, %dma_wait3A_42] : memref<10000x128xf32, #tpu.memory_space<vmem_shared>> -> memref<640x128xf32, #tpu.memory_space<vmem_shared>>
        %dma_wait3A_44 = arith.constant 9360 : i32
        %dma_wait3A_45 = arith.constant 0 : i32
        %dma_wait3A_46 = tpu.memref_slice %arg3[%dma_wait3A_44, %dma_wait3A_45] : memref<10000x128xf32, #tpu.memory_space<hbm>> -> memref<640x128xf32, #tpu.memory_space<hbm>>
        tpu.wait_dma2 semaphore(%run_scoped3A : memref<!tpu.dma_semaphore, #tpu.memory_space<semaphore_mem>>) src(%dma_wait3A_46 : memref<640x128xf32, #tpu.memory_space<hbm>>) dst(%dma_wait3A_43 : memref<640x128xf32, #tpu.memory_space<vmem_shared>>)
        tpu.yield
      }) : () -> ()
    } else {
    }
    "tpu.region"() ({
      %run_scoped3A = tpu.sem_alloc : memref<!tpu.dma_semaphore, #tpu.memory_space<semaphore_mem>>
      tpu.enqueue_dma source(%arg4 : memref<128x128xf32, #tpu.memory_space<hbm>>) target(%arg7 : memref<128x128xf32, #tpu.memory_space<vmem>>) target_semaphore(%run_scoped3A : memref<!tpu.dma_semaphore, #tpu.memory_space<semaphore_mem>>)
      tpu.wait_dma2 semaphore(%run_scoped3A : memref<!tpu.dma_semaphore, #tpu.memory_space<semaphore_mem>>) src(%arg4 : memref<128x128xf32, #tpu.memory_space<hbm>>) dst(%arg7 : memref<128x128xf32, #tpu.memory_space<vmem>>)
      tpu.yield
    }) : () -> ()
    %lt3A_12 = arith.constant 31 : i32
    %lt3A_13 = arith.cmpi slt, %add3A, %lt3A_12 : i32
    %convert_element_type3A_14 = arith.extui %lt3A_13 : i1 to i32
    %cond3A_15 = arith.constant 0 : i32
    %cond3A_16 = arith.cmpi ne, %convert_element_type3A_14, %cond3A_15 : i32
    scf.if %cond3A_16 {
      "tpu.region"() ({
        %run_scoped3A = tpu.sem_alloc : memref<!tpu.dma_semaphore, #tpu.memory_space<semaphore_mem>>
        %dma_start3A = arith.constant 0 : i32
        %dma_start3A_37 = tpu.memref_slice %arg2[%mul3A_2, %dma_start3A] : memref<1273x128xi32, #tpu.memory_space<hbm>> -> memref<40x128xi32, #tpu.memory_space<hbm>>
        %dma_start3A_38 = arith.constant 0 : i32
        %dma_start3A_39 = tpu.memref_slice %arg2[%mul3A_2, %dma_start3A_38] : memref<1273x128xi32, #tpu.memory_space<hbm>> -> memref<40x128xi32, #tpu.memory_space<hbm>>
        tpu.enqueue_dma source(%dma_start3A_39 : memref<40x128xi32, #tpu.memory_space<hbm>>) target(%arg6 : memref<40x128xi32, #tpu.memory_space<vmem>>) target_semaphore(%run_scoped3A : memref<!tpu.dma_semaphore, #tpu.memory_space<semaphore_mem>>)
        %dma_wait3A = arith.constant 0 : i32
        %dma_wait3A_40 = tpu.memref_slice %arg2[%mul3A_2, %dma_wait3A] : memref<1273x128xi32, #tpu.memory_space<hbm>> -> memref<40x128xi32, #tpu.memory_space<hbm>>
        %dma_wait3A_41 = arith.constant 0 : i32
        %dma_wait3A_42 = tpu.memref_slice %arg2[%mul3A_2, %dma_wait3A_41] : memref<1273x128xi32, #tpu.memory_space<hbm>> -> memref<40x128xi32, #tpu.memory_space<hbm>>
        tpu.wait_dma2 semaphore(%run_scoped3A : memref<!tpu.dma_semaphore, #tpu.memory_space<semaphore_mem>>) src(%dma_wait3A_42 : memref<40x128xi32, #tpu.memory_space<hbm>>) dst(%arg6 : memref<40x128xi32, #tpu.memory_space<vmem>>)
        tpu.yield
      }) : () -> ()
    } else {
    }
    %eq3A_17 = arith.constant 31 : i32
    %eq3A_18 = arith.cmpi eq, %add3A, %eq3A_17 : i32
    %convert_element_type3A_19 = arith.extui %eq3A_18 : i1 to i32
    %cond3A_20 = arith.constant 0 : i32
    %cond3A_21 = arith.cmpi ne, %convert_element_type3A_19, %cond3A_20 : i32
    scf.if %cond3A_21 {
      "tpu.region"() ({
        %run_scoped3A = tpu.sem_alloc : memref<!tpu.dma_semaphore, #tpu.memory_space<semaphore_mem>>
        %dma_start3A = arith.constant 0 : i32
        %dma_start3A_37 = arith.constant 0 : i32
        %dma_start3A_38 = tpu.memref_slice %arg6[%dma_start3A, %dma_start3A_37] : memref<40x128xi32, #tpu.memory_space<vmem>> -> memref<16x128xi32, #tpu.memory_space<vmem>>
        %dma_start3A_39 = arith.constant 0 : i32
        %dma_start3A_40 = tpu.memref_slice %arg2[%mul3A_2, %dma_start3A_39] : memref<1273x128xi32, #tpu.memory_space<hbm>> -> memref<16x128xi32, #tpu.memory_space<hbm>>
        %dma_start3A_41 = arith.constant 0 : i32
        %dma_start3A_42 = arith.constant 0 : i32
        %dma_start3A_43 = tpu.memref_slice %arg6[%dma_start3A_41, %dma_start3A_42] : memref<40x128xi32, #tpu.memory_space<vmem>> -> memref<16x128xi32, #tpu.memory_space<vmem>>
        %dma_start3A_44 = arith.constant 0 : i32
        %dma_start3A_45 = tpu.memref_slice %arg2[%mul3A_2, %dma_start3A_44] : memref<1273x128xi32, #tpu.memory_space<hbm>> -> memref<16x128xi32, #tpu.memory_space<hbm>>
        tpu.enqueue_dma source(%dma_start3A_45 : memref<16x128xi32, #tpu.memory_space<hbm>>) target(%dma_start3A_43 : memref<16x128xi32, #tpu.memory_space<vmem>>) target_semaphore(%run_scoped3A : memref<!tpu.dma_semaphore, #tpu.memory_space<semaphore_mem>>)
        %dma_wait3A = arith.constant 0 : i32
        %dma_wait3A_46 = arith.constant 0 : i32
        %dma_wait3A_47 = tpu.memref_slice %arg6[%dma_wait3A, %dma_wait3A_46] : memref<40x128xi32, #tpu.memory_space<vmem>> -> memref<16x128xi32, #tpu.memory_space<vmem>>
        %dma_wait3A_48 = arith.constant 0 : i32
        %dma_wait3A_49 = tpu.memref_slice %arg2[%mul3A_2, %dma_wait3A_48] : memref<1273x128xi32, #tpu.memory_space<hbm>> -> memref<16x128xi32, #tpu.memory_space<hbm>>
        %dma_wait3A_50 = arith.constant 0 : i32
        %dma_wait3A_51 = arith.constant 0 : i32
        %dma_wait3A_52 = tpu.memref_slice %arg6[%dma_wait3A_50, %dma_wait3A_51] : memref<40x128xi32, #tpu.memory_space<vmem>> -> memref<16x128xi32, #tpu.memory_space<vmem>>
        %dma_wait3A_53 = arith.constant 0 : i32
        %dma_wait3A_54 = tpu.memref_slice %arg2[%mul3A_2, %dma_wait3A_53] : memref<1273x128xi32, #tpu.memory_space<hbm>> -> memref<16x128xi32, #tpu.memory_space<hbm>>
        tpu.wait_dma2 semaphore(%run_scoped3A : memref<!tpu.dma_semaphore, #tpu.memory_space<semaphore_mem>>) src(%dma_wait3A_54 : memref<16x128xi32, #tpu.memory_space<hbm>>) dst(%dma_wait3A_52 : memref<16x128xi32, #tpu.memory_space<vmem>>)
        tpu.yield
      }) : () -> ()
    } else {
    }
    %barrier3A = arith.constant 0 : index
    tpu.barrier barrier_id(%barrier3A)
    %scan3A = arith.constant 0 : i32
    %scan3A_22 = arith.constant 40 : i32
    %scan3A_23 = arith.addi %scan3A, %scan3A_22 : i32
    %scan3A_24 = arith.constant 1 : i32
    scf.for %scan3A_37 = %scan3A to %scan3A_23 step %scan3A_24  : i32 {
      %mul3A_38 = arith.constant 1 : i32
      %mul3A_39 = arith.muli %scan3A_37, %mul3A_38 : i32
      %add3A_40 = arith.constant 0 : i32
      %add3A_41 = arith.addi %add3A_40, %mul3A_39 : i32
      %lt3A_42 = arith.cmpi slt, %add3A_41, %select_n3A : i32
      %convert_element_type3A_43 = arith.extui %lt3A_42 : i1 to i32
      %cond3A_44 = arith.constant 0 : i32
      %cond3A_45 = arith.cmpi ne, %convert_element_type3A_43, %cond3A_44 : i32
      scf.if %cond3A_45 {
        "tpu.region"() ({
          %run_scoped3A = tpu.sem_alloc : memref<!tpu.dma_semaphore, #tpu.memory_space<semaphore_mem>>
          %dma_start3A = arith.constant 0 : i32
          %dma_start3A_46 = tpu.memref_slice %arg6[%add3A_41, %dma_start3A] : memref<40x128xi32, #tpu.memory_space<vmem>> -> memref<1x128xi32, #tpu.memory_space<vmem>>
          %dma_start3A_47 = tpu.memref_squeeze %dma_start3A_46 : memref<1x128xi32, #tpu.memory_space<vmem>> -> memref<128xi32, #tpu.memory_space<vmem>>
          %dma_start3A_48 = arith.constant 0 : i32
          %dma_start3A_49 = arith.constant 0 : i32
          %dma_start3A_50 = tpu.memref_slice %arg8[%dma_start3A_48, %dma_start3A_49] : memref<10000x128xf32, #tpu.memory_space<vmem_shared>> -> memref<10000x128xf32, #tpu.memory_space<vmem_shared>>
          tpu.enqueue_indirect_dma source(%arg7 : memref<128x128xf32, #tpu.memory_space<vmem>>) target(%dma_start3A_50 : memref<10000x128xf32, #tpu.memory_space<vmem_shared>>) offsets(%dma_start3A_47 : memref<128xi32, #tpu.memory_space<vmem>>) semaphore(%run_scoped3A : memref<!tpu.dma_semaphore, #tpu.memory_space<semaphore_mem>>) {add = true}
          %dma_wait3A = arith.constant 0 : i32
          %dma_wait3A_51 = tpu.memref_slice %arg6[%add3A_41, %dma_wait3A] : memref<40x128xi32, #tpu.memory_space<vmem>> -> memref<1x128xi32, #tpu.memory_space<vmem>>
          %dma_wait3A_52 = tpu.memref_squeeze %dma_wait3A_51 : memref<1x128xi32, #tpu.memory_space<vmem>> -> memref<128xi32, #tpu.memory_space<vmem>>
          %dma_wait3A_53 = arith.constant 0 : i32
          %dma_wait3A_54 = arith.constant 0 : i32
          %dma_wait3A_55 = tpu.memref_slice %arg8[%dma_wait3A_53, %dma_wait3A_54] : memref<10000x128xf32, #tpu.memory_space<vmem_shared>> -> memref<10000x128xf32, #tpu.memory_space<vmem_shared>>
          tpu.wait_indirect_dma semaphore(%run_scoped3A : memref<!tpu.dma_semaphore, #tpu.memory_space<semaphore_mem>>) src(%arg7 : memref<128x128xf32, #tpu.memory_space<vmem>>) dst(%dma_wait3A_55 : memref<10000x128xf32, #tpu.memory_space<vmem_shared>>)
          tpu.yield
        }) : () -> ()
      } else {
      }
    }
    %scan3A_25 = arith.constant 40 : i32
    %barrier3A_26 = arith.constant 0 : index
    tpu.barrier barrier_id(%barrier3A_26)
    %lt3A_27 = arith.constant 15 : i32
    %lt3A_28 = arith.cmpi slt, %arg1, %lt3A_27 : i32
    %convert_element_type3A_29 = arith.extui %lt3A_28 : i1 to i32
    %cond3A_30 = arith.constant 0 : i32
    %cond3A_31 = arith.cmpi ne, %convert_element_type3A_29, %cond3A_30 : i32
    scf.if %cond3A_31 {
      %mul3A_37 = arith.constant 624 : i32
      %mul3A_38 = arith.muli %arg1, %mul3A_37 : i32
      "tpu.region"() ({
        %run_scoped3A = tpu.sem_alloc : memref<!tpu.dma_semaphore, #tpu.memory_space<semaphore_mem>>
        %dma_start3A = arith.constant 0 : i32
        %dma_start3A_39 = tpu.memref_slice %arg5[%arg0, %mul3A_38, %dma_start3A] : memref<2x10000x128xf32, #tpu.memory_space<hbm>> -> memref<1x624x128xf32, #tpu.memory_space<hbm>>
        %dma_start3A_40 = tpu.memref_squeeze %dma_start3A_39 : memref<1x624x128xf32, #tpu.memory_space<hbm>> -> memref<624x128xf32, #tpu.memory_space<hbm>>
        %dma_start3A_41 = arith.constant 0 : i32
        %dma_start3A_42 = tpu.memref_slice %arg8[%mul3A_38, %dma_start3A_41] : memref<10000x128xf32, #tpu.memory_space<vmem_shared>> -> memref<624x128xf32, #tpu.memory_space<vmem_shared>>
        tpu.enqueue_dma source(%dma_start3A_42 : memref<624x128xf32, #tpu.memory_space<vmem_shared>>) target(%dma_start3A_40 : memref<624x128xf32, #tpu.memory_space<hbm>>) target_semaphore(%run_scoped3A : memref<!tpu.dma_semaphore, #tpu.memory_space<semaphore_mem>>)
        %dma_wait3A = arith.constant 0 : i32
        %dma_wait3A_43 = tpu.memref_slice %arg5[%arg0, %mul3A_38, %dma_wait3A] : memref<2x10000x128xf32, #tpu.memory_space<hbm>> -> memref<1x624x128xf32, #tpu.memory_space<hbm>>
        %dma_wait3A_44 = tpu.memref_squeeze %dma_wait3A_43 : memref<1x624x128xf32, #tpu.memory_space<hbm>> -> memref<624x128xf32, #tpu.memory_space<hbm>>
        %dma_wait3A_45 = arith.constant 0 : i32
        %dma_wait3A_46 = tpu.memref_slice %arg8[%mul3A_38, %dma_wait3A_45] : memref<10000x128xf32, #tpu.memory_space<vmem_shared>> -> memref<624x128xf32, #tpu.memory_space<vmem_shared>>
        tpu.wait_dma2 semaphore(%run_scoped3A : memref<!tpu.dma_semaphore, #tpu.memory_space<semaphore_mem>>) src(%dma_wait3A_46 : memref<624x128xf32, #tpu.memory_space<vmem_shared>>) dst(%dma_wait3A_44 : memref<624x128xf32, #tpu.memory_space<hbm>>)
        tpu.yield
      }) : () -> ()
    } else {
    }
    %eq3A_32 = arith.constant 15 : i32
    %eq3A_33 = arith.cmpi eq, %arg1, %eq3A_32 : i32
    %convert_element_type3A_34 = arith.extui %eq3A_33 : i1 to i32
    %cond3A_35 = arith.constant 0 : i32
    %cond3A_36 = arith.cmpi ne, %convert_element_type3A_34, %cond3A_35 : i32
    scf.if %cond3A_36 {
      "tpu.region"() ({
        %run_scoped3A = tpu.sem_alloc : memref<!tpu.dma_semaphore, #tpu.memory_space<semaphore_mem>>
        %dma_start3A = arith.constant 9360 : i32
        %dma_start3A_37 = arith.constant 0 : i32
        %dma_start3A_38 = tpu.memref_slice %arg5[%arg0, %dma_start3A, %dma_start3A_37] : memref<2x10000x128xf32, #tpu.memory_space<hbm>> -> memref<1x640x128xf32, #tpu.memory_space<hbm>>
        %dma_start3A_39 = tpu.memref_squeeze %dma_start3A_38 : memref<1x640x128xf32, #tpu.memory_space<hbm>> -> memref<640x128xf32, #tpu.memory_space<hbm>>
        %dma_start3A_40 = arith.constant 9360 : i32
        %dma_start3A_41 = arith.constant 0 : i32
        %dma_start3A_42 = tpu.memref_slice %arg8[%dma_start3A_40, %dma_start3A_41] : memref<10000x128xf32, #tpu.memory_space<vmem_shared>> -> memref<640x128xf32, #tpu.memory_space<vmem_shared>>
        tpu.enqueue_dma source(%dma_start3A_42 : memref<640x128xf32, #tpu.memory_space<vmem_shared>>) target(%dma_start3A_39 : memref<640x128xf32, #tpu.memory_space<hbm>>) target_semaphore(%run_scoped3A : memref<!tpu.dma_semaphore, #tpu.memory_space<semaphore_mem>>)
        %dma_wait3A = arith.constant 9360 : i32
        %dma_wait3A_43 = arith.constant 0 : i32
        %dma_wait3A_44 = tpu.memref_slice %arg5[%arg0, %dma_wait3A, %dma_wait3A_43] : memref<2x10000x128xf32, #tpu.memory_space<hbm>> -> memref<1x640x128xf32, #tpu.memory_space<hbm>>
        %dma_wait3A_45 = tpu.memref_squeeze %dma_wait3A_44 : memref<1x640x128xf32, #tpu.memory_space<hbm>> -> memref<640x128xf32, #tpu.memory_space<hbm>>
        %dma_wait3A_46 = arith.constant 9360 : i32
        %dma_wait3A_47 = arith.constant 0 : i32
        %dma_wait3A_48 = tpu.memref_slice %arg8[%dma_wait3A_46, %dma_wait3A_47] : memref<10000x128xf32, #tpu.memory_space<vmem_shared>> -> memref<640x128xf32, #tpu.memory_space<vmem_shared>>
        tpu.wait_dma2 semaphore(%run_scoped3A : memref<!tpu.dma_semaphore, #tpu.memory_space<semaphore_mem>>) src(%dma_wait3A_48 : memref<640x128xf32, #tpu.memory_space<vmem_shared>>) dst(%dma_wait3A_45 : memref<640x128xf32, #tpu.memory_space<hbm>>)
        tpu.yield
      }) : () -> ()
    } else {
    }
    return
  }
}

#map = affine_map<(d0, d1) -> (0, 0)>
#map1 = affine_map<(d0, d1) -> (0, 0, 0)>
module attributes {stable_mosaic.version = 14 : i64} {
  func.func @k(%arg0: i32, %arg1: i32, %arg2: memref<80000x128xf32, #tpu.memory_space<hbm>>, %arg3: memref<648x128xi32, #tpu.memory_space<hbm>>, %arg4: memref<10000x128xf32, #tpu.memory_space<hbm>>, %arg5: memref<2x10000x128xf32, #tpu.memory_space<hbm>>, %arg6: memref<24x128xi32, #tpu.memory_space<vmem>>, %arg7: memref<128x128xf32, #tpu.memory_space<vmem>>, %arg8: memref<128x128xf32, #tpu.memory_space<vmem>>, %arg9: memref<10000x128xf32, #tpu.memory_space<vmem_shared>>, %arg10: memref<!tpu.dma_semaphore, #tpu.memory_space<semaphore_mem>>, %arg11: memref<!tpu.dma_semaphore, #tpu.memory_space<semaphore_mem>>) attributes {dimension_semantics = [#tpu.dimension_semantics<core_parallel>, #tpu.dimension_semantics<subcore_parallel>], iteration_bounds = array<i64: 2, 16>, scalar_prefetch = 0 : i64, scratch_operands = 6 : i64, tpu.core_type = #tpu.core_type<sc_vector_subcore>, window_params = [{transform_indices = #map}, {transform_indices = #map}, {transform_indices = #map}, {transform_indices = #map1}]} {
    %mul3A = arith.constant 2 : i32
    %mul3A_0 = arith.muli %arg1, %mul3A : i32
    %add3A = arith.addi %mul3A_0, %arg0 : i32
    %mul3A_1 = arith.constant 24 : i32
    %mul3A_2 = arith.muli %add3A, %mul3A_1 : i32
    %sub3A = arith.constant 625 : i32
    %sub3A_3 = arith.subi %sub3A, %mul3A_2 : i32
    %jit3A = arith.constant 0 : i32
    %jit3A_4 = arith.constant 24 : i32
    %max3A = arith.maxsi %jit3A, %sub3A_3 : i32
    %min3A = arith.minsi %jit3A_4, %max3A : i32
    %lt3A = arith.constant 15 : i32
    %lt3A_5 = arith.cmpi slt, %arg1, %lt3A : i32
    %convert_element_type3A = arith.extui %lt3A_5 : i1 to i32
    %cond3A = arith.constant 0 : i32
    %cond3A_6 = arith.cmpi ne, %convert_element_type3A, %cond3A : i32
    scf.if %cond3A_6 {
      %mul3A_30 = arith.constant 624 : i32
      %mul3A_31 = arith.muli %arg1, %mul3A_30 : i32
      "tpu.region"() ({
        %run_scoped3A = tpu.sem_alloc : memref<!tpu.dma_semaphore, #tpu.memory_space<semaphore_mem>>
        %dma_start3A = arith.constant 0 : i32
        %dma_start3A_32 = tpu.memref_slice %arg9[%mul3A_31, %dma_start3A] : memref<10000x128xf32, #tpu.memory_space<vmem_shared>> -> memref<624x128xf32, #tpu.memory_space<vmem_shared>>
        %dma_start3A_33 = arith.constant 0 : i32
        %dma_start3A_34 = tpu.memref_slice %arg4[%mul3A_31, %dma_start3A_33] : memref<10000x128xf32, #tpu.memory_space<hbm>> -> memref<624x128xf32, #tpu.memory_space<hbm>>
        tpu.enqueue_dma source(%dma_start3A_34 : memref<624x128xf32, #tpu.memory_space<hbm>>) target(%dma_start3A_32 : memref<624x128xf32, #tpu.memory_space<vmem_shared>>) target_semaphore(%run_scoped3A : memref<!tpu.dma_semaphore, #tpu.memory_space<semaphore_mem>>)
        %dma_wait3A = arith.constant 0 : i32
        %dma_wait3A_35 = tpu.memref_slice %arg9[%mul3A_31, %dma_wait3A] : memref<10000x128xf32, #tpu.memory_space<vmem_shared>> -> memref<624x128xf32, #tpu.memory_space<vmem_shared>>
        %dma_wait3A_36 = arith.constant 0 : i32
        %dma_wait3A_37 = tpu.memref_slice %arg4[%mul3A_31, %dma_wait3A_36] : memref<10000x128xf32, #tpu.memory_space<hbm>> -> memref<624x128xf32, #tpu.memory_space<hbm>>
        tpu.wait_dma2 semaphore(%run_scoped3A : memref<!tpu.dma_semaphore, #tpu.memory_space<semaphore_mem>>) src(%dma_wait3A_37 : memref<624x128xf32, #tpu.memory_space<hbm>>) dst(%dma_wait3A_35 : memref<624x128xf32, #tpu.memory_space<vmem_shared>>)
        tpu.yield
      }) : () -> ()
    } else {
    }
    %eq3A = arith.constant 15 : i32
    %eq3A_7 = arith.cmpi eq, %arg1, %eq3A : i32
    %convert_element_type3A_8 = arith.extui %eq3A_7 : i1 to i32
    %cond3A_9 = arith.constant 0 : i32
    %cond3A_10 = arith.cmpi ne, %convert_element_type3A_8, %cond3A_9 : i32
    scf.if %cond3A_10 {
      "tpu.region"() ({
        %run_scoped3A = tpu.sem_alloc : memref<!tpu.dma_semaphore, #tpu.memory_space<semaphore_mem>>
        %dma_start3A = arith.constant 9360 : i32
        %dma_start3A_30 = arith.constant 0 : i32
        %dma_start3A_31 = tpu.memref_slice %arg9[%dma_start3A, %dma_start3A_30] : memref<10000x128xf32, #tpu.memory_space<vmem_shared>> -> memref<640x128xf32, #tpu.memory_space<vmem_shared>>
        %dma_start3A_32 = arith.constant 9360 : i32
        %dma_start3A_33 = arith.constant 0 : i32
        %dma_start3A_34 = tpu.memref_slice %arg4[%dma_start3A_32, %dma_start3A_33] : memref<10000x128xf32, #tpu.memory_space<hbm>> -> memref<640x128xf32, #tpu.memory_space<hbm>>
        tpu.enqueue_dma source(%dma_start3A_34 : memref<640x128xf32, #tpu.memory_space<hbm>>) target(%dma_start3A_31 : memref<640x128xf32, #tpu.memory_space<vmem_shared>>) target_semaphore(%run_scoped3A : memref<!tpu.dma_semaphore, #tpu.memory_space<semaphore_mem>>)
        %dma_wait3A = arith.constant 9360 : i32
        %dma_wait3A_35 = arith.constant 0 : i32
        %dma_wait3A_36 = tpu.memref_slice %arg9[%dma_wait3A, %dma_wait3A_35] : memref<10000x128xf32, #tpu.memory_space<vmem_shared>> -> memref<640x128xf32, #tpu.memory_space<vmem_shared>>
        %dma_wait3A_37 = arith.constant 9360 : i32
        %dma_wait3A_38 = arith.constant 0 : i32
        %dma_wait3A_39 = tpu.memref_slice %arg4[%dma_wait3A_37, %dma_wait3A_38] : memref<10000x128xf32, #tpu.memory_space<hbm>> -> memref<640x128xf32, #tpu.memory_space<hbm>>
        tpu.wait_dma2 semaphore(%run_scoped3A : memref<!tpu.dma_semaphore, #tpu.memory_space<semaphore_mem>>) src(%dma_wait3A_39 : memref<640x128xf32, #tpu.memory_space<hbm>>) dst(%dma_wait3A_36 : memref<640x128xf32, #tpu.memory_space<vmem_shared>>)
        tpu.yield
      }) : () -> ()
    } else {
    }
    %gt3A = arith.constant 0 : i32
    %gt3A_11 = arith.cmpi sgt, %min3A, %gt3A : i32
    %convert_element_type3A_12 = arith.extui %gt3A_11 : i1 to i32
    %cond3A_13 = arith.constant 0 : i32
    %cond3A_14 = arith.cmpi ne, %convert_element_type3A_12, %cond3A_13 : i32
    scf.if %cond3A_14 {
      "tpu.region"() ({
        %run_scoped3A = tpu.sem_alloc : memref<!tpu.dma_semaphore, #tpu.memory_space<semaphore_mem>>
        %dma_start3A = arith.constant 0 : i32
        %dma_start3A_30 = tpu.memref_slice %arg3[%mul3A_2, %dma_start3A] : memref<648x128xi32, #tpu.memory_space<hbm>> -> memref<24x128xi32, #tpu.memory_space<hbm>>
        %dma_start3A_31 = arith.constant 0 : i32
        %dma_start3A_32 = tpu.memref_slice %arg3[%mul3A_2, %dma_start3A_31] : memref<648x128xi32, #tpu.memory_space<hbm>> -> memref<24x128xi32, #tpu.memory_space<hbm>>
        tpu.enqueue_dma source(%dma_start3A_32 : memref<24x128xi32, #tpu.memory_space<hbm>>) target(%arg6 : memref<24x128xi32, #tpu.memory_space<vmem>>) target_semaphore(%run_scoped3A : memref<!tpu.dma_semaphore, #tpu.memory_space<semaphore_mem>>)
        %dma_wait3A = arith.constant 0 : i32
        %dma_wait3A_33 = tpu.memref_slice %arg3[%mul3A_2, %dma_wait3A] : memref<648x128xi32, #tpu.memory_space<hbm>> -> memref<24x128xi32, #tpu.memory_space<hbm>>
        %dma_wait3A_34 = arith.constant 0 : i32
        %dma_wait3A_35 = tpu.memref_slice %arg3[%mul3A_2, %dma_wait3A_34] : memref<648x128xi32, #tpu.memory_space<hbm>> -> memref<24x128xi32, #tpu.memory_space<hbm>>
        tpu.wait_dma2 semaphore(%run_scoped3A : memref<!tpu.dma_semaphore, #tpu.memory_space<semaphore_mem>>) src(%dma_wait3A_35 : memref<24x128xi32, #tpu.memory_space<hbm>>) dst(%arg6 : memref<24x128xi32, #tpu.memory_space<vmem>>)
        tpu.yield
      }) : () -> ()
    } else {
    }
    %barrier3A = arith.constant 0 : index
    tpu.barrier barrier_id(%barrier3A)
    %scan3A = arith.constant 0 : i32
    %scan3A_15 = arith.constant 12 : i32
    %scan3A_16 = arith.addi %scan3A, %scan3A_15 : i32
    %scan3A_17 = arith.constant 1 : i32
    scf.for %scan3A_30 = %scan3A to %scan3A_16 step %scan3A_17  : i32 {
      %mul3A_31 = arith.constant 2 : i32
      %mul3A_32 = arith.muli %scan3A_30, %mul3A_31 : i32
      %add3A_33 = arith.constant 0 : i32
      %add3A_34 = arith.addi %add3A_33, %mul3A_32 : i32
      %add3A_35 = arith.constant 0 : i32
      %add3A_36 = arith.addi %add3A_34, %add3A_35 : i32
      %lt3A_37 = arith.cmpi slt, %add3A_36, %min3A : i32
      %convert_element_type3A_38 = arith.extui %lt3A_37 : i1 to i32
      %cond3A_39 = arith.constant 0 : i32
      %cond3A_40 = arith.cmpi ne, %convert_element_type3A_38, %cond3A_39 : i32
      scf.if %cond3A_40 {
        %add3A_59 = arith.addi %mul3A_2, %add3A_36 : i32
        %mul3A_60 = arith.constant 128 : i32
        %mul3A_61 = arith.muli %add3A_59, %mul3A_60 : i32
        %dma_start3A = arith.constant 0 : i32
        %dma_start3A_62 = tpu.memref_slice %arg2[%mul3A_61, %dma_start3A] : memref<80000x128xf32, #tpu.memory_space<hbm>> -> memref<128x128xf32, #tpu.memory_space<hbm>>
        %dma_start3A_63 = arith.constant 0 : i32
        %dma_start3A_64 = tpu.memref_slice %arg2[%mul3A_61, %dma_start3A_63] : memref<80000x128xf32, #tpu.memory_space<hbm>> -> memref<128x128xf32, #tpu.memory_space<hbm>>
        tpu.enqueue_dma source(%dma_start3A_64 : memref<128x128xf32, #tpu.memory_space<hbm>>) target(%arg7 : memref<128x128xf32, #tpu.memory_space<vmem>>) target_semaphore(%arg10 : memref<!tpu.dma_semaphore, #tpu.memory_space<semaphore_mem>>)
      } else {
      }
      %add3A_41 = arith.constant 1 : i32
      %add3A_42 = arith.addi %add3A_34, %add3A_41 : i32
      %lt3A_43 = arith.cmpi slt, %add3A_42, %min3A : i32
      %convert_element_type3A_44 = arith.extui %lt3A_43 : i1 to i32
      %cond3A_45 = arith.constant 0 : i32
      %cond3A_46 = arith.cmpi ne, %convert_element_type3A_44, %cond3A_45 : i32
      scf.if %cond3A_46 {
        %add3A_59 = arith.addi %mul3A_2, %add3A_42 : i32
        %mul3A_60 = arith.constant 128 : i32
        %mul3A_61 = arith.muli %add3A_59, %mul3A_60 : i32
        %dma_start3A = arith.constant 0 : i32
        %dma_start3A_62 = tpu.memref_slice %arg2[%mul3A_61, %dma_start3A] : memref<80000x128xf32, #tpu.memory_space<hbm>> -> memref<128x128xf32, #tpu.memory_space<hbm>>
        %dma_start3A_63 = arith.constant 0 : i32
        %dma_start3A_64 = tpu.memref_slice %arg2[%mul3A_61, %dma_start3A_63] : memref<80000x128xf32, #tpu.memory_space<hbm>> -> memref<128x128xf32, #tpu.memory_space<hbm>>
        tpu.enqueue_dma source(%dma_start3A_64 : memref<128x128xf32, #tpu.memory_space<hbm>>) target(%arg8 : memref<128x128xf32, #tpu.memory_space<vmem>>) target_semaphore(%arg11 : memref<!tpu.dma_semaphore, #tpu.memory_space<semaphore_mem>>)
      } else {
      }
      %add3A_47 = arith.constant 0 : i32
      %add3A_48 = arith.addi %add3A_34, %add3A_47 : i32
      %lt3A_49 = arith.cmpi slt, %add3A_48, %min3A : i32
      %convert_element_type3A_50 = arith.extui %lt3A_49 : i1 to i32
      %cond3A_51 = arith.constant 0 : i32
      %cond3A_52 = arith.cmpi ne, %convert_element_type3A_50, %cond3A_51 : i32
      scf.if %cond3A_52 {
        %add3A_59 = arith.addi %mul3A_2, %add3A_48 : i32
        %mul3A_60 = arith.constant 128 : i32
        %mul3A_61 = arith.muli %add3A_59, %mul3A_60 : i32
        %dma_wait3A = arith.constant 0 : i32
        %dma_wait3A_62 = tpu.memref_slice %arg2[%mul3A_61, %dma_wait3A] : memref<80000x128xf32, #tpu.memory_space<hbm>> -> memref<128x128xf32, #tpu.memory_space<hbm>>
        %dma_wait3A_63 = arith.constant 0 : i32
        %dma_wait3A_64 = tpu.memref_slice %arg2[%mul3A_61, %dma_wait3A_63] : memref<80000x128xf32, #tpu.memory_space<hbm>> -> memref<128x128xf32, #tpu.memory_space<hbm>>
        tpu.wait_dma2 semaphore(%arg10 : memref<!tpu.dma_semaphore, #tpu.memory_space<semaphore_mem>>) src(%dma_wait3A_64 : memref<128x128xf32, #tpu.memory_space<hbm>>) dst(%arg7 : memref<128x128xf32, #tpu.memory_space<vmem>>)
        "tpu.region"() ({
          %run_scoped3A = tpu.sem_alloc : memref<!tpu.dma_semaphore, #tpu.memory_space<semaphore_mem>>
          %dma_start3A = arith.constant 0 : i32
          %dma_start3A_65 = tpu.memref_slice %arg6[%add3A_48, %dma_start3A] : memref<24x128xi32, #tpu.memory_space<vmem>> -> memref<1x128xi32, #tpu.memory_space<vmem>>
          %dma_start3A_66 = tpu.memref_squeeze %dma_start3A_65 : memref<1x128xi32, #tpu.memory_space<vmem>> -> memref<128xi32, #tpu.memory_space<vmem>>
          %dma_start3A_67 = arith.constant 0 : i32
          %dma_start3A_68 = arith.constant 0 : i32
          %dma_start3A_69 = tpu.memref_slice %arg9[%dma_start3A_67, %dma_start3A_68] : memref<10000x128xf32, #tpu.memory_space<vmem_shared>> -> memref<10000x128xf32, #tpu.memory_space<vmem_shared>>
          tpu.enqueue_indirect_dma source(%arg7 : memref<128x128xf32, #tpu.memory_space<vmem>>) target(%dma_start3A_69 : memref<10000x128xf32, #tpu.memory_space<vmem_shared>>) offsets(%dma_start3A_66 : memref<128xi32, #tpu.memory_space<vmem>>) semaphore(%run_scoped3A : memref<!tpu.dma_semaphore, #tpu.memory_space<semaphore_mem>>) {add = true}
          %dma_wait3A_70 = arith.constant 0 : i32
          %dma_wait3A_71 = tpu.memref_slice %arg6[%add3A_48, %dma_wait3A_70] : memref<24x128xi32, #tpu.memory_space<vmem>> -> memref<1x128xi32, #tpu.memory_space<vmem>>
          %dma_wait3A_72 = tpu.memref_squeeze %dma_wait3A_71 : memref<1x128xi32, #tpu.memory_space<vmem>> -> memref<128xi32, #tpu.memory_space<vmem>>
          %dma_wait3A_73 = arith.constant 0 : i32
          %dma_wait3A_74 = arith.constant 0 : i32
          %dma_wait3A_75 = tpu.memref_slice %arg9[%dma_wait3A_73, %dma_wait3A_74] : memref<10000x128xf32, #tpu.memory_space<vmem_shared>> -> memref<10000x128xf32, #tpu.memory_space<vmem_shared>>
          tpu.wait_indirect_dma semaphore(%run_scoped3A : memref<!tpu.dma_semaphore, #tpu.memory_space<semaphore_mem>>) src(%arg7 : memref<128x128xf32, #tpu.memory_space<vmem>>) dst(%dma_wait3A_75 : memref<10000x128xf32, #tpu.memory_space<vmem_shared>>)
          tpu.yield
        }) : () -> ()
      } else {
      }
      %add3A_53 = arith.constant 1 : i32
      %add3A_54 = arith.addi %add3A_34, %add3A_53 : i32
      %lt3A_55 = arith.cmpi slt, %add3A_54, %min3A : i32
      %convert_element_type3A_56 = arith.extui %lt3A_55 : i1 to i32
      %cond3A_57 = arith.constant 0 : i32
      %cond3A_58 = arith.cmpi ne, %convert_element_type3A_56, %cond3A_57 : i32
      scf.if %cond3A_58 {
        %add3A_59 = arith.addi %mul3A_2, %add3A_54 : i32
        %mul3A_60 = arith.constant 128 : i32
        %mul3A_61 = arith.muli %add3A_59, %mul3A_60 : i32
        %dma_wait3A = arith.constant 0 : i32
        %dma_wait3A_62 = tpu.memref_slice %arg2[%mul3A_61, %dma_wait3A] : memref<80000x128xf32, #tpu.memory_space<hbm>> -> memref<128x128xf32, #tpu.memory_space<hbm>>
        %dma_wait3A_63 = arith.constant 0 : i32
        %dma_wait3A_64 = tpu.memref_slice %arg2[%mul3A_61, %dma_wait3A_63] : memref<80000x128xf32, #tpu.memory_space<hbm>> -> memref<128x128xf32, #tpu.memory_space<hbm>>
        tpu.wait_dma2 semaphore(%arg11 : memref<!tpu.dma_semaphore, #tpu.memory_space<semaphore_mem>>) src(%dma_wait3A_64 : memref<128x128xf32, #tpu.memory_space<hbm>>) dst(%arg8 : memref<128x128xf32, #tpu.memory_space<vmem>>)
        "tpu.region"() ({
          %run_scoped3A = tpu.sem_alloc : memref<!tpu.dma_semaphore, #tpu.memory_space<semaphore_mem>>
          %dma_start3A = arith.constant 0 : i32
          %dma_start3A_65 = tpu.memref_slice %arg6[%add3A_54, %dma_start3A] : memref<24x128xi32, #tpu.memory_space<vmem>> -> memref<1x128xi32, #tpu.memory_space<vmem>>
          %dma_start3A_66 = tpu.memref_squeeze %dma_start3A_65 : memref<1x128xi32, #tpu.memory_space<vmem>> -> memref<128xi32, #tpu.memory_space<vmem>>
          %dma_start3A_67 = arith.constant 0 : i32
          %dma_start3A_68 = arith.constant 0 : i32
          %dma_start3A_69 = tpu.memref_slice %arg9[%dma_start3A_67, %dma_start3A_68] : memref<10000x128xf32, #tpu.memory_space<vmem_shared>> -> memref<10000x128xf32, #tpu.memory_space<vmem_shared>>
          tpu.enqueue_indirect_dma source(%arg8 : memref<128x128xf32, #tpu.memory_space<vmem>>) target(%dma_start3A_69 : memref<10000x128xf32, #tpu.memory_space<vmem_shared>>) offsets(%dma_start3A_66 : memref<128xi32, #tpu.memory_space<vmem>>) semaphore(%run_scoped3A : memref<!tpu.dma_semaphore, #tpu.memory_space<semaphore_mem>>) {add = true}
          %dma_wait3A_70 = arith.constant 0 : i32
          %dma_wait3A_71 = tpu.memref_slice %arg6[%add3A_54, %dma_wait3A_70] : memref<24x128xi32, #tpu.memory_space<vmem>> -> memref<1x128xi32, #tpu.memory_space<vmem>>
          %dma_wait3A_72 = tpu.memref_squeeze %dma_wait3A_71 : memref<1x128xi32, #tpu.memory_space<vmem>> -> memref<128xi32, #tpu.memory_space<vmem>>
          %dma_wait3A_73 = arith.constant 0 : i32
          %dma_wait3A_74 = arith.constant 0 : i32
          %dma_wait3A_75 = tpu.memref_slice %arg9[%dma_wait3A_73, %dma_wait3A_74] : memref<10000x128xf32, #tpu.memory_space<vmem_shared>> -> memref<10000x128xf32, #tpu.memory_space<vmem_shared>>
          tpu.wait_indirect_dma semaphore(%run_scoped3A : memref<!tpu.dma_semaphore, #tpu.memory_space<semaphore_mem>>) src(%arg8 : memref<128x128xf32, #tpu.memory_space<vmem>>) dst(%dma_wait3A_75 : memref<10000x128xf32, #tpu.memory_space<vmem_shared>>)
          tpu.yield
        }) : () -> ()
      } else {
      }
    }
    %scan3A_18 = arith.constant 12 : i32
    %barrier3A_19 = arith.constant 0 : index
    tpu.barrier barrier_id(%barrier3A_19)
    %lt3A_20 = arith.constant 15 : i32
    %lt3A_21 = arith.cmpi slt, %arg1, %lt3A_20 : i32
    %convert_element_type3A_22 = arith.extui %lt3A_21 : i1 to i32
    %cond3A_23 = arith.constant 0 : i32
    %cond3A_24 = arith.cmpi ne, %convert_element_type3A_22, %cond3A_23 : i32
    scf.if %cond3A_24 {
      %mul3A_30 = arith.constant 624 : i32
      %mul3A_31 = arith.muli %arg1, %mul3A_30 : i32
      "tpu.region"() ({
        %run_scoped3A = tpu.sem_alloc : memref<!tpu.dma_semaphore, #tpu.memory_space<semaphore_mem>>
        %dma_start3A = arith.constant 0 : i32
        %dma_start3A_32 = tpu.memref_slice %arg5[%arg0, %mul3A_31, %dma_start3A] : memref<2x10000x128xf32, #tpu.memory_space<hbm>> -> memref<1x624x128xf32, #tpu.memory_space<hbm>>
        %dma_start3A_33 = tpu.memref_squeeze %dma_start3A_32 : memref<1x624x128xf32, #tpu.memory_space<hbm>> -> memref<624x128xf32, #tpu.memory_space<hbm>>
        %dma_start3A_34 = arith.constant 0 : i32
        %dma_start3A_35 = tpu.memref_slice %arg9[%mul3A_31, %dma_start3A_34] : memref<10000x128xf32, #tpu.memory_space<vmem_shared>> -> memref<624x128xf32, #tpu.memory_space<vmem_shared>>
        tpu.enqueue_dma source(%dma_start3A_35 : memref<624x128xf32, #tpu.memory_space<vmem_shared>>) target(%dma_start3A_33 : memref<624x128xf32, #tpu.memory_space<hbm>>) target_semaphore(%run_scoped3A : memref<!tpu.dma_semaphore, #tpu.memory_space<semaphore_mem>>)
        %dma_wait3A = arith.constant 0 : i32
        %dma_wait3A_36 = tpu.memref_slice %arg5[%arg0, %mul3A_31, %dma_wait3A] : memref<2x10000x128xf32, #tpu.memory_space<hbm>> -> memref<1x624x128xf32, #tpu.memory_space<hbm>>
        %dma_wait3A_37 = tpu.memref_squeeze %dma_wait3A_36 : memref<1x624x128xf32, #tpu.memory_space<hbm>> -> memref<624x128xf32, #tpu.memory_space<hbm>>
        %dma_wait3A_38 = arith.constant 0 : i32
        %dma_wait3A_39 = tpu.memref_slice %arg9[%mul3A_31, %dma_wait3A_38] : memref<10000x128xf32, #tpu.memory_space<vmem_shared>> -> memref<624x128xf32, #tpu.memory_space<vmem_shared>>
        tpu.wait_dma2 semaphore(%run_scoped3A : memref<!tpu.dma_semaphore, #tpu.memory_space<semaphore_mem>>) src(%dma_wait3A_39 : memref<624x128xf32, #tpu.memory_space<vmem_shared>>) dst(%dma_wait3A_37 : memref<624x128xf32, #tpu.memory_space<hbm>>)
        tpu.yield
      }) : () -> ()
    } else {
    }
    %eq3A_25 = arith.constant 15 : i32
    %eq3A_26 = arith.cmpi eq, %arg1, %eq3A_25 : i32
    %convert_element_type3A_27 = arith.extui %eq3A_26 : i1 to i32
    %cond3A_28 = arith.constant 0 : i32
    %cond3A_29 = arith.cmpi ne, %convert_element_type3A_27, %cond3A_28 : i32
    scf.if %cond3A_29 {
      "tpu.region"() ({
        %run_scoped3A = tpu.sem_alloc : memref<!tpu.dma_semaphore, #tpu.memory_space<semaphore_mem>>
        %dma_start3A = arith.constant 9360 : i32
        %dma_start3A_30 = arith.constant 0 : i32
        %dma_start3A_31 = tpu.memref_slice %arg5[%arg0, %dma_start3A, %dma_start3A_30] : memref<2x10000x128xf32, #tpu.memory_space<hbm>> -> memref<1x640x128xf32, #tpu.memory_space<hbm>>
        %dma_start3A_32 = tpu.memref_squeeze %dma_start3A_31 : memref<1x640x128xf32, #tpu.memory_space<hbm>> -> memref<640x128xf32, #tpu.memory_space<hbm>>
        %dma_start3A_33 = arith.constant 9360 : i32
        %dma_start3A_34 = arith.constant 0 : i32
        %dma_start3A_35 = tpu.memref_slice %arg9[%dma_start3A_33, %dma_start3A_34] : memref<10000x128xf32, #tpu.memory_space<vmem_shared>> -> memref<640x128xf32, #tpu.memory_space<vmem_shared>>
        tpu.enqueue_dma source(%dma_start3A_35 : memref<640x128xf32, #tpu.memory_space<vmem_shared>>) target(%dma_start3A_32 : memref<640x128xf32, #tpu.memory_space<hbm>>) target_semaphore(%run_scoped3A : memref<!tpu.dma_semaphore, #tpu.memory_space<semaphore_mem>>)
        %dma_wait3A = arith.constant 9360 : i32
        %dma_wait3A_36 = arith.constant 0 : i32
        %dma_wait3A_37 = tpu.memref_slice %arg5[%arg0, %dma_wait3A, %dma_wait3A_36] : memref<2x10000x128xf32, #tpu.memory_space<hbm>> -> memref<1x640x128xf32, #tpu.memory_space<hbm>>
        %dma_wait3A_38 = tpu.memref_squeeze %dma_wait3A_37 : memref<1x640x128xf32, #tpu.memory_space<hbm>> -> memref<640x128xf32, #tpu.memory_space<hbm>>
        %dma_wait3A_39 = arith.constant 9360 : i32
        %dma_wait3A_40 = arith.constant 0 : i32
        %dma_wait3A_41 = tpu.memref_slice %arg9[%dma_wait3A_39, %dma_wait3A_40] : memref<10000x128xf32, #tpu.memory_space<vmem_shared>> -> memref<640x128xf32, #tpu.memory_space<vmem_shared>>
        tpu.wait_dma2 semaphore(%run_scoped3A : memref<!tpu.dma_semaphore, #tpu.memory_space<semaphore_mem>>) src(%dma_wait3A_41 : memref<640x128xf32, #tpu.memory_space<vmem_shared>>) dst(%dma_wait3A_38 : memref<640x128xf32, #tpu.memory_space<hbm>>)
        tpu.yield
      }) : () -> ()
    } else {
    }
    return
  }
}

#map = affine_map<(d0, d1) -> (0, 0)>
#map1 = affine_map<(d0, d1) -> (0, 0, 0)>
module attributes {stable_mosaic.version = 14 : i64} {
  func.func @k(%arg0: i32, %arg1: i32, %arg2: memref<80000x128xf32, #tpu.memory_space<hbm>>, %arg3: memref<648x128xi32, #tpu.memory_space<hbm>>, %arg4: memref<10000x128xf32, #tpu.memory_space<hbm>>, %arg5: memref<2x10000x128xf32, #tpu.memory_space<hbm>>, %arg6: memref<24x128xi32, #tpu.memory_space<vmem>>, %arg7: memref<128x128xf32, #tpu.memory_space<vmem>>, %arg8: memref<128x128xf32, #tpu.memory_space<vmem>>, %arg9: memref<10000x128xf32, #tpu.memory_space<vmem_shared>>, %arg10: memref<!tpu.dma_semaphore, #tpu.memory_space<semaphore_mem>>, %arg11: memref<!tpu.dma_semaphore, #tpu.memory_space<semaphore_mem>>) attributes {dimension_semantics = [#tpu.dimension_semantics<core_parallel>, #tpu.dimension_semantics<subcore_parallel>], iteration_bounds = array<i64: 2, 16>, scalar_prefetch = 0 : i64, scratch_operands = 6 : i64, tpu.core_type = #tpu.core_type<sc_vector_subcore>, window_params = [{transform_indices = #map}, {transform_indices = #map}, {transform_indices = #map}, {transform_indices = #map1}]} {
    %mul3A = arith.constant 2 : i32
    %mul3A_0 = arith.muli %arg1, %mul3A : i32
    %add3A = arith.addi %mul3A_0, %arg0 : i32
    %mul3A_1 = arith.constant 24 : i32
    %mul3A_2 = arith.muli %add3A, %mul3A_1 : i32
    %sub3A = arith.constant 625 : i32
    %sub3A_3 = arith.subi %sub3A, %mul3A_2 : i32
    %jit3A = arith.constant 0 : i32
    %jit3A_4 = arith.constant 24 : i32
    %max3A = arith.maxsi %jit3A, %sub3A_3 : i32
    %min3A = arith.minsi %jit3A_4, %max3A : i32
    %lt3A = arith.constant 15 : i32
    %lt3A_5 = arith.cmpi slt, %arg1, %lt3A : i32
    %convert_element_type3A = arith.extui %lt3A_5 : i1 to i32
    %cond3A = arith.constant 0 : i32
    %cond3A_6 = arith.cmpi ne, %convert_element_type3A, %cond3A : i32
    scf.if %cond3A_6 {
      %mul3A_30 = arith.constant 624 : i32
      %mul3A_31 = arith.muli %arg1, %mul3A_30 : i32
      "tpu.region"() ({
        %run_scoped3A = tpu.sem_alloc : memref<!tpu.dma_semaphore, #tpu.memory_space<semaphore_mem>>
        %dma_start3A = arith.constant 0 : i32
        %dma_start3A_32 = tpu.memref_slice %arg9[%mul3A_31, %dma_start3A] : memref<10000x128xf32, #tpu.memory_space<vmem_shared>> -> memref<624x128xf32, #tpu.memory_space<vmem_shared>>
        %dma_start3A_33 = arith.constant 0 : i32
        %dma_start3A_34 = tpu.memref_slice %arg4[%mul3A_31, %dma_start3A_33] : memref<10000x128xf32, #tpu.memory_space<hbm>> -> memref<624x128xf32, #tpu.memory_space<hbm>>
        tpu.enqueue_dma source(%dma_start3A_34 : memref<624x128xf32, #tpu.memory_space<hbm>>) target(%dma_start3A_32 : memref<624x128xf32, #tpu.memory_space<vmem_shared>>) target_semaphore(%run_scoped3A : memref<!tpu.dma_semaphore, #tpu.memory_space<semaphore_mem>>)
        %dma_wait3A = arith.constant 0 : i32
        %dma_wait3A_35 = tpu.memref_slice %arg9[%mul3A_31, %dma_wait3A] : memref<10000x128xf32, #tpu.memory_space<vmem_shared>> -> memref<624x128xf32, #tpu.memory_space<vmem_shared>>
        %dma_wait3A_36 = arith.constant 0 : i32
        %dma_wait3A_37 = tpu.memref_slice %arg4[%mul3A_31, %dma_wait3A_36] : memref<10000x128xf32, #tpu.memory_space<hbm>> -> memref<624x128xf32, #tpu.memory_space<hbm>>
        tpu.wait_dma2 semaphore(%run_scoped3A : memref<!tpu.dma_semaphore, #tpu.memory_space<semaphore_mem>>) src(%dma_wait3A_37 : memref<624x128xf32, #tpu.memory_space<hbm>>) dst(%dma_wait3A_35 : memref<624x128xf32, #tpu.memory_space<vmem_shared>>)
        tpu.yield
      }) : () -> ()
    } else {
    }
    %eq3A = arith.constant 15 : i32
    %eq3A_7 = arith.cmpi eq, %arg1, %eq3A : i32
    %convert_element_type3A_8 = arith.extui %eq3A_7 : i1 to i32
    %cond3A_9 = arith.constant 0 : i32
    %cond3A_10 = arith.cmpi ne, %convert_element_type3A_8, %cond3A_9 : i32
    scf.if %cond3A_10 {
      "tpu.region"() ({
        %run_scoped3A = tpu.sem_alloc : memref<!tpu.dma_semaphore, #tpu.memory_space<semaphore_mem>>
        %dma_start3A = arith.constant 9360 : i32
        %dma_start3A_30 = arith.constant 0 : i32
        %dma_start3A_31 = tpu.memref_slice %arg9[%dma_start3A, %dma_start3A_30] : memref<10000x128xf32, #tpu.memory_space<vmem_shared>> -> memref<640x128xf32, #tpu.memory_space<vmem_shared>>
        %dma_start3A_32 = arith.constant 9360 : i32
        %dma_start3A_33 = arith.constant 0 : i32
        %dma_start3A_34 = tpu.memref_slice %arg4[%dma_start3A_32, %dma_start3A_33] : memref<10000x128xf32, #tpu.memory_space<hbm>> -> memref<640x128xf32, #tpu.memory_space<hbm>>
        tpu.enqueue_dma source(%dma_start3A_34 : memref<640x128xf32, #tpu.memory_space<hbm>>) target(%dma_start3A_31 : memref<640x128xf32, #tpu.memory_space<vmem_shared>>) target_semaphore(%run_scoped3A : memref<!tpu.dma_semaphore, #tpu.memory_space<semaphore_mem>>)
        %dma_wait3A = arith.constant 9360 : i32
        %dma_wait3A_35 = arith.constant 0 : i32
        %dma_wait3A_36 = tpu.memref_slice %arg9[%dma_wait3A, %dma_wait3A_35] : memref<10000x128xf32, #tpu.memory_space<vmem_shared>> -> memref<640x128xf32, #tpu.memory_space<vmem_shared>>
        %dma_wait3A_37 = arith.constant 9360 : i32
        %dma_wait3A_38 = arith.constant 0 : i32
        %dma_wait3A_39 = tpu.memref_slice %arg4[%dma_wait3A_37, %dma_wait3A_38] : memref<10000x128xf32, #tpu.memory_space<hbm>> -> memref<640x128xf32, #tpu.memory_space<hbm>>
        tpu.wait_dma2 semaphore(%run_scoped3A : memref<!tpu.dma_semaphore, #tpu.memory_space<semaphore_mem>>) src(%dma_wait3A_39 : memref<640x128xf32, #tpu.memory_space<hbm>>) dst(%dma_wait3A_36 : memref<640x128xf32, #tpu.memory_space<vmem_shared>>)
        tpu.yield
      }) : () -> ()
    } else {
    }
    %gt3A = arith.constant 0 : i32
    %gt3A_11 = arith.cmpi sgt, %min3A, %gt3A : i32
    %convert_element_type3A_12 = arith.extui %gt3A_11 : i1 to i32
    %cond3A_13 = arith.constant 0 : i32
    %cond3A_14 = arith.cmpi ne, %convert_element_type3A_12, %cond3A_13 : i32
    scf.if %cond3A_14 {
      "tpu.region"() ({
        %run_scoped3A = tpu.sem_alloc : memref<!tpu.dma_semaphore, #tpu.memory_space<semaphore_mem>>
        %dma_start3A = arith.constant 0 : i32
        %dma_start3A_30 = tpu.memref_slice %arg3[%mul3A_2, %dma_start3A] : memref<648x128xi32, #tpu.memory_space<hbm>> -> memref<24x128xi32, #tpu.memory_space<hbm>>
        %dma_start3A_31 = arith.constant 0 : i32
        %dma_start3A_32 = tpu.memref_slice %arg3[%mul3A_2, %dma_start3A_31] : memref<648x128xi32, #tpu.memory_space<hbm>> -> memref<24x128xi32, #tpu.memory_space<hbm>>
        tpu.enqueue_dma source(%dma_start3A_32 : memref<24x128xi32, #tpu.memory_space<hbm>>) target(%arg6 : memref<24x128xi32, #tpu.memory_space<vmem>>) target_semaphore(%run_scoped3A : memref<!tpu.dma_semaphore, #tpu.memory_space<semaphore_mem>>)
        %dma_wait3A = arith.constant 0 : i32
        %dma_wait3A_33 = tpu.memref_slice %arg3[%mul3A_2, %dma_wait3A] : memref<648x128xi32, #tpu.memory_space<hbm>> -> memref<24x128xi32, #tpu.memory_space<hbm>>
        %dma_wait3A_34 = arith.constant 0 : i32
        %dma_wait3A_35 = tpu.memref_slice %arg3[%mul3A_2, %dma_wait3A_34] : memref<648x128xi32, #tpu.memory_space<hbm>> -> memref<24x128xi32, #tpu.memory_space<hbm>>
        tpu.wait_dma2 semaphore(%run_scoped3A : memref<!tpu.dma_semaphore, #tpu.memory_space<semaphore_mem>>) src(%dma_wait3A_35 : memref<24x128xi32, #tpu.memory_space<hbm>>) dst(%arg6 : memref<24x128xi32, #tpu.memory_space<vmem>>)
        tpu.yield
      }) : () -> ()
    } else {
    }
    %barrier3A = arith.constant 0 : index
    tpu.barrier barrier_id(%barrier3A)
    %scan3A = arith.constant 0 : i32
    %scan3A_15 = arith.constant 12 : i32
    %scan3A_16 = arith.addi %scan3A, %scan3A_15 : i32
    %scan3A_17 = arith.constant 1 : i32
    scf.for %scan3A_30 = %scan3A to %scan3A_16 step %scan3A_17  : i32 {
      %mul3A_31 = arith.constant 2 : i32
      %mul3A_32 = arith.muli %scan3A_30, %mul3A_31 : i32
      %add3A_33 = arith.constant 0 : i32
      %add3A_34 = arith.addi %add3A_33, %mul3A_32 : i32
      %add3A_35 = arith.constant 0 : i32
      %add3A_36 = arith.addi %add3A_34, %add3A_35 : i32
      %lt3A_37 = arith.cmpi slt, %add3A_36, %min3A : i32
      %convert_element_type3A_38 = arith.extui %lt3A_37 : i1 to i32
      %cond3A_39 = arith.constant 0 : i32
      %cond3A_40 = arith.cmpi ne, %convert_element_type3A_38, %cond3A_39 : i32
      scf.if %cond3A_40 {
        %add3A_59 = arith.addi %mul3A_2, %add3A_36 : i32
        %mul3A_60 = arith.constant 128 : i32
        %mul3A_61 = arith.muli %add3A_59, %mul3A_60 : i32
        %dma_start3A = arith.constant 0 : i32
        %dma_start3A_62 = tpu.memref_slice %arg2[%mul3A_61, %dma_start3A] : memref<80000x128xf32, #tpu.memory_space<hbm>> -> memref<128x128xf32, #tpu.memory_space<hbm>>
        %dma_start3A_63 = arith.constant 0 : i32
        %dma_start3A_64 = tpu.memref_slice %arg2[%mul3A_61, %dma_start3A_63] : memref<80000x128xf32, #tpu.memory_space<hbm>> -> memref<128x128xf32, #tpu.memory_space<hbm>>
        tpu.enqueue_dma source(%dma_start3A_64 : memref<128x128xf32, #tpu.memory_space<hbm>>) target(%arg7 : memref<128x128xf32, #tpu.memory_space<vmem>>) target_semaphore(%arg10 : memref<!tpu.dma_semaphore, #tpu.memory_space<semaphore_mem>>)
      } else {
      }
      %add3A_41 = arith.constant 1 : i32
      %add3A_42 = arith.addi %add3A_34, %add3A_41 : i32
      %lt3A_43 = arith.cmpi slt, %add3A_42, %min3A : i32
      %convert_element_type3A_44 = arith.extui %lt3A_43 : i1 to i32
      %cond3A_45 = arith.constant 0 : i32
      %cond3A_46 = arith.cmpi ne, %convert_element_type3A_44, %cond3A_45 : i32
      scf.if %cond3A_46 {
        %add3A_59 = arith.addi %mul3A_2, %add3A_42 : i32
        %mul3A_60 = arith.constant 128 : i32
        %mul3A_61 = arith.muli %add3A_59, %mul3A_60 : i32
        %dma_start3A = arith.constant 0 : i32
        %dma_start3A_62 = tpu.memref_slice %arg2[%mul3A_61, %dma_start3A] : memref<80000x128xf32, #tpu.memory_space<hbm>> -> memref<128x128xf32, #tpu.memory_space<hbm>>
        %dma_start3A_63 = arith.constant 0 : i32
        %dma_start3A_64 = tpu.memref_slice %arg2[%mul3A_61, %dma_start3A_63] : memref<80000x128xf32, #tpu.memory_space<hbm>> -> memref<128x128xf32, #tpu.memory_space<hbm>>
        tpu.enqueue_dma source(%dma_start3A_64 : memref<128x128xf32, #tpu.memory_space<hbm>>) target(%arg8 : memref<128x128xf32, #tpu.memory_space<vmem>>) target_semaphore(%arg11 : memref<!tpu.dma_semaphore, #tpu.memory_space<semaphore_mem>>)
      } else {
      }
      %add3A_47 = arith.constant 0 : i32
      %add3A_48 = arith.addi %add3A_34, %add3A_47 : i32
      %lt3A_49 = arith.cmpi slt, %add3A_48, %min3A : i32
      %convert_element_type3A_50 = arith.extui %lt3A_49 : i1 to i32
      %cond3A_51 = arith.constant 0 : i32
      %cond3A_52 = arith.cmpi ne, %convert_element_type3A_50, %cond3A_51 : i32
      scf.if %cond3A_52 {
        %add3A_59 = arith.addi %mul3A_2, %add3A_48 : i32
        %mul3A_60 = arith.constant 128 : i32
        %mul3A_61 = arith.muli %add3A_59, %mul3A_60 : i32
        %dma_wait3A = arith.constant 0 : i32
        %dma_wait3A_62 = tpu.memref_slice %arg2[%mul3A_61, %dma_wait3A] : memref<80000x128xf32, #tpu.memory_space<hbm>> -> memref<128x128xf32, #tpu.memory_space<hbm>>
        %dma_wait3A_63 = arith.constant 0 : i32
        %dma_wait3A_64 = tpu.memref_slice %arg2[%mul3A_61, %dma_wait3A_63] : memref<80000x128xf32, #tpu.memory_space<hbm>> -> memref<128x128xf32, #tpu.memory_space<hbm>>
        tpu.wait_dma2 semaphore(%arg10 : memref<!tpu.dma_semaphore, #tpu.memory_space<semaphore_mem>>) src(%dma_wait3A_64 : memref<128x128xf32, #tpu.memory_space<hbm>>) dst(%arg7 : memref<128x128xf32, #tpu.memory_space<vmem>>)
        "tpu.region"() ({
          %run_scoped3A = tpu.sem_alloc : memref<!tpu.dma_semaphore, #tpu.memory_space<semaphore_mem>>
          %dma_start3A = arith.constant 0 : i32
          %dma_start3A_65 = tpu.memref_slice %arg6[%add3A_48, %dma_start3A] : memref<24x128xi32, #tpu.memory_space<vmem>> -> memref<1x128xi32, #tpu.memory_space<vmem>>
          %dma_start3A_66 = tpu.memref_squeeze %dma_start3A_65 : memref<1x128xi32, #tpu.memory_space<vmem>> -> memref<128xi32, #tpu.memory_space<vmem>>
          %dma_start3A_67 = arith.constant 0 : i32
          %dma_start3A_68 = arith.constant 0 : i32
          %dma_start3A_69 = tpu.memref_slice %arg9[%dma_start3A_67, %dma_start3A_68] : memref<10000x128xf32, #tpu.memory_space<vmem_shared>> -> memref<10000x128xf32, #tpu.memory_space<vmem_shared>>
          tpu.enqueue_indirect_dma source(%arg7 : memref<128x128xf32, #tpu.memory_space<vmem>>) target(%dma_start3A_69 : memref<10000x128xf32, #tpu.memory_space<vmem_shared>>) offsets(%dma_start3A_66 : memref<128xi32, #tpu.memory_space<vmem>>) semaphore(%run_scoped3A : memref<!tpu.dma_semaphore, #tpu.memory_space<semaphore_mem>>) {add = true}
          %dma_wait3A_70 = arith.constant 0 : i32
          %dma_wait3A_71 = tpu.memref_slice %arg6[%add3A_48, %dma_wait3A_70] : memref<24x128xi32, #tpu.memory_space<vmem>> -> memref<1x128xi32, #tpu.memory_space<vmem>>
          %dma_wait3A_72 = tpu.memref_squeeze %dma_wait3A_71 : memref<1x128xi32, #tpu.memory_space<vmem>> -> memref<128xi32, #tpu.memory_space<vmem>>
          %dma_wait3A_73 = arith.constant 0 : i32
          %dma_wait3A_74 = arith.constant 0 : i32
          %dma_wait3A_75 = tpu.memref_slice %arg9[%dma_wait3A_73, %dma_wait3A_74] : memref<10000x128xf32, #tpu.memory_space<vmem_shared>> -> memref<10000x128xf32, #tpu.memory_space<vmem_shared>>
          tpu.wait_indirect_dma semaphore(%run_scoped3A : memref<!tpu.dma_semaphore, #tpu.memory_space<semaphore_mem>>) src(%arg7 : memref<128x128xf32, #tpu.memory_space<vmem>>) dst(%dma_wait3A_75 : memref<10000x128xf32, #tpu.memory_space<vmem_shared>>)
          tpu.yield
        }) : () -> ()
      } else {
      }
      %add3A_53 = arith.constant 1 : i32
      %add3A_54 = arith.addi %add3A_34, %add3A_53 : i32
      %lt3A_55 = arith.cmpi slt, %add3A_54, %min3A : i32
      %convert_element_type3A_56 = arith.extui %lt3A_55 : i1 to i32
      %cond3A_57 = arith.constant 0 : i32
      %cond3A_58 = arith.cmpi ne, %convert_element_type3A_56, %cond3A_57 : i32
      scf.if %cond3A_58 {
        %add3A_59 = arith.addi %mul3A_2, %add3A_54 : i32
        %mul3A_60 = arith.constant 128 : i32
        %mul3A_61 = arith.muli %add3A_59, %mul3A_60 : i32
        %dma_wait3A = arith.constant 0 : i32
        %dma_wait3A_62 = tpu.memref_slice %arg2[%mul3A_61, %dma_wait3A] : memref<80000x128xf32, #tpu.memory_space<hbm>> -> memref<128x128xf32, #tpu.memory_space<hbm>>
        %dma_wait3A_63 = arith.constant 0 : i32
        %dma_wait3A_64 = tpu.memref_slice %arg2[%mul3A_61, %dma_wait3A_63] : memref<80000x128xf32, #tpu.memory_space<hbm>> -> memref<128x128xf32, #tpu.memory_space<hbm>>
        tpu.wait_dma2 semaphore(%arg11 : memref<!tpu.dma_semaphore, #tpu.memory_space<semaphore_mem>>) src(%dma_wait3A_64 : memref<128x128xf32, #tpu.memory_space<hbm>>) dst(%arg8 : memref<128x128xf32, #tpu.memory_space<vmem>>)
        "tpu.region"() ({
          %run_scoped3A = tpu.sem_alloc : memref<!tpu.dma_semaphore, #tpu.memory_space<semaphore_mem>>
          %dma_start3A = arith.constant 0 : i32
          %dma_start3A_65 = tpu.memref_slice %arg6[%add3A_54, %dma_start3A] : memref<24x128xi32, #tpu.memory_space<vmem>> -> memref<1x128xi32, #tpu.memory_space<vmem>>
          %dma_start3A_66 = tpu.memref_squeeze %dma_start3A_65 : memref<1x128xi32, #tpu.memory_space<vmem>> -> memref<128xi32, #tpu.memory_space<vmem>>
          %dma_start3A_67 = arith.constant 0 : i32
          %dma_start3A_68 = arith.constant 0 : i32
          %dma_start3A_69 = tpu.memref_slice %arg9[%dma_start3A_67, %dma_start3A_68] : memref<10000x128xf32, #tpu.memory_space<vmem_shared>> -> memref<10000x128xf32, #tpu.memory_space<vmem_shared>>
          tpu.enqueue_indirect_dma source(%arg8 : memref<128x128xf32, #tpu.memory_space<vmem>>) target(%dma_start3A_69 : memref<10000x128xf32, #tpu.memory_space<vmem_shared>>) offsets(%dma_start3A_66 : memref<128xi32, #tpu.memory_space<vmem>>) semaphore(%run_scoped3A : memref<!tpu.dma_semaphore, #tpu.memory_space<semaphore_mem>>) {add = true}
          %dma_wait3A_70 = arith.constant 0 : i32
          %dma_wait3A_71 = tpu.memref_slice %arg6[%add3A_54, %dma_wait3A_70] : memref<24x128xi32, #tpu.memory_space<vmem>> -> memref<1x128xi32, #tpu.memory_space<vmem>>
          %dma_wait3A_72 = tpu.memref_squeeze %dma_wait3A_71 : memref<1x128xi32, #tpu.memory_space<vmem>> -> memref<128xi32, #tpu.memory_space<vmem>>
          %dma_wait3A_73 = arith.constant 0 : i32
          %dma_wait3A_74 = arith.constant 0 : i32
          %dma_wait3A_75 = tpu.memref_slice %arg9[%dma_wait3A_73, %dma_wait3A_74] : memref<10000x128xf32, #tpu.memory_space<vmem_shared>> -> memref<10000x128xf32, #tpu.memory_space<vmem_shared>>
          tpu.wait_indirect_dma semaphore(%run_scoped3A : memref<!tpu.dma_semaphore, #tpu.memory_space<semaphore_mem>>) src(%arg8 : memref<128x128xf32, #tpu.memory_space<vmem>>) dst(%dma_wait3A_75 : memref<10000x128xf32, #tpu.memory_space<vmem_shared>>)
          tpu.yield
        }) : () -> ()
      } else {
      }
    }
    %scan3A_18 = arith.constant 12 : i32
    %barrier3A_19 = arith.constant 0 : index
    tpu.barrier barrier_id(%barrier3A_19)
    %lt3A_20 = arith.constant 15 : i32
    %lt3A_21 = arith.cmpi slt, %arg1, %lt3A_20 : i32
    %convert_element_type3A_22 = arith.extui %lt3A_21 : i1 to i32
    %cond3A_23 = arith.constant 0 : i32
    %cond3A_24 = arith.cmpi ne, %convert_element_type3A_22, %cond3A_23 : i32
    scf.if %cond3A_24 {
      %mul3A_30 = arith.constant 624 : i32
      %mul3A_31 = arith.muli %arg1, %mul3A_30 : i32
      "tpu.region"() ({
        %run_scoped3A = tpu.sem_alloc : memref<!tpu.dma_semaphore, #tpu.memory_space<semaphore_mem>>
        %dma_start3A = arith.constant 0 : i32
        %dma_start3A_32 = tpu.memref_slice %arg5[%arg0, %mul3A_31, %dma_start3A] : memref<2x10000x128xf32, #tpu.memory_space<hbm>> -> memref<1x624x128xf32, #tpu.memory_space<hbm>>
        %dma_start3A_33 = tpu.memref_squeeze %dma_start3A_32 : memref<1x624x128xf32, #tpu.memory_space<hbm>> -> memref<624x128xf32, #tpu.memory_space<hbm>>
        %dma_start3A_34 = arith.constant 0 : i32
        %dma_start3A_35 = tpu.memref_slice %arg9[%mul3A_31, %dma_start3A_34] : memref<10000x128xf32, #tpu.memory_space<vmem_shared>> -> memref<624x128xf32, #tpu.memory_space<vmem_shared>>
        tpu.enqueue_dma source(%dma_start3A_35 : memref<624x128xf32, #tpu.memory_space<vmem_shared>>) target(%dma_start3A_33 : memref<624x128xf32, #tpu.memory_space<hbm>>) target_semaphore(%run_scoped3A : memref<!tpu.dma_semaphore, #tpu.memory_space<semaphore_mem>>)
        %dma_wait3A = arith.constant 0 : i32
        %dma_wait3A_36 = tpu.memref_slice %arg5[%arg0, %mul3A_31, %dma_wait3A] : memref<2x10000x128xf32, #tpu.memory_space<hbm>> -> memref<1x624x128xf32, #tpu.memory_space<hbm>>
        %dma_wait3A_37 = tpu.memref_squeeze %dma_wait3A_36 : memref<1x624x128xf32, #tpu.memory_space<hbm>> -> memref<624x128xf32, #tpu.memory_space<hbm>>
        %dma_wait3A_38 = arith.constant 0 : i32
        %dma_wait3A_39 = tpu.memref_slice %arg9[%mul3A_31, %dma_wait3A_38] : memref<10000x128xf32, #tpu.memory_space<vmem_shared>> -> memref<624x128xf32, #tpu.memory_space<vmem_shared>>
        tpu.wait_dma2 semaphore(%run_scoped3A : memref<!tpu.dma_semaphore, #tpu.memory_space<semaphore_mem>>) src(%dma_wait3A_39 : memref<624x128xf32, #tpu.memory_space<vmem_shared>>) dst(%dma_wait3A_37 : memref<624x128xf32, #tpu.memory_space<hbm>>)
        tpu.yield
      }) : () -> ()
    } else {
    }
    %eq3A_25 = arith.constant 15 : i32
    %eq3A_26 = arith.cmpi eq, %arg1, %eq3A_25 : i32
    %convert_element_type3A_27 = arith.extui %eq3A_26 : i1 to i32
    %cond3A_28 = arith.constant 0 : i32
    %cond3A_29 = arith.cmpi ne, %convert_element_type3A_27, %cond3A_28 : i32
    scf.if %cond3A_29 {
      "tpu.region"() ({
        %run_scoped3A = tpu.sem_alloc : memref<!tpu.dma_semaphore, #tpu.memory_space<semaphore_mem>>
        %dma_start3A = arith.constant 9360 : i32
        %dma_start3A_30 = arith.constant 0 : i32
        %dma_start3A_31 = tpu.memref_slice %arg5[%arg0, %dma_start3A, %dma_start3A_30] : memref<2x10000x128xf32, #tpu.memory_space<hbm>> -> memref<1x640x128xf32, #tpu.memory_space<hbm>>
        %dma_start3A_32 = tpu.memref_squeeze %dma_start3A_31 : memref<1x640x128xf32, #tpu.memory_space<hbm>> -> memref<640x128xf32, #tpu.memory_space<hbm>>
        %dma_start3A_33 = arith.constant 9360 : i32
        %dma_start3A_34 = arith.constant 0 : i32
        %dma_start3A_35 = tpu.memref_slice %arg9[%dma_start3A_33, %dma_start3A_34] : memref<10000x128xf32, #tpu.memory_space<vmem_shared>> -> memref<640x128xf32, #tpu.memory_space<vmem_shared>>
        tpu.enqueue_dma source(%dma_start3A_35 : memref<640x128xf32, #tpu.memory_space<vmem_shared>>) target(%dma_start3A_32 : memref<640x128xf32, #tpu.memory_space<hbm>>) target_semaphore(%run_scoped3A : memref<!tpu.dma_semaphore, #tpu.memory_space<semaphore_mem>>)
        %dma_wait3A = arith.constant 9360 : i32
        %dma_wait3A_36 = arith.constant 0 : i32
        %dma_wait3A_37 = tpu.memref_slice %arg5[%arg0, %dma_wait3A, %dma_wait3A_36] : memref<2x10000x128xf32, #tpu.memory_space<hbm>> -> memref<1x640x128xf32, #tpu.memory_space<hbm>>
        %dma_wait3A_38 = tpu.memref_squeeze %dma_wait3A_37 : memref<1x640x128xf32, #tpu.memory_space<hbm>> -> memref<640x128xf32, #tpu.memory_space<hbm>>
        %dma_wait3A_39 = arith.constant 9360 : i32
        %dma_wait3A_40 = arith.constant 0 : i32
        %dma_wait3A_41 = tpu.memref_slice %arg9[%dma_wait3A_39, %dma_wait3A_40] : memref<10000x128xf32, #tpu.memory_space<vmem_shared>> -> memref<640x128xf32, #tpu.memory_space<vmem_shared>>
        tpu.wait_dma2 semaphore(%run_scoped3A : memref<!tpu.dma_semaphore, #tpu.memory_space<semaphore_mem>>) src(%dma_wait3A_41 : memref<640x128xf32, #tpu.memory_space<vmem_shared>>) dst(%dma_wait3A_38 : memref<640x128xf32, #tpu.memory_space<hbm>>)
        tpu.yield
      }) : () -> ()
    } else {
    }
    return
  }
}

#map = affine_map<(d0, d1) -> (0, 0)>
#map1 = affine_map<(d0, d1) -> (0)>
module attributes {stable_mosaic.version = 14 : i64} {
  func.func @k(%arg0: i32, %arg1: i32, %arg2: memref<10000x128xf32, #tpu.memory_space<hbm>>, %arg3: memref<320000xi32, #tpu.memory_space<hbm>>, %arg4: memref<320000x128xf32, #tpu.memory_space<hbm>>, %arg5: memref<10112xi32, #tpu.memory_space<vmem>>, %arg6: memref<128x128xf32, #tpu.memory_space<vmem>>, %arg7: memref<128x128xf32, #tpu.memory_space<vmem>>, %arg8: memref<!tpu.dma_semaphore, #tpu.memory_space<semaphore_mem>>, %arg9: memref<!tpu.dma_semaphore, #tpu.memory_space<semaphore_mem>>, %arg10: memref<!tpu.dma_semaphore, #tpu.memory_space<semaphore_mem>>) attributes {dimension_semantics = [#tpu.dimension_semantics<core_parallel>, #tpu.dimension_semantics<subcore_parallel>], iteration_bounds = array<i64: 2, 16>, scalar_prefetch = 0 : i64, scratch_operands = 6 : i64, tpu.core_type = #tpu.core_type<sc_vector_subcore>, window_params = [{transform_indices = #map}, {transform_indices = #map1}, {transform_indices = #map}]} {
    %mul3A = arith.constant 2 : i32
    %mul3A_0 = arith.muli %arg1, %mul3A : i32
    %add3A = arith.addi %mul3A_0, %arg0 : i32
    %mul3A_1 = arith.constant 79 : i32
    %mul3A_2 = arith.muli %add3A, %mul3A_1 : i32
    %lt3A = arith.constant 31 : i32
    %lt3A_3 = arith.cmpi slt, %add3A, %lt3A : i32
    %jit3A = arith.constant 79 : i32
    %jit3A_4 = arith.constant 51 : i32
    %select_n3A = arith.select %lt3A_3, %jit3A, %jit3A_4 : i32
    %lt3A_5 = arith.constant 31 : i32
    %lt3A_6 = arith.cmpi slt, %add3A, %lt3A_5 : i32
    %convert_element_type3A = arith.extui %lt3A_6 : i1 to i32
    %cond3A = arith.constant 0 : i32
    %cond3A_7 = arith.cmpi ne, %convert_element_type3A, %cond3A : i32
    scf.if %cond3A_7 {
      %mul3A_25 = arith.constant 128 : i32
      %mul3A_26 = arith.muli %mul3A_2, %mul3A_25 : i32
      "tpu.region"() ({
        %run_scoped3A = tpu.sem_alloc : memref<!tpu.dma_semaphore, #tpu.memory_space<semaphore_mem>>
        %dma_start3A = tpu.memref_slice %arg3[%mul3A_26] : memref<320000xi32, #tpu.memory_space<hbm>> -> memref<10112xi32, #tpu.memory_space<hbm>>
        %dma_start3A_27 = tpu.memref_slice %arg3[%mul3A_26] : memref<320000xi32, #tpu.memory_space<hbm>> -> memref<10112xi32, #tpu.memory_space<hbm>>
        tpu.enqueue_dma source(%dma_start3A_27 : memref<10112xi32, #tpu.memory_space<hbm>>) target(%arg5 : memref<10112xi32, #tpu.memory_space<vmem>>) target_semaphore(%run_scoped3A : memref<!tpu.dma_semaphore, #tpu.memory_space<semaphore_mem>>)
        %dma_wait3A = tpu.memref_slice %arg3[%mul3A_26] : memref<320000xi32, #tpu.memory_space<hbm>> -> memref<10112xi32, #tpu.memory_space<hbm>>
        %dma_wait3A_28 = tpu.memref_slice %arg3[%mul3A_26] : memref<320000xi32, #tpu.memory_space<hbm>> -> memref<10112xi32, #tpu.memory_space<hbm>>
        tpu.wait_dma2 semaphore(%run_scoped3A : memref<!tpu.dma_semaphore, #tpu.memory_space<semaphore_mem>>) src(%dma_wait3A_28 : memref<10112xi32, #tpu.memory_space<hbm>>) dst(%arg5 : memref<10112xi32, #tpu.memory_space<vmem>>)
        tpu.yield
      }) : () -> ()
    } else {
    }
    %eq3A = arith.constant 31 : i32
    %eq3A_8 = arith.cmpi eq, %add3A, %eq3A : i32
    %convert_element_type3A_9 = arith.extui %eq3A_8 : i1 to i32
    %cond3A_10 = arith.constant 0 : i32
    %cond3A_11 = arith.cmpi ne, %convert_element_type3A_9, %cond3A_10 : i32
    scf.if %cond3A_11 {
      %mul3A_25 = arith.constant 128 : i32
      %mul3A_26 = arith.muli %mul3A_2, %mul3A_25 : i32
      "tpu.region"() ({
        %run_scoped3A = tpu.sem_alloc : memref<!tpu.dma_semaphore, #tpu.memory_space<semaphore_mem>>
        %dma_start3A = arith.constant 0 : i32
        %dma_start3A_27 = tpu.memref_slice %arg5[%dma_start3A] : memref<10112xi32, #tpu.memory_space<vmem>> -> memref<6528xi32, #tpu.memory_space<vmem>>
        %dma_start3A_28 = tpu.memref_slice %arg3[%mul3A_26] : memref<320000xi32, #tpu.memory_space<hbm>> -> memref<6528xi32, #tpu.memory_space<hbm>>
        %dma_start3A_29 = arith.constant 0 : i32
        %dma_start3A_30 = tpu.memref_slice %arg5[%dma_start3A_29] : memref<10112xi32, #tpu.memory_space<vmem>> -> memref<6528xi32, #tpu.memory_space<vmem>>
        %dma_start3A_31 = tpu.memref_slice %arg3[%mul3A_26] : memref<320000xi32, #tpu.memory_space<hbm>> -> memref<6528xi32, #tpu.memory_space<hbm>>
        tpu.enqueue_dma source(%dma_start3A_31 : memref<6528xi32, #tpu.memory_space<hbm>>) target(%dma_start3A_30 : memref<6528xi32, #tpu.memory_space<vmem>>) target_semaphore(%run_scoped3A : memref<!tpu.dma_semaphore, #tpu.memory_space<semaphore_mem>>)
        %dma_wait3A = arith.constant 0 : i32
        %dma_wait3A_32 = tpu.memref_slice %arg5[%dma_wait3A] : memref<10112xi32, #tpu.memory_space<vmem>> -> memref<6528xi32, #tpu.memory_space<vmem>>
        %dma_wait3A_33 = tpu.memref_slice %arg3[%mul3A_26] : memref<320000xi32, #tpu.memory_space<hbm>> -> memref<6528xi32, #tpu.memory_space<hbm>>
        %dma_wait3A_34 = arith.constant 0 : i32
        %dma_wait3A_35 = tpu.memref_slice %arg5[%dma_wait3A_34] : memref<10112xi32, #tpu.memory_space<vmem>> -> memref<6528xi32, #tpu.memory_space<vmem>>
        %dma_wait3A_36 = tpu.memref_slice %arg3[%mul3A_26] : memref<320000xi32, #tpu.memory_space<hbm>> -> memref<6528xi32, #tpu.memory_space<hbm>>
        tpu.wait_dma2 semaphore(%run_scoped3A : memref<!tpu.dma_semaphore, #tpu.memory_space<semaphore_mem>>) src(%dma_wait3A_36 : memref<6528xi32, #tpu.memory_space<hbm>>) dst(%dma_wait3A_35 : memref<6528xi32, #tpu.memory_space<vmem>>)
        tpu.yield
      }) : () -> ()
    } else {
    }
    %scan3A = arith.constant 0 : i32
    %scan3A_12 = arith.constant 40 : i32
    %scan3A_13 = arith.addi %scan3A, %scan3A_12 : i32
    %scan3A_14 = arith.constant 1 : i32
    scf.for %scan3A_25 = %scan3A to %scan3A_13 step %scan3A_14  : i32 {
      %mul3A_26 = arith.constant 2 : i32
      %mul3A_27 = arith.muli %scan3A_25, %mul3A_26 : i32
      %add3A_28 = arith.constant 0 : i32
      %add3A_29 = arith.addi %add3A_28, %mul3A_27 : i32
      %add3A_30 = arith.constant 0 : i32
      %add3A_31 = arith.addi %add3A_29, %add3A_30 : i32
      %ge3A_32 = arith.constant 2 : i32
      %ge3A_33 = arith.cmpi sge, %add3A_31, %ge3A_32 : i32
      %lt3A_34 = arith.cmpi slt, %add3A_31, %select_n3A : i32
      %and3A = arith.andi %ge3A_33, %lt3A_34 : i1
      %convert_element_type3A_35 = arith.extui %and3A : i1 to i32
      %cond3A_36 = arith.constant 0 : i32
      %cond3A_37 = arith.cmpi ne, %convert_element_type3A_35, %cond3A_36 : i32
      scf.if %cond3A_37 {
        %dma_wait3A = arith.constant 0 : i32
        %dma_wait3A_83 = arith.constant 0 : i32
        %dma_wait3A_84 = tpu.memref_slice %arg4[%dma_wait3A, %dma_wait3A_83] : memref<320000x128xf32, #tpu.memory_space<hbm>> -> memref<128x128xf32, #tpu.memory_space<hbm>>
        %dma_wait3A_85 = arith.constant 0 : i32
        %dma_wait3A_86 = arith.constant 0 : i32
        %dma_wait3A_87 = tpu.memref_slice %arg4[%dma_wait3A_85, %dma_wait3A_86] : memref<320000x128xf32, #tpu.memory_space<hbm>> -> memref<128x128xf32, #tpu.memory_space<hbm>>
        tpu.wait_dma2 semaphore(%arg9 : memref<!tpu.dma_semaphore, #tpu.memory_space<semaphore_mem>>) src(%arg6 : memref<128x128xf32, #tpu.memory_space<vmem>>) dst(%dma_wait3A_87 : memref<128x128xf32, #tpu.memory_space<hbm>>)
      } else {
      }
      %add3A_38 = arith.constant 1 : i32
      %add3A_39 = arith.addi %add3A_29, %add3A_38 : i32
      %ge3A_40 = arith.constant 2 : i32
      %ge3A_41 = arith.cmpi sge, %add3A_39, %ge3A_40 : i32
      %lt3A_42 = arith.cmpi slt, %add3A_39, %select_n3A : i32
      %and3A_43 = arith.andi %ge3A_41, %lt3A_42 : i1
      %convert_element_type3A_44 = arith.extui %and3A_43 : i1 to i32
      %cond3A_45 = arith.constant 0 : i32
      %cond3A_46 = arith.cmpi ne, %convert_element_type3A_44, %cond3A_45 : i32
      scf.if %cond3A_46 {
        %dma_wait3A = arith.constant 0 : i32
        %dma_wait3A_83 = arith.constant 0 : i32
        %dma_wait3A_84 = tpu.memref_slice %arg4[%dma_wait3A, %dma_wait3A_83] : memref<320000x128xf32, #tpu.memory_space<hbm>> -> memref<128x128xf32, #tpu.memory_space<hbm>>
        %dma_wait3A_85 = arith.constant 0 : i32
        %dma_wait3A_86 = arith.constant 0 : i32
        %dma_wait3A_87 = tpu.memref_slice %arg4[%dma_wait3A_85, %dma_wait3A_86] : memref<320000x128xf32, #tpu.memory_space<hbm>> -> memref<128x128xf32, #tpu.memory_space<hbm>>
        tpu.wait_dma2 semaphore(%arg10 : memref<!tpu.dma_semaphore, #tpu.memory_space<semaphore_mem>>) src(%arg7 : memref<128x128xf32, #tpu.memory_space<vmem>>) dst(%dma_wait3A_87 : memref<128x128xf32, #tpu.memory_space<hbm>>)
      } else {
      }
      %add3A_47 = arith.constant 0 : i32
      %add3A_48 = arith.addi %add3A_29, %add3A_47 : i32
      %lt3A_49 = arith.cmpi slt, %add3A_48, %select_n3A : i32
      %convert_element_type3A_50 = arith.extui %lt3A_49 : i1 to i32
      %cond3A_51 = arith.constant 0 : i32
      %cond3A_52 = arith.cmpi ne, %convert_element_type3A_50, %cond3A_51 : i32
      scf.if %cond3A_52 {
        %mul3A_83 = arith.constant 128 : i32
        %mul3A_84 = arith.muli %add3A_48, %mul3A_83 : i32
        %dma_start3A = tpu.memref_slice %arg5[%mul3A_84] : memref<10112xi32, #tpu.memory_space<vmem>> -> memref<128xi32, #tpu.memory_space<vmem>>
        %dma_start3A_85 = arith.constant 0 : i32
        %dma_start3A_86 = arith.constant 0 : i32
        %dma_start3A_87 = tpu.memref_slice %arg2[%dma_start3A_85, %dma_start3A_86] : memref<10000x128xf32, #tpu.memory_space<hbm>> -> memref<10000x128xf32, #tpu.memory_space<hbm>>
        tpu.enqueue_indirect_dma source(%dma_start3A_87 : memref<10000x128xf32, #tpu.memory_space<hbm>>) target(%arg6 : memref<128x128xf32, #tpu.memory_space<vmem>>) offsets(%dma_start3A : memref<128xi32, #tpu.memory_space<vmem>>) semaphore(%arg8 : memref<!tpu.dma_semaphore, #tpu.memory_space<semaphore_mem>>)
      } else {
      }
      %add3A_53 = arith.constant 1 : i32
      %add3A_54 = arith.addi %add3A_29, %add3A_53 : i32
      %lt3A_55 = arith.cmpi slt, %add3A_54, %select_n3A : i32
      %convert_element_type3A_56 = arith.extui %lt3A_55 : i1 to i32
      %cond3A_57 = arith.constant 0 : i32
      %cond3A_58 = arith.cmpi ne, %convert_element_type3A_56, %cond3A_57 : i32
      scf.if %cond3A_58 {
        %mul3A_83 = arith.constant 128 : i32
        %mul3A_84 = arith.muli %add3A_54, %mul3A_83 : i32
        %dma_start3A = tpu.memref_slice %arg5[%mul3A_84] : memref<10112xi32, #tpu.memory_space<vmem>> -> memref<128xi32, #tpu.memory_space<vmem>>
        %dma_start3A_85 = arith.constant 0 : i32
        %dma_start3A_86 = arith.constant 0 : i32
        %dma_start3A_87 = tpu.memref_slice %arg2[%dma_start3A_85, %dma_start3A_86] : memref<10000x128xf32, #tpu.memory_space<hbm>> -> memref<10000x128xf32, #tpu.memory_space<hbm>>
        tpu.enqueue_indirect_dma source(%dma_start3A_87 : memref<10000x128xf32, #tpu.memory_space<hbm>>) target(%arg7 : memref<128x128xf32, #tpu.memory_space<vmem>>) offsets(%dma_start3A : memref<128xi32, #tpu.memory_space<vmem>>) semaphore(%arg8 : memref<!tpu.dma_semaphore, #tpu.memory_space<semaphore_mem>>)
      } else {
      }
      %add3A_59 = arith.constant 0 : i32
      %add3A_60 = arith.addi %add3A_29, %add3A_59 : i32
      %lt3A_61 = arith.cmpi slt, %add3A_60, %select_n3A : i32
      %convert_element_type3A_62 = arith.extui %lt3A_61 : i1 to i32
      %cond3A_63 = arith.constant 0 : i32
      %cond3A_64 = arith.cmpi ne, %convert_element_type3A_62, %cond3A_63 : i32
      scf.if %cond3A_64 {
        %mul3A_83 = arith.constant 128 : i32
        %mul3A_84 = arith.muli %add3A_60, %mul3A_83 : i32
        %dma_wait3A = tpu.memref_slice %arg5[%mul3A_84] : memref<10112xi32, #tpu.memory_space<vmem>> -> memref<128xi32, #tpu.memory_space<vmem>>
        %dma_wait3A_85 = arith.constant 0 : i32
        %dma_wait3A_86 = arith.constant 0 : i32
        %dma_wait3A_87 = tpu.memref_slice %arg2[%dma_wait3A_85, %dma_wait3A_86] : memref<10000x128xf32, #tpu.memory_space<hbm>> -> memref<10000x128xf32, #tpu.memory_space<hbm>>
        tpu.wait_indirect_dma semaphore(%arg8 : memref<!tpu.dma_semaphore, #tpu.memory_space<semaphore_mem>>) src(%dma_wait3A_87 : memref<10000x128xf32, #tpu.memory_space<hbm>>) dst(%arg6 : memref<128x128xf32, #tpu.memory_space<vmem>>)
      } else {
      }
      %add3A_65 = arith.constant 1 : i32
      %add3A_66 = arith.addi %add3A_29, %add3A_65 : i32
      %lt3A_67 = arith.cmpi slt, %add3A_66, %select_n3A : i32
      %convert_element_type3A_68 = arith.extui %lt3A_67 : i1 to i32
      %cond3A_69 = arith.constant 0 : i32
      %cond3A_70 = arith.cmpi ne, %convert_element_type3A_68, %cond3A_69 : i32
      scf.if %cond3A_70 {
        %mul3A_83 = arith.constant 128 : i32
        %mul3A_84 = arith.muli %add3A_66, %mul3A_83 : i32
        %dma_wait3A = tpu.memref_slice %arg5[%mul3A_84] : memref<10112xi32, #tpu.memory_space<vmem>> -> memref<128xi32, #tpu.memory_space<vmem>>
        %dma_wait3A_85 = arith.constant 0 : i32
        %dma_wait3A_86 = arith.constant 0 : i32
        %dma_wait3A_87 = tpu.memref_slice %arg2[%dma_wait3A_85, %dma_wait3A_86] : memref<10000x128xf32, #tpu.memory_space<hbm>> -> memref<10000x128xf32, #tpu.memory_space<hbm>>
        tpu.wait_indirect_dma semaphore(%arg8 : memref<!tpu.dma_semaphore, #tpu.memory_space<semaphore_mem>>) src(%dma_wait3A_87 : memref<10000x128xf32, #tpu.memory_space<hbm>>) dst(%arg7 : memref<128x128xf32, #tpu.memory_space<vmem>>)
      } else {
      }
      %add3A_71 = arith.constant 0 : i32
      %add3A_72 = arith.addi %add3A_29, %add3A_71 : i32
      %lt3A_73 = arith.cmpi slt, %add3A_72, %select_n3A : i32
      %convert_element_type3A_74 = arith.extui %lt3A_73 : i1 to i32
      %cond3A_75 = arith.constant 0 : i32
      %cond3A_76 = arith.cmpi ne, %convert_element_type3A_74, %cond3A_75 : i32
      scf.if %cond3A_76 {
        %add3A_83 = arith.addi %mul3A_2, %add3A_72 : i32
        %mul3A_84 = arith.constant 128 : i32
        %mul3A_85 = arith.muli %add3A_83, %mul3A_84 : i32
        %dma_start3A = arith.constant 0 : i32
        %dma_start3A_86 = tpu.memref_slice %arg4[%mul3A_85, %dma_start3A] : memref<320000x128xf32, #tpu.memory_space<hbm>> -> memref<128x128xf32, #tpu.memory_space<hbm>>
        %dma_start3A_87 = arith.constant 0 : i32
        %dma_start3A_88 = tpu.memref_slice %arg4[%mul3A_85, %dma_start3A_87] : memref<320000x128xf32, #tpu.memory_space<hbm>> -> memref<128x128xf32, #tpu.memory_space<hbm>>
        tpu.enqueue_dma source(%arg6 : memref<128x128xf32, #tpu.memory_space<vmem>>) target(%dma_start3A_88 : memref<128x128xf32, #tpu.memory_space<hbm>>) target_semaphore(%arg9 : memref<!tpu.dma_semaphore, #tpu.memory_space<semaphore_mem>>)
      } else {
      }
      %add3A_77 = arith.constant 1 : i32
      %add3A_78 = arith.addi %add3A_29, %add3A_77 : i32
      %lt3A_79 = arith.cmpi slt, %add3A_78, %select_n3A : i32
      %convert_element_type3A_80 = arith.extui %lt3A_79 : i1 to i32
      %cond3A_81 = arith.constant 0 : i32
      %cond3A_82 = arith.cmpi ne, %convert_element_type3A_80, %cond3A_81 : i32
      scf.if %cond3A_82 {
        %add3A_83 = arith.addi %mul3A_2, %add3A_78 : i32
        %mul3A_84 = arith.constant 128 : i32
        %mul3A_85 = arith.muli %add3A_83, %mul3A_84 : i32
        %dma_start3A = arith.constant 0 : i32
        %dma_start3A_86 = tpu.memref_slice %arg4[%mul3A_85, %dma_start3A] : memref<320000x128xf32, #tpu.memory_space<hbm>> -> memref<128x128xf32, #tpu.memory_space<hbm>>
        %dma_start3A_87 = arith.constant 0 : i32
        %dma_start3A_88 = tpu.memref_slice %arg4[%mul3A_85, %dma_start3A_87] : memref<320000x128xf32, #tpu.memory_space<hbm>> -> memref<128x128xf32, #tpu.memory_space<hbm>>
        tpu.enqueue_dma source(%arg7 : memref<128x128xf32, #tpu.memory_space<vmem>>) target(%dma_start3A_88 : memref<128x128xf32, #tpu.memory_space<hbm>>) target_semaphore(%arg10 : memref<!tpu.dma_semaphore, #tpu.memory_space<semaphore_mem>>)
      } else {
      }
    }
    %scan3A_15 = arith.constant 40 : i32
    %ge3A = arith.constant 2 : i32
    %ge3A_16 = arith.cmpi sge, %select_n3A, %ge3A : i32
    %convert_element_type3A_17 = arith.extui %ge3A_16 : i1 to i32
    %cond3A_18 = arith.constant 0 : i32
    %cond3A_19 = arith.cmpi ne, %convert_element_type3A_17, %cond3A_18 : i32
    scf.if %cond3A_19 {
      %dma_wait3A = arith.constant 0 : i32
      %dma_wait3A_25 = arith.constant 0 : i32
      %dma_wait3A_26 = tpu.memref_slice %arg4[%dma_wait3A, %dma_wait3A_25] : memref<320000x128xf32, #tpu.memory_space<hbm>> -> memref<128x128xf32, #tpu.memory_space<hbm>>
      %dma_wait3A_27 = arith.constant 0 : i32
      %dma_wait3A_28 = arith.constant 0 : i32
      %dma_wait3A_29 = tpu.memref_slice %arg4[%dma_wait3A_27, %dma_wait3A_28] : memref<320000x128xf32, #tpu.memory_space<hbm>> -> memref<128x128xf32, #tpu.memory_space<hbm>>
      tpu.wait_dma2 semaphore(%arg9 : memref<!tpu.dma_semaphore, #tpu.memory_space<semaphore_mem>>) src(%arg6 : memref<128x128xf32, #tpu.memory_space<vmem>>) dst(%dma_wait3A_29 : memref<128x128xf32, #tpu.memory_space<hbm>>)
      %dma_wait3A_30 = arith.constant 0 : i32
      %dma_wait3A_31 = arith.constant 0 : i32
      %dma_wait3A_32 = tpu.memref_slice %arg4[%dma_wait3A_30, %dma_wait3A_31] : memref<320000x128xf32, #tpu.memory_space<hbm>> -> memref<128x128xf32, #tpu.memory_space<hbm>>
      %dma_wait3A_33 = arith.constant 0 : i32
      %dma_wait3A_34 = arith.constant 0 : i32
      %dma_wait3A_35 = tpu.memref_slice %arg4[%dma_wait3A_33, %dma_wait3A_34] : memref<320000x128xf32, #tpu.memory_space<hbm>> -> memref<128x128xf32, #tpu.memory_space<hbm>>
      tpu.wait_dma2 semaphore(%arg10 : memref<!tpu.dma_semaphore, #tpu.memory_space<semaphore_mem>>) src(%arg7 : memref<128x128xf32, #tpu.memory_space<vmem>>) dst(%dma_wait3A_35 : memref<128x128xf32, #tpu.memory_space<hbm>>)
    } else {
    }
    %eq3A_20 = arith.constant 1 : i32
    %eq3A_21 = arith.cmpi eq, %select_n3A, %eq3A_20 : i32
    %convert_element_type3A_22 = arith.extui %eq3A_21 : i1 to i32
    %cond3A_23 = arith.constant 0 : i32
    %cond3A_24 = arith.cmpi ne, %convert_element_type3A_22, %cond3A_23 : i32
    scf.if %cond3A_24 {
      %dma_wait3A = arith.constant 0 : i32
      %dma_wait3A_25 = arith.constant 0 : i32
      %dma_wait3A_26 = tpu.memref_slice %arg4[%dma_wait3A, %dma_wait3A_25] : memref<320000x128xf32, #tpu.memory_space<hbm>> -> memref<128x128xf32, #tpu.memory_space<hbm>>
      %dma_wait3A_27 = arith.constant 0 : i32
      %dma_wait3A_28 = arith.constant 0 : i32
      %dma_wait3A_29 = tpu.memref_slice %arg4[%dma_wait3A_27, %dma_wait3A_28] : memref<320000x128xf32, #tpu.memory_space<hbm>> -> memref<128x128xf32, #tpu.memory_space<hbm>>
      tpu.wait_dma2 semaphore(%arg9 : memref<!tpu.dma_semaphore, #tpu.memory_space<semaphore_mem>>) src(%arg6 : memref<128x128xf32, #tpu.memory_space<vmem>>) dst(%dma_wait3A_29 : memref<128x128xf32, #tpu.memory_space<hbm>>)
    } else {
    }
    return
  }
}

#map = affine_map<(d0, d1) -> (0, 0)>
#map1 = affine_map<(d0, d1) -> (0, 0, 0)>
module attributes {stable_mosaic.version = 14 : i64} {
  func.func @k(%arg0: i32, %arg1: i32, %arg2: memref<80000x128xf32, #tpu.memory_space<hbm>>, %arg3: memref<648x128xi32, #tpu.memory_space<hbm>>, %arg4: memref<10000x128xf32, #tpu.memory_space<hbm>>, %arg5: memref<2x10000x128xf32, #tpu.memory_space<hbm>>, %arg6: memref<24x128xi32, #tpu.memory_space<vmem>>, %arg7: memref<128x128xf32, #tpu.memory_space<vmem>>, %arg8: memref<128x128xf32, #tpu.memory_space<vmem>>, %arg9: memref<10000x128xf32, #tpu.memory_space<vmem_shared>>, %arg10: memref<!tpu.dma_semaphore, #tpu.memory_space<semaphore_mem>>, %arg11: memref<!tpu.dma_semaphore, #tpu.memory_space<semaphore_mem>>) attributes {dimension_semantics = [#tpu.dimension_semantics<core_parallel>, #tpu.dimension_semantics<subcore_parallel>], iteration_bounds = array<i64: 2, 16>, scalar_prefetch = 0 : i64, scratch_operands = 6 : i64, tpu.core_type = #tpu.core_type<sc_vector_subcore>, window_params = [{transform_indices = #map}, {transform_indices = #map}, {transform_indices = #map}, {transform_indices = #map1}]} {
    %mul3A = arith.constant 2 : i32
    %mul3A_0 = arith.muli %arg1, %mul3A : i32
    %add3A = arith.addi %mul3A_0, %arg0 : i32
    %mul3A_1 = arith.constant 24 : i32
    %mul3A_2 = arith.muli %add3A, %mul3A_1 : i32
    %sub3A = arith.constant 625 : i32
    %sub3A_3 = arith.subi %sub3A, %mul3A_2 : i32
    %jit3A = arith.constant 0 : i32
    %jit3A_4 = arith.constant 24 : i32
    %max3A = arith.maxsi %jit3A, %sub3A_3 : i32
    %min3A = arith.minsi %jit3A_4, %max3A : i32
    %lt3A = arith.constant 15 : i32
    %lt3A_5 = arith.cmpi slt, %arg1, %lt3A : i32
    %convert_element_type3A = arith.extui %lt3A_5 : i1 to i32
    %cond3A = arith.constant 0 : i32
    %cond3A_6 = arith.cmpi ne, %convert_element_type3A, %cond3A : i32
    scf.if %cond3A_6 {
      %mul3A_30 = arith.constant 624 : i32
      %mul3A_31 = arith.muli %arg1, %mul3A_30 : i32
      "tpu.region"() ({
        %run_scoped3A = tpu.sem_alloc : memref<!tpu.dma_semaphore, #tpu.memory_space<semaphore_mem>>
        %dma_start3A = arith.constant 0 : i32
        %dma_start3A_32 = tpu.memref_slice %arg9[%mul3A_31, %dma_start3A] : memref<10000x128xf32, #tpu.memory_space<vmem_shared>> -> memref<624x128xf32, #tpu.memory_space<vmem_shared>>
        %dma_start3A_33 = arith.constant 0 : i32
        %dma_start3A_34 = tpu.memref_slice %arg4[%mul3A_31, %dma_start3A_33] : memref<10000x128xf32, #tpu.memory_space<hbm>> -> memref<624x128xf32, #tpu.memory_space<hbm>>
        tpu.enqueue_dma source(%dma_start3A_34 : memref<624x128xf32, #tpu.memory_space<hbm>>) target(%dma_start3A_32 : memref<624x128xf32, #tpu.memory_space<vmem_shared>>) target_semaphore(%run_scoped3A : memref<!tpu.dma_semaphore, #tpu.memory_space<semaphore_mem>>)
        %dma_wait3A = arith.constant 0 : i32
        %dma_wait3A_35 = tpu.memref_slice %arg9[%mul3A_31, %dma_wait3A] : memref<10000x128xf32, #tpu.memory_space<vmem_shared>> -> memref<624x128xf32, #tpu.memory_space<vmem_shared>>
        %dma_wait3A_36 = arith.constant 0 : i32
        %dma_wait3A_37 = tpu.memref_slice %arg4[%mul3A_31, %dma_wait3A_36] : memref<10000x128xf32, #tpu.memory_space<hbm>> -> memref<624x128xf32, #tpu.memory_space<hbm>>
        tpu.wait_dma2 semaphore(%run_scoped3A : memref<!tpu.dma_semaphore, #tpu.memory_space<semaphore_mem>>) src(%dma_wait3A_37 : memref<624x128xf32, #tpu.memory_space<hbm>>) dst(%dma_wait3A_35 : memref<624x128xf32, #tpu.memory_space<vmem_shared>>)
        tpu.yield
      }) : () -> ()
    } else {
    }
    %eq3A = arith.constant 15 : i32
    %eq3A_7 = arith.cmpi eq, %arg1, %eq3A : i32
    %convert_element_type3A_8 = arith.extui %eq3A_7 : i1 to i32
    %cond3A_9 = arith.constant 0 : i32
    %cond3A_10 = arith.cmpi ne, %convert_element_type3A_8, %cond3A_9 : i32
    scf.if %cond3A_10 {
      "tpu.region"() ({
        %run_scoped3A = tpu.sem_alloc : memref<!tpu.dma_semaphore, #tpu.memory_space<semaphore_mem>>
        %dma_start3A = arith.constant 9360 : i32
        %dma_start3A_30 = arith.constant 0 : i32
        %dma_start3A_31 = tpu.memref_slice %arg9[%dma_start3A, %dma_start3A_30] : memref<10000x128xf32, #tpu.memory_space<vmem_shared>> -> memref<640x128xf32, #tpu.memory_space<vmem_shared>>
        %dma_start3A_32 = arith.constant 9360 : i32
        %dma_start3A_33 = arith.constant 0 : i32
        %dma_start3A_34 = tpu.memref_slice %arg4[%dma_start3A_32, %dma_start3A_33] : memref<10000x128xf32, #tpu.memory_space<hbm>> -> memref<640x128xf32, #tpu.memory_space<hbm>>
        tpu.enqueue_dma source(%dma_start3A_34 : memref<640x128xf32, #tpu.memory_space<hbm>>) target(%dma_start3A_31 : memref<640x128xf32, #tpu.memory_space<vmem_shared>>) target_semaphore(%run_scoped3A : memref<!tpu.dma_semaphore, #tpu.memory_space<semaphore_mem>>)
        %dma_wait3A = arith.constant 9360 : i32
        %dma_wait3A_35 = arith.constant 0 : i32
        %dma_wait3A_36 = tpu.memref_slice %arg9[%dma_wait3A, %dma_wait3A_35] : memref<10000x128xf32, #tpu.memory_space<vmem_shared>> -> memref<640x128xf32, #tpu.memory_space<vmem_shared>>
        %dma_wait3A_37 = arith.constant 9360 : i32
        %dma_wait3A_38 = arith.constant 0 : i32
        %dma_wait3A_39 = tpu.memref_slice %arg4[%dma_wait3A_37, %dma_wait3A_38] : memref<10000x128xf32, #tpu.memory_space<hbm>> -> memref<640x128xf32, #tpu.memory_space<hbm>>
        tpu.wait_dma2 semaphore(%run_scoped3A : memref<!tpu.dma_semaphore, #tpu.memory_space<semaphore_mem>>) src(%dma_wait3A_39 : memref<640x128xf32, #tpu.memory_space<hbm>>) dst(%dma_wait3A_36 : memref<640x128xf32, #tpu.memory_space<vmem_shared>>)
        tpu.yield
      }) : () -> ()
    } else {
    }
    %gt3A = arith.constant 0 : i32
    %gt3A_11 = arith.cmpi sgt, %min3A, %gt3A : i32
    %convert_element_type3A_12 = arith.extui %gt3A_11 : i1 to i32
    %cond3A_13 = arith.constant 0 : i32
    %cond3A_14 = arith.cmpi ne, %convert_element_type3A_12, %cond3A_13 : i32
    scf.if %cond3A_14 {
      "tpu.region"() ({
        %run_scoped3A = tpu.sem_alloc : memref<!tpu.dma_semaphore, #tpu.memory_space<semaphore_mem>>
        %dma_start3A = arith.constant 0 : i32
        %dma_start3A_30 = tpu.memref_slice %arg3[%mul3A_2, %dma_start3A] : memref<648x128xi32, #tpu.memory_space<hbm>> -> memref<24x128xi32, #tpu.memory_space<hbm>>
        %dma_start3A_31 = arith.constant 0 : i32
        %dma_start3A_32 = tpu.memref_slice %arg3[%mul3A_2, %dma_start3A_31] : memref<648x128xi32, #tpu.memory_space<hbm>> -> memref<24x128xi32, #tpu.memory_space<hbm>>
        tpu.enqueue_dma source(%dma_start3A_32 : memref<24x128xi32, #tpu.memory_space<hbm>>) target(%arg6 : memref<24x128xi32, #tpu.memory_space<vmem>>) target_semaphore(%run_scoped3A : memref<!tpu.dma_semaphore, #tpu.memory_space<semaphore_mem>>)
        %dma_wait3A = arith.constant 0 : i32
        %dma_wait3A_33 = tpu.memref_slice %arg3[%mul3A_2, %dma_wait3A] : memref<648x128xi32, #tpu.memory_space<hbm>> -> memref<24x128xi32, #tpu.memory_space<hbm>>
        %dma_wait3A_34 = arith.constant 0 : i32
        %dma_wait3A_35 = tpu.memref_slice %arg3[%mul3A_2, %dma_wait3A_34] : memref<648x128xi32, #tpu.memory_space<hbm>> -> memref<24x128xi32, #tpu.memory_space<hbm>>
        tpu.wait_dma2 semaphore(%run_scoped3A : memref<!tpu.dma_semaphore, #tpu.memory_space<semaphore_mem>>) src(%dma_wait3A_35 : memref<24x128xi32, #tpu.memory_space<hbm>>) dst(%arg6 : memref<24x128xi32, #tpu.memory_space<vmem>>)
        tpu.yield
      }) : () -> ()
    } else {
    }
    %barrier3A = arith.constant 0 : index
    tpu.barrier barrier_id(%barrier3A)
    %scan3A = arith.constant 0 : i32
    %scan3A_15 = arith.constant 12 : i32
    %scan3A_16 = arith.addi %scan3A, %scan3A_15 : i32
    %scan3A_17 = arith.constant 1 : i32
    scf.for %scan3A_30 = %scan3A to %scan3A_16 step %scan3A_17  : i32 {
      %mul3A_31 = arith.constant 2 : i32
      %mul3A_32 = arith.muli %scan3A_30, %mul3A_31 : i32
      %add3A_33 = arith.constant 0 : i32
      %add3A_34 = arith.addi %add3A_33, %mul3A_32 : i32
      %add3A_35 = arith.constant 0 : i32
      %add3A_36 = arith.addi %add3A_34, %add3A_35 : i32
      %lt3A_37 = arith.cmpi slt, %add3A_36, %min3A : i32
      %convert_element_type3A_38 = arith.extui %lt3A_37 : i1 to i32
      %cond3A_39 = arith.constant 0 : i32
      %cond3A_40 = arith.cmpi ne, %convert_element_type3A_38, %cond3A_39 : i32
      scf.if %cond3A_40 {
        %add3A_59 = arith.addi %mul3A_2, %add3A_36 : i32
        %mul3A_60 = arith.constant 128 : i32
        %mul3A_61 = arith.muli %add3A_59, %mul3A_60 : i32
        %dma_start3A = arith.constant 0 : i32
        %dma_start3A_62 = tpu.memref_slice %arg2[%mul3A_61, %dma_start3A] : memref<80000x128xf32, #tpu.memory_space<hbm>> -> memref<128x128xf32, #tpu.memory_space<hbm>>
        %dma_start3A_63 = arith.constant 0 : i32
        %dma_start3A_64 = tpu.memref_slice %arg2[%mul3A_61, %dma_start3A_63] : memref<80000x128xf32, #tpu.memory_space<hbm>> -> memref<128x128xf32, #tpu.memory_space<hbm>>
        tpu.enqueue_dma source(%dma_start3A_64 : memref<128x128xf32, #tpu.memory_space<hbm>>) target(%arg7 : memref<128x128xf32, #tpu.memory_space<vmem>>) target_semaphore(%arg10 : memref<!tpu.dma_semaphore, #tpu.memory_space<semaphore_mem>>)
      } else {
      }
      %add3A_41 = arith.constant 1 : i32
      %add3A_42 = arith.addi %add3A_34, %add3A_41 : i32
      %lt3A_43 = arith.cmpi slt, %add3A_42, %min3A : i32
      %convert_element_type3A_44 = arith.extui %lt3A_43 : i1 to i32
      %cond3A_45 = arith.constant 0 : i32
      %cond3A_46 = arith.cmpi ne, %convert_element_type3A_44, %cond3A_45 : i32
      scf.if %cond3A_46 {
        %add3A_59 = arith.addi %mul3A_2, %add3A_42 : i32
        %mul3A_60 = arith.constant 128 : i32
        %mul3A_61 = arith.muli %add3A_59, %mul3A_60 : i32
        %dma_start3A = arith.constant 0 : i32
        %dma_start3A_62 = tpu.memref_slice %arg2[%mul3A_61, %dma_start3A] : memref<80000x128xf32, #tpu.memory_space<hbm>> -> memref<128x128xf32, #tpu.memory_space<hbm>>
        %dma_start3A_63 = arith.constant 0 : i32
        %dma_start3A_64 = tpu.memref_slice %arg2[%mul3A_61, %dma_start3A_63] : memref<80000x128xf32, #tpu.memory_space<hbm>> -> memref<128x128xf32, #tpu.memory_space<hbm>>
        tpu.enqueue_dma source(%dma_start3A_64 : memref<128x128xf32, #tpu.memory_space<hbm>>) target(%arg8 : memref<128x128xf32, #tpu.memory_space<vmem>>) target_semaphore(%arg11 : memref<!tpu.dma_semaphore, #tpu.memory_space<semaphore_mem>>)
      } else {
      }
      %add3A_47 = arith.constant 0 : i32
      %add3A_48 = arith.addi %add3A_34, %add3A_47 : i32
      %lt3A_49 = arith.cmpi slt, %add3A_48, %min3A : i32
      %convert_element_type3A_50 = arith.extui %lt3A_49 : i1 to i32
      %cond3A_51 = arith.constant 0 : i32
      %cond3A_52 = arith.cmpi ne, %convert_element_type3A_50, %cond3A_51 : i32
      scf.if %cond3A_52 {
        %add3A_59 = arith.addi %mul3A_2, %add3A_48 : i32
        %mul3A_60 = arith.constant 128 : i32
        %mul3A_61 = arith.muli %add3A_59, %mul3A_60 : i32
        %dma_wait3A = arith.constant 0 : i32
        %dma_wait3A_62 = tpu.memref_slice %arg2[%mul3A_61, %dma_wait3A] : memref<80000x128xf32, #tpu.memory_space<hbm>> -> memref<128x128xf32, #tpu.memory_space<hbm>>
        %dma_wait3A_63 = arith.constant 0 : i32
        %dma_wait3A_64 = tpu.memref_slice %arg2[%mul3A_61, %dma_wait3A_63] : memref<80000x128xf32, #tpu.memory_space<hbm>> -> memref<128x128xf32, #tpu.memory_space<hbm>>
        tpu.wait_dma2 semaphore(%arg10 : memref<!tpu.dma_semaphore, #tpu.memory_space<semaphore_mem>>) src(%dma_wait3A_64 : memref<128x128xf32, #tpu.memory_space<hbm>>) dst(%arg7 : memref<128x128xf32, #tpu.memory_space<vmem>>)
        "tpu.region"() ({
          %run_scoped3A = tpu.sem_alloc : memref<!tpu.dma_semaphore, #tpu.memory_space<semaphore_mem>>
          %dma_start3A = arith.constant 0 : i32
          %dma_start3A_65 = tpu.memref_slice %arg6[%add3A_48, %dma_start3A] : memref<24x128xi32, #tpu.memory_space<vmem>> -> memref<1x128xi32, #tpu.memory_space<vmem>>
          %dma_start3A_66 = tpu.memref_squeeze %dma_start3A_65 : memref<1x128xi32, #tpu.memory_space<vmem>> -> memref<128xi32, #tpu.memory_space<vmem>>
          %dma_start3A_67 = arith.constant 0 : i32
          %dma_start3A_68 = arith.constant 0 : i32
          %dma_start3A_69 = tpu.memref_slice %arg9[%dma_start3A_67, %dma_start3A_68] : memref<10000x128xf32, #tpu.memory_space<vmem_shared>> -> memref<10000x128xf32, #tpu.memory_space<vmem_shared>>
          tpu.enqueue_indirect_dma source(%arg7 : memref<128x128xf32, #tpu.memory_space<vmem>>) target(%dma_start3A_69 : memref<10000x128xf32, #tpu.memory_space<vmem_shared>>) offsets(%dma_start3A_66 : memref<128xi32, #tpu.memory_space<vmem>>) semaphore(%run_scoped3A : memref<!tpu.dma_semaphore, #tpu.memory_space<semaphore_mem>>) {add = true}
          %dma_wait3A_70 = arith.constant 0 : i32
          %dma_wait3A_71 = tpu.memref_slice %arg6[%add3A_48, %dma_wait3A_70] : memref<24x128xi32, #tpu.memory_space<vmem>> -> memref<1x128xi32, #tpu.memory_space<vmem>>
          %dma_wait3A_72 = tpu.memref_squeeze %dma_wait3A_71 : memref<1x128xi32, #tpu.memory_space<vmem>> -> memref<128xi32, #tpu.memory_space<vmem>>
          %dma_wait3A_73 = arith.constant 0 : i32
          %dma_wait3A_74 = arith.constant 0 : i32
          %dma_wait3A_75 = tpu.memref_slice %arg9[%dma_wait3A_73, %dma_wait3A_74] : memref<10000x128xf32, #tpu.memory_space<vmem_shared>> -> memref<10000x128xf32, #tpu.memory_space<vmem_shared>>
          tpu.wait_indirect_dma semaphore(%run_scoped3A : memref<!tpu.dma_semaphore, #tpu.memory_space<semaphore_mem>>) src(%arg7 : memref<128x128xf32, #tpu.memory_space<vmem>>) dst(%dma_wait3A_75 : memref<10000x128xf32, #tpu.memory_space<vmem_shared>>)
          tpu.yield
        }) : () -> ()
      } else {
      }
      %add3A_53 = arith.constant 1 : i32
      %add3A_54 = arith.addi %add3A_34, %add3A_53 : i32
      %lt3A_55 = arith.cmpi slt, %add3A_54, %min3A : i32
      %convert_element_type3A_56 = arith.extui %lt3A_55 : i1 to i32
      %cond3A_57 = arith.constant 0 : i32
      %cond3A_58 = arith.cmpi ne, %convert_element_type3A_56, %cond3A_57 : i32
      scf.if %cond3A_58 {
        %add3A_59 = arith.addi %mul3A_2, %add3A_54 : i32
        %mul3A_60 = arith.constant 128 : i32
        %mul3A_61 = arith.muli %add3A_59, %mul3A_60 : i32
        %dma_wait3A = arith.constant 0 : i32
        %dma_wait3A_62 = tpu.memref_slice %arg2[%mul3A_61, %dma_wait3A] : memref<80000x128xf32, #tpu.memory_space<hbm>> -> memref<128x128xf32, #tpu.memory_space<hbm>>
        %dma_wait3A_63 = arith.constant 0 : i32
        %dma_wait3A_64 = tpu.memref_slice %arg2[%mul3A_61, %dma_wait3A_63] : memref<80000x128xf32, #tpu.memory_space<hbm>> -> memref<128x128xf32, #tpu.memory_space<hbm>>
        tpu.wait_dma2 semaphore(%arg11 : memref<!tpu.dma_semaphore, #tpu.memory_space<semaphore_mem>>) src(%dma_wait3A_64 : memref<128x128xf32, #tpu.memory_space<hbm>>) dst(%arg8 : memref<128x128xf32, #tpu.memory_space<vmem>>)
        "tpu.region"() ({
          %run_scoped3A = tpu.sem_alloc : memref<!tpu.dma_semaphore, #tpu.memory_space<semaphore_mem>>
          %dma_start3A = arith.constant 0 : i32
          %dma_start3A_65 = tpu.memref_slice %arg6[%add3A_54, %dma_start3A] : memref<24x128xi32, #tpu.memory_space<vmem>> -> memref<1x128xi32, #tpu.memory_space<vmem>>
          %dma_start3A_66 = tpu.memref_squeeze %dma_start3A_65 : memref<1x128xi32, #tpu.memory_space<vmem>> -> memref<128xi32, #tpu.memory_space<vmem>>
          %dma_start3A_67 = arith.constant 0 : i32
          %dma_start3A_68 = arith.constant 0 : i32
          %dma_start3A_69 = tpu.memref_slice %arg9[%dma_start3A_67, %dma_start3A_68] : memref<10000x128xf32, #tpu.memory_space<vmem_shared>> -> memref<10000x128xf32, #tpu.memory_space<vmem_shared>>
          tpu.enqueue_indirect_dma source(%arg8 : memref<128x128xf32, #tpu.memory_space<vmem>>) target(%dma_start3A_69 : memref<10000x128xf32, #tpu.memory_space<vmem_shared>>) offsets(%dma_start3A_66 : memref<128xi32, #tpu.memory_space<vmem>>) semaphore(%run_scoped3A : memref<!tpu.dma_semaphore, #tpu.memory_space<semaphore_mem>>) {add = true}
          %dma_wait3A_70 = arith.constant 0 : i32
          %dma_wait3A_71 = tpu.memref_slice %arg6[%add3A_54, %dma_wait3A_70] : memref<24x128xi32, #tpu.memory_space<vmem>> -> memref<1x128xi32, #tpu.memory_space<vmem>>
          %dma_wait3A_72 = tpu.memref_squeeze %dma_wait3A_71 : memref<1x128xi32, #tpu.memory_space<vmem>> -> memref<128xi32, #tpu.memory_space<vmem>>
          %dma_wait3A_73 = arith.constant 0 : i32
          %dma_wait3A_74 = arith.constant 0 : i32
          %dma_wait3A_75 = tpu.memref_slice %arg9[%dma_wait3A_73, %dma_wait3A_74] : memref<10000x128xf32, #tpu.memory_space<vmem_shared>> -> memref<10000x128xf32, #tpu.memory_space<vmem_shared>>
          tpu.wait_indirect_dma semaphore(%run_scoped3A : memref<!tpu.dma_semaphore, #tpu.memory_space<semaphore_mem>>) src(%arg8 : memref<128x128xf32, #tpu.memory_space<vmem>>) dst(%dma_wait3A_75 : memref<10000x128xf32, #tpu.memory_space<vmem_shared>>)
          tpu.yield
        }) : () -> ()
      } else {
      }
    }
    %scan3A_18 = arith.constant 12 : i32
    %barrier3A_19 = arith.constant 0 : index
    tpu.barrier barrier_id(%barrier3A_19)
    %lt3A_20 = arith.constant 15 : i32
    %lt3A_21 = arith.cmpi slt, %arg1, %lt3A_20 : i32
    %convert_element_type3A_22 = arith.extui %lt3A_21 : i1 to i32
    %cond3A_23 = arith.constant 0 : i32
    %cond3A_24 = arith.cmpi ne, %convert_element_type3A_22, %cond3A_23 : i32
    scf.if %cond3A_24 {
      %mul3A_30 = arith.constant 624 : i32
      %mul3A_31 = arith.muli %arg1, %mul3A_30 : i32
      "tpu.region"() ({
        %run_scoped3A = tpu.sem_alloc : memref<!tpu.dma_semaphore, #tpu.memory_space<semaphore_mem>>
        %dma_start3A = arith.constant 0 : i32
        %dma_start3A_32 = tpu.memref_slice %arg5[%arg0, %mul3A_31, %dma_start3A] : memref<2x10000x128xf32, #tpu.memory_space<hbm>> -> memref<1x624x128xf32, #tpu.memory_space<hbm>>
        %dma_start3A_33 = tpu.memref_squeeze %dma_start3A_32 : memref<1x624x128xf32, #tpu.memory_space<hbm>> -> memref<624x128xf32, #tpu.memory_space<hbm>>
        %dma_start3A_34 = arith.constant 0 : i32
        %dma_start3A_35 = tpu.memref_slice %arg9[%mul3A_31, %dma_start3A_34] : memref<10000x128xf32, #tpu.memory_space<vmem_shared>> -> memref<624x128xf32, #tpu.memory_space<vmem_shared>>
        tpu.enqueue_dma source(%dma_start3A_35 : memref<624x128xf32, #tpu.memory_space<vmem_shared>>) target(%dma_start3A_33 : memref<624x128xf32, #tpu.memory_space<hbm>>) target_semaphore(%run_scoped3A : memref<!tpu.dma_semaphore, #tpu.memory_space<semaphore_mem>>)
        %dma_wait3A = arith.constant 0 : i32
        %dma_wait3A_36 = tpu.memref_slice %arg5[%arg0, %mul3A_31, %dma_wait3A] : memref<2x10000x128xf32, #tpu.memory_space<hbm>> -> memref<1x624x128xf32, #tpu.memory_space<hbm>>
        %dma_wait3A_37 = tpu.memref_squeeze %dma_wait3A_36 : memref<1x624x128xf32, #tpu.memory_space<hbm>> -> memref<624x128xf32, #tpu.memory_space<hbm>>
        %dma_wait3A_38 = arith.constant 0 : i32
        %dma_wait3A_39 = tpu.memref_slice %arg9[%mul3A_31, %dma_wait3A_38] : memref<10000x128xf32, #tpu.memory_space<vmem_shared>> -> memref<624x128xf32, #tpu.memory_space<vmem_shared>>
        tpu.wait_dma2 semaphore(%run_scoped3A : memref<!tpu.dma_semaphore, #tpu.memory_space<semaphore_mem>>) src(%dma_wait3A_39 : memref<624x128xf32, #tpu.memory_space<vmem_shared>>) dst(%dma_wait3A_37 : memref<624x128xf32, #tpu.memory_space<hbm>>)
        tpu.yield
      }) : () -> ()
    } else {
    }
    %eq3A_25 = arith.constant 15 : i32
    %eq3A_26 = arith.cmpi eq, %arg1, %eq3A_25 : i32
    %convert_element_type3A_27 = arith.extui %eq3A_26 : i1 to i32
    %cond3A_28 = arith.constant 0 : i32
    %cond3A_29 = arith.cmpi ne, %convert_element_type3A_27, %cond3A_28 : i32
    scf.if %cond3A_29 {
      "tpu.region"() ({
        %run_scoped3A = tpu.sem_alloc : memref<!tpu.dma_semaphore, #tpu.memory_space<semaphore_mem>>
        %dma_start3A = arith.constant 9360 : i32
        %dma_start3A_30 = arith.constant 0 : i32
        %dma_start3A_31 = tpu.memref_slice %arg5[%arg0, %dma_start3A, %dma_start3A_30] : memref<2x10000x128xf32, #tpu.memory_space<hbm>> -> memref<1x640x128xf32, #tpu.memory_space<hbm>>
        %dma_start3A_32 = tpu.memref_squeeze %dma_start3A_31 : memref<1x640x128xf32, #tpu.memory_space<hbm>> -> memref<640x128xf32, #tpu.memory_space<hbm>>
        %dma_start3A_33 = arith.constant 9360 : i32
        %dma_start3A_34 = arith.constant 0 : i32
        %dma_start3A_35 = tpu.memref_slice %arg9[%dma_start3A_33, %dma_start3A_34] : memref<10000x128xf32, #tpu.memory_space<vmem_shared>> -> memref<640x128xf32, #tpu.memory_space<vmem_shared>>
        tpu.enqueue_dma source(%dma_start3A_35 : memref<640x128xf32, #tpu.memory_space<vmem_shared>>) target(%dma_start3A_32 : memref<640x128xf32, #tpu.memory_space<hbm>>) target_semaphore(%run_scoped3A : memref<!tpu.dma_semaphore, #tpu.memory_space<semaphore_mem>>)
        %dma_wait3A = arith.constant 9360 : i32
        %dma_wait3A_36 = arith.constant 0 : i32
        %dma_wait3A_37 = tpu.memref_slice %arg5[%arg0, %dma_wait3A, %dma_wait3A_36] : memref<2x10000x128xf32, #tpu.memory_space<hbm>> -> memref<1x640x128xf32, #tpu.memory_space<hbm>>
        %dma_wait3A_38 = tpu.memref_squeeze %dma_wait3A_37 : memref<1x640x128xf32, #tpu.memory_space<hbm>> -> memref<640x128xf32, #tpu.memory_space<hbm>>
        %dma_wait3A_39 = arith.constant 9360 : i32
        %dma_wait3A_40 = arith.constant 0 : i32
        %dma_wait3A_41 = tpu.memref_slice %arg9[%dma_wait3A_39, %dma_wait3A_40] : memref<10000x128xf32, #tpu.memory_space<vmem_shared>> -> memref<640x128xf32, #tpu.memory_space<vmem_shared>>
        tpu.wait_dma2 semaphore(%run_scoped3A : memref<!tpu.dma_semaphore, #tpu.memory_space<semaphore_mem>>) src(%dma_wait3A_41 : memref<640x128xf32, #tpu.memory_space<vmem_shared>>) dst(%dma_wait3A_38 : memref<640x128xf32, #tpu.memory_space<hbm>>)
        tpu.yield
      }) : () -> ()
    } else {
    }
    return
  }
}

#map = affine_map<(d0, d1) -> (0, 0)>
#map1 = affine_map<(d0, d1) -> (0, 0, 0)>
module attributes {stable_mosaic.version = 14 : i64} {
  func.func @k(%arg0: i32, %arg1: i32, %arg2: memref<80000x128xf32, #tpu.memory_space<hbm>>, %arg3: memref<648x128xi32, #tpu.memory_space<hbm>>, %arg4: memref<10000x128xf32, #tpu.memory_space<hbm>>, %arg5: memref<2x10000x128xf32, #tpu.memory_space<hbm>>, %arg6: memref<24x128xi32, #tpu.memory_space<vmem>>, %arg7: memref<128x128xf32, #tpu.memory_space<vmem>>, %arg8: memref<128x128xf32, #tpu.memory_space<vmem>>, %arg9: memref<10000x128xf32, #tpu.memory_space<vmem_shared>>, %arg10: memref<!tpu.dma_semaphore, #tpu.memory_space<semaphore_mem>>, %arg11: memref<!tpu.dma_semaphore, #tpu.memory_space<semaphore_mem>>) attributes {dimension_semantics = [#tpu.dimension_semantics<core_parallel>, #tpu.dimension_semantics<subcore_parallel>], iteration_bounds = array<i64: 2, 16>, scalar_prefetch = 0 : i64, scratch_operands = 6 : i64, tpu.core_type = #tpu.core_type<sc_vector_subcore>, window_params = [{transform_indices = #map}, {transform_indices = #map}, {transform_indices = #map}, {transform_indices = #map1}]} {
    %mul3A = arith.constant 2 : i32
    %mul3A_0 = arith.muli %arg1, %mul3A : i32
    %add3A = arith.addi %mul3A_0, %arg0 : i32
    %mul3A_1 = arith.constant 24 : i32
    %mul3A_2 = arith.muli %add3A, %mul3A_1 : i32
    %sub3A = arith.constant 625 : i32
    %sub3A_3 = arith.subi %sub3A, %mul3A_2 : i32
    %jit3A = arith.constant 0 : i32
    %jit3A_4 = arith.constant 24 : i32
    %max3A = arith.maxsi %jit3A, %sub3A_3 : i32
    %min3A = arith.minsi %jit3A_4, %max3A : i32
    %lt3A = arith.constant 15 : i32
    %lt3A_5 = arith.cmpi slt, %arg1, %lt3A : i32
    %convert_element_type3A = arith.extui %lt3A_5 : i1 to i32
    %cond3A = arith.constant 0 : i32
    %cond3A_6 = arith.cmpi ne, %convert_element_type3A, %cond3A : i32
    scf.if %cond3A_6 {
      %mul3A_30 = arith.constant 624 : i32
      %mul3A_31 = arith.muli %arg1, %mul3A_30 : i32
      "tpu.region"() ({
        %run_scoped3A = tpu.sem_alloc : memref<!tpu.dma_semaphore, #tpu.memory_space<semaphore_mem>>
        %dma_start3A = arith.constant 0 : i32
        %dma_start3A_32 = tpu.memref_slice %arg9[%mul3A_31, %dma_start3A] : memref<10000x128xf32, #tpu.memory_space<vmem_shared>> -> memref<624x128xf32, #tpu.memory_space<vmem_shared>>
        %dma_start3A_33 = arith.constant 0 : i32
        %dma_start3A_34 = tpu.memref_slice %arg4[%mul3A_31, %dma_start3A_33] : memref<10000x128xf32, #tpu.memory_space<hbm>> -> memref<624x128xf32, #tpu.memory_space<hbm>>
        tpu.enqueue_dma source(%dma_start3A_34 : memref<624x128xf32, #tpu.memory_space<hbm>>) target(%dma_start3A_32 : memref<624x128xf32, #tpu.memory_space<vmem_shared>>) target_semaphore(%run_scoped3A : memref<!tpu.dma_semaphore, #tpu.memory_space<semaphore_mem>>)
        %dma_wait3A = arith.constant 0 : i32
        %dma_wait3A_35 = tpu.memref_slice %arg9[%mul3A_31, %dma_wait3A] : memref<10000x128xf32, #tpu.memory_space<vmem_shared>> -> memref<624x128xf32, #tpu.memory_space<vmem_shared>>
        %dma_wait3A_36 = arith.constant 0 : i32
        %dma_wait3A_37 = tpu.memref_slice %arg4[%mul3A_31, %dma_wait3A_36] : memref<10000x128xf32, #tpu.memory_space<hbm>> -> memref<624x128xf32, #tpu.memory_space<hbm>>
        tpu.wait_dma2 semaphore(%run_scoped3A : memref<!tpu.dma_semaphore, #tpu.memory_space<semaphore_mem>>) src(%dma_wait3A_37 : memref<624x128xf32, #tpu.memory_space<hbm>>) dst(%dma_wait3A_35 : memref<624x128xf32, #tpu.memory_space<vmem_shared>>)
        tpu.yield
      }) : () -> ()
    } else {
    }
    %eq3A = arith.constant 15 : i32
    %eq3A_7 = arith.cmpi eq, %arg1, %eq3A : i32
    %convert_element_type3A_8 = arith.extui %eq3A_7 : i1 to i32
    %cond3A_9 = arith.constant 0 : i32
    %cond3A_10 = arith.cmpi ne, %convert_element_type3A_8, %cond3A_9 : i32
    scf.if %cond3A_10 {
      "tpu.region"() ({
        %run_scoped3A = tpu.sem_alloc : memref<!tpu.dma_semaphore, #tpu.memory_space<semaphore_mem>>
        %dma_start3A = arith.constant 9360 : i32
        %dma_start3A_30 = arith.constant 0 : i32
        %dma_start3A_31 = tpu.memref_slice %arg9[%dma_start3A, %dma_start3A_30] : memref<10000x128xf32, #tpu.memory_space<vmem_shared>> -> memref<640x128xf32, #tpu.memory_space<vmem_shared>>
        %dma_start3A_32 = arith.constant 9360 : i32
        %dma_start3A_33 = arith.constant 0 : i32
        %dma_start3A_34 = tpu.memref_slice %arg4[%dma_start3A_32, %dma_start3A_33] : memref<10000x128xf32, #tpu.memory_space<hbm>> -> memref<640x128xf32, #tpu.memory_space<hbm>>
        tpu.enqueue_dma source(%dma_start3A_34 : memref<640x128xf32, #tpu.memory_space<hbm>>) target(%dma_start3A_31 : memref<640x128xf32, #tpu.memory_space<vmem_shared>>) target_semaphore(%run_scoped3A : memref<!tpu.dma_semaphore, #tpu.memory_space<semaphore_mem>>)
        %dma_wait3A = arith.constant 9360 : i32
        %dma_wait3A_35 = arith.constant 0 : i32
        %dma_wait3A_36 = tpu.memref_slice %arg9[%dma_wait3A, %dma_wait3A_35] : memref<10000x128xf32, #tpu.memory_space<vmem_shared>> -> memref<640x128xf32, #tpu.memory_space<vmem_shared>>
        %dma_wait3A_37 = arith.constant 9360 : i32
        %dma_wait3A_38 = arith.constant 0 : i32
        %dma_wait3A_39 = tpu.memref_slice %arg4[%dma_wait3A_37, %dma_wait3A_38] : memref<10000x128xf32, #tpu.memory_space<hbm>> -> memref<640x128xf32, #tpu.memory_space<hbm>>
        tpu.wait_dma2 semaphore(%run_scoped3A : memref<!tpu.dma_semaphore, #tpu.memory_space<semaphore_mem>>) src(%dma_wait3A_39 : memref<640x128xf32, #tpu.memory_space<hbm>>) dst(%dma_wait3A_36 : memref<640x128xf32, #tpu.memory_space<vmem_shared>>)
        tpu.yield
      }) : () -> ()
    } else {
    }
    %gt3A = arith.constant 0 : i32
    %gt3A_11 = arith.cmpi sgt, %min3A, %gt3A : i32
    %convert_element_type3A_12 = arith.extui %gt3A_11 : i1 to i32
    %cond3A_13 = arith.constant 0 : i32
    %cond3A_14 = arith.cmpi ne, %convert_element_type3A_12, %cond3A_13 : i32
    scf.if %cond3A_14 {
      "tpu.region"() ({
        %run_scoped3A = tpu.sem_alloc : memref<!tpu.dma_semaphore, #tpu.memory_space<semaphore_mem>>
        %dma_start3A = arith.constant 0 : i32
        %dma_start3A_30 = tpu.memref_slice %arg3[%mul3A_2, %dma_start3A] : memref<648x128xi32, #tpu.memory_space<hbm>> -> memref<24x128xi32, #tpu.memory_space<hbm>>
        %dma_start3A_31 = arith.constant 0 : i32
        %dma_start3A_32 = tpu.memref_slice %arg3[%mul3A_2, %dma_start3A_31] : memref<648x128xi32, #tpu.memory_space<hbm>> -> memref<24x128xi32, #tpu.memory_space<hbm>>
        tpu.enqueue_dma source(%dma_start3A_32 : memref<24x128xi32, #tpu.memory_space<hbm>>) target(%arg6 : memref<24x128xi32, #tpu.memory_space<vmem>>) target_semaphore(%run_scoped3A : memref<!tpu.dma_semaphore, #tpu.memory_space<semaphore_mem>>)
        %dma_wait3A = arith.constant 0 : i32
        %dma_wait3A_33 = tpu.memref_slice %arg3[%mul3A_2, %dma_wait3A] : memref<648x128xi32, #tpu.memory_space<hbm>> -> memref<24x128xi32, #tpu.memory_space<hbm>>
        %dma_wait3A_34 = arith.constant 0 : i32
        %dma_wait3A_35 = tpu.memref_slice %arg3[%mul3A_2, %dma_wait3A_34] : memref<648x128xi32, #tpu.memory_space<hbm>> -> memref<24x128xi32, #tpu.memory_space<hbm>>
        tpu.wait_dma2 semaphore(%run_scoped3A : memref<!tpu.dma_semaphore, #tpu.memory_space<semaphore_mem>>) src(%dma_wait3A_35 : memref<24x128xi32, #tpu.memory_space<hbm>>) dst(%arg6 : memref<24x128xi32, #tpu.memory_space<vmem>>)
        tpu.yield
      }) : () -> ()
    } else {
    }
    %barrier3A = arith.constant 0 : index
    tpu.barrier barrier_id(%barrier3A)
    %scan3A = arith.constant 0 : i32
    %scan3A_15 = arith.constant 12 : i32
    %scan3A_16 = arith.addi %scan3A, %scan3A_15 : i32
    %scan3A_17 = arith.constant 1 : i32
    scf.for %scan3A_30 = %scan3A to %scan3A_16 step %scan3A_17  : i32 {
      %mul3A_31 = arith.constant 2 : i32
      %mul3A_32 = arith.muli %scan3A_30, %mul3A_31 : i32
      %add3A_33 = arith.constant 0 : i32
      %add3A_34 = arith.addi %add3A_33, %mul3A_32 : i32
      %add3A_35 = arith.constant 0 : i32
      %add3A_36 = arith.addi %add3A_34, %add3A_35 : i32
      %lt3A_37 = arith.cmpi slt, %add3A_36, %min3A : i32
      %convert_element_type3A_38 = arith.extui %lt3A_37 : i1 to i32
      %cond3A_39 = arith.constant 0 : i32
      %cond3A_40 = arith.cmpi ne, %convert_element_type3A_38, %cond3A_39 : i32
      scf.if %cond3A_40 {
        %add3A_59 = arith.addi %mul3A_2, %add3A_36 : i32
        %mul3A_60 = arith.constant 128 : i32
        %mul3A_61 = arith.muli %add3A_59, %mul3A_60 : i32
        %dma_start3A = arith.constant 0 : i32
        %dma_start3A_62 = tpu.memref_slice %arg2[%mul3A_61, %dma_start3A] : memref<80000x128xf32, #tpu.memory_space<hbm>> -> memref<128x128xf32, #tpu.memory_space<hbm>>
        %dma_start3A_63 = arith.constant 0 : i32
        %dma_start3A_64 = tpu.memref_slice %arg2[%mul3A_61, %dma_start3A_63] : memref<80000x128xf32, #tpu.memory_space<hbm>> -> memref<128x128xf32, #tpu.memory_space<hbm>>
        tpu.enqueue_dma source(%dma_start3A_64 : memref<128x128xf32, #tpu.memory_space<hbm>>) target(%arg7 : memref<128x128xf32, #tpu.memory_space<vmem>>) target_semaphore(%arg10 : memref<!tpu.dma_semaphore, #tpu.memory_space<semaphore_mem>>)
      } else {
      }
      %add3A_41 = arith.constant 1 : i32
      %add3A_42 = arith.addi %add3A_34, %add3A_41 : i32
      %lt3A_43 = arith.cmpi slt, %add3A_42, %min3A : i32
      %convert_element_type3A_44 = arith.extui %lt3A_43 : i1 to i32
      %cond3A_45 = arith.constant 0 : i32
      %cond3A_46 = arith.cmpi ne, %convert_element_type3A_44, %cond3A_45 : i32
      scf.if %cond3A_46 {
        %add3A_59 = arith.addi %mul3A_2, %add3A_42 : i32
        %mul3A_60 = arith.constant 128 : i32
        %mul3A_61 = arith.muli %add3A_59, %mul3A_60 : i32
        %dma_start3A = arith.constant 0 : i32
        %dma_start3A_62 = tpu.memref_slice %arg2[%mul3A_61, %dma_start3A] : memref<80000x128xf32, #tpu.memory_space<hbm>> -> memref<128x128xf32, #tpu.memory_space<hbm>>
        %dma_start3A_63 = arith.constant 0 : i32
        %dma_start3A_64 = tpu.memref_slice %arg2[%mul3A_61, %dma_start3A_63] : memref<80000x128xf32, #tpu.memory_space<hbm>> -> memref<128x128xf32, #tpu.memory_space<hbm>>
        tpu.enqueue_dma source(%dma_start3A_64 : memref<128x128xf32, #tpu.memory_space<hbm>>) target(%arg8 : memref<128x128xf32, #tpu.memory_space<vmem>>) target_semaphore(%arg11 : memref<!tpu.dma_semaphore, #tpu.memory_space<semaphore_mem>>)
      } else {
      }
      %add3A_47 = arith.constant 0 : i32
      %add3A_48 = arith.addi %add3A_34, %add3A_47 : i32
      %lt3A_49 = arith.cmpi slt, %add3A_48, %min3A : i32
      %convert_element_type3A_50 = arith.extui %lt3A_49 : i1 to i32
      %cond3A_51 = arith.constant 0 : i32
      %cond3A_52 = arith.cmpi ne, %convert_element_type3A_50, %cond3A_51 : i32
      scf.if %cond3A_52 {
        %add3A_59 = arith.addi %mul3A_2, %add3A_48 : i32
        %mul3A_60 = arith.constant 128 : i32
        %mul3A_61 = arith.muli %add3A_59, %mul3A_60 : i32
        %dma_wait3A = arith.constant 0 : i32
        %dma_wait3A_62 = tpu.memref_slice %arg2[%mul3A_61, %dma_wait3A] : memref<80000x128xf32, #tpu.memory_space<hbm>> -> memref<128x128xf32, #tpu.memory_space<hbm>>
        %dma_wait3A_63 = arith.constant 0 : i32
        %dma_wait3A_64 = tpu.memref_slice %arg2[%mul3A_61, %dma_wait3A_63] : memref<80000x128xf32, #tpu.memory_space<hbm>> -> memref<128x128xf32, #tpu.memory_space<hbm>>
        tpu.wait_dma2 semaphore(%arg10 : memref<!tpu.dma_semaphore, #tpu.memory_space<semaphore_mem>>) src(%dma_wait3A_64 : memref<128x128xf32, #tpu.memory_space<hbm>>) dst(%arg7 : memref<128x128xf32, #tpu.memory_space<vmem>>)
        "tpu.region"() ({
          %run_scoped3A = tpu.sem_alloc : memref<!tpu.dma_semaphore, #tpu.memory_space<semaphore_mem>>
          %dma_start3A = arith.constant 0 : i32
          %dma_start3A_65 = tpu.memref_slice %arg6[%add3A_48, %dma_start3A] : memref<24x128xi32, #tpu.memory_space<vmem>> -> memref<1x128xi32, #tpu.memory_space<vmem>>
          %dma_start3A_66 = tpu.memref_squeeze %dma_start3A_65 : memref<1x128xi32, #tpu.memory_space<vmem>> -> memref<128xi32, #tpu.memory_space<vmem>>
          %dma_start3A_67 = arith.constant 0 : i32
          %dma_start3A_68 = arith.constant 0 : i32
          %dma_start3A_69 = tpu.memref_slice %arg9[%dma_start3A_67, %dma_start3A_68] : memref<10000x128xf32, #tpu.memory_space<vmem_shared>> -> memref<10000x128xf32, #tpu.memory_space<vmem_shared>>
          tpu.enqueue_indirect_dma source(%arg7 : memref<128x128xf32, #tpu.memory_space<vmem>>) target(%dma_start3A_69 : memref<10000x128xf32, #tpu.memory_space<vmem_shared>>) offsets(%dma_start3A_66 : memref<128xi32, #tpu.memory_space<vmem>>) semaphore(%run_scoped3A : memref<!tpu.dma_semaphore, #tpu.memory_space<semaphore_mem>>) {add = true}
          %dma_wait3A_70 = arith.constant 0 : i32
          %dma_wait3A_71 = tpu.memref_slice %arg6[%add3A_48, %dma_wait3A_70] : memref<24x128xi32, #tpu.memory_space<vmem>> -> memref<1x128xi32, #tpu.memory_space<vmem>>
          %dma_wait3A_72 = tpu.memref_squeeze %dma_wait3A_71 : memref<1x128xi32, #tpu.memory_space<vmem>> -> memref<128xi32, #tpu.memory_space<vmem>>
          %dma_wait3A_73 = arith.constant 0 : i32
          %dma_wait3A_74 = arith.constant 0 : i32
          %dma_wait3A_75 = tpu.memref_slice %arg9[%dma_wait3A_73, %dma_wait3A_74] : memref<10000x128xf32, #tpu.memory_space<vmem_shared>> -> memref<10000x128xf32, #tpu.memory_space<vmem_shared>>
          tpu.wait_indirect_dma semaphore(%run_scoped3A : memref<!tpu.dma_semaphore, #tpu.memory_space<semaphore_mem>>) src(%arg7 : memref<128x128xf32, #tpu.memory_space<vmem>>) dst(%dma_wait3A_75 : memref<10000x128xf32, #tpu.memory_space<vmem_shared>>)
          tpu.yield
        }) : () -> ()
      } else {
      }
      %add3A_53 = arith.constant 1 : i32
      %add3A_54 = arith.addi %add3A_34, %add3A_53 : i32
      %lt3A_55 = arith.cmpi slt, %add3A_54, %min3A : i32
      %convert_element_type3A_56 = arith.extui %lt3A_55 : i1 to i32
      %cond3A_57 = arith.constant 0 : i32
      %cond3A_58 = arith.cmpi ne, %convert_element_type3A_56, %cond3A_57 : i32
      scf.if %cond3A_58 {
        %add3A_59 = arith.addi %mul3A_2, %add3A_54 : i32
        %mul3A_60 = arith.constant 128 : i32
        %mul3A_61 = arith.muli %add3A_59, %mul3A_60 : i32
        %dma_wait3A = arith.constant 0 : i32
        %dma_wait3A_62 = tpu.memref_slice %arg2[%mul3A_61, %dma_wait3A] : memref<80000x128xf32, #tpu.memory_space<hbm>> -> memref<128x128xf32, #tpu.memory_space<hbm>>
        %dma_wait3A_63 = arith.constant 0 : i32
        %dma_wait3A_64 = tpu.memref_slice %arg2[%mul3A_61, %dma_wait3A_63] : memref<80000x128xf32, #tpu.memory_space<hbm>> -> memref<128x128xf32, #tpu.memory_space<hbm>>
        tpu.wait_dma2 semaphore(%arg11 : memref<!tpu.dma_semaphore, #tpu.memory_space<semaphore_mem>>) src(%dma_wait3A_64 : memref<128x128xf32, #tpu.memory_space<hbm>>) dst(%arg8 : memref<128x128xf32, #tpu.memory_space<vmem>>)
        "tpu.region"() ({
          %run_scoped3A = tpu.sem_alloc : memref<!tpu.dma_semaphore, #tpu.memory_space<semaphore_mem>>
          %dma_start3A = arith.constant 0 : i32
          %dma_start3A_65 = tpu.memref_slice %arg6[%add3A_54, %dma_start3A] : memref<24x128xi32, #tpu.memory_space<vmem>> -> memref<1x128xi32, #tpu.memory_space<vmem>>
          %dma_start3A_66 = tpu.memref_squeeze %dma_start3A_65 : memref<1x128xi32, #tpu.memory_space<vmem>> -> memref<128xi32, #tpu.memory_space<vmem>>
          %dma_start3A_67 = arith.constant 0 : i32
          %dma_start3A_68 = arith.constant 0 : i32
          %dma_start3A_69 = tpu.memref_slice %arg9[%dma_start3A_67, %dma_start3A_68] : memref<10000x128xf32, #tpu.memory_space<vmem_shared>> -> memref<10000x128xf32, #tpu.memory_space<vmem_shared>>
          tpu.enqueue_indirect_dma source(%arg8 : memref<128x128xf32, #tpu.memory_space<vmem>>) target(%dma_start3A_69 : memref<10000x128xf32, #tpu.memory_space<vmem_shared>>) offsets(%dma_start3A_66 : memref<128xi32, #tpu.memory_space<vmem>>) semaphore(%run_scoped3A : memref<!tpu.dma_semaphore, #tpu.memory_space<semaphore_mem>>) {add = true}
          %dma_wait3A_70 = arith.constant 0 : i32
          %dma_wait3A_71 = tpu.memref_slice %arg6[%add3A_54, %dma_wait3A_70] : memref<24x128xi32, #tpu.memory_space<vmem>> -> memref<1x128xi32, #tpu.memory_space<vmem>>
          %dma_wait3A_72 = tpu.memref_squeeze %dma_wait3A_71 : memref<1x128xi32, #tpu.memory_space<vmem>> -> memref<128xi32, #tpu.memory_space<vmem>>
          %dma_wait3A_73 = arith.constant 0 : i32
          %dma_wait3A_74 = arith.constant 0 : i32
          %dma_wait3A_75 = tpu.memref_slice %arg9[%dma_wait3A_73, %dma_wait3A_74] : memref<10000x128xf32, #tpu.memory_space<vmem_shared>> -> memref<10000x128xf32, #tpu.memory_space<vmem_shared>>
          tpu.wait_indirect_dma semaphore(%run_scoped3A : memref<!tpu.dma_semaphore, #tpu.memory_space<semaphore_mem>>) src(%arg8 : memref<128x128xf32, #tpu.memory_space<vmem>>) dst(%dma_wait3A_75 : memref<10000x128xf32, #tpu.memory_space<vmem_shared>>)
          tpu.yield
        }) : () -> ()
      } else {
      }
    }
    %scan3A_18 = arith.constant 12 : i32
    %barrier3A_19 = arith.constant 0 : index
    tpu.barrier barrier_id(%barrier3A_19)
    %lt3A_20 = arith.constant 15 : i32
    %lt3A_21 = arith.cmpi slt, %arg1, %lt3A_20 : i32
    %convert_element_type3A_22 = arith.extui %lt3A_21 : i1 to i32
    %cond3A_23 = arith.constant 0 : i32
    %cond3A_24 = arith.cmpi ne, %convert_element_type3A_22, %cond3A_23 : i32
    scf.if %cond3A_24 {
      %mul3A_30 = arith.constant 624 : i32
      %mul3A_31 = arith.muli %arg1, %mul3A_30 : i32
      "tpu.region"() ({
        %run_scoped3A = tpu.sem_alloc : memref<!tpu.dma_semaphore, #tpu.memory_space<semaphore_mem>>
        %dma_start3A = arith.constant 0 : i32
        %dma_start3A_32 = tpu.memref_slice %arg5[%arg0, %mul3A_31, %dma_start3A] : memref<2x10000x128xf32, #tpu.memory_space<hbm>> -> memref<1x624x128xf32, #tpu.memory_space<hbm>>
        %dma_start3A_33 = tpu.memref_squeeze %dma_start3A_32 : memref<1x624x128xf32, #tpu.memory_space<hbm>> -> memref<624x128xf32, #tpu.memory_space<hbm>>
        %dma_start3A_34 = arith.constant 0 : i32
        %dma_start3A_35 = tpu.memref_slice %arg9[%mul3A_31, %dma_start3A_34] : memref<10000x128xf32, #tpu.memory_space<vmem_shared>> -> memref<624x128xf32, #tpu.memory_space<vmem_shared>>
        tpu.enqueue_dma source(%dma_start3A_35 : memref<624x128xf32, #tpu.memory_space<vmem_shared>>) target(%dma_start3A_33 : memref<624x128xf32, #tpu.memory_space<hbm>>) target_semaphore(%run_scoped3A : memref<!tpu.dma_semaphore, #tpu.memory_space<semaphore_mem>>)
        %dma_wait3A = arith.constant 0 : i32
        %dma_wait3A_36 = tpu.memref_slice %arg5[%arg0, %mul3A_31, %dma_wait3A] : memref<2x10000x128xf32, #tpu.memory_space<hbm>> -> memref<1x624x128xf32, #tpu.memory_space<hbm>>
        %dma_wait3A_37 = tpu.memref_squeeze %dma_wait3A_36 : memref<1x624x128xf32, #tpu.memory_space<hbm>> -> memref<624x128xf32, #tpu.memory_space<hbm>>
        %dma_wait3A_38 = arith.constant 0 : i32
        %dma_wait3A_39 = tpu.memref_slice %arg9[%mul3A_31, %dma_wait3A_38] : memref<10000x128xf32, #tpu.memory_space<vmem_shared>> -> memref<624x128xf32, #tpu.memory_space<vmem_shared>>
        tpu.wait_dma2 semaphore(%run_scoped3A : memref<!tpu.dma_semaphore, #tpu.memory_space<semaphore_mem>>) src(%dma_wait3A_39 : memref<624x128xf32, #tpu.memory_space<vmem_shared>>) dst(%dma_wait3A_37 : memref<624x128xf32, #tpu.memory_space<hbm>>)
        tpu.yield
      }) : () -> ()
    } else {
    }
    %eq3A_25 = arith.constant 15 : i32
    %eq3A_26 = arith.cmpi eq, %arg1, %eq3A_25 : i32
    %convert_element_type3A_27 = arith.extui %eq3A_26 : i1 to i32
    %cond3A_28 = arith.constant 0 : i32
    %cond3A_29 = arith.cmpi ne, %convert_element_type3A_27, %cond3A_28 : i32
    scf.if %cond3A_29 {
      "tpu.region"() ({
        %run_scoped3A = tpu.sem_alloc : memref<!tpu.dma_semaphore, #tpu.memory_space<semaphore_mem>>
        %dma_start3A = arith.constant 9360 : i32
        %dma_start3A_30 = arith.constant 0 : i32
        %dma_start3A_31 = tpu.memref_slice %arg5[%arg0, %dma_start3A, %dma_start3A_30] : memref<2x10000x128xf32, #tpu.memory_space<hbm>> -> memref<1x640x128xf32, #tpu.memory_space<hbm>>
        %dma_start3A_32 = tpu.memref_squeeze %dma_start3A_31 : memref<1x640x128xf32, #tpu.memory_space<hbm>> -> memref<640x128xf32, #tpu.memory_space<hbm>>
        %dma_start3A_33 = arith.constant 9360 : i32
        %dma_start3A_34 = arith.constant 0 : i32
        %dma_start3A_35 = tpu.memref_slice %arg9[%dma_start3A_33, %dma_start3A_34] : memref<10000x128xf32, #tpu.memory_space<vmem_shared>> -> memref<640x128xf32, #tpu.memory_space<vmem_shared>>
        tpu.enqueue_dma source(%dma_start3A_35 : memref<640x128xf32, #tpu.memory_space<vmem_shared>>) target(%dma_start3A_32 : memref<640x128xf32, #tpu.memory_space<hbm>>) target_semaphore(%run_scoped3A : memref<!tpu.dma_semaphore, #tpu.memory_space<semaphore_mem>>)
        %dma_wait3A = arith.constant 9360 : i32
        %dma_wait3A_36 = arith.constant 0 : i32
        %dma_wait3A_37 = tpu.memref_slice %arg5[%arg0, %dma_wait3A, %dma_wait3A_36] : memref<2x10000x128xf32, #tpu.memory_space<hbm>> -> memref<1x640x128xf32, #tpu.memory_space<hbm>>
        %dma_wait3A_38 = tpu.memref_squeeze %dma_wait3A_37 : memref<1x640x128xf32, #tpu.memory_space<hbm>> -> memref<640x128xf32, #tpu.memory_space<hbm>>
        %dma_wait3A_39 = arith.constant 9360 : i32
        %dma_wait3A_40 = arith.constant 0 : i32
        %dma_wait3A_41 = tpu.memref_slice %arg9[%dma_wait3A_39, %dma_wait3A_40] : memref<10000x128xf32, #tpu.memory_space<vmem_shared>> -> memref<640x128xf32, #tpu.memory_space<vmem_shared>>
        tpu.wait_dma2 semaphore(%run_scoped3A : memref<!tpu.dma_semaphore, #tpu.memory_space<semaphore_mem>>) src(%dma_wait3A_41 : memref<640x128xf32, #tpu.memory_space<vmem_shared>>) dst(%dma_wait3A_38 : memref<640x128xf32, #tpu.memory_space<hbm>>)
        tpu.yield
      }) : () -> ()
    } else {
    }
    return
  }
}

#map = affine_map<(d0, d1) -> (0, 0)>
#map1 = affine_map<(d0, d1) -> (0)>
module attributes {stable_mosaic.version = 14 : i64} {
  func.func @k(%arg0: i32, %arg1: i32, %arg2: memref<10000x128xf32, #tpu.memory_space<hbm>>, %arg3: memref<320000xi32, #tpu.memory_space<hbm>>, %arg4: memref<320000x128xf32, #tpu.memory_space<hbm>>, %arg5: memref<10112xi32, #tpu.memory_space<vmem>>, %arg6: memref<128x128xf32, #tpu.memory_space<vmem>>, %arg7: memref<128x128xf32, #tpu.memory_space<vmem>>, %arg8: memref<!tpu.dma_semaphore, #tpu.memory_space<semaphore_mem>>, %arg9: memref<!tpu.dma_semaphore, #tpu.memory_space<semaphore_mem>>, %arg10: memref<!tpu.dma_semaphore, #tpu.memory_space<semaphore_mem>>) attributes {dimension_semantics = [#tpu.dimension_semantics<core_parallel>, #tpu.dimension_semantics<subcore_parallel>], iteration_bounds = array<i64: 2, 16>, scalar_prefetch = 0 : i64, scratch_operands = 6 : i64, tpu.core_type = #tpu.core_type<sc_vector_subcore>, window_params = [{transform_indices = #map}, {transform_indices = #map1}, {transform_indices = #map}]} {
    %mul3A = arith.constant 2 : i32
    %mul3A_0 = arith.muli %arg1, %mul3A : i32
    %add3A = arith.addi %mul3A_0, %arg0 : i32
    %mul3A_1 = arith.constant 79 : i32
    %mul3A_2 = arith.muli %add3A, %mul3A_1 : i32
    %lt3A = arith.constant 31 : i32
    %lt3A_3 = arith.cmpi slt, %add3A, %lt3A : i32
    %jit3A = arith.constant 79 : i32
    %jit3A_4 = arith.constant 51 : i32
    %select_n3A = arith.select %lt3A_3, %jit3A, %jit3A_4 : i32
    %lt3A_5 = arith.constant 31 : i32
    %lt3A_6 = arith.cmpi slt, %add3A, %lt3A_5 : i32
    %convert_element_type3A = arith.extui %lt3A_6 : i1 to i32
    %cond3A = arith.constant 0 : i32
    %cond3A_7 = arith.cmpi ne, %convert_element_type3A, %cond3A : i32
    scf.if %cond3A_7 {
      %mul3A_25 = arith.constant 128 : i32
      %mul3A_26 = arith.muli %mul3A_2, %mul3A_25 : i32
      "tpu.region"() ({
        %run_scoped3A = tpu.sem_alloc : memref<!tpu.dma_semaphore, #tpu.memory_space<semaphore_mem>>
        %dma_start3A = tpu.memref_slice %arg3[%mul3A_26] : memref<320000xi32, #tpu.memory_space<hbm>> -> memref<10112xi32, #tpu.memory_space<hbm>>
        %dma_start3A_27 = tpu.memref_slice %arg3[%mul3A_26] : memref<320000xi32, #tpu.memory_space<hbm>> -> memref<10112xi32, #tpu.memory_space<hbm>>
        tpu.enqueue_dma source(%dma_start3A_27 : memref<10112xi32, #tpu.memory_space<hbm>>) target(%arg5 : memref<10112xi32, #tpu.memory_space<vmem>>) target_semaphore(%run_scoped3A : memref<!tpu.dma_semaphore, #tpu.memory_space<semaphore_mem>>)
        %dma_wait3A = tpu.memref_slice %arg3[%mul3A_26] : memref<320000xi32, #tpu.memory_space<hbm>> -> memref<10112xi32, #tpu.memory_space<hbm>>
        %dma_wait3A_28 = tpu.memref_slice %arg3[%mul3A_26] : memref<320000xi32, #tpu.memory_space<hbm>> -> memref<10112xi32, #tpu.memory_space<hbm>>
        tpu.wait_dma2 semaphore(%run_scoped3A : memref<!tpu.dma_semaphore, #tpu.memory_space<semaphore_mem>>) src(%dma_wait3A_28 : memref<10112xi32, #tpu.memory_space<hbm>>) dst(%arg5 : memref<10112xi32, #tpu.memory_space<vmem>>)
        tpu.yield
      }) : () -> ()
    } else {
    }
    %eq3A = arith.constant 31 : i32
    %eq3A_8 = arith.cmpi eq, %add3A, %eq3A : i32
    %convert_element_type3A_9 = arith.extui %eq3A_8 : i1 to i32
    %cond3A_10 = arith.constant 0 : i32
    %cond3A_11 = arith.cmpi ne, %convert_element_type3A_9, %cond3A_10 : i32
    scf.if %cond3A_11 {
      %mul3A_25 = arith.constant 128 : i32
      %mul3A_26 = arith.muli %mul3A_2, %mul3A_25 : i32
      "tpu.region"() ({
        %run_scoped3A = tpu.sem_alloc : memref<!tpu.dma_semaphore, #tpu.memory_space<semaphore_mem>>
        %dma_start3A = arith.constant 0 : i32
        %dma_start3A_27 = tpu.memref_slice %arg5[%dma_start3A] : memref<10112xi32, #tpu.memory_space<vmem>> -> memref<6528xi32, #tpu.memory_space<vmem>>
        %dma_start3A_28 = tpu.memref_slice %arg3[%mul3A_26] : memref<320000xi32, #tpu.memory_space<hbm>> -> memref<6528xi32, #tpu.memory_space<hbm>>
        %dma_start3A_29 = arith.constant 0 : i32
        %dma_start3A_30 = tpu.memref_slice %arg5[%dma_start3A_29] : memref<10112xi32, #tpu.memory_space<vmem>> -> memref<6528xi32, #tpu.memory_space<vmem>>
        %dma_start3A_31 = tpu.memref_slice %arg3[%mul3A_26] : memref<320000xi32, #tpu.memory_space<hbm>> -> memref<6528xi32, #tpu.memory_space<hbm>>
        tpu.enqueue_dma source(%dma_start3A_31 : memref<6528xi32, #tpu.memory_space<hbm>>) target(%dma_start3A_30 : memref<6528xi32, #tpu.memory_space<vmem>>) target_semaphore(%run_scoped3A : memref<!tpu.dma_semaphore, #tpu.memory_space<semaphore_mem>>)
        %dma_wait3A = arith.constant 0 : i32
        %dma_wait3A_32 = tpu.memref_slice %arg5[%dma_wait3A] : memref<10112xi32, #tpu.memory_space<vmem>> -> memref<6528xi32, #tpu.memory_space<vmem>>
        %dma_wait3A_33 = tpu.memref_slice %arg3[%mul3A_26] : memref<320000xi32, #tpu.memory_space<hbm>> -> memref<6528xi32, #tpu.memory_space<hbm>>
        %dma_wait3A_34 = arith.constant 0 : i32
        %dma_wait3A_35 = tpu.memref_slice %arg5[%dma_wait3A_34] : memref<10112xi32, #tpu.memory_space<vmem>> -> memref<6528xi32, #tpu.memory_space<vmem>>
        %dma_wait3A_36 = tpu.memref_slice %arg3[%mul3A_26] : memref<320000xi32, #tpu.memory_space<hbm>> -> memref<6528xi32, #tpu.memory_space<hbm>>
        tpu.wait_dma2 semaphore(%run_scoped3A : memref<!tpu.dma_semaphore, #tpu.memory_space<semaphore_mem>>) src(%dma_wait3A_36 : memref<6528xi32, #tpu.memory_space<hbm>>) dst(%dma_wait3A_35 : memref<6528xi32, #tpu.memory_space<vmem>>)
        tpu.yield
      }) : () -> ()
    } else {
    }
    %scan3A = arith.constant 0 : i32
    %scan3A_12 = arith.constant 40 : i32
    %scan3A_13 = arith.addi %scan3A, %scan3A_12 : i32
    %scan3A_14 = arith.constant 1 : i32
    scf.for %scan3A_25 = %scan3A to %scan3A_13 step %scan3A_14  : i32 {
      %mul3A_26 = arith.constant 2 : i32
      %mul3A_27 = arith.muli %scan3A_25, %mul3A_26 : i32
      %add3A_28 = arith.constant 0 : i32
      %add3A_29 = arith.addi %add3A_28, %mul3A_27 : i32
      %add3A_30 = arith.constant 0 : i32
      %add3A_31 = arith.addi %add3A_29, %add3A_30 : i32
      %ge3A_32 = arith.constant 2 : i32
      %ge3A_33 = arith.cmpi sge, %add3A_31, %ge3A_32 : i32
      %lt3A_34 = arith.cmpi slt, %add3A_31, %select_n3A : i32
      %and3A = arith.andi %ge3A_33, %lt3A_34 : i1
      %convert_element_type3A_35 = arith.extui %and3A : i1 to i32
      %cond3A_36 = arith.constant 0 : i32
      %cond3A_37 = arith.cmpi ne, %convert_element_type3A_35, %cond3A_36 : i32
      scf.if %cond3A_37 {
        %dma_wait3A = arith.constant 0 : i32
        %dma_wait3A_83 = arith.constant 0 : i32
        %dma_wait3A_84 = tpu.memref_slice %arg4[%dma_wait3A, %dma_wait3A_83] : memref<320000x128xf32, #tpu.memory_space<hbm>> -> memref<128x128xf32, #tpu.memory_space<hbm>>
        %dma_wait3A_85 = arith.constant 0 : i32
        %dma_wait3A_86 = arith.constant 0 : i32
        %dma_wait3A_87 = tpu.memref_slice %arg4[%dma_wait3A_85, %dma_wait3A_86] : memref<320000x128xf32, #tpu.memory_space<hbm>> -> memref<128x128xf32, #tpu.memory_space<hbm>>
        tpu.wait_dma2 semaphore(%arg9 : memref<!tpu.dma_semaphore, #tpu.memory_space<semaphore_mem>>) src(%arg6 : memref<128x128xf32, #tpu.memory_space<vmem>>) dst(%dma_wait3A_87 : memref<128x128xf32, #tpu.memory_space<hbm>>)
      } else {
      }
      %add3A_38 = arith.constant 1 : i32
      %add3A_39 = arith.addi %add3A_29, %add3A_38 : i32
      %ge3A_40 = arith.constant 2 : i32
      %ge3A_41 = arith.cmpi sge, %add3A_39, %ge3A_40 : i32
      %lt3A_42 = arith.cmpi slt, %add3A_39, %select_n3A : i32
      %and3A_43 = arith.andi %ge3A_41, %lt3A_42 : i1
      %convert_element_type3A_44 = arith.extui %and3A_43 : i1 to i32
      %cond3A_45 = arith.constant 0 : i32
      %cond3A_46 = arith.cmpi ne, %convert_element_type3A_44, %cond3A_45 : i32
      scf.if %cond3A_46 {
        %dma_wait3A = arith.constant 0 : i32
        %dma_wait3A_83 = arith.constant 0 : i32
        %dma_wait3A_84 = tpu.memref_slice %arg4[%dma_wait3A, %dma_wait3A_83] : memref<320000x128xf32, #tpu.memory_space<hbm>> -> memref<128x128xf32, #tpu.memory_space<hbm>>
        %dma_wait3A_85 = arith.constant 0 : i32
        %dma_wait3A_86 = arith.constant 0 : i32
        %dma_wait3A_87 = tpu.memref_slice %arg4[%dma_wait3A_85, %dma_wait3A_86] : memref<320000x128xf32, #tpu.memory_space<hbm>> -> memref<128x128xf32, #tpu.memory_space<hbm>>
        tpu.wait_dma2 semaphore(%arg10 : memref<!tpu.dma_semaphore, #tpu.memory_space<semaphore_mem>>) src(%arg7 : memref<128x128xf32, #tpu.memory_space<vmem>>) dst(%dma_wait3A_87 : memref<128x128xf32, #tpu.memory_space<hbm>>)
      } else {
      }
      %add3A_47 = arith.constant 0 : i32
      %add3A_48 = arith.addi %add3A_29, %add3A_47 : i32
      %lt3A_49 = arith.cmpi slt, %add3A_48, %select_n3A : i32
      %convert_element_type3A_50 = arith.extui %lt3A_49 : i1 to i32
      %cond3A_51 = arith.constant 0 : i32
      %cond3A_52 = arith.cmpi ne, %convert_element_type3A_50, %cond3A_51 : i32
      scf.if %cond3A_52 {
        %mul3A_83 = arith.constant 128 : i32
        %mul3A_84 = arith.muli %add3A_48, %mul3A_83 : i32
        %dma_start3A = tpu.memref_slice %arg5[%mul3A_84] : memref<10112xi32, #tpu.memory_space<vmem>> -> memref<128xi32, #tpu.memory_space<vmem>>
        %dma_start3A_85 = arith.constant 0 : i32
        %dma_start3A_86 = arith.constant 0 : i32
        %dma_start3A_87 = tpu.memref_slice %arg2[%dma_start3A_85, %dma_start3A_86] : memref<10000x128xf32, #tpu.memory_space<hbm>> -> memref<10000x128xf32, #tpu.memory_space<hbm>>
        tpu.enqueue_indirect_dma source(%dma_start3A_87 : memref<10000x128xf32, #tpu.memory_space<hbm>>) target(%arg6 : memref<128x128xf32, #tpu.memory_space<vmem>>) offsets(%dma_start3A : memref<128xi32, #tpu.memory_space<vmem>>) semaphore(%arg8 : memref<!tpu.dma_semaphore, #tpu.memory_space<semaphore_mem>>)
      } else {
      }
      %add3A_53 = arith.constant 1 : i32
      %add3A_54 = arith.addi %add3A_29, %add3A_53 : i32
      %lt3A_55 = arith.cmpi slt, %add3A_54, %select_n3A : i32
      %convert_element_type3A_56 = arith.extui %lt3A_55 : i1 to i32
      %cond3A_57 = arith.constant 0 : i32
      %cond3A_58 = arith.cmpi ne, %convert_element_type3A_56, %cond3A_57 : i32
      scf.if %cond3A_58 {
        %mul3A_83 = arith.constant 128 : i32
        %mul3A_84 = arith.muli %add3A_54, %mul3A_83 : i32
        %dma_start3A = tpu.memref_slice %arg5[%mul3A_84] : memref<10112xi32, #tpu.memory_space<vmem>> -> memref<128xi32, #tpu.memory_space<vmem>>
        %dma_start3A_85 = arith.constant 0 : i32
        %dma_start3A_86 = arith.constant 0 : i32
        %dma_start3A_87 = tpu.memref_slice %arg2[%dma_start3A_85, %dma_start3A_86] : memref<10000x128xf32, #tpu.memory_space<hbm>> -> memref<10000x128xf32, #tpu.memory_space<hbm>>
        tpu.enqueue_indirect_dma source(%dma_start3A_87 : memref<10000x128xf32, #tpu.memory_space<hbm>>) target(%arg7 : memref<128x128xf32, #tpu.memory_space<vmem>>) offsets(%dma_start3A : memref<128xi32, #tpu.memory_space<vmem>>) semaphore(%arg8 : memref<!tpu.dma_semaphore, #tpu.memory_space<semaphore_mem>>)
      } else {
      }
      %add3A_59 = arith.constant 0 : i32
      %add3A_60 = arith.addi %add3A_29, %add3A_59 : i32
      %lt3A_61 = arith.cmpi slt, %add3A_60, %select_n3A : i32
      %convert_element_type3A_62 = arith.extui %lt3A_61 : i1 to i32
      %cond3A_63 = arith.constant 0 : i32
      %cond3A_64 = arith.cmpi ne, %convert_element_type3A_62, %cond3A_63 : i32
      scf.if %cond3A_64 {
        %mul3A_83 = arith.constant 128 : i32
        %mul3A_84 = arith.muli %add3A_60, %mul3A_83 : i32
        %dma_wait3A = tpu.memref_slice %arg5[%mul3A_84] : memref<10112xi32, #tpu.memory_space<vmem>> -> memref<128xi32, #tpu.memory_space<vmem>>
        %dma_wait3A_85 = arith.constant 0 : i32
        %dma_wait3A_86 = arith.constant 0 : i32
        %dma_wait3A_87 = tpu.memref_slice %arg2[%dma_wait3A_85, %dma_wait3A_86] : memref<10000x128xf32, #tpu.memory_space<hbm>> -> memref<10000x128xf32, #tpu.memory_space<hbm>>
        tpu.wait_indirect_dma semaphore(%arg8 : memref<!tpu.dma_semaphore, #tpu.memory_space<semaphore_mem>>) src(%dma_wait3A_87 : memref<10000x128xf32, #tpu.memory_space<hbm>>) dst(%arg6 : memref<128x128xf32, #tpu.memory_space<vmem>>)
      } else {
      }
      %add3A_65 = arith.constant 1 : i32
      %add3A_66 = arith.addi %add3A_29, %add3A_65 : i32
      %lt3A_67 = arith.cmpi slt, %add3A_66, %select_n3A : i32
      %convert_element_type3A_68 = arith.extui %lt3A_67 : i1 to i32
      %cond3A_69 = arith.constant 0 : i32
      %cond3A_70 = arith.cmpi ne, %convert_element_type3A_68, %cond3A_69 : i32
      scf.if %cond3A_70 {
        %mul3A_83 = arith.constant 128 : i32
        %mul3A_84 = arith.muli %add3A_66, %mul3A_83 : i32
        %dma_wait3A = tpu.memref_slice %arg5[%mul3A_84] : memref<10112xi32, #tpu.memory_space<vmem>> -> memref<128xi32, #tpu.memory_space<vmem>>
        %dma_wait3A_85 = arith.constant 0 : i32
        %dma_wait3A_86 = arith.constant 0 : i32
        %dma_wait3A_87 = tpu.memref_slice %arg2[%dma_wait3A_85, %dma_wait3A_86] : memref<10000x128xf32, #tpu.memory_space<hbm>> -> memref<10000x128xf32, #tpu.memory_space<hbm>>
        tpu.wait_indirect_dma semaphore(%arg8 : memref<!tpu.dma_semaphore, #tpu.memory_space<semaphore_mem>>) src(%dma_wait3A_87 : memref<10000x128xf32, #tpu.memory_space<hbm>>) dst(%arg7 : memref<128x128xf32, #tpu.memory_space<vmem>>)
      } else {
      }
      %add3A_71 = arith.constant 0 : i32
      %add3A_72 = arith.addi %add3A_29, %add3A_71 : i32
      %lt3A_73 = arith.cmpi slt, %add3A_72, %select_n3A : i32
      %convert_element_type3A_74 = arith.extui %lt3A_73 : i1 to i32
      %cond3A_75 = arith.constant 0 : i32
      %cond3A_76 = arith.cmpi ne, %convert_element_type3A_74, %cond3A_75 : i32
      scf.if %cond3A_76 {
        %add3A_83 = arith.addi %mul3A_2, %add3A_72 : i32
        %mul3A_84 = arith.constant 128 : i32
        %mul3A_85 = arith.muli %add3A_83, %mul3A_84 : i32
        %dma_start3A = arith.constant 0 : i32
        %dma_start3A_86 = tpu.memref_slice %arg4[%mul3A_85, %dma_start3A] : memref<320000x128xf32, #tpu.memory_space<hbm>> -> memref<128x128xf32, #tpu.memory_space<hbm>>
        %dma_start3A_87 = arith.constant 0 : i32
        %dma_start3A_88 = tpu.memref_slice %arg4[%mul3A_85, %dma_start3A_87] : memref<320000x128xf32, #tpu.memory_space<hbm>> -> memref<128x128xf32, #tpu.memory_space<hbm>>
        tpu.enqueue_dma source(%arg6 : memref<128x128xf32, #tpu.memory_space<vmem>>) target(%dma_start3A_88 : memref<128x128xf32, #tpu.memory_space<hbm>>) target_semaphore(%arg9 : memref<!tpu.dma_semaphore, #tpu.memory_space<semaphore_mem>>)
      } else {
      }
      %add3A_77 = arith.constant 1 : i32
      %add3A_78 = arith.addi %add3A_29, %add3A_77 : i32
      %lt3A_79 = arith.cmpi slt, %add3A_78, %select_n3A : i32
      %convert_element_type3A_80 = arith.extui %lt3A_79 : i1 to i32
      %cond3A_81 = arith.constant 0 : i32
      %cond3A_82 = arith.cmpi ne, %convert_element_type3A_80, %cond3A_81 : i32
      scf.if %cond3A_82 {
        %add3A_83 = arith.addi %mul3A_2, %add3A_78 : i32
        %mul3A_84 = arith.constant 128 : i32
        %mul3A_85 = arith.muli %add3A_83, %mul3A_84 : i32
        %dma_start3A = arith.constant 0 : i32
        %dma_start3A_86 = tpu.memref_slice %arg4[%mul3A_85, %dma_start3A] : memref<320000x128xf32, #tpu.memory_space<hbm>> -> memref<128x128xf32, #tpu.memory_space<hbm>>
        %dma_start3A_87 = arith.constant 0 : i32
        %dma_start3A_88 = tpu.memref_slice %arg4[%mul3A_85, %dma_start3A_87] : memref<320000x128xf32, #tpu.memory_space<hbm>> -> memref<128x128xf32, #tpu.memory_space<hbm>>
        tpu.enqueue_dma source(%arg7 : memref<128x128xf32, #tpu.memory_space<vmem>>) target(%dma_start3A_88 : memref<128x128xf32, #tpu.memory_space<hbm>>) target_semaphore(%arg10 : memref<!tpu.dma_semaphore, #tpu.memory_space<semaphore_mem>>)
      } else {
      }
    }
    %scan3A_15 = arith.constant 40 : i32
    %ge3A = arith.constant 2 : i32
    %ge3A_16 = arith.cmpi sge, %select_n3A, %ge3A : i32
    %convert_element_type3A_17 = arith.extui %ge3A_16 : i1 to i32
    %cond3A_18 = arith.constant 0 : i32
    %cond3A_19 = arith.cmpi ne, %convert_element_type3A_17, %cond3A_18 : i32
    scf.if %cond3A_19 {
      %dma_wait3A = arith.constant 0 : i32
      %dma_wait3A_25 = arith.constant 0 : i32
      %dma_wait3A_26 = tpu.memref_slice %arg4[%dma_wait3A, %dma_wait3A_25] : memref<320000x128xf32, #tpu.memory_space<hbm>> -> memref<128x128xf32, #tpu.memory_space<hbm>>
      %dma_wait3A_27 = arith.constant 0 : i32
      %dma_wait3A_28 = arith.constant 0 : i32
      %dma_wait3A_29 = tpu.memref_slice %arg4[%dma_wait3A_27, %dma_wait3A_28] : memref<320000x128xf32, #tpu.memory_space<hbm>> -> memref<128x128xf32, #tpu.memory_space<hbm>>
      tpu.wait_dma2 semaphore(%arg9 : memref<!tpu.dma_semaphore, #tpu.memory_space<semaphore_mem>>) src(%arg6 : memref<128x128xf32, #tpu.memory_space<vmem>>) dst(%dma_wait3A_29 : memref<128x128xf32, #tpu.memory_space<hbm>>)
      %dma_wait3A_30 = arith.constant 0 : i32
      %dma_wait3A_31 = arith.constant 0 : i32
      %dma_wait3A_32 = tpu.memref_slice %arg4[%dma_wait3A_30, %dma_wait3A_31] : memref<320000x128xf32, #tpu.memory_space<hbm>> -> memref<128x128xf32, #tpu.memory_space<hbm>>
      %dma_wait3A_33 = arith.constant 0 : i32
      %dma_wait3A_34 = arith.constant 0 : i32
      %dma_wait3A_35 = tpu.memref_slice %arg4[%dma_wait3A_33, %dma_wait3A_34] : memref<320000x128xf32, #tpu.memory_space<hbm>> -> memref<128x128xf32, #tpu.memory_space<hbm>>
      tpu.wait_dma2 semaphore(%arg10 : memref<!tpu.dma_semaphore, #tpu.memory_space<semaphore_mem>>) src(%arg7 : memref<128x128xf32, #tpu.memory_space<vmem>>) dst(%dma_wait3A_35 : memref<128x128xf32, #tpu.memory_space<hbm>>)
    } else {
    }
    %eq3A_20 = arith.constant 1 : i32
    %eq3A_21 = arith.cmpi eq, %select_n3A, %eq3A_20 : i32
    %convert_element_type3A_22 = arith.extui %eq3A_21 : i1 to i32
    %cond3A_23 = arith.constant 0 : i32
    %cond3A_24 = arith.cmpi ne, %convert_element_type3A_22, %cond3A_23 : i32
    scf.if %cond3A_24 {
      %dma_wait3A = arith.constant 0 : i32
      %dma_wait3A_25 = arith.constant 0 : i32
      %dma_wait3A_26 = tpu.memref_slice %arg4[%dma_wait3A, %dma_wait3A_25] : memref<320000x128xf32, #tpu.memory_space<hbm>> -> memref<128x128xf32, #tpu.memory_space<hbm>>
      %dma_wait3A_27 = arith.constant 0 : i32
      %dma_wait3A_28 = arith.constant 0 : i32
      %dma_wait3A_29 = tpu.memref_slice %arg4[%dma_wait3A_27, %dma_wait3A_28] : memref<320000x128xf32, #tpu.memory_space<hbm>> -> memref<128x128xf32, #tpu.memory_space<hbm>>
      tpu.wait_dma2 semaphore(%arg9 : memref<!tpu.dma_semaphore, #tpu.memory_space<semaphore_mem>>) src(%arg6 : memref<128x128xf32, #tpu.memory_space<vmem>>) dst(%dma_wait3A_29 : memref<128x128xf32, #tpu.memory_space<hbm>>)
    } else {
    }
    return
  }
}

module attributes {stable_mosaic.version = 14 : i64} {
  func.func @_msg_body(%arg0: i32, %arg1: memref<4000x128xf32, #tpu.memory_space<vmem>>, %arg2: memref<4000x128xf32, #tpu.memory_space<vmem>>, %arg3: memref<4000x1xf32, #tpu.memory_space<vmem>>, %arg4: memref<256x128xbf16, #tpu.memory_space<vmem>>, %arg5: memref<5x128x128xbf16, #tpu.memory_space<vmem>>, %arg6: memref<5x128xbf16, #tpu.memory_space<vmem>>, %arg7: memref<1x128xf32, #tpu.memory_space<vmem>>, %arg8: memref<4000x128xf32, #tpu.memory_space<vmem>>) attributes {dimension_semantics = [#tpu.dimension_semantics<arbitrary>], iteration_bounds = array<i64: 20>, scalar_prefetch = 0 : i64, scratch_operands = 0 : i64, tpu.core_type = #tpu.core_type<tc>, window_params = [{transform_indices = @transform_0, window_bounds = array<i64: 4000, 128>}, {transform_indices = @transform_1, window_bounds = array<i64: 4000, 128>}, {transform_indices = @transform_2, window_bounds = array<i64: 4000, 1>}, {pipeline_mode = #tpu.pipeline_mode<synchronous>, transform_indices = @transform_3, window_bounds = array<i64: 256, 128>}, {pipeline_mode = #tpu.pipeline_mode<synchronous>, transform_indices = @transform_4, window_bounds = array<i64: 5, 128, 128>}, {pipeline_mode = #tpu.pipeline_mode<synchronous>, transform_indices = @transform_5, window_bounds = array<i64: 5, 128>}, {pipeline_mode = #tpu.pipeline_mode<synchronous>, transform_indices = @transform_6, window_bounds = array<i64: 1, 128>}, {transform_indices = @transform_7, window_bounds = array<i64: 4000, 128>}]} {
    %get3A = arith.constant 0 : index
    %get3A_0 = arith.constant 0 : index
    %get3A_1 = vector.load %arg1[%get3A, %get3A_0] : memref<4000x128xf32, #tpu.memory_space<vmem>>, vector<4000x128xf32>
    %get3A_2 = arith.constant 0 : index
    %get3A_3 = arith.constant 0 : index
    %get3A_4 = vector.load %arg2[%get3A_2, %get3A_3] : memref<4000x128xf32, #tpu.memory_space<vmem>>, vector<4000x128xf32>
    %concatenate3A = tpu.concatenate %get3A_1, %get3A_4 in 1 : vector<4000x128xf32>, vector<4000x128xf32> -> vector<4000x256xf32>
    %get3A_5 = arith.constant 0 : index
    %get3A_6 = arith.constant 0 : index
    %get3A_7 = vector.load %arg4[%get3A_5, %get3A_6] : memref<256x128xbf16, #tpu.memory_space<vmem>>, vector<256x128xbf16>
    %dot_general3A = arith.constant dense<0.000000e+00> : vector<4000x128xf32>
    %dot_general3A_8 = tpu.matmul %concatenate3A, %get3A_7, %dot_general3A {dimension_numbers = #tpu.dot_dimension_numbers<[1], [0], [0], [1], [0, 0, 1, 1], [], []>, transpose_lhs_hint = false} : vector<4000x256xf32>, vector<256x128xbf16>, vector<4000x128xf32> -> vector<4000x128xf32>
    %convert_element_type3A = arith.truncf %dot_general3A_8 : vector<4000x128xf32> to vector<4000x128xbf16>
    %get3A_9 = arith.constant 0 : index
    %get3A_10 = arith.constant 0 : index
    %get3A_11 = vector.load %arg6[%get3A_9, %get3A_10] : memref<5x128xbf16, #tpu.memory_space<vmem>>, vector<1x128xbf16>
    %get3A_12 = vector.shape_cast %get3A_11 : vector<1x128xbf16> to vector<128xbf16>
    %broadcast_in_dim3A = vector.shape_cast %get3A_12 : vector<128xbf16> to vector<1x128xbf16>
    %add3A = vector.broadcast %broadcast_in_dim3A : vector<1x128xbf16> to vector<4000x128xbf16>
    %add3A_13 = arith.addf %convert_element_type3A, %add3A : vector<4000x128xbf16>
    %max3A = arith.constant 0.000000e+00 : bf16
    %max3A_14 = vector.broadcast %max3A : bf16 to vector<4000x128xbf16>
    %max3A_15 = arith.maximumf %add3A_13, %max3A_14 : vector<4000x128xbf16>
    %get3A_16 = arith.constant 0 : index
    %get3A_17 = arith.constant 0 : index
    %get3A_18 = vector.load %arg7[%get3A_16, %get3A_17] : memref<1x128xf32, #tpu.memory_space<vmem>>, vector<1x128xf32>
    %get3A_19 = arith.constant 0 : index
    %get3A_20 = arith.constant 0 : index
    %get3A_21 = arith.constant 0 : index
    %get3A_22 = vector.load %arg5[%get3A_19, %get3A_20, %get3A_21] : memref<5x128x128xbf16, #tpu.memory_space<vmem>>, vector<1x128x128xbf16>
    %get3A_23 = vector.shape_cast %get3A_22 : vector<1x128x128xbf16> to vector<128x128xbf16>
    %dot_general3A_24 = arith.constant dense<0.000000e+00> : vector<4000x128xf32>
    %dot_general3A_25 = tpu.matmul %max3A_15, %get3A_23, %dot_general3A_24 {dimension_numbers = #tpu.dot_dimension_numbers<[1], [0], [0], [1], [0, 0, 1, 1], [], []>, transpose_lhs_hint = false} : vector<4000x128xbf16>, vector<128x128xbf16>, vector<4000x128xf32> -> vector<4000x128xf32>
    %convert_element_type3A_26 = arith.truncf %dot_general3A_25 : vector<4000x128xf32> to vector<4000x128xbf16>
    %get3A_27 = arith.constant 1 : index
    %get3A_28 = arith.constant 0 : index
    %get3A_29 = vector.load %arg6[%get3A_27, %get3A_28] : memref<5x128xbf16, #tpu.memory_space<vmem>>, vector<1x128xbf16>
    %get3A_30 = vector.shape_cast %get3A_29 : vector<1x128xbf16> to vector<128xbf16>
    %broadcast_in_dim3A_31 = vector.shape_cast %get3A_30 : vector<128xbf16> to vector<1x128xbf16>
    %add3A_32 = vector.broadcast %broadcast_in_dim3A_31 : vector<1x128xbf16> to vector<4000x128xbf16>
    %add3A_33 = arith.addf %convert_element_type3A_26, %add3A_32 : vector<4000x128xbf16>
    %max3A_34 = arith.constant 0.000000e+00 : bf16
    %max3A_35 = vector.broadcast %max3A_34 : bf16 to vector<4000x128xbf16>
    %max3A_36 = arith.maximumf %add3A_33, %max3A_35 : vector<4000x128xbf16>
    %get3A_37 = arith.constant 1 : index
    %get3A_38 = arith.constant 0 : index
    %get3A_39 = arith.constant 0 : index
    %get3A_40 = vector.load %arg5[%get3A_37, %get3A_38, %get3A_39] : memref<5x128x128xbf16, #tpu.memory_space<vmem>>, vector<1x128x128xbf16>
    %get3A_41 = vector.shape_cast %get3A_40 : vector<1x128x128xbf16> to vector<128x128xbf16>
    %dot_general3A_42 = arith.constant dense<0.000000e+00> : vector<4000x128xf32>
    %dot_general3A_43 = tpu.matmul %max3A_36, %get3A_41, %dot_general3A_42 {dimension_numbers = #tpu.dot_dimension_numbers<[1], [0], [0], [1], [0, 0, 1, 1], [], []>, transpose_lhs_hint = false} : vector<4000x128xbf16>, vector<128x128xbf16>, vector<4000x128xf32> -> vector<4000x128xf32>
    %convert_element_type3A_44 = arith.truncf %dot_general3A_43 : vector<4000x128xf32> to vector<4000x128xbf16>
    %get3A_45 = arith.constant 2 : index
    %get3A_46 = arith.constant 0 : index
    %get3A_47 = vector.load %arg6[%get3A_45, %get3A_46] : memref<5x128xbf16, #tpu.memory_space<vmem>>, vector<1x128xbf16>
    %get3A_48 = vector.shape_cast %get3A_47 : vector<1x128xbf16> to vector<128xbf16>
    %broadcast_in_dim3A_49 = vector.shape_cast %get3A_48 : vector<128xbf16> to vector<1x128xbf16>
    %add3A_50 = vector.broadcast %broadcast_in_dim3A_49 : vector<1x128xbf16> to vector<4000x128xbf16>
    %add3A_51 = arith.addf %convert_element_type3A_44, %add3A_50 : vector<4000x128xbf16>
    %max3A_52 = arith.constant 0.000000e+00 : bf16
    %max3A_53 = vector.broadcast %max3A_52 : bf16 to vector<4000x128xbf16>
    %max3A_54 = arith.maximumf %add3A_51, %max3A_53 : vector<4000x128xbf16>
    %get3A_55 = arith.constant 2 : index
    %get3A_56 = arith.constant 0 : index
    %get3A_57 = arith.constant 0 : index
    %get3A_58 = vector.load %arg5[%get3A_55, %get3A_56, %get3A_57] : memref<5x128x128xbf16, #tpu.memory_space<vmem>>, vector<1x128x128xbf16>
    %get3A_59 = vector.shape_cast %get3A_58 : vector<1x128x128xbf16> to vector<128x128xbf16>
    %dot_general3A_60 = arith.constant dense<0.000000e+00> : vector<4000x128xf32>
    %dot_general3A_61 = tpu.matmul %max3A_54, %get3A_59, %dot_general3A_60 {dimension_numbers = #tpu.dot_dimension_numbers<[1], [0], [0], [1], [0, 0, 1, 1], [], []>, transpose_lhs_hint = false} : vector<4000x128xbf16>, vector<128x128xbf16>, vector<4000x128xf32> -> vector<4000x128xf32>
    %convert_element_type3A_62 = arith.truncf %dot_general3A_61 : vector<4000x128xf32> to vector<4000x128xbf16>
    %get3A_63 = arith.constant 3 : index
    %get3A_64 = arith.constant 0 : index
    %get3A_65 = vector.load %arg6[%get3A_63, %get3A_64] : memref<5x128xbf16, #tpu.memory_space<vmem>>, vector<1x128xbf16>
    %get3A_66 = vector.shape_cast %get3A_65 : vector<1x128xbf16> to vector<128xbf16>
    %broadcast_in_dim3A_67 = vector.shape_cast %get3A_66 : vector<128xbf16> to vector<1x128xbf16>
    %add3A_68 = vector.broadcast %broadcast_in_dim3A_67 : vector<1x128xbf16> to vector<4000x128xbf16>
    %add3A_69 = arith.addf %convert_element_type3A_62, %add3A_68 : vector<4000x128xbf16>
    %max3A_70 = arith.constant 0.000000e+00 : bf16
    %max3A_71 = vector.broadcast %max3A_70 : bf16 to vector<4000x128xbf16>
    %max3A_72 = arith.maximumf %add3A_69, %max3A_71 : vector<4000x128xbf16>
    %get3A_73 = arith.constant 3 : index
    %get3A_74 = arith.constant 0 : index
    %get3A_75 = arith.constant 0 : index
    %get3A_76 = vector.load %arg5[%get3A_73, %get3A_74, %get3A_75] : memref<5x128x128xbf16, #tpu.memory_space<vmem>>, vector<1x128x128xbf16>
    %get3A_77 = vector.shape_cast %get3A_76 : vector<1x128x128xbf16> to vector<128x128xbf16>
    %dot_general3A_78 = arith.constant dense<0.000000e+00> : vector<4000x128xf32>
    %dot_general3A_79 = tpu.matmul %max3A_72, %get3A_77, %dot_general3A_78 {dimension_numbers = #tpu.dot_dimension_numbers<[1], [0], [0], [1], [0, 0, 1, 1], [], []>, transpose_lhs_hint = false} : vector<4000x128xbf16>, vector<128x128xbf16>, vector<4000x128xf32> -> vector<4000x128xf32>
    %convert_element_type3A_80 = arith.truncf %dot_general3A_79 : vector<4000x128xf32> to vector<4000x128xbf16>
    %get3A_81 = arith.constant 4 : index
    %get3A_82 = arith.constant 0 : index
    %get3A_83 = vector.load %arg6[%get3A_81, %get3A_82] : memref<5x128xbf16, #tpu.memory_space<vmem>>, vector<1x128xbf16>
    %get3A_84 = vector.shape_cast %get3A_83 : vector<1x128xbf16> to vector<128xbf16>
    %broadcast_in_dim3A_85 = vector.shape_cast %get3A_84 : vector<128xbf16> to vector<1x128xbf16>
    %add3A_86 = vector.broadcast %broadcast_in_dim3A_85 : vector<1x128xbf16> to vector<4000x128xbf16>
    %add3A_87 = arith.addf %convert_element_type3A_80, %add3A_86 : vector<4000x128xbf16>
    %max3A_88 = arith.constant 0.000000e+00 : bf16
    %max3A_89 = vector.broadcast %max3A_88 : bf16 to vector<4000x128xbf16>
    %max3A_90 = arith.maximumf %add3A_87, %max3A_89 : vector<4000x128xbf16>
    %get3A_91 = arith.constant 4 : index
    %get3A_92 = arith.constant 0 : index
    %get3A_93 = arith.constant 0 : index
    %get3A_94 = vector.load %arg5[%get3A_91, %get3A_92, %get3A_93] : memref<5x128x128xbf16, #tpu.memory_space<vmem>>, vector<1x128x128xbf16>
    %get3A_95 = vector.shape_cast %get3A_94 : vector<1x128x128xbf16> to vector<128x128xbf16>
    %dot_general3A_96 = arith.constant dense<0.000000e+00> : vector<4000x128xf32>
    %dot_general3A_97 = tpu.matmul %max3A_90, %get3A_95, %dot_general3A_96 {dimension_numbers = #tpu.dot_dimension_numbers<[1], [0], [0], [1], [0, 0, 1, 1], [], []>, transpose_lhs_hint = false} : vector<4000x128xbf16>, vector<128x128xbf16>, vector<4000x128xf32> -> vector<4000x128xf32>
    %add3A_98 = vector.broadcast %get3A_18 : vector<1x128xf32> to vector<4000x128xf32>
    %add3A_99 = arith.addf %dot_general3A_97, %add3A_98 : vector<4000x128xf32>
    %get3A_100 = arith.constant 0 : index
    %get3A_101 = arith.constant 0 : index
    %get3A_102 = vector.load %arg3[%get3A_100, %get3A_101] : memref<4000x1xf32, #tpu.memory_space<vmem>>, vector<4000x1xf32>
    %mul3A = vector.broadcast %get3A_102 : vector<4000x1xf32> to vector<4000x128xf32>
    %mul3A_103 = arith.mulf %add3A_99, %mul3A : vector<4000x128xf32>
    %swap3A = arith.constant 0 : index
    %swap3A_104 = arith.constant 0 : index
    %swap3A_105 = vector.load %arg8[%swap3A, %swap3A_104] : memref<4000x128xf32, #tpu.memory_space<vmem>>, vector<4000x128xf32>
    tpu.vector_store %arg8[%swap3A, %swap3A_104], %mul3A_103 {strides = array<i32>} : memref<4000x128xf32, #tpu.memory_space<vmem>>, vector<4000x128xf32>,
    return
  }
  func.func @transform_0(%arg0: i32) -> (i32, i32) {
    %add3A = arith.constant 0 : i32
    %add3A_0 = arith.addi %arg0, %add3A : i32
    %c0_i32 = arith.constant 0 : i32
    %c0_i32_1 = arith.constant 0 : i32
    return %add3A_0, %c0_i32 : i32, i32
  }
  func.func @transform_1(%arg0: i32) -> (i32, i32) {
    %add3A = arith.constant 0 : i32
    %add3A_0 = arith.addi %arg0, %add3A : i32
    %add3A_1 = arith.constant 20 : i32
    %add3A_2 = arith.addi %add3A_0, %add3A_1 : i32
    %c0_i32 = arith.constant 0 : i32
    %c0_i32_3 = arith.constant 0 : i32
    return %add3A_2, %c0_i32 : i32, i32
  }
  func.func @transform_2(%arg0: i32) -> (i32, i32) {
    %add3A = arith.constant 0 : i32
    %add3A_0 = arith.addi %arg0, %add3A : i32
    %c0_i32 = arith.constant 0 : i32
    %c0_i32_1 = arith.constant 0 : i32
    return %add3A_0, %c0_i32 : i32, i32
  }
  func.func @transform_3(%arg0: i32) -> (i32, i32) {
    %c0_i32 = arith.constant 0 : i32
    %c0_i32_0 = arith.constant 0 : i32
    %c0_i32_1 = arith.constant 0 : i32
    return %c0_i32, %c0_i32_0 : i32, i32
  }
  func.func @transform_4(%arg0: i32) -> (i32, i32, i32) {
    %c0_i32 = arith.constant 0 : i32
    %c0_i32_0 = arith.constant 0 : i32
    %c0_i32_1 = arith.constant 0 : i32
    %c0_i32_2 = arith.constant 0 : i32
    return %c0_i32, %c0_i32_0, %c0_i32_1 : i32, i32, i32
  }
  func.func @transform_5(%arg0: i32) -> (i32, i32) {
    %c0_i32 = arith.constant 0 : i32
    %c0_i32_0 = arith.constant 0 : i32
    %c0_i32_1 = arith.constant 0 : i32
    return %c0_i32, %c0_i32_0 : i32, i32
  }
  func.func @transform_6(%arg0: i32) -> (i32, i32) {
    %c0_i32 = arith.constant 0 : i32
    %c0_i32_0 = arith.constant 0 : i32
    %c0_i32_1 = arith.constant 0 : i32
    return %c0_i32, %c0_i32_0 : i32, i32
  }
  func.func @transform_7(%arg0: i32) -> (i32, i32) {
    %c0_i32 = arith.constant 0 : i32
    %c0_i32_0 = arith.constant 0 : i32
    return %arg0, %c0_i32 : i32, i32
  }
}

module attributes {stable_mosaic.version = 14 : i64} {
  func.func @_msg_body(%arg0: i32, %arg1: memref<4000x128xf32, #tpu.memory_space<vmem>>, %arg2: memref<4000x128xf32, #tpu.memory_space<vmem>>, %arg3: memref<4000x1xf32, #tpu.memory_space<vmem>>, %arg4: memref<256x128xbf16, #tpu.memory_space<vmem>>, %arg5: memref<5x128x128xbf16, #tpu.memory_space<vmem>>, %arg6: memref<5x128xbf16, #tpu.memory_space<vmem>>, %arg7: memref<1x128xf32, #tpu.memory_space<vmem>>, %arg8: memref<4000x128xf32, #tpu.memory_space<vmem>>) attributes {dimension_semantics = [#tpu.dimension_semantics<arbitrary>], iteration_bounds = array<i64: 20>, scalar_prefetch = 0 : i64, scratch_operands = 0 : i64, tpu.core_type = #tpu.core_type<tc>, window_params = [{transform_indices = @transform_0, window_bounds = array<i64: 4000, 128>}, {transform_indices = @transform_1, window_bounds = array<i64: 4000, 128>}, {transform_indices = @transform_2, window_bounds = array<i64: 4000, 1>}, {pipeline_mode = #tpu.pipeline_mode<synchronous>, transform_indices = @transform_3, window_bounds = array<i64: 256, 128>}, {pipeline_mode = #tpu.pipeline_mode<synchronous>, transform_indices = @transform_4, window_bounds = array<i64: 5, 128, 128>}, {pipeline_mode = #tpu.pipeline_mode<synchronous>, transform_indices = @transform_5, window_bounds = array<i64: 5, 128>}, {pipeline_mode = #tpu.pipeline_mode<synchronous>, transform_indices = @transform_6, window_bounds = array<i64: 1, 128>}, {transform_indices = @transform_7, window_bounds = array<i64: 4000, 128>}]} {
    %get3A = arith.constant 0 : index
    %get3A_0 = arith.constant 0 : index
    %get3A_1 = vector.load %arg1[%get3A, %get3A_0] : memref<4000x128xf32, #tpu.memory_space<vmem>>, vector<4000x128xf32>
    %get3A_2 = arith.constant 0 : index
    %get3A_3 = arith.constant 0 : index
    %get3A_4 = vector.load %arg2[%get3A_2, %get3A_3] : memref<4000x128xf32, #tpu.memory_space<vmem>>, vector<4000x128xf32>
    %concatenate3A = tpu.concatenate %get3A_1, %get3A_4 in 1 : vector<4000x128xf32>, vector<4000x128xf32> -> vector<4000x256xf32>
    %get3A_5 = arith.constant 0 : index
    %get3A_6 = arith.constant 0 : index
    %get3A_7 = vector.load %arg4[%get3A_5, %get3A_6] : memref<256x128xbf16, #tpu.memory_space<vmem>>, vector<256x128xbf16>
    %dot_general3A = arith.constant dense<0.000000e+00> : vector<4000x128xf32>
    %dot_general3A_8 = tpu.matmul %concatenate3A, %get3A_7, %dot_general3A {dimension_numbers = #tpu.dot_dimension_numbers<[1], [0], [0], [1], [0, 0, 1, 1], [], []>, transpose_lhs_hint = false} : vector<4000x256xf32>, vector<256x128xbf16>, vector<4000x128xf32> -> vector<4000x128xf32>
    %convert_element_type3A = arith.truncf %dot_general3A_8 : vector<4000x128xf32> to vector<4000x128xbf16>
    %get3A_9 = arith.constant 0 : index
    %get3A_10 = arith.constant 0 : index
    %get3A_11 = vector.load %arg6[%get3A_9, %get3A_10] : memref<5x128xbf16, #tpu.memory_space<vmem>>, vector<1x128xbf16>
    %get3A_12 = vector.shape_cast %get3A_11 : vector<1x128xbf16> to vector<128xbf16>
    %broadcast_in_dim3A = vector.shape_cast %get3A_12 : vector<128xbf16> to vector<1x128xbf16>
    %add3A = vector.broadcast %broadcast_in_dim3A : vector<1x128xbf16> to vector<4000x128xbf16>
    %add3A_13 = arith.addf %convert_element_type3A, %add3A : vector<4000x128xbf16>
    %max3A = arith.constant 0.000000e+00 : bf16
    %max3A_14 = vector.broadcast %max3A : bf16 to vector<4000x128xbf16>
    %max3A_15 = arith.maximumf %add3A_13, %max3A_14 : vector<4000x128xbf16>
    %get3A_16 = arith.constant 0 : index
    %get3A_17 = arith.constant 0 : index
    %get3A_18 = vector.load %arg7[%get3A_16, %get3A_17] : memref<1x128xf32, #tpu.memory_space<vmem>>, vector<1x128xf32>
    %get3A_19 = arith.constant 0 : index
    %get3A_20 = arith.constant 0 : index
    %get3A_21 = arith.constant 0 : index
    %get3A_22 = vector.load %arg5[%get3A_19, %get3A_20, %get3A_21] : memref<5x128x128xbf16, #tpu.memory_space<vmem>>, vector<1x128x128xbf16>
    %get3A_23 = vector.shape_cast %get3A_22 : vector<1x128x128xbf16> to vector<128x128xbf16>
    %dot_general3A_24 = arith.constant dense<0.000000e+00> : vector<4000x128xf32>
    %dot_general3A_25 = tpu.matmul %max3A_15, %get3A_23, %dot_general3A_24 {dimension_numbers = #tpu.dot_dimension_numbers<[1], [0], [0], [1], [0, 0, 1, 1], [], []>, transpose_lhs_hint = false} : vector<4000x128xbf16>, vector<128x128xbf16>, vector<4000x128xf32> -> vector<4000x128xf32>
    %convert_element_type3A_26 = arith.truncf %dot_general3A_25 : vector<4000x128xf32> to vector<4000x128xbf16>
    %get3A_27 = arith.constant 1 : index
    %get3A_28 = arith.constant 0 : index
    %get3A_29 = vector.load %arg6[%get3A_27, %get3A_28] : memref<5x128xbf16, #tpu.memory_space<vmem>>, vector<1x128xbf16>
    %get3A_30 = vector.shape_cast %get3A_29 : vector<1x128xbf16> to vector<128xbf16>
    %broadcast_in_dim3A_31 = vector.shape_cast %get3A_30 : vector<128xbf16> to vector<1x128xbf16>
    %add3A_32 = vector.broadcast %broadcast_in_dim3A_31 : vector<1x128xbf16> to vector<4000x128xbf16>
    %add3A_33 = arith.addf %convert_element_type3A_26, %add3A_32 : vector<4000x128xbf16>
    %max3A_34 = arith.constant 0.000000e+00 : bf16
    %max3A_35 = vector.broadcast %max3A_34 : bf16 to vector<4000x128xbf16>
    %max3A_36 = arith.maximumf %add3A_33, %max3A_35 : vector<4000x128xbf16>
    %get3A_37 = arith.constant 1 : index
    %get3A_38 = arith.constant 0 : index
    %get3A_39 = arith.constant 0 : index
    %get3A_40 = vector.load %arg5[%get3A_37, %get3A_38, %get3A_39] : memref<5x128x128xbf16, #tpu.memory_space<vmem>>, vector<1x128x128xbf16>
    %get3A_41 = vector.shape_cast %get3A_40 : vector<1x128x128xbf16> to vector<128x128xbf16>
    %dot_general3A_42 = arith.constant dense<0.000000e+00> : vector<4000x128xf32>
    %dot_general3A_43 = tpu.matmul %max3A_36, %get3A_41, %dot_general3A_42 {dimension_numbers = #tpu.dot_dimension_numbers<[1], [0], [0], [1], [0, 0, 1, 1], [], []>, transpose_lhs_hint = false} : vector<4000x128xbf16>, vector<128x128xbf16>, vector<4000x128xf32> -> vector<4000x128xf32>
    %convert_element_type3A_44 = arith.truncf %dot_general3A_43 : vector<4000x128xf32> to vector<4000x128xbf16>
    %get3A_45 = arith.constant 2 : index
    %get3A_46 = arith.constant 0 : index
    %get3A_47 = vector.load %arg6[%get3A_45, %get3A_46] : memref<5x128xbf16, #tpu.memory_space<vmem>>, vector<1x128xbf16>
    %get3A_48 = vector.shape_cast %get3A_47 : vector<1x128xbf16> to vector<128xbf16>
    %broadcast_in_dim3A_49 = vector.shape_cast %get3A_48 : vector<128xbf16> to vector<1x128xbf16>
    %add3A_50 = vector.broadcast %broadcast_in_dim3A_49 : vector<1x128xbf16> to vector<4000x128xbf16>
    %add3A_51 = arith.addf %convert_element_type3A_44, %add3A_50 : vector<4000x128xbf16>
    %max3A_52 = arith.constant 0.000000e+00 : bf16
    %max3A_53 = vector.broadcast %max3A_52 : bf16 to vector<4000x128xbf16>
    %max3A_54 = arith.maximumf %add3A_51, %max3A_53 : vector<4000x128xbf16>
    %get3A_55 = arith.constant 2 : index
    %get3A_56 = arith.constant 0 : index
    %get3A_57 = arith.constant 0 : index
    %get3A_58 = vector.load %arg5[%get3A_55, %get3A_56, %get3A_57] : memref<5x128x128xbf16, #tpu.memory_space<vmem>>, vector<1x128x128xbf16>
    %get3A_59 = vector.shape_cast %get3A_58 : vector<1x128x128xbf16> to vector<128x128xbf16>
    %dot_general3A_60 = arith.constant dense<0.000000e+00> : vector<4000x128xf32>
    %dot_general3A_61 = tpu.matmul %max3A_54, %get3A_59, %dot_general3A_60 {dimension_numbers = #tpu.dot_dimension_numbers<[1], [0], [0], [1], [0, 0, 1, 1], [], []>, transpose_lhs_hint = false} : vector<4000x128xbf16>, vector<128x128xbf16>, vector<4000x128xf32> -> vector<4000x128xf32>
    %convert_element_type3A_62 = arith.truncf %dot_general3A_61 : vector<4000x128xf32> to vector<4000x128xbf16>
    %get3A_63 = arith.constant 3 : index
    %get3A_64 = arith.constant 0 : index
    %get3A_65 = vector.load %arg6[%get3A_63, %get3A_64] : memref<5x128xbf16, #tpu.memory_space<vmem>>, vector<1x128xbf16>
    %get3A_66 = vector.shape_cast %get3A_65 : vector<1x128xbf16> to vector<128xbf16>
    %broadcast_in_dim3A_67 = vector.shape_cast %get3A_66 : vector<128xbf16> to vector<1x128xbf16>
    %add3A_68 = vector.broadcast %broadcast_in_dim3A_67 : vector<1x128xbf16> to vector<4000x128xbf16>
    %add3A_69 = arith.addf %convert_element_type3A_62, %add3A_68 : vector<4000x128xbf16>
    %max3A_70 = arith.constant 0.000000e+00 : bf16
    %max3A_71 = vector.broadcast %max3A_70 : bf16 to vector<4000x128xbf16>
    %max3A_72 = arith.maximumf %add3A_69, %max3A_71 : vector<4000x128xbf16>
    %get3A_73 = arith.constant 3 : index
    %get3A_74 = arith.constant 0 : index
    %get3A_75 = arith.constant 0 : index
    %get3A_76 = vector.load %arg5[%get3A_73, %get3A_74, %get3A_75] : memref<5x128x128xbf16, #tpu.memory_space<vmem>>, vector<1x128x128xbf16>
    %get3A_77 = vector.shape_cast %get3A_76 : vector<1x128x128xbf16> to vector<128x128xbf16>
    %dot_general3A_78 = arith.constant dense<0.000000e+00> : vector<4000x128xf32>
    %dot_general3A_79 = tpu.matmul %max3A_72, %get3A_77, %dot_general3A_78 {dimension_numbers = #tpu.dot_dimension_numbers<[1], [0], [0], [1], [0, 0, 1, 1], [], []>, transpose_lhs_hint = false} : vector<4000x128xbf16>, vector<128x128xbf16>, vector<4000x128xf32> -> vector<4000x128xf32>
    %convert_element_type3A_80 = arith.truncf %dot_general3A_79 : vector<4000x128xf32> to vector<4000x128xbf16>
    %get3A_81 = arith.constant 4 : index
    %get3A_82 = arith.constant 0 : index
    %get3A_83 = vector.load %arg6[%get3A_81, %get3A_82] : memref<5x128xbf16, #tpu.memory_space<vmem>>, vector<1x128xbf16>
    %get3A_84 = vector.shape_cast %get3A_83 : vector<1x128xbf16> to vector<128xbf16>
    %broadcast_in_dim3A_85 = vector.shape_cast %get3A_84 : vector<128xbf16> to vector<1x128xbf16>
    %add3A_86 = vector.broadcast %broadcast_in_dim3A_85 : vector<1x128xbf16> to vector<4000x128xbf16>
    %add3A_87 = arith.addf %convert_element_type3A_80, %add3A_86 : vector<4000x128xbf16>
    %max3A_88 = arith.constant 0.000000e+00 : bf16
    %max3A_89 = vector.broadcast %max3A_88 : bf16 to vector<4000x128xbf16>
    %max3A_90 = arith.maximumf %add3A_87, %max3A_89 : vector<4000x128xbf16>
    %get3A_91 = arith.constant 4 : index
    %get3A_92 = arith.constant 0 : index
    %get3A_93 = arith.constant 0 : index
    %get3A_94 = vector.load %arg5[%get3A_91, %get3A_92, %get3A_93] : memref<5x128x128xbf16, #tpu.memory_space<vmem>>, vector<1x128x128xbf16>
    %get3A_95 = vector.shape_cast %get3A_94 : vector<1x128x128xbf16> to vector<128x128xbf16>
    %dot_general3A_96 = arith.constant dense<0.000000e+00> : vector<4000x128xf32>
    %dot_general3A_97 = tpu.matmul %max3A_90, %get3A_95, %dot_general3A_96 {dimension_numbers = #tpu.dot_dimension_numbers<[1], [0], [0], [1], [0, 0, 1, 1], [], []>, transpose_lhs_hint = false} : vector<4000x128xbf16>, vector<128x128xbf16>, vector<4000x128xf32> -> vector<4000x128xf32>
    %add3A_98 = vector.broadcast %get3A_18 : vector<1x128xf32> to vector<4000x128xf32>
    %add3A_99 = arith.addf %dot_general3A_97, %add3A_98 : vector<4000x128xf32>
    %get3A_100 = arith.constant 0 : index
    %get3A_101 = arith.constant 0 : index
    %get3A_102 = vector.load %arg3[%get3A_100, %get3A_101] : memref<4000x1xf32, #tpu.memory_space<vmem>>, vector<4000x1xf32>
    %mul3A = vector.broadcast %get3A_102 : vector<4000x1xf32> to vector<4000x128xf32>
    %mul3A_103 = arith.mulf %add3A_99, %mul3A : vector<4000x128xf32>
    %swap3A = arith.constant 0 : index
    %swap3A_104 = arith.constant 0 : index
    %swap3A_105 = vector.load %arg8[%swap3A, %swap3A_104] : memref<4000x128xf32, #tpu.memory_space<vmem>>, vector<4000x128xf32>
    tpu.vector_store %arg8[%swap3A, %swap3A_104], %mul3A_103 {strides = array<i32>} : memref<4000x128xf32, #tpu.memory_space<vmem>>, vector<4000x128xf32>,
    return
  }
  func.func @transform_0(%arg0: i32) -> (i32, i32) {
    %add3A = arith.constant 0 : i32
    %add3A_0 = arith.addi %arg0, %add3A : i32
    %c0_i32 = arith.constant 0 : i32
    %c0_i32_1 = arith.constant 0 : i32
    return %add3A_0, %c0_i32 : i32, i32
  }
  func.func @transform_1(%arg0: i32) -> (i32, i32) {
    %add3A = arith.constant 0 : i32
    %add3A_0 = arith.addi %arg0, %add3A : i32
    %add3A_1 = arith.constant 20 : i32
    %add3A_2 = arith.addi %add3A_0, %add3A_1 : i32
    %c0_i32 = arith.constant 0 : i32
    %c0_i32_3 = arith.constant 0 : i32
    return %add3A_2, %c0_i32 : i32, i32
  }
  func.func @transform_2(%arg0: i32) -> (i32, i32) {
    %add3A = arith.constant 0 : i32
    %add3A_0 = arith.addi %arg0, %add3A : i32
    %c0_i32 = arith.constant 0 : i32
    %c0_i32_1 = arith.constant 0 : i32
    return %add3A_0, %c0_i32 : i32, i32
  }
  func.func @transform_3(%arg0: i32) -> (i32, i32) {
    %c0_i32 = arith.constant 0 : i32
    %c0_i32_0 = arith.constant 0 : i32
    %c0_i32_1 = arith.constant 0 : i32
    return %c0_i32, %c0_i32_0 : i32, i32
  }
  func.func @transform_4(%arg0: i32) -> (i32, i32, i32) {
    %c0_i32 = arith.constant 0 : i32
    %c0_i32_0 = arith.constant 0 : i32
    %c0_i32_1 = arith.constant 0 : i32
    %c0_i32_2 = arith.constant 0 : i32
    return %c0_i32, %c0_i32_0, %c0_i32_1 : i32, i32, i32
  }
  func.func @transform_5(%arg0: i32) -> (i32, i32) {
    %c0_i32 = arith.constant 0 : i32
    %c0_i32_0 = arith.constant 0 : i32
    %c0_i32_1 = arith.constant 0 : i32
    return %c0_i32, %c0_i32_0 : i32, i32
  }
  func.func @transform_6(%arg0: i32) -> (i32, i32) {
    %c0_i32 = arith.constant 0 : i32
    %c0_i32_0 = arith.constant 0 : i32
    %c0_i32_1 = arith.constant 0 : i32
    return %c0_i32, %c0_i32_0 : i32, i32
  }
  func.func @transform_7(%arg0: i32) -> (i32, i32) {
    %c0_i32 = arith.constant 0 : i32
    %c0_i32_0 = arith.constant 0 : i32
    return %arg0, %c0_i32 : i32, i32
  }
}

module attributes {stable_mosaic.version = 14 : i64} {
  func.func @_upd_body(%arg0: i32, %arg1: memref<2000x128xf32, #tpu.memory_space<vmem>>, %arg2: memref<2x2000x128xf32, #tpu.memory_space<vmem>>, %arg3: memref<2x2000x128xf32, #tpu.memory_space<vmem>>, %arg4: memref<2x2000x128xf32, #tpu.memory_space<vmem>>, %arg5: memref<256x128xbf16, #tpu.memory_space<vmem>>, %arg6: memref<1x128xf32, #tpu.memory_space<vmem>>, %arg7: memref<2000x128xf32, #tpu.memory_space<vmem>>) attributes {dimension_semantics = [#tpu.dimension_semantics<arbitrary>], iteration_bounds = array<i64: 5>, scalar_prefetch = 0 : i64, scratch_operands = 0 : i64, tpu.core_type = #tpu.core_type<tc>, window_params = [{transform_indices = @transform_0, window_bounds = array<i64: 2000, 128>}, {transform_indices = @transform_1, window_bounds = array<i64: 2, 2000, 128>}, {transform_indices = @transform_2, window_bounds = array<i64: 2, 2000, 128>}, {transform_indices = @transform_3, window_bounds = array<i64: 2, 2000, 128>}, {pipeline_mode = #tpu.pipeline_mode<synchronous>, transform_indices = @transform_4, window_bounds = array<i64: 256, 128>}, {pipeline_mode = #tpu.pipeline_mode<synchronous>, transform_indices = @transform_5, window_bounds = array<i64: 1, 128>}, {transform_indices = @transform_6, window_bounds = array<i64: 2000, 128>}]} {
    %get3A = arith.constant 0 : index
    %get3A_0 = arith.constant 0 : index
    %get3A_1 = arith.constant 0 : index
    %get3A_2 = vector.load %arg2[%get3A, %get3A_0, %get3A_1] : memref<2x2000x128xf32, #tpu.memory_space<vmem>>, vector<1x2000x128xf32>
    %get3A_3 = vector.shape_cast %get3A_2 : vector<1x2000x128xf32> to vector<2000x128xf32>
    %get3A_4 = arith.constant 1 : index
    %get3A_5 = arith.constant 0 : index
    %get3A_6 = arith.constant 0 : index
    %get3A_7 = vector.load %arg2[%get3A_4, %get3A_5, %get3A_6] : memref<2x2000x128xf32, #tpu.memory_space<vmem>>, vector<1x2000x128xf32>
    %get3A_8 = vector.shape_cast %get3A_7 : vector<1x2000x128xf32> to vector<2000x128xf32>
    %add3A = arith.addf %get3A_3, %get3A_8 : vector<2000x128xf32>
    %get3A_9 = arith.constant 0 : index
    %get3A_10 = arith.constant 0 : index
    %get3A_11 = arith.constant 0 : index
    %get3A_12 = vector.load %arg3[%get3A_9, %get3A_10, %get3A_11] : memref<2x2000x128xf32, #tpu.memory_space<vmem>>, vector<1x2000x128xf32>
    %get3A_13 = vector.shape_cast %get3A_12 : vector<1x2000x128xf32> to vector<2000x128xf32>
    %get3A_14 = arith.constant 1 : index
    %get3A_15 = arith.constant 0 : index
    %get3A_16 = arith.constant 0 : index
    %get3A_17 = vector.load %arg3[%get3A_14, %get3A_15, %get3A_16] : memref<2x2000x128xf32, #tpu.memory_space<vmem>>, vector<1x2000x128xf32>
    %get3A_18 = vector.shape_cast %get3A_17 : vector<1x2000x128xf32> to vector<2000x128xf32>
    %add3A_19 = arith.addf %get3A_13, %get3A_18 : vector<2000x128xf32>
    %add3A_20 = arith.addf %add3A, %add3A_19 : vector<2000x128xf32>
    %get3A_21 = arith.constant 0 : index
    %get3A_22 = arith.constant 0 : index
    %get3A_23 = arith.constant 0 : index
    %get3A_24 = vector.load %arg4[%get3A_21, %get3A_22, %get3A_23] : memref<2x2000x128xf32, #tpu.memory_space<vmem>>, vector<1x2000x1xf32>
    %get3A_25 = vector.shape_cast %get3A_24 : vector<1x2000x1xf32> to vector<2000x1xf32>
    %get3A_26 = arith.constant 1 : index
    %get3A_27 = arith.constant 0 : index
    %get3A_28 = arith.constant 0 : index
    %get3A_29 = vector.load %arg4[%get3A_26, %get3A_27, %get3A_28] : memref<2x2000x128xf32, #tpu.memory_space<vmem>>, vector<1x2000x1xf32>
    %get3A_30 = vector.shape_cast %get3A_29 : vector<1x2000x1xf32> to vector<2000x1xf32>
    %add3A_31 = arith.addf %get3A_25, %get3A_30 : vector<2000x1xf32>
    %max3A = arith.constant 1.000000e+00 : f32
    %max3A_32 = vector.broadcast %max3A : f32 to vector<2000x1xf32>
    %max3A_33 = arith.maximumf %add3A_31, %max3A_32 : vector<2000x1xf32>
    %div3A = vector.broadcast %max3A_33 : vector<2000x1xf32> to vector<2000x128xf32>
    %div3A_34 = arith.divf %add3A_20, %div3A : vector<2000x128xf32>
    %get3A_35 = arith.constant 0 : index
    %get3A_36 = arith.constant 0 : index
    %get3A_37 = vector.load %arg1[%get3A_35, %get3A_36] : memref<2000x128xf32, #tpu.memory_space<vmem>>, vector<2000x128xf32>
    %concatenate3A = tpu.concatenate %get3A_37, %div3A_34 in 1 : vector<2000x128xf32>, vector<2000x128xf32> -> vector<2000x256xf32>
    %convert_element_type3A = arith.truncf %concatenate3A : vector<2000x256xf32> to vector<2000x256xbf16>
    %get3A_38 = arith.constant 0 : index
    %get3A_39 = arith.constant 0 : index
    %get3A_40 = vector.load %arg5[%get3A_38, %get3A_39] : memref<256x128xbf16, #tpu.memory_space<vmem>>, vector<256x128xbf16>
    %dot_general3A = arith.constant dense<0.000000e+00> : vector<2000x128xf32>
    %dot_general3A_41 = tpu.matmul %convert_element_type3A, %get3A_40, %dot_general3A {dimension_numbers = #tpu.dot_dimension_numbers<[1], [0], [0], [1], [0, 0, 1, 1], [], []>, transpose_lhs_hint = false} : vector<2000x256xbf16>, vector<256x128xbf16>, vector<2000x128xf32> -> vector<2000x128xf32>
    %get3A_42 = arith.constant 0 : index
    %get3A_43 = arith.constant 0 : index
    %get3A_44 = vector.load %arg6[%get3A_42, %get3A_43] : memref<1x128xf32, #tpu.memory_space<vmem>>, vector<1x128xf32>
    %add3A_45 = vector.broadcast %get3A_44 : vector<1x128xf32> to vector<2000x128xf32>
    %add3A_46 = arith.addf %dot_general3A_41, %add3A_45 : vector<2000x128xf32>
    %max3A_47 = arith.constant 0.000000e+00 : f32
    %max3A_48 = vector.broadcast %max3A_47 : f32 to vector<2000x128xf32>
    %max3A_49 = arith.maximumf %add3A_46, %max3A_48 : vector<2000x128xf32>
    %swap3A = arith.constant 0 : index
    %swap3A_50 = arith.constant 0 : index
    %swap3A_51 = vector.load %arg7[%swap3A, %swap3A_50] : memref<2000x128xf32, #tpu.memory_space<vmem>>, vector<2000x128xf32>
    tpu.vector_store %arg7[%swap3A, %swap3A_50], %max3A_49 {strides = array<i32>} : memref<2000x128xf32, #tpu.memory_space<vmem>>, vector<2000x128xf32>,
    return
  }
  func.func @transform_0(%arg0: i32) -> (i32, i32) {
    %c0_i32 = arith.constant 0 : i32
    %c0_i32_0 = arith.constant 0 : i32
    return %arg0, %c0_i32 : i32, i32
  }
  func.func @transform_1(%arg0: i32) -> (i32, i32, i32) {
    %c0_i32 = arith.constant 0 : i32
    %c0_i32_0 = arith.constant 0 : i32
    %c0_i32_1 = arith.constant 0 : i32
    return %c0_i32, %arg0, %c0_i32_0 : i32, i32, i32
  }
  func.func @transform_2(%arg0: i32) -> (i32, i32, i32) {
    %c0_i32 = arith.constant 0 : i32
    %c0_i32_0 = arith.constant 0 : i32
    %c0_i32_1 = arith.constant 0 : i32
    return %c0_i32, %arg0, %c0_i32_0 : i32, i32, i32
  }
  func.func @transform_3(%arg0: i32) -> (i32, i32, i32) {
    %c0_i32 = arith.constant 0 : i32
    %c0_i32_0 = arith.constant 0 : i32
    %c0_i32_1 = arith.constant 0 : i32
    return %c0_i32, %arg0, %c0_i32_0 : i32, i32, i32
  }
  func.func @transform_4(%arg0: i32) -> (i32, i32) {
    %c0_i32 = arith.constant 0 : i32
    %c0_i32_0 = arith.constant 0 : i32
    %c0_i32_1 = arith.constant 0 : i32
    return %c0_i32, %c0_i32_0 : i32, i32
  }
  func.func @transform_5(%arg0: i32) -> (i32, i32) {
    %c0_i32 = arith.constant 0 : i32
    %c0_i32_0 = arith.constant 0 : i32
    %c0_i32_1 = arith.constant 0 : i32
    return %c0_i32, %c0_i32_0 : i32, i32
  }
  func.func @transform_6(%arg0: i32) -> (i32, i32) {
    %c0_i32 = arith.constant 0 : i32
    %c0_i32_0 = arith.constant 0 : i32
    return %arg0, %c0_i32 : i32, i32
  }
}

module attributes {stable_mosaic.version = 14 : i64} {
  func.func @_msg_body(%arg0: i32, %arg1: memref<4000x128xf32, #tpu.memory_space<vmem>>, %arg2: memref<4000x128xf32, #tpu.memory_space<vmem>>, %arg3: memref<4000x1xf32, #tpu.memory_space<vmem>>, %arg4: memref<256x128xbf16, #tpu.memory_space<vmem>>, %arg5: memref<5x128x128xbf16, #tpu.memory_space<vmem>>, %arg6: memref<5x128xbf16, #tpu.memory_space<vmem>>, %arg7: memref<1x128xf32, #tpu.memory_space<vmem>>, %arg8: memref<4000x128xf32, #tpu.memory_space<vmem>>) attributes {dimension_semantics = [#tpu.dimension_semantics<arbitrary>], iteration_bounds = array<i64: 20>, scalar_prefetch = 0 : i64, scratch_operands = 0 : i64, tpu.core_type = #tpu.core_type<tc>, window_params = [{transform_indices = @transform_0, window_bounds = array<i64: 4000, 128>}, {transform_indices = @transform_1, window_bounds = array<i64: 4000, 128>}, {transform_indices = @transform_2, window_bounds = array<i64: 4000, 1>}, {pipeline_mode = #tpu.pipeline_mode<synchronous>, transform_indices = @transform_3, window_bounds = array<i64: 256, 128>}, {pipeline_mode = #tpu.pipeline_mode<synchronous>, transform_indices = @transform_4, window_bounds = array<i64: 5, 128, 128>}, {pipeline_mode = #tpu.pipeline_mode<synchronous>, transform_indices = @transform_5, window_bounds = array<i64: 5, 128>}, {pipeline_mode = #tpu.pipeline_mode<synchronous>, transform_indices = @transform_6, window_bounds = array<i64: 1, 128>}, {transform_indices = @transform_7, window_bounds = array<i64: 4000, 128>}]} {
    %get3A = arith.constant 0 : index
    %get3A_0 = arith.constant 0 : index
    %get3A_1 = vector.load %arg1[%get3A, %get3A_0] : memref<4000x128xf32, #tpu.memory_space<vmem>>, vector<4000x128xf32>
    %get3A_2 = arith.constant 0 : index
    %get3A_3 = arith.constant 0 : index
    %get3A_4 = vector.load %arg2[%get3A_2, %get3A_3] : memref<4000x128xf32, #tpu.memory_space<vmem>>, vector<4000x128xf32>
    %concatenate3A = tpu.concatenate %get3A_1, %get3A_4 in 1 : vector<4000x128xf32>, vector<4000x128xf32> -> vector<4000x256xf32>
    %get3A_5 = arith.constant 0 : index
    %get3A_6 = arith.constant 0 : index
    %get3A_7 = vector.load %arg4[%get3A_5, %get3A_6] : memref<256x128xbf16, #tpu.memory_space<vmem>>, vector<256x128xbf16>
    %dot_general3A = arith.constant dense<0.000000e+00> : vector<4000x128xf32>
    %dot_general3A_8 = tpu.matmul %concatenate3A, %get3A_7, %dot_general3A {dimension_numbers = #tpu.dot_dimension_numbers<[1], [0], [0], [1], [0, 0, 1, 1], [], []>, transpose_lhs_hint = false} : vector<4000x256xf32>, vector<256x128xbf16>, vector<4000x128xf32> -> vector<4000x128xf32>
    %convert_element_type3A = arith.truncf %dot_general3A_8 : vector<4000x128xf32> to vector<4000x128xbf16>
    %get3A_9 = arith.constant 0 : index
    %get3A_10 = arith.constant 0 : index
    %get3A_11 = vector.load %arg6[%get3A_9, %get3A_10] : memref<5x128xbf16, #tpu.memory_space<vmem>>, vector<1x128xbf16>
    %get3A_12 = vector.shape_cast %get3A_11 : vector<1x128xbf16> to vector<128xbf16>
    %broadcast_in_dim3A = vector.shape_cast %get3A_12 : vector<128xbf16> to vector<1x128xbf16>
    %add3A = vector.broadcast %broadcast_in_dim3A : vector<1x128xbf16> to vector<4000x128xbf16>
    %add3A_13 = arith.addf %convert_element_type3A, %add3A : vector<4000x128xbf16>
    %max3A = arith.constant 0.000000e+00 : bf16
    %max3A_14 = vector.broadcast %max3A : bf16 to vector<4000x128xbf16>
    %max3A_15 = arith.maximumf %add3A_13, %max3A_14 : vector<4000x128xbf16>
    %get3A_16 = arith.constant 0 : index
    %get3A_17 = arith.constant 0 : index
    %get3A_18 = vector.load %arg7[%get3A_16, %get3A_17] : memref<1x128xf32, #tpu.memory_space<vmem>>, vector<1x128xf32>
    %get3A_19 = arith.constant 0 : index
    %get3A_20 = arith.constant 0 : index
    %get3A_21 = arith.constant 0 : index
    %get3A_22 = vector.load %arg5[%get3A_19, %get3A_20, %get3A_21] : memref<5x128x128xbf16, #tpu.memory_space<vmem>>, vector<1x128x128xbf16>
    %get3A_23 = vector.shape_cast %get3A_22 : vector<1x128x128xbf16> to vector<128x128xbf16>
    %dot_general3A_24 = arith.constant dense<0.000000e+00> : vector<4000x128xf32>
    %dot_general3A_25 = tpu.matmul %max3A_15, %get3A_23, %dot_general3A_24 {dimension_numbers = #tpu.dot_dimension_numbers<[1], [0], [0], [1], [0, 0, 1, 1], [], []>, transpose_lhs_hint = false} : vector<4000x128xbf16>, vector<128x128xbf16>, vector<4000x128xf32> -> vector<4000x128xf32>
    %convert_element_type3A_26 = arith.truncf %dot_general3A_25 : vector<4000x128xf32> to vector<4000x128xbf16>
    %get3A_27 = arith.constant 1 : index
    %get3A_28 = arith.constant 0 : index
    %get3A_29 = vector.load %arg6[%get3A_27, %get3A_28] : memref<5x128xbf16, #tpu.memory_space<vmem>>, vector<1x128xbf16>
    %get3A_30 = vector.shape_cast %get3A_29 : vector<1x128xbf16> to vector<128xbf16>
    %broadcast_in_dim3A_31 = vector.shape_cast %get3A_30 : vector<128xbf16> to vector<1x128xbf16>
    %add3A_32 = vector.broadcast %broadcast_in_dim3A_31 : vector<1x128xbf16> to vector<4000x128xbf16>
    %add3A_33 = arith.addf %convert_element_type3A_26, %add3A_32 : vector<4000x128xbf16>
    %max3A_34 = arith.constant 0.000000e+00 : bf16
    %max3A_35 = vector.broadcast %max3A_34 : bf16 to vector<4000x128xbf16>
    %max3A_36 = arith.maximumf %add3A_33, %max3A_35 : vector<4000x128xbf16>
    %get3A_37 = arith.constant 1 : index
    %get3A_38 = arith.constant 0 : index
    %get3A_39 = arith.constant 0 : index
    %get3A_40 = vector.load %arg5[%get3A_37, %get3A_38, %get3A_39] : memref<5x128x128xbf16, #tpu.memory_space<vmem>>, vector<1x128x128xbf16>
    %get3A_41 = vector.shape_cast %get3A_40 : vector<1x128x128xbf16> to vector<128x128xbf16>
    %dot_general3A_42 = arith.constant dense<0.000000e+00> : vector<4000x128xf32>
    %dot_general3A_43 = tpu.matmul %max3A_36, %get3A_41, %dot_general3A_42 {dimension_numbers = #tpu.dot_dimension_numbers<[1], [0], [0], [1], [0, 0, 1, 1], [], []>, transpose_lhs_hint = false} : vector<4000x128xbf16>, vector<128x128xbf16>, vector<4000x128xf32> -> vector<4000x128xf32>
    %convert_element_type3A_44 = arith.truncf %dot_general3A_43 : vector<4000x128xf32> to vector<4000x128xbf16>
    %get3A_45 = arith.constant 2 : index
    %get3A_46 = arith.constant 0 : index
    %get3A_47 = vector.load %arg6[%get3A_45, %get3A_46] : memref<5x128xbf16, #tpu.memory_space<vmem>>, vector<1x128xbf16>
    %get3A_48 = vector.shape_cast %get3A_47 : vector<1x128xbf16> to vector<128xbf16>
    %broadcast_in_dim3A_49 = vector.shape_cast %get3A_48 : vector<128xbf16> to vector<1x128xbf16>
    %add3A_50 = vector.broadcast %broadcast_in_dim3A_49 : vector<1x128xbf16> to vector<4000x128xbf16>
    %add3A_51 = arith.addf %convert_element_type3A_44, %add3A_50 : vector<4000x128xbf16>
    %max3A_52 = arith.constant 0.000000e+00 : bf16
    %max3A_53 = vector.broadcast %max3A_52 : bf16 to vector<4000x128xbf16>
    %max3A_54 = arith.maximumf %add3A_51, %max3A_53 : vector<4000x128xbf16>
    %get3A_55 = arith.constant 2 : index
    %get3A_56 = arith.constant 0 : index
    %get3A_57 = arith.constant 0 : index
    %get3A_58 = vector.load %arg5[%get3A_55, %get3A_56, %get3A_57] : memref<5x128x128xbf16, #tpu.memory_space<vmem>>, vector<1x128x128xbf16>
    %get3A_59 = vector.shape_cast %get3A_58 : vector<1x128x128xbf16> to vector<128x128xbf16>
    %dot_general3A_60 = arith.constant dense<0.000000e+00> : vector<4000x128xf32>
    %dot_general3A_61 = tpu.matmul %max3A_54, %get3A_59, %dot_general3A_60 {dimension_numbers = #tpu.dot_dimension_numbers<[1], [0], [0], [1], [0, 0, 1, 1], [], []>, transpose_lhs_hint = false} : vector<4000x128xbf16>, vector<128x128xbf16>, vector<4000x128xf32> -> vector<4000x128xf32>
    %convert_element_type3A_62 = arith.truncf %dot_general3A_61 : vector<4000x128xf32> to vector<4000x128xbf16>
    %get3A_63 = arith.constant 3 : index
    %get3A_64 = arith.constant 0 : index
    %get3A_65 = vector.load %arg6[%get3A_63, %get3A_64] : memref<5x128xbf16, #tpu.memory_space<vmem>>, vector<1x128xbf16>
    %get3A_66 = vector.shape_cast %get3A_65 : vector<1x128xbf16> to vector<128xbf16>
    %broadcast_in_dim3A_67 = vector.shape_cast %get3A_66 : vector<128xbf16> to vector<1x128xbf16>
    %add3A_68 = vector.broadcast %broadcast_in_dim3A_67 : vector<1x128xbf16> to vector<4000x128xbf16>
    %add3A_69 = arith.addf %convert_element_type3A_62, %add3A_68 : vector<4000x128xbf16>
    %max3A_70 = arith.constant 0.000000e+00 : bf16
    %max3A_71 = vector.broadcast %max3A_70 : bf16 to vector<4000x128xbf16>
    %max3A_72 = arith.maximumf %add3A_69, %max3A_71 : vector<4000x128xbf16>
    %get3A_73 = arith.constant 3 : index
    %get3A_74 = arith.constant 0 : index
    %get3A_75 = arith.constant 0 : index
    %get3A_76 = vector.load %arg5[%get3A_73, %get3A_74, %get3A_75] : memref<5x128x128xbf16, #tpu.memory_space<vmem>>, vector<1x128x128xbf16>
    %get3A_77 = vector.shape_cast %get3A_76 : vector<1x128x128xbf16> to vector<128x128xbf16>
    %dot_general3A_78 = arith.constant dense<0.000000e+00> : vector<4000x128xf32>
    %dot_general3A_79 = tpu.matmul %max3A_72, %get3A_77, %dot_general3A_78 {dimension_numbers = #tpu.dot_dimension_numbers<[1], [0], [0], [1], [0, 0, 1, 1], [], []>, transpose_lhs_hint = false} : vector<4000x128xbf16>, vector<128x128xbf16>, vector<4000x128xf32> -> vector<4000x128xf32>
    %convert_element_type3A_80 = arith.truncf %dot_general3A_79 : vector<4000x128xf32> to vector<4000x128xbf16>
    %get3A_81 = arith.constant 4 : index
    %get3A_82 = arith.constant 0 : index
    %get3A_83 = vector.load %arg6[%get3A_81, %get3A_82] : memref<5x128xbf16, #tpu.memory_space<vmem>>, vector<1x128xbf16>
    %get3A_84 = vector.shape_cast %get3A_83 : vector<1x128xbf16> to vector<128xbf16>
    %broadcast_in_dim3A_85 = vector.shape_cast %get3A_84 : vector<128xbf16> to vector<1x128xbf16>
    %add3A_86 = vector.broadcast %broadcast_in_dim3A_85 : vector<1x128xbf16> to vector<4000x128xbf16>
    %add3A_87 = arith.addf %convert_element_type3A_80, %add3A_86 : vector<4000x128xbf16>
    %max3A_88 = arith.constant 0.000000e+00 : bf16
    %max3A_89 = vector.broadcast %max3A_88 : bf16 to vector<4000x128xbf16>
    %max3A_90 = arith.maximumf %add3A_87, %max3A_89 : vector<4000x128xbf16>
    %get3A_91 = arith.constant 4 : index
    %get3A_92 = arith.constant 0 : index
    %get3A_93 = arith.constant 0 : index
    %get3A_94 = vector.load %arg5[%get3A_91, %get3A_92, %get3A_93] : memref<5x128x128xbf16, #tpu.memory_space<vmem>>, vector<1x128x128xbf16>
    %get3A_95 = vector.shape_cast %get3A_94 : vector<1x128x128xbf16> to vector<128x128xbf16>
    %dot_general3A_96 = arith.constant dense<0.000000e+00> : vector<4000x128xf32>
    %dot_general3A_97 = tpu.matmul %max3A_90, %get3A_95, %dot_general3A_96 {dimension_numbers = #tpu.dot_dimension_numbers<[1], [0], [0], [1], [0, 0, 1, 1], [], []>, transpose_lhs_hint = false} : vector<4000x128xbf16>, vector<128x128xbf16>, vector<4000x128xf32> -> vector<4000x128xf32>
    %add3A_98 = vector.broadcast %get3A_18 : vector<1x128xf32> to vector<4000x128xf32>
    %add3A_99 = arith.addf %dot_general3A_97, %add3A_98 : vector<4000x128xf32>
    %get3A_100 = arith.constant 0 : index
    %get3A_101 = arith.constant 0 : index
    %get3A_102 = vector.load %arg3[%get3A_100, %get3A_101] : memref<4000x1xf32, #tpu.memory_space<vmem>>, vector<4000x1xf32>
    %mul3A = vector.broadcast %get3A_102 : vector<4000x1xf32> to vector<4000x128xf32>
    %mul3A_103 = arith.mulf %add3A_99, %mul3A : vector<4000x128xf32>
    %swap3A = arith.constant 0 : index
    %swap3A_104 = arith.constant 0 : index
    %swap3A_105 = vector.load %arg8[%swap3A, %swap3A_104] : memref<4000x128xf32, #tpu.memory_space<vmem>>, vector<4000x128xf32>
    tpu.vector_store %arg8[%swap3A, %swap3A_104], %mul3A_103 {strides = array<i32>} : memref<4000x128xf32, #tpu.memory_space<vmem>>, vector<4000x128xf32>,
    return
  }
  func.func @transform_0(%arg0: i32) -> (i32, i32) {
    %add3A = arith.constant 0 : i32
    %add3A_0 = arith.addi %arg0, %add3A : i32
    %c0_i32 = arith.constant 0 : i32
    %c0_i32_1 = arith.constant 0 : i32
    return %add3A_0, %c0_i32 : i32, i32
  }
  func.func @transform_1(%arg0: i32) -> (i32, i32) {
    %add3A = arith.constant 0 : i32
    %add3A_0 = arith.addi %arg0, %add3A : i32
    %add3A_1 = arith.constant 40 : i32
    %add3A_2 = arith.addi %add3A_0, %add3A_1 : i32
    %c0_i32 = arith.constant 0 : i32
    %c0_i32_3 = arith.constant 0 : i32
    return %add3A_2, %c0_i32 : i32, i32
  }
  func.func @transform_2(%arg0: i32) -> (i32, i32) {
    %add3A = arith.constant 0 : i32
    %add3A_0 = arith.addi %arg0, %add3A : i32
    %c0_i32 = arith.constant 0 : i32
    %c0_i32_1 = arith.constant 0 : i32
    return %add3A_0, %c0_i32 : i32, i32
  }
  func.func @transform_3(%arg0: i32) -> (i32, i32) {
    %c0_i32 = arith.constant 0 : i32
    %c0_i32_0 = arith.constant 0 : i32
    %c0_i32_1 = arith.constant 0 : i32
    return %c0_i32, %c0_i32_0 : i32, i32
  }
  func.func @transform_4(%arg0: i32) -> (i32, i32, i32) {
    %c0_i32 = arith.constant 0 : i32
    %c0_i32_0 = arith.constant 0 : i32
    %c0_i32_1 = arith.constant 0 : i32
    %c0_i32_2 = arith.constant 0 : i32
    return %c0_i32, %c0_i32_0, %c0_i32_1 : i32, i32, i32
  }
  func.func @transform_5(%arg0: i32) -> (i32, i32) {
    %c0_i32 = arith.constant 0 : i32
    %c0_i32_0 = arith.constant 0 : i32
    %c0_i32_1 = arith.constant 0 : i32
    return %c0_i32, %c0_i32_0 : i32, i32
  }
  func.func @transform_6(%arg0: i32) -> (i32, i32) {
    %c0_i32 = arith.constant 0 : i32
    %c0_i32_0 = arith.constant 0 : i32
    %c0_i32_1 = arith.constant 0 : i32
    return %c0_i32, %c0_i32_0 : i32, i32
  }
  func.func @transform_7(%arg0: i32) -> (i32, i32) {
    %c0_i32 = arith.constant 0 : i32
    %c0_i32_0 = arith.constant 0 : i32
    return %arg0, %c0_i32 : i32, i32
  }
}

module attributes {stable_mosaic.version = 14 : i64} {
  func.func @_msg_body(%arg0: i32, %arg1: memref<4000x128xf32, #tpu.memory_space<vmem>>, %arg2: memref<4000x128xf32, #tpu.memory_space<vmem>>, %arg3: memref<4000x1xf32, #tpu.memory_space<vmem>>, %arg4: memref<256x128xbf16, #tpu.memory_space<vmem>>, %arg5: memref<5x128x128xbf16, #tpu.memory_space<vmem>>, %arg6: memref<5x128xbf16, #tpu.memory_space<vmem>>, %arg7: memref<1x128xf32, #tpu.memory_space<vmem>>, %arg8: memref<4000x128xf32, #tpu.memory_space<vmem>>) attributes {dimension_semantics = [#tpu.dimension_semantics<arbitrary>], iteration_bounds = array<i64: 20>, scalar_prefetch = 0 : i64, scratch_operands = 0 : i64, tpu.core_type = #tpu.core_type<tc>, window_params = [{transform_indices = @transform_0, window_bounds = array<i64: 4000, 128>}, {transform_indices = @transform_1, window_bounds = array<i64: 4000, 128>}, {transform_indices = @transform_2, window_bounds = array<i64: 4000, 1>}, {pipeline_mode = #tpu.pipeline_mode<synchronous>, transform_indices = @transform_3, window_bounds = array<i64: 256, 128>}, {pipeline_mode = #tpu.pipeline_mode<synchronous>, transform_indices = @transform_4, window_bounds = array<i64: 5, 128, 128>}, {pipeline_mode = #tpu.pipeline_mode<synchronous>, transform_indices = @transform_5, window_bounds = array<i64: 5, 128>}, {pipeline_mode = #tpu.pipeline_mode<synchronous>, transform_indices = @transform_6, window_bounds = array<i64: 1, 128>}, {transform_indices = @transform_7, window_bounds = array<i64: 4000, 128>}]} {
    %get3A = arith.constant 0 : index
    %get3A_0 = arith.constant 0 : index
    %get3A_1 = vector.load %arg1[%get3A, %get3A_0] : memref<4000x128xf32, #tpu.memory_space<vmem>>, vector<4000x128xf32>
    %get3A_2 = arith.constant 0 : index
    %get3A_3 = arith.constant 0 : index
    %get3A_4 = vector.load %arg2[%get3A_2, %get3A_3] : memref<4000x128xf32, #tpu.memory_space<vmem>>, vector<4000x128xf32>
    %concatenate3A = tpu.concatenate %get3A_1, %get3A_4 in 1 : vector<4000x128xf32>, vector<4000x128xf32> -> vector<4000x256xf32>
    %get3A_5 = arith.constant 0 : index
    %get3A_6 = arith.constant 0 : index
    %get3A_7 = vector.load %arg4[%get3A_5, %get3A_6] : memref<256x128xbf16, #tpu.memory_space<vmem>>, vector<256x128xbf16>
    %dot_general3A = arith.constant dense<0.000000e+00> : vector<4000x128xf32>
    %dot_general3A_8 = tpu.matmul %concatenate3A, %get3A_7, %dot_general3A {dimension_numbers = #tpu.dot_dimension_numbers<[1], [0], [0], [1], [0, 0, 1, 1], [], []>, transpose_lhs_hint = false} : vector<4000x256xf32>, vector<256x128xbf16>, vector<4000x128xf32> -> vector<4000x128xf32>
    %convert_element_type3A = arith.truncf %dot_general3A_8 : vector<4000x128xf32> to vector<4000x128xbf16>
    %get3A_9 = arith.constant 0 : index
    %get3A_10 = arith.constant 0 : index
    %get3A_11 = vector.load %arg6[%get3A_9, %get3A_10] : memref<5x128xbf16, #tpu.memory_space<vmem>>, vector<1x128xbf16>
    %get3A_12 = vector.shape_cast %get3A_11 : vector<1x128xbf16> to vector<128xbf16>
    %broadcast_in_dim3A = vector.shape_cast %get3A_12 : vector<128xbf16> to vector<1x128xbf16>
    %add3A = vector.broadcast %broadcast_in_dim3A : vector<1x128xbf16> to vector<4000x128xbf16>
    %add3A_13 = arith.addf %convert_element_type3A, %add3A : vector<4000x128xbf16>
    %max3A = arith.constant 0.000000e+00 : bf16
    %max3A_14 = vector.broadcast %max3A : bf16 to vector<4000x128xbf16>
    %max3A_15 = arith.maximumf %add3A_13, %max3A_14 : vector<4000x128xbf16>
    %get3A_16 = arith.constant 0 : index
    %get3A_17 = arith.constant 0 : index
    %get3A_18 = vector.load %arg7[%get3A_16, %get3A_17] : memref<1x128xf32, #tpu.memory_space<vmem>>, vector<1x128xf32>
    %get3A_19 = arith.constant 0 : index
    %get3A_20 = arith.constant 0 : index
    %get3A_21 = arith.constant 0 : index
    %get3A_22 = vector.load %arg5[%get3A_19, %get3A_20, %get3A_21] : memref<5x128x128xbf16, #tpu.memory_space<vmem>>, vector<1x128x128xbf16>
    %get3A_23 = vector.shape_cast %get3A_22 : vector<1x128x128xbf16> to vector<128x128xbf16>
    %dot_general3A_24 = arith.constant dense<0.000000e+00> : vector<4000x128xf32>
    %dot_general3A_25 = tpu.matmul %max3A_15, %get3A_23, %dot_general3A_24 {dimension_numbers = #tpu.dot_dimension_numbers<[1], [0], [0], [1], [0, 0, 1, 1], [], []>, transpose_lhs_hint = false} : vector<4000x128xbf16>, vector<128x128xbf16>, vector<4000x128xf32> -> vector<4000x128xf32>
    %convert_element_type3A_26 = arith.truncf %dot_general3A_25 : vector<4000x128xf32> to vector<4000x128xbf16>
    %get3A_27 = arith.constant 1 : index
    %get3A_28 = arith.constant 0 : index
    %get3A_29 = vector.load %arg6[%get3A_27, %get3A_28] : memref<5x128xbf16, #tpu.memory_space<vmem>>, vector<1x128xbf16>
    %get3A_30 = vector.shape_cast %get3A_29 : vector<1x128xbf16> to vector<128xbf16>
    %broadcast_in_dim3A_31 = vector.shape_cast %get3A_30 : vector<128xbf16> to vector<1x128xbf16>
    %add3A_32 = vector.broadcast %broadcast_in_dim3A_31 : vector<1x128xbf16> to vector<4000x128xbf16>
    %add3A_33 = arith.addf %convert_element_type3A_26, %add3A_32 : vector<4000x128xbf16>
    %max3A_34 = arith.constant 0.000000e+00 : bf16
    %max3A_35 = vector.broadcast %max3A_34 : bf16 to vector<4000x128xbf16>
    %max3A_36 = arith.maximumf %add3A_33, %max3A_35 : vector<4000x128xbf16>
    %get3A_37 = arith.constant 1 : index
    %get3A_38 = arith.constant 0 : index
    %get3A_39 = arith.constant 0 : index
    %get3A_40 = vector.load %arg5[%get3A_37, %get3A_38, %get3A_39] : memref<5x128x128xbf16, #tpu.memory_space<vmem>>, vector<1x128x128xbf16>
    %get3A_41 = vector.shape_cast %get3A_40 : vector<1x128x128xbf16> to vector<128x128xbf16>
    %dot_general3A_42 = arith.constant dense<0.000000e+00> : vector<4000x128xf32>
    %dot_general3A_43 = tpu.matmul %max3A_36, %get3A_41, %dot_general3A_42 {dimension_numbers = #tpu.dot_dimension_numbers<[1], [0], [0], [1], [0, 0, 1, 1], [], []>, transpose_lhs_hint = false} : vector<4000x128xbf16>, vector<128x128xbf16>, vector<4000x128xf32> -> vector<4000x128xf32>
    %convert_element_type3A_44 = arith.truncf %dot_general3A_43 : vector<4000x128xf32> to vector<4000x128xbf16>
    %get3A_45 = arith.constant 2 : index
    %get3A_46 = arith.constant 0 : index
    %get3A_47 = vector.load %arg6[%get3A_45, %get3A_46] : memref<5x128xbf16, #tpu.memory_space<vmem>>, vector<1x128xbf16>
    %get3A_48 = vector.shape_cast %get3A_47 : vector<1x128xbf16> to vector<128xbf16>
    %broadcast_in_dim3A_49 = vector.shape_cast %get3A_48 : vector<128xbf16> to vector<1x128xbf16>
    %add3A_50 = vector.broadcast %broadcast_in_dim3A_49 : vector<1x128xbf16> to vector<4000x128xbf16>
    %add3A_51 = arith.addf %convert_element_type3A_44, %add3A_50 : vector<4000x128xbf16>
    %max3A_52 = arith.constant 0.000000e+00 : bf16
    %max3A_53 = vector.broadcast %max3A_52 : bf16 to vector<4000x128xbf16>
    %max3A_54 = arith.maximumf %add3A_51, %max3A_53 : vector<4000x128xbf16>
    %get3A_55 = arith.constant 2 : index
    %get3A_56 = arith.constant 0 : index
    %get3A_57 = arith.constant 0 : index
    %get3A_58 = vector.load %arg5[%get3A_55, %get3A_56, %get3A_57] : memref<5x128x128xbf16, #tpu.memory_space<vmem>>, vector<1x128x128xbf16>
    %get3A_59 = vector.shape_cast %get3A_58 : vector<1x128x128xbf16> to vector<128x128xbf16>
    %dot_general3A_60 = arith.constant dense<0.000000e+00> : vector<4000x128xf32>
    %dot_general3A_61 = tpu.matmul %max3A_54, %get3A_59, %dot_general3A_60 {dimension_numbers = #tpu.dot_dimension_numbers<[1], [0], [0], [1], [0, 0, 1, 1], [], []>, transpose_lhs_hint = false} : vector<4000x128xbf16>, vector<128x128xbf16>, vector<4000x128xf32> -> vector<4000x128xf32>
    %convert_element_type3A_62 = arith.truncf %dot_general3A_61 : vector<4000x128xf32> to vector<4000x128xbf16>
    %get3A_63 = arith.constant 3 : index
    %get3A_64 = arith.constant 0 : index
    %get3A_65 = vector.load %arg6[%get3A_63, %get3A_64] : memref<5x128xbf16, #tpu.memory_space<vmem>>, vector<1x128xbf16>
    %get3A_66 = vector.shape_cast %get3A_65 : vector<1x128xbf16> to vector<128xbf16>
    %broadcast_in_dim3A_67 = vector.shape_cast %get3A_66 : vector<128xbf16> to vector<1x128xbf16>
    %add3A_68 = vector.broadcast %broadcast_in_dim3A_67 : vector<1x128xbf16> to vector<4000x128xbf16>
    %add3A_69 = arith.addf %convert_element_type3A_62, %add3A_68 : vector<4000x128xbf16>
    %max3A_70 = arith.constant 0.000000e+00 : bf16
    %max3A_71 = vector.broadcast %max3A_70 : bf16 to vector<4000x128xbf16>
    %max3A_72 = arith.maximumf %add3A_69, %max3A_71 : vector<4000x128xbf16>
    %get3A_73 = arith.constant 3 : index
    %get3A_74 = arith.constant 0 : index
    %get3A_75 = arith.constant 0 : index
    %get3A_76 = vector.load %arg5[%get3A_73, %get3A_74, %get3A_75] : memref<5x128x128xbf16, #tpu.memory_space<vmem>>, vector<1x128x128xbf16>
    %get3A_77 = vector.shape_cast %get3A_76 : vector<1x128x128xbf16> to vector<128x128xbf16>
    %dot_general3A_78 = arith.constant dense<0.000000e+00> : vector<4000x128xf32>
    %dot_general3A_79 = tpu.matmul %max3A_72, %get3A_77, %dot_general3A_78 {dimension_numbers = #tpu.dot_dimension_numbers<[1], [0], [0], [1], [0, 0, 1, 1], [], []>, transpose_lhs_hint = false} : vector<4000x128xbf16>, vector<128x128xbf16>, vector<4000x128xf32> -> vector<4000x128xf32>
    %convert_element_type3A_80 = arith.truncf %dot_general3A_79 : vector<4000x128xf32> to vector<4000x128xbf16>
    %get3A_81 = arith.constant 4 : index
    %get3A_82 = arith.constant 0 : index
    %get3A_83 = vector.load %arg6[%get3A_81, %get3A_82] : memref<5x128xbf16, #tpu.memory_space<vmem>>, vector<1x128xbf16>
    %get3A_84 = vector.shape_cast %get3A_83 : vector<1x128xbf16> to vector<128xbf16>
    %broadcast_in_dim3A_85 = vector.shape_cast %get3A_84 : vector<128xbf16> to vector<1x128xbf16>
    %add3A_86 = vector.broadcast %broadcast_in_dim3A_85 : vector<1x128xbf16> to vector<4000x128xbf16>
    %add3A_87 = arith.addf %convert_element_type3A_80, %add3A_86 : vector<4000x128xbf16>
    %max3A_88 = arith.constant 0.000000e+00 : bf16
    %max3A_89 = vector.broadcast %max3A_88 : bf16 to vector<4000x128xbf16>
    %max3A_90 = arith.maximumf %add3A_87, %max3A_89 : vector<4000x128xbf16>
    %get3A_91 = arith.constant 4 : index
    %get3A_92 = arith.constant 0 : index
    %get3A_93 = arith.constant 0 : index
    %get3A_94 = vector.load %arg5[%get3A_91, %get3A_92, %get3A_93] : memref<5x128x128xbf16, #tpu.memory_space<vmem>>, vector<1x128x128xbf16>
    %get3A_95 = vector.shape_cast %get3A_94 : vector<1x128x128xbf16> to vector<128x128xbf16>
    %dot_general3A_96 = arith.constant dense<0.000000e+00> : vector<4000x128xf32>
    %dot_general3A_97 = tpu.matmul %max3A_90, %get3A_95, %dot_general3A_96 {dimension_numbers = #tpu.dot_dimension_numbers<[1], [0], [0], [1], [0, 0, 1, 1], [], []>, transpose_lhs_hint = false} : vector<4000x128xbf16>, vector<128x128xbf16>, vector<4000x128xf32> -> vector<4000x128xf32>
    %add3A_98 = vector.broadcast %get3A_18 : vector<1x128xf32> to vector<4000x128xf32>
    %add3A_99 = arith.addf %dot_general3A_97, %add3A_98 : vector<4000x128xf32>
    %get3A_100 = arith.constant 0 : index
    %get3A_101 = arith.constant 0 : index
    %get3A_102 = vector.load %arg3[%get3A_100, %get3A_101] : memref<4000x1xf32, #tpu.memory_space<vmem>>, vector<4000x1xf32>
    %mul3A = vector.broadcast %get3A_102 : vector<4000x1xf32> to vector<4000x128xf32>
    %mul3A_103 = arith.mulf %add3A_99, %mul3A : vector<4000x128xf32>
    %swap3A = arith.constant 0 : index
    %swap3A_104 = arith.constant 0 : index
    %swap3A_105 = vector.load %arg8[%swap3A, %swap3A_104] : memref<4000x128xf32, #tpu.memory_space<vmem>>, vector<4000x128xf32>
    tpu.vector_store %arg8[%swap3A, %swap3A_104], %mul3A_103 {strides = array<i32>} : memref<4000x128xf32, #tpu.memory_space<vmem>>, vector<4000x128xf32>,
    return
  }
  func.func @transform_0(%arg0: i32) -> (i32, i32) {
    %add3A = arith.constant 20 : i32
    %add3A_0 = arith.addi %arg0, %add3A : i32
    %c0_i32 = arith.constant 0 : i32
    %c0_i32_1 = arith.constant 0 : i32
    return %add3A_0, %c0_i32 : i32, i32
  }
  func.func @transform_1(%arg0: i32) -> (i32, i32) {
    %add3A = arith.constant 20 : i32
    %add3A_0 = arith.addi %arg0, %add3A : i32
    %add3A_1 = arith.constant 40 : i32
    %add3A_2 = arith.addi %add3A_0, %add3A_1 : i32
    %c0_i32 = arith.constant 0 : i32
    %c0_i32_3 = arith.constant 0 : i32
    return %add3A_2, %c0_i32 : i32, i32
  }
  func.func @transform_2(%arg0: i32) -> (i32, i32) {
    %add3A = arith.constant 20 : i32
    %add3A_0 = arith.addi %arg0, %add3A : i32
    %c0_i32 = arith.constant 0 : i32
    %c0_i32_1 = arith.constant 0 : i32
    return %add3A_0, %c0_i32 : i32, i32
  }
  func.func @transform_3(%arg0: i32) -> (i32, i32) {
    %c0_i32 = arith.constant 0 : i32
    %c0_i32_0 = arith.constant 0 : i32
    %c0_i32_1 = arith.constant 0 : i32
    return %c0_i32, %c0_i32_0 : i32, i32
  }
  func.func @transform_4(%arg0: i32) -> (i32, i32, i32) {
    %c0_i32 = arith.constant 0 : i32
    %c0_i32_0 = arith.constant 0 : i32
    %c0_i32_1 = arith.constant 0 : i32
    %c0_i32_2 = arith.constant 0 : i32
    return %c0_i32, %c0_i32_0, %c0_i32_1 : i32, i32, i32
  }
  func.func @transform_5(%arg0: i32) -> (i32, i32) {
    %c0_i32 = arith.constant 0 : i32
    %c0_i32_0 = arith.constant 0 : i32
    %c0_i32_1 = arith.constant 0 : i32
    return %c0_i32, %c0_i32_0 : i32, i32
  }
  func.func @transform_6(%arg0: i32) -> (i32, i32) {
    %c0_i32 = arith.constant 0 : i32
    %c0_i32_0 = arith.constant 0 : i32
    %c0_i32_1 = arith.constant 0 : i32
    return %c0_i32, %c0_i32_0 : i32, i32
  }
  func.func @transform_7(%arg0: i32) -> (i32, i32) {
    %c0_i32 = arith.constant 0 : i32
    %c0_i32_0 = arith.constant 0 : i32
    return %arg0, %c0_i32 : i32, i32
  }
}

module attributes {stable_mosaic.version = 14 : i64} {
  func.func @_edge1_body(%arg0: i32, %arg1: memref<2000x128xf32, #tpu.memory_space<vmem>>, %arg2: memref<2000x128xf32, #tpu.memory_space<vmem>>, %arg3: memref<256x384xbf16, #tpu.memory_space<vmem>>, %arg4: memref<5x384x384xbf16, #tpu.memory_space<vmem>>, %arg5: memref<5x384xbf16, #tpu.memory_space<vmem>>, %arg6: memref<1x384xf32, #tpu.memory_space<vmem>>, %arg7: memref<2000x384xbf16, #tpu.memory_space<vmem>>, %arg8: memref<1x1xf32, #tpu.memory_space<vmem>>) attributes {dimension_semantics = [#tpu.dimension_semantics<arbitrary>], iteration_bounds = array<i64: 80>, scalar_prefetch = 0 : i64, scratch_operands = 0 : i64, tpu.core_type = #tpu.core_type<tc>, window_params = [{transform_indices = @transform_0, window_bounds = array<i64: 2000, 128>}, {transform_indices = @transform_1, window_bounds = array<i64: 2000, 128>}, {pipeline_mode = #tpu.pipeline_mode<synchronous>, transform_indices = @transform_2, window_bounds = array<i64: 256, 384>}, {pipeline_mode = #tpu.pipeline_mode<synchronous>, transform_indices = @transform_3, window_bounds = array<i64: 5, 384, 384>}, {pipeline_mode = #tpu.pipeline_mode<synchronous>, transform_indices = @transform_4, window_bounds = array<i64: 5, 384>}, {pipeline_mode = #tpu.pipeline_mode<synchronous>, transform_indices = @transform_5, window_bounds = array<i64: 1, 384>}, {transform_indices = @transform_6, window_bounds = array<i64: 2000, 384>}, {pipeline_mode = #tpu.pipeline_mode<synchronous>, transform_indices = @transform_7, window_bounds = array<i64: 1, 1>}]} {
    %get3A = arith.constant 0 : index
    %get3A_0 = arith.constant 0 : index
    %get3A_1 = vector.load %arg1[%get3A, %get3A_0] : memref<2000x128xf32, #tpu.memory_space<vmem>>, vector<2000x128xf32>
    %get3A_2 = arith.constant 0 : index
    %get3A_3 = arith.constant 0 : index
    %get3A_4 = vector.load %arg2[%get3A_2, %get3A_3] : memref<2000x128xf32, #tpu.memory_space<vmem>>, vector<2000x128xf32>
    %concatenate3A = tpu.concatenate %get3A_1, %get3A_4 in 1 : vector<2000x128xf32>, vector<2000x128xf32> -> vector<2000x256xf32>
    %get3A_5 = arith.constant 0 : index
    %get3A_6 = arith.constant 0 : index
    %get3A_7 = vector.load %arg2[%get3A_5, %get3A_6] : memref<2000x128xf32, #tpu.memory_space<vmem>>, vector<2000x128xf32>
    %get3A_8 = arith.constant 0 : index
    %get3A_9 = arith.constant 0 : index
    %get3A_10 = vector.load %arg1[%get3A_8, %get3A_9] : memref<2000x128xf32, #tpu.memory_space<vmem>>, vector<2000x128xf32>
    %concatenate3A_11 = tpu.concatenate %get3A_7, %get3A_10 in 1 : vector<2000x128xf32>, vector<2000x128xf32> -> vector<2000x256xf32>
    %concatenate3A_12 = tpu.concatenate %concatenate3A, %concatenate3A_11 in 0 : vector<2000x256xf32>, vector<2000x256xf32> -> vector<4000x256xf32>
    %get3A_13 = arith.constant 0 : index
    %get3A_14 = arith.constant 0 : index
    %get3A_15 = vector.load %arg3[%get3A_13, %get3A_14] : memref<256x384xbf16, #tpu.memory_space<vmem>>, vector<256x384xbf16>
    %dot_general3A = arith.constant dense<0.000000e+00> : vector<4000x384xf32>
    %dot_general3A_16 = tpu.matmul %concatenate3A_12, %get3A_15, %dot_general3A {dimension_numbers = #tpu.dot_dimension_numbers<[1], [0], [0], [1], [0, 0, 1, 1], [], []>, transpose_lhs_hint = false} : vector<4000x256xf32>, vector<256x384xbf16>, vector<4000x384xf32> -> vector<4000x384xf32>
    %convert_element_type3A = arith.truncf %dot_general3A_16 : vector<4000x384xf32> to vector<4000x384xbf16>
    %get3A_17 = arith.constant 0 : index
    %get3A_18 = arith.constant 0 : index
    %get3A_19 = vector.load %arg5[%get3A_17, %get3A_18] : memref<5x384xbf16, #tpu.memory_space<vmem>>, vector<1x384xbf16>
    %get3A_20 = vector.shape_cast %get3A_19 : vector<1x384xbf16> to vector<384xbf16>
    %broadcast_in_dim3A = vector.shape_cast %get3A_20 : vector<384xbf16> to vector<1x384xbf16>
    %add3A = vector.broadcast %broadcast_in_dim3A : vector<1x384xbf16> to vector<4000x384xbf16>
    %add3A_21 = arith.addf %convert_element_type3A, %add3A : vector<4000x384xbf16>
    %max3A = arith.constant 0.000000e+00 : bf16
    %max3A_22 = vector.broadcast %max3A : bf16 to vector<4000x384xbf16>
    %max3A_23 = arith.maximumf %add3A_21, %max3A_22 : vector<4000x384xbf16>
    %get3A_24 = arith.constant 0 : index
    %get3A_25 = arith.constant 0 : index
    %get3A_26 = vector.load %arg6[%get3A_24, %get3A_25] : memref<1x384xf32, #tpu.memory_space<vmem>>, vector<1x384xf32>
    %get3A_27 = arith.constant 0 : index
    %get3A_28 = arith.constant 0 : index
    %get3A_29 = arith.constant 0 : index
    %get3A_30 = vector.load %arg4[%get3A_27, %get3A_28, %get3A_29] : memref<5x384x384xbf16, #tpu.memory_space<vmem>>, vector<1x384x384xbf16>
    %get3A_31 = vector.shape_cast %get3A_30 : vector<1x384x384xbf16> to vector<384x384xbf16>
    %dot_general3A_32 = arith.constant dense<0.000000e+00> : vector<4000x384xf32>
    %dot_general3A_33 = tpu.matmul %max3A_23, %get3A_31, %dot_general3A_32 {dimension_numbers = #tpu.dot_dimension_numbers<[1], [0], [0], [1], [0, 0, 1, 1], [], []>, transpose_lhs_hint = false} : vector<4000x384xbf16>, vector<384x384xbf16>, vector<4000x384xf32> -> vector<4000x384xf32>
    %convert_element_type3A_34 = arith.truncf %dot_general3A_33 : vector<4000x384xf32> to vector<4000x384xbf16>
    %get3A_35 = arith.constant 1 : index
    %get3A_36 = arith.constant 0 : index
    %get3A_37 = vector.load %arg5[%get3A_35, %get3A_36] : memref<5x384xbf16, #tpu.memory_space<vmem>>, vector<1x384xbf16>
    %get3A_38 = vector.shape_cast %get3A_37 : vector<1x384xbf16> to vector<384xbf16>
    %broadcast_in_dim3A_39 = vector.shape_cast %get3A_38 : vector<384xbf16> to vector<1x384xbf16>
    %add3A_40 = vector.broadcast %broadcast_in_dim3A_39 : vector<1x384xbf16> to vector<4000x384xbf16>
    %add3A_41 = arith.addf %convert_element_type3A_34, %add3A_40 : vector<4000x384xbf16>
    %max3A_42 = arith.constant 0.000000e+00 : bf16
    %max3A_43 = vector.broadcast %max3A_42 : bf16 to vector<4000x384xbf16>
    %max3A_44 = arith.maximumf %add3A_41, %max3A_43 : vector<4000x384xbf16>
    %get3A_45 = arith.constant 1 : index
    %get3A_46 = arith.constant 0 : index
    %get3A_47 = arith.constant 0 : index
    %get3A_48 = vector.load %arg4[%get3A_45, %get3A_46, %get3A_47] : memref<5x384x384xbf16, #tpu.memory_space<vmem>>, vector<1x384x384xbf16>
    %get3A_49 = vector.shape_cast %get3A_48 : vector<1x384x384xbf16> to vector<384x384xbf16>
    %dot_general3A_50 = arith.constant dense<0.000000e+00> : vector<4000x384xf32>
    %dot_general3A_51 = tpu.matmul %max3A_44, %get3A_49, %dot_general3A_50 {dimension_numbers = #tpu.dot_dimension_numbers<[1], [0], [0], [1], [0, 0, 1, 1], [], []>, transpose_lhs_hint = false} : vector<4000x384xbf16>, vector<384x384xbf16>, vector<4000x384xf32> -> vector<4000x384xf32>
    %convert_element_type3A_52 = arith.truncf %dot_general3A_51 : vector<4000x384xf32> to vector<4000x384xbf16>
    %get3A_53 = arith.constant 2 : index
    %get3A_54 = arith.constant 0 : index
    %get3A_55 = vector.load %arg5[%get3A_53, %get3A_54] : memref<5x384xbf16, #tpu.memory_space<vmem>>, vector<1x384xbf16>
    %get3A_56 = vector.shape_cast %get3A_55 : vector<1x384xbf16> to vector<384xbf16>
    %broadcast_in_dim3A_57 = vector.shape_cast %get3A_56 : vector<384xbf16> to vector<1x384xbf16>
    %add3A_58 = vector.broadcast %broadcast_in_dim3A_57 : vector<1x384xbf16> to vector<4000x384xbf16>
    %add3A_59 = arith.addf %convert_element_type3A_52, %add3A_58 : vector<4000x384xbf16>
    %max3A_60 = arith.constant 0.000000e+00 : bf16
    %max3A_61 = vector.broadcast %max3A_60 : bf16 to vector<4000x384xbf16>
    %max3A_62 = arith.maximumf %add3A_59, %max3A_61 : vector<4000x384xbf16>
    %get3A_63 = arith.constant 2 : index
    %get3A_64 = arith.constant 0 : index
    %get3A_65 = arith.constant 0 : index
    %get3A_66 = vector.load %arg4[%get3A_63, %get3A_64, %get3A_65] : memref<5x384x384xbf16, #tpu.memory_space<vmem>>, vector<1x384x384xbf16>
    %get3A_67 = vector.shape_cast %get3A_66 : vector<1x384x384xbf16> to vector<384x384xbf16>
    %dot_general3A_68 = arith.constant dense<0.000000e+00> : vector<4000x384xf32>
    %dot_general3A_69 = tpu.matmul %max3A_62, %get3A_67, %dot_general3A_68 {dimension_numbers = #tpu.dot_dimension_numbers<[1], [0], [0], [1], [0, 0, 1, 1], [], []>, transpose_lhs_hint = false} : vector<4000x384xbf16>, vector<384x384xbf16>, vector<4000x384xf32> -> vector<4000x384xf32>
    %convert_element_type3A_70 = arith.truncf %dot_general3A_69 : vector<4000x384xf32> to vector<4000x384xbf16>
    %get3A_71 = arith.constant 3 : index
    %get3A_72 = arith.constant 0 : index
    %get3A_73 = vector.load %arg5[%get3A_71, %get3A_72] : memref<5x384xbf16, #tpu.memory_space<vmem>>, vector<1x384xbf16>
    %get3A_74 = vector.shape_cast %get3A_73 : vector<1x384xbf16> to vector<384xbf16>
    %broadcast_in_dim3A_75 = vector.shape_cast %get3A_74 : vector<384xbf16> to vector<1x384xbf16>
    %add3A_76 = vector.broadcast %broadcast_in_dim3A_75 : vector<1x384xbf16> to vector<4000x384xbf16>
    %add3A_77 = arith.addf %convert_element_type3A_70, %add3A_76 : vector<4000x384xbf16>
    %max3A_78 = arith.constant 0.000000e+00 : bf16
    %max3A_79 = vector.broadcast %max3A_78 : bf16 to vector<4000x384xbf16>
    %max3A_80 = arith.maximumf %add3A_77, %max3A_79 : vector<4000x384xbf16>
    %get3A_81 = arith.constant 3 : index
    %get3A_82 = arith.constant 0 : index
    %get3A_83 = arith.constant 0 : index
    %get3A_84 = vector.load %arg4[%get3A_81, %get3A_82, %get3A_83] : memref<5x384x384xbf16, #tpu.memory_space<vmem>>, vector<1x384x384xbf16>
    %get3A_85 = vector.shape_cast %get3A_84 : vector<1x384x384xbf16> to vector<384x384xbf16>
    %dot_general3A_86 = arith.constant dense<0.000000e+00> : vector<4000x384xf32>
    %dot_general3A_87 = tpu.matmul %max3A_80, %get3A_85, %dot_general3A_86 {dimension_numbers = #tpu.dot_dimension_numbers<[1], [0], [0], [1], [0, 0, 1, 1], [], []>, transpose_lhs_hint = false} : vector<4000x384xbf16>, vector<384x384xbf16>, vector<4000x384xf32> -> vector<4000x384xf32>
    %convert_element_type3A_88 = arith.truncf %dot_general3A_87 : vector<4000x384xf32> to vector<4000x384xbf16>
    %get3A_89 = arith.constant 4 : index
    %get3A_90 = arith.constant 0 : index
    %get3A_91 = vector.load %arg5[%get3A_89, %get3A_90] : memref<5x384xbf16, #tpu.memory_space<vmem>>, vector<1x384xbf16>
    %get3A_92 = vector.shape_cast %get3A_91 : vector<1x384xbf16> to vector<384xbf16>
    %broadcast_in_dim3A_93 = vector.shape_cast %get3A_92 : vector<384xbf16> to vector<1x384xbf16>
    %add3A_94 = vector.broadcast %broadcast_in_dim3A_93 : vector<1x384xbf16> to vector<4000x384xbf16>
    %add3A_95 = arith.addf %convert_element_type3A_88, %add3A_94 : vector<4000x384xbf16>
    %max3A_96 = arith.constant 0.000000e+00 : bf16
    %max3A_97 = vector.broadcast %max3A_96 : bf16 to vector<4000x384xbf16>
    %max3A_98 = arith.maximumf %add3A_95, %max3A_97 : vector<4000x384xbf16>
    %get3A_99 = arith.constant 4 : index
    %get3A_100 = arith.constant 0 : index
    %get3A_101 = arith.constant 0 : index
    %get3A_102 = vector.load %arg4[%get3A_99, %get3A_100, %get3A_101] : memref<5x384x384xbf16, #tpu.memory_space<vmem>>, vector<1x384x384xbf16>
    %get3A_103 = vector.shape_cast %get3A_102 : vector<1x384x384xbf16> to vector<384x384xbf16>
    %dot_general3A_104 = arith.constant dense<0.000000e+00> : vector<4000x384xf32>
    %dot_general3A_105 = tpu.matmul %max3A_98, %get3A_103, %dot_general3A_104 {dimension_numbers = #tpu.dot_dimension_numbers<[1], [0], [0], [1], [0, 0, 1, 1], [], []>, transpose_lhs_hint = false} : vector<4000x384xbf16>, vector<384x384xbf16>, vector<4000x384xf32> -> vector<4000x384xf32>
    %add3A_106 = vector.broadcast %get3A_26 : vector<1x384xf32> to vector<4000x384xf32>
    %add3A_107 = arith.addf %dot_general3A_105, %add3A_106 : vector<4000x384xf32>
    %slice3A = vector.extract_strided_slice %add3A_107 {offsets = [0, 0], sizes = [2000, 384], strides = [1, 1]} : vector<4000x384xf32> to vector<2000x384xf32>
    %slice3A_108 = vector.extract_strided_slice %add3A_107 {offsets = [2000, 0], sizes = [2000, 384], strides = [1, 1]} : vector<4000x384xf32> to vector<2000x384xf32>
    %eq3A = arith.constant 0 : i32
    %eq3A_109 = arith.cmpi eq, %arg0, %eq3A : i32
    %convert_element_type3A_110 = arith.extui %eq3A_109 : i1 to i32
    %cond3A = arith.constant 0 : i32
    %cond3A_111 = arith.cmpi ne, %convert_element_type3A_110, %cond3A : i32
    scf.if %cond3A_111 {
      %broadcast_in_dim3A_130 = arith.constant 0.000000e+00 : f32
      %broadcast_in_dim3A_131 = vector.broadcast %broadcast_in_dim3A_130 : f32 to vector<1x1xf32>
      %swap3A_132 = arith.constant 0 : index
      %swap3A_133 = arith.constant 0 : index
      %swap3A_134 = vector.load %arg8[%swap3A_132, %swap3A_133] : memref<1x1xf32, #tpu.memory_space<vmem>>, vector<1x1xf32>
      tpu.vector_store %arg8[%swap3A_132, %swap3A_133], %broadcast_in_dim3A_131 {strides = array<i32>} : memref<1x1xf32, #tpu.memory_space<vmem>>, vector<1x1xf32>,
    } else {
    }
    %sub3A = arith.subf %slice3A, %slice3A_108 : vector<2000x384xf32>
    %get3A_112 = arith.constant 0 : index
    %get3A_113 = arith.constant 0 : index
    %get3A_114 = vector.load %arg8[%get3A_112, %get3A_113] : memref<1x1xf32, #tpu.memory_space<vmem>>, vector<1x1xf32>
    %mul3A = arith.mulf %sub3A, %sub3A : vector<2000x384xf32>
    %reduce_sum3A = vector.shape_cast %mul3A : vector<2000x384xf32> to vector<1x2000x384xf32>
    %reduce_sum3A_115 = arith.constant dense<0.000000e+00> : vector<1xf32>
    %reduce_sum3A_116 = vector.multi_reduction <add>, %reduce_sum3A, %reduce_sum3A_115 [1, 2] : vector<1x2000x384xf32> to vector<1xf32>
    %reduce_sum3A_117 = vector.shape_cast %reduce_sum3A_116 : vector<1xf32> to vector<1x1x1xf32>
    %reduce_sum3A_118 = vector.extract %reduce_sum3A_117[0, 0, 0] : f32 from vector<1x1x1xf32>
    %reshape3A = vector.broadcast %reduce_sum3A_118 : f32 to vector<1x1xf32>
    %add3A_119 = arith.addf %get3A_114, %reshape3A : vector<1x1xf32>
    %swap3A = arith.constant 0 : index
    %swap3A_120 = arith.constant 0 : index
    %swap3A_121 = vector.load %arg8[%swap3A, %swap3A_120] : memref<1x1xf32, #tpu.memory_space<vmem>>, vector<1x1xf32>
    tpu.vector_store %arg8[%swap3A, %swap3A_120], %add3A_119 {strides = array<i32>} : memref<1x1xf32, #tpu.memory_space<vmem>>, vector<1x1xf32>,
    %add3A_122 = arith.addf %slice3A, %slice3A_108 : vector<2000x384xf32>
    %mul3A_123 = arith.constant 5.000000e-01 : f32
    %mul3A_124 = vector.broadcast %mul3A_123 : f32 to vector<2000x384xf32>
    %mul3A_125 = arith.mulf %mul3A_124, %add3A_122 : vector<2000x384xf32>
    %convert_element_type3A_126 = arith.truncf %mul3A_125 : vector<2000x384xf32> to vector<2000x384xbf16>
    %swap3A_127 = arith.constant 0 : index
    %swap3A_128 = arith.constant 0 : index
    %swap3A_129 = vector.load %arg7[%swap3A_127, %swap3A_128] : memref<2000x384xbf16, #tpu.memory_space<vmem>>, vector<2000x384xbf16>
    tpu.vector_store %arg7[%swap3A_127, %swap3A_128], %convert_element_type3A_126 {strides = array<i32>} : memref<2000x384xbf16, #tpu.memory_space<vmem>>, vector<2000x384xbf16>,
    return
  }
  func.func @transform_0(%arg0: i32) -> (i32, i32) {
    %c0_i32 = arith.constant 0 : i32
    %c0_i32_0 = arith.constant 0 : i32
    return %arg0, %c0_i32 : i32, i32
  }
  func.func @transform_1(%arg0: i32) -> (i32, i32) {
    %add3A = arith.constant 80 : i32
    %add3A_0 = arith.addi %arg0, %add3A : i32
    %c0_i32 = arith.constant 0 : i32
    %c0_i32_1 = arith.constant 0 : i32
    return %add3A_0, %c0_i32 : i32, i32
  }
  func.func @transform_2(%arg0: i32) -> (i32, i32) {
    %c0_i32 = arith.constant 0 : i32
    %c0_i32_0 = arith.constant 0 : i32
    %c0_i32_1 = arith.constant 0 : i32
    return %c0_i32, %c0_i32_0 : i32, i32
  }
  func.func @transform_3(%arg0: i32) -> (i32, i32, i32) {
    %c0_i32 = arith.constant 0 : i32
    %c0_i32_0 = arith.constant 0 : i32
    %c0_i32_1 = arith.constant 0 : i32
    %c0_i32_2 = arith.constant 0 : i32
    return %c0_i32, %c0_i32_0, %c0_i32_1 : i32, i32, i32
  }
  func.func @transform_4(%arg0: i32) -> (i32, i32) {
    %c0_i32 = arith.constant 0 : i32
    %c0_i32_0 = arith.constant 0 : i32
    %c0_i32_1 = arith.constant 0 : i32
    return %c0_i32, %c0_i32_0 : i32, i32
  }
  func.func @transform_5(%arg0: i32) -> (i32, i32) {
    %c0_i32 = arith.constant 0 : i32
    %c0_i32_0 = arith.constant 0 : i32
    %c0_i32_1 = arith.constant 0 : i32
    return %c0_i32, %c0_i32_0 : i32, i32
  }
  func.func @transform_6(%arg0: i32) -> (i32, i32) {
    %c0_i32 = arith.constant 0 : i32
    %c0_i32_0 = arith.constant 0 : i32
    return %arg0, %c0_i32 : i32, i32
  }
  func.func @transform_7(%arg0: i32) -> (i32, i32) {
    %c0_i32 = arith.constant 0 : i32
    %c0_i32_0 = arith.constant 0 : i32
    %c0_i32_1 = arith.constant 0 : i32
    return %c0_i32, %c0_i32_0 : i32, i32
  }
}

module attributes {stable_mosaic.version = 14 : i64} {
  func.func @_edge2_body(%arg0: i32, %arg1: memref<2000x128xf32, #tpu.memory_space<vmem>>, %arg2: memref<2000x128xf32, #tpu.memory_space<vmem>>, %arg3: memref<2000x384xbf16, #tpu.memory_space<vmem>>, %arg4: memref<256x384xbf16, #tpu.memory_space<vmem>>, %arg5: memref<5x384x384xbf16, #tpu.memory_space<vmem>>, %arg6: memref<5x384xbf16, #tpu.memory_space<vmem>>, %arg7: memref<1x384xf32, #tpu.memory_space<vmem>>, %arg8: memref<384x128xbf16, #tpu.memory_space<vmem>>, %arg9: memref<384x128xbf16, #tpu.memory_space<vmem>>, %arg10: memref<1x128xf32, #tpu.memory_space<vmem>>, %arg11: memref<2000x128xf32, #tpu.memory_space<vmem>>, %arg12: memref<1x1xf32, #tpu.memory_space<vmem>>) attributes {dimension_semantics = [#tpu.dimension_semantics<arbitrary>], iteration_bounds = array<i64: 80>, scalar_prefetch = 0 : i64, scratch_operands = 0 : i64, tpu.core_type = #tpu.core_type<tc>, window_params = [{transform_indices = @transform_0, window_bounds = array<i64: 2000, 128>}, {transform_indices = @transform_1, window_bounds = array<i64: 2000, 128>}, {transform_indices = @transform_2, window_bounds = array<i64: 2000, 384>}, {pipeline_mode = #tpu.pipeline_mode<synchronous>, transform_indices = @transform_3, window_bounds = array<i64: 256, 384>}, {pipeline_mode = #tpu.pipeline_mode<synchronous>, transform_indices = @transform_4, window_bounds = array<i64: 5, 384, 384>}, {pipeline_mode = #tpu.pipeline_mode<synchronous>, transform_indices = @transform_5, window_bounds = array<i64: 5, 384>}, {pipeline_mode = #tpu.pipeline_mode<synchronous>, transform_indices = @transform_6, window_bounds = array<i64: 1, 384>}, {pipeline_mode = #tpu.pipeline_mode<synchronous>, transform_indices = @transform_7, window_bounds = array<i64: 384, 128>}, {pipeline_mode = #tpu.pipeline_mode<synchronous>, transform_indices = @transform_8, window_bounds = array<i64: 384, 128>}, {pipeline_mode = #tpu.pipeline_mode<synchronous>, transform_indices = @transform_9, window_bounds = array<i64: 1, 128>}, {transform_indices = @transform_10, window_bounds = array<i64: 2000, 128>}, {pipeline_mode = #tpu.pipeline_mode<synchronous>, transform_indices = @transform_11, window_bounds = array<i64: 1, 1>}]} {
    %get3A = arith.constant 0 : index
    %get3A_0 = arith.constant 0 : index
    %get3A_1 = vector.load %arg1[%get3A, %get3A_0] : memref<2000x128xf32, #tpu.memory_space<vmem>>, vector<2000x128xf32>
    %get3A_2 = arith.constant 0 : index
    %get3A_3 = arith.constant 0 : index
    %get3A_4 = vector.load %arg2[%get3A_2, %get3A_3] : memref<2000x128xf32, #tpu.memory_space<vmem>>, vector<2000x128xf32>
    %concatenate3A = tpu.concatenate %get3A_1, %get3A_4 in 1 : vector<2000x128xf32>, vector<2000x128xf32> -> vector<2000x256xf32>
    %get3A_5 = arith.constant 0 : index
    %get3A_6 = arith.constant 0 : index
    %get3A_7 = vector.load %arg2[%get3A_5, %get3A_6] : memref<2000x128xf32, #tpu.memory_space<vmem>>, vector<2000x128xf32>
    %get3A_8 = arith.constant 0 : index
    %get3A_9 = arith.constant 0 : index
    %get3A_10 = vector.load %arg1[%get3A_8, %get3A_9] : memref<2000x128xf32, #tpu.memory_space<vmem>>, vector<2000x128xf32>
    %concatenate3A_11 = tpu.concatenate %get3A_7, %get3A_10 in 1 : vector<2000x128xf32>, vector<2000x128xf32> -> vector<2000x256xf32>
    %concatenate3A_12 = tpu.concatenate %concatenate3A, %concatenate3A_11 in 0 : vector<2000x256xf32>, vector<2000x256xf32> -> vector<4000x256xf32>
    %get3A_13 = arith.constant 0 : index
    %get3A_14 = arith.constant 0 : index
    %get3A_15 = vector.load %arg4[%get3A_13, %get3A_14] : memref<256x384xbf16, #tpu.memory_space<vmem>>, vector<256x384xbf16>
    %dot_general3A = arith.constant dense<0.000000e+00> : vector<4000x384xf32>
    %dot_general3A_16 = tpu.matmul %concatenate3A_12, %get3A_15, %dot_general3A {dimension_numbers = #tpu.dot_dimension_numbers<[1], [0], [0], [1], [0, 0, 1, 1], [], []>, transpose_lhs_hint = false} : vector<4000x256xf32>, vector<256x384xbf16>, vector<4000x384xf32> -> vector<4000x384xf32>
    %convert_element_type3A = arith.truncf %dot_general3A_16 : vector<4000x384xf32> to vector<4000x384xbf16>
    %get3A_17 = arith.constant 0 : index
    %get3A_18 = arith.constant 0 : index
    %get3A_19 = vector.load %arg6[%get3A_17, %get3A_18] : memref<5x384xbf16, #tpu.memory_space<vmem>>, vector<1x384xbf16>
    %get3A_20 = vector.shape_cast %get3A_19 : vector<1x384xbf16> to vector<384xbf16>
    %broadcast_in_dim3A = vector.shape_cast %get3A_20 : vector<384xbf16> to vector<1x384xbf16>
    %add3A = vector.broadcast %broadcast_in_dim3A : vector<1x384xbf16> to vector<4000x384xbf16>
    %add3A_21 = arith.addf %convert_element_type3A, %add3A : vector<4000x384xbf16>
    %max3A = arith.constant 0.000000e+00 : bf16
    %max3A_22 = vector.broadcast %max3A : bf16 to vector<4000x384xbf16>
    %max3A_23 = arith.maximumf %add3A_21, %max3A_22 : vector<4000x384xbf16>
    %get3A_24 = arith.constant 0 : index
    %get3A_25 = arith.constant 0 : index
    %get3A_26 = vector.load %arg7[%get3A_24, %get3A_25] : memref<1x384xf32, #tpu.memory_space<vmem>>, vector<1x384xf32>
    %get3A_27 = arith.constant 0 : index
    %get3A_28 = arith.constant 0 : index
    %get3A_29 = arith.constant 0 : index
    %get3A_30 = vector.load %arg5[%get3A_27, %get3A_28, %get3A_29] : memref<5x384x384xbf16, #tpu.memory_space<vmem>>, vector<1x384x384xbf16>
    %get3A_31 = vector.shape_cast %get3A_30 : vector<1x384x384xbf16> to vector<384x384xbf16>
    %dot_general3A_32 = arith.constant dense<0.000000e+00> : vector<4000x384xf32>
    %dot_general3A_33 = tpu.matmul %max3A_23, %get3A_31, %dot_general3A_32 {dimension_numbers = #tpu.dot_dimension_numbers<[1], [0], [0], [1], [0, 0, 1, 1], [], []>, transpose_lhs_hint = false} : vector<4000x384xbf16>, vector<384x384xbf16>, vector<4000x384xf32> -> vector<4000x384xf32>
    %convert_element_type3A_34 = arith.truncf %dot_general3A_33 : vector<4000x384xf32> to vector<4000x384xbf16>
    %get3A_35 = arith.constant 1 : index
    %get3A_36 = arith.constant 0 : index
    %get3A_37 = vector.load %arg6[%get3A_35, %get3A_36] : memref<5x384xbf16, #tpu.memory_space<vmem>>, vector<1x384xbf16>
    %get3A_38 = vector.shape_cast %get3A_37 : vector<1x384xbf16> to vector<384xbf16>
    %broadcast_in_dim3A_39 = vector.shape_cast %get3A_38 : vector<384xbf16> to vector<1x384xbf16>
    %add3A_40 = vector.broadcast %broadcast_in_dim3A_39 : vector<1x384xbf16> to vector<4000x384xbf16>
    %add3A_41 = arith.addf %convert_element_type3A_34, %add3A_40 : vector<4000x384xbf16>
    %max3A_42 = arith.constant 0.000000e+00 : bf16
    %max3A_43 = vector.broadcast %max3A_42 : bf16 to vector<4000x384xbf16>
    %max3A_44 = arith.maximumf %add3A_41, %max3A_43 : vector<4000x384xbf16>
    %get3A_45 = arith.constant 1 : index
    %get3A_46 = arith.constant 0 : index
    %get3A_47 = arith.constant 0 : index
    %get3A_48 = vector.load %arg5[%get3A_45, %get3A_46, %get3A_47] : memref<5x384x384xbf16, #tpu.memory_space<vmem>>, vector<1x384x384xbf16>
    %get3A_49 = vector.shape_cast %get3A_48 : vector<1x384x384xbf16> to vector<384x384xbf16>
    %dot_general3A_50 = arith.constant dense<0.000000e+00> : vector<4000x384xf32>
    %dot_general3A_51 = tpu.matmul %max3A_44, %get3A_49, %dot_general3A_50 {dimension_numbers = #tpu.dot_dimension_numbers<[1], [0], [0], [1], [0, 0, 1, 1], [], []>, transpose_lhs_hint = false} : vector<4000x384xbf16>, vector<384x384xbf16>, vector<4000x384xf32> -> vector<4000x384xf32>
    %convert_element_type3A_52 = arith.truncf %dot_general3A_51 : vector<4000x384xf32> to vector<4000x384xbf16>
    %get3A_53 = arith.constant 2 : index
    %get3A_54 = arith.constant 0 : index
    %get3A_55 = vector.load %arg6[%get3A_53, %get3A_54] : memref<5x384xbf16, #tpu.memory_space<vmem>>, vector<1x384xbf16>
    %get3A_56 = vector.shape_cast %get3A_55 : vector<1x384xbf16> to vector<384xbf16>
    %broadcast_in_dim3A_57 = vector.shape_cast %get3A_56 : vector<384xbf16> to vector<1x384xbf16>
    %add3A_58 = vector.broadcast %broadcast_in_dim3A_57 : vector<1x384xbf16> to vector<4000x384xbf16>
    %add3A_59 = arith.addf %convert_element_type3A_52, %add3A_58 : vector<4000x384xbf16>
    %max3A_60 = arith.constant 0.000000e+00 : bf16
    %max3A_61 = vector.broadcast %max3A_60 : bf16 to vector<4000x384xbf16>
    %max3A_62 = arith.maximumf %add3A_59, %max3A_61 : vector<4000x384xbf16>
    %get3A_63 = arith.constant 2 : index
    %get3A_64 = arith.constant 0 : index
    %get3A_65 = arith.constant 0 : index
    %get3A_66 = vector.load %arg5[%get3A_63, %get3A_64, %get3A_65] : memref<5x384x384xbf16, #tpu.memory_space<vmem>>, vector<1x384x384xbf16>
    %get3A_67 = vector.shape_cast %get3A_66 : vector<1x384x384xbf16> to vector<384x384xbf16>
    %dot_general3A_68 = arith.constant dense<0.000000e+00> : vector<4000x384xf32>
    %dot_general3A_69 = tpu.matmul %max3A_62, %get3A_67, %dot_general3A_68 {dimension_numbers = #tpu.dot_dimension_numbers<[1], [0], [0], [1], [0, 0, 1, 1], [], []>, transpose_lhs_hint = false} : vector<4000x384xbf16>, vector<384x384xbf16>, vector<4000x384xf32> -> vector<4000x384xf32>
    %convert_element_type3A_70 = arith.truncf %dot_general3A_69 : vector<4000x384xf32> to vector<4000x384xbf16>
    %get3A_71 = arith.constant 3 : index
    %get3A_72 = arith.constant 0 : index
    %get3A_73 = vector.load %arg6[%get3A_71, %get3A_72] : memref<5x384xbf16, #tpu.memory_space<vmem>>, vector<1x384xbf16>
    %get3A_74 = vector.shape_cast %get3A_73 : vector<1x384xbf16> to vector<384xbf16>
    %broadcast_in_dim3A_75 = vector.shape_cast %get3A_74 : vector<384xbf16> to vector<1x384xbf16>
    %add3A_76 = vector.broadcast %broadcast_in_dim3A_75 : vector<1x384xbf16> to vector<4000x384xbf16>
    %add3A_77 = arith.addf %convert_element_type3A_70, %add3A_76 : vector<4000x384xbf16>
    %max3A_78 = arith.constant 0.000000e+00 : bf16
    %max3A_79 = vector.broadcast %max3A_78 : bf16 to vector<4000x384xbf16>
    %max3A_80 = arith.maximumf %add3A_77, %max3A_79 : vector<4000x384xbf16>
    %get3A_81 = arith.constant 3 : index
    %get3A_82 = arith.constant 0 : index
    %get3A_83 = arith.constant 0 : index
    %get3A_84 = vector.load %arg5[%get3A_81, %get3A_82, %get3A_83] : memref<5x384x384xbf16, #tpu.memory_space<vmem>>, vector<1x384x384xbf16>
    %get3A_85 = vector.shape_cast %get3A_84 : vector<1x384x384xbf16> to vector<384x384xbf16>
    %dot_general3A_86 = arith.constant dense<0.000000e+00> : vector<4000x384xf32>
    %dot_general3A_87 = tpu.matmul %max3A_80, %get3A_85, %dot_general3A_86 {dimension_numbers = #tpu.dot_dimension_numbers<[1], [0], [0], [1], [0, 0, 1, 1], [], []>, transpose_lhs_hint = false} : vector<4000x384xbf16>, vector<384x384xbf16>, vector<4000x384xf32> -> vector<4000x384xf32>
    %convert_element_type3A_88 = arith.truncf %dot_general3A_87 : vector<4000x384xf32> to vector<4000x384xbf16>
    %get3A_89 = arith.constant 4 : index
    %get3A_90 = arith.constant 0 : index
    %get3A_91 = vector.load %arg6[%get3A_89, %get3A_90] : memref<5x384xbf16, #tpu.memory_space<vmem>>, vector<1x384xbf16>
    %get3A_92 = vector.shape_cast %get3A_91 : vector<1x384xbf16> to vector<384xbf16>
    %broadcast_in_dim3A_93 = vector.shape_cast %get3A_92 : vector<384xbf16> to vector<1x384xbf16>
    %add3A_94 = vector.broadcast %broadcast_in_dim3A_93 : vector<1x384xbf16> to vector<4000x384xbf16>
    %add3A_95 = arith.addf %convert_element_type3A_88, %add3A_94 : vector<4000x384xbf16>
    %max3A_96 = arith.constant 0.000000e+00 : bf16
    %max3A_97 = vector.broadcast %max3A_96 : bf16 to vector<4000x384xbf16>
    %max3A_98 = arith.maximumf %add3A_95, %max3A_97 : vector<4000x384xbf16>
    %get3A_99 = arith.constant 4 : index
    %get3A_100 = arith.constant 0 : index
    %get3A_101 = arith.constant 0 : index
    %get3A_102 = vector.load %arg5[%get3A_99, %get3A_100, %get3A_101] : memref<5x384x384xbf16, #tpu.memory_space<vmem>>, vector<1x384x384xbf16>
    %get3A_103 = vector.shape_cast %get3A_102 : vector<1x384x384xbf16> to vector<384x384xbf16>
    %dot_general3A_104 = arith.constant dense<0.000000e+00> : vector<4000x384xf32>
    %dot_general3A_105 = tpu.matmul %max3A_98, %get3A_103, %dot_general3A_104 {dimension_numbers = #tpu.dot_dimension_numbers<[1], [0], [0], [1], [0, 0, 1, 1], [], []>, transpose_lhs_hint = false} : vector<4000x384xbf16>, vector<384x384xbf16>, vector<4000x384xf32> -> vector<4000x384xf32>
    %add3A_106 = vector.broadcast %get3A_26 : vector<1x384xf32> to vector<4000x384xf32>
    %add3A_107 = arith.addf %dot_general3A_105, %add3A_106 : vector<4000x384xf32>
    %slice3A = vector.extract_strided_slice %add3A_107 {offsets = [0, 0], sizes = [2000, 384], strides = [1, 1]} : vector<4000x384xf32> to vector<2000x384xf32>
    %slice3A_108 = vector.extract_strided_slice %add3A_107 {offsets = [2000, 0], sizes = [2000, 384], strides = [1, 1]} : vector<4000x384xf32> to vector<2000x384xf32>
    %eq3A = arith.constant 0 : i32
    %eq3A_109 = arith.cmpi eq, %arg0, %eq3A : i32
    %convert_element_type3A_110 = arith.extui %eq3A_109 : i1 to i32
    %cond3A = arith.constant 0 : i32
    %cond3A_111 = arith.cmpi ne, %convert_element_type3A_110, %cond3A : i32
    scf.if %cond3A_111 {
      %broadcast_in_dim3A_149 = arith.constant 0.000000e+00 : f32
      %broadcast_in_dim3A_150 = vector.broadcast %broadcast_in_dim3A_149 : f32 to vector<1x1xf32>
      %swap3A_151 = arith.constant 0 : index
      %swap3A_152 = arith.constant 0 : index
      %swap3A_153 = vector.load %arg12[%swap3A_151, %swap3A_152] : memref<1x1xf32, #tpu.memory_space<vmem>>, vector<1x1xf32>
      tpu.vector_store %arg12[%swap3A_151, %swap3A_152], %broadcast_in_dim3A_150 {strides = array<i32>} : memref<1x1xf32, #tpu.memory_space<vmem>>, vector<1x1xf32>,
    } else {
    }
    %sub3A = arith.subf %slice3A, %slice3A_108 : vector<2000x384xf32>
    %get3A_112 = arith.constant 0 : index
    %get3A_113 = arith.constant 0 : index
    %get3A_114 = vector.load %arg12[%get3A_112, %get3A_113] : memref<1x1xf32, #tpu.memory_space<vmem>>, vector<1x1xf32>
    %mul3A = arith.mulf %sub3A, %sub3A : vector<2000x384xf32>
    %reduce_sum3A = vector.shape_cast %mul3A : vector<2000x384xf32> to vector<1x2000x384xf32>
    %reduce_sum3A_115 = arith.constant dense<0.000000e+00> : vector<1xf32>
    %reduce_sum3A_116 = vector.multi_reduction <add>, %reduce_sum3A, %reduce_sum3A_115 [1, 2] : vector<1x2000x384xf32> to vector<1xf32>
    %reduce_sum3A_117 = vector.shape_cast %reduce_sum3A_116 : vector<1xf32> to vector<1x1x1xf32>
    %reduce_sum3A_118 = vector.extract %reduce_sum3A_117[0, 0, 0] : f32 from vector<1x1x1xf32>
    %reshape3A = vector.broadcast %reduce_sum3A_118 : f32 to vector<1x1xf32>
    %add3A_119 = arith.addf %get3A_114, %reshape3A : vector<1x1xf32>
    %swap3A = arith.constant 0 : index
    %swap3A_120 = arith.constant 0 : index
    %swap3A_121 = vector.load %arg12[%swap3A, %swap3A_120] : memref<1x1xf32, #tpu.memory_space<vmem>>, vector<1x1xf32>
    tpu.vector_store %arg12[%swap3A, %swap3A_120], %add3A_119 {strides = array<i32>} : memref<1x1xf32, #tpu.memory_space<vmem>>, vector<1x1xf32>,
    %add3A_122 = arith.addf %slice3A, %slice3A_108 : vector<2000x384xf32>
    %mul3A_123 = arith.constant 5.000000e-01 : f32
    %mul3A_124 = vector.broadcast %mul3A_123 : f32 to vector<2000x384xf32>
    %mul3A_125 = arith.mulf %mul3A_124, %add3A_122 : vector<2000x384xf32>
    %convert_element_type3A_126 = arith.truncf %mul3A_125 : vector<2000x384xf32> to vector<2000x384xbf16>
    %get3A_127 = arith.constant 0 : index
    %get3A_128 = arith.constant 0 : index
    %get3A_129 = vector.load %arg8[%get3A_127, %get3A_128] : memref<384x128xbf16, #tpu.memory_space<vmem>>, vector<384x128xbf16>
    %dot_general3A_130 = arith.constant dense<0.000000e+00> : vector<2000x128xf32>
    %dot_general3A_131 = tpu.matmul %convert_element_type3A_126, %get3A_129, %dot_general3A_130 {dimension_numbers = #tpu.dot_dimension_numbers<[1], [0], [0], [1], [0, 0, 1, 1], [], []>, transpose_lhs_hint = false} : vector<2000x384xbf16>, vector<384x128xbf16>, vector<2000x128xf32> -> vector<2000x128xf32>
    %get3A_132 = arith.constant 0 : index
    %get3A_133 = arith.constant 0 : index
    %get3A_134 = vector.load %arg3[%get3A_132, %get3A_133] : memref<2000x384xbf16, #tpu.memory_space<vmem>>, vector<2000x384xbf16>
    %get3A_135 = arith.constant 0 : index
    %get3A_136 = arith.constant 0 : index
    %get3A_137 = vector.load %arg9[%get3A_135, %get3A_136] : memref<384x128xbf16, #tpu.memory_space<vmem>>, vector<384x128xbf16>
    %dot_general3A_138 = arith.constant dense<0.000000e+00> : vector<2000x128xf32>
    %dot_general3A_139 = tpu.matmul %get3A_134, %get3A_137, %dot_general3A_138 {dimension_numbers = #tpu.dot_dimension_numbers<[1], [0], [0], [1], [0, 0, 1, 1], [], []>, transpose_lhs_hint = false} : vector<2000x384xbf16>, vector<384x128xbf16>, vector<2000x128xf32> -> vector<2000x128xf32>
    %add3A_140 = arith.addf %dot_general3A_131, %dot_general3A_139 : vector<2000x128xf32>
    %get3A_141 = arith.constant 0 : index
    %get3A_142 = arith.constant 0 : index
    %get3A_143 = vector.load %arg10[%get3A_141, %get3A_142] : memref<1x128xf32, #tpu.memory_space<vmem>>, vector<1x128xf32>
    %add3A_144 = vector.broadcast %get3A_143 : vector<1x128xf32> to vector<2000x128xf32>
    %add3A_145 = arith.addf %add3A_140, %add3A_144 : vector<2000x128xf32>
    %swap3A_146 = arith.constant 0 : index
    %swap3A_147 = arith.constant 0 : index
    %swap3A_148 = vector.load %arg11[%swap3A_146, %swap3A_147] : memref<2000x128xf32, #tpu.memory_space<vmem>>, vector<2000x128xf32>
    tpu.vector_store %arg11[%swap3A_146, %swap3A_147], %add3A_145 {strides = array<i32>} : memref<2000x128xf32, #tpu.memory_space<vmem>>, vector<2000x128xf32>,
    return
  }
  func.func @transform_0(%arg0: i32) -> (i32, i32) {
    %c0_i32 = arith.constant 0 : i32
    %c0_i32_0 = arith.constant 0 : i32
    return %arg0, %c0_i32 : i32, i32
  }
  func.func @transform_1(%arg0: i32) -> (i32, i32) {
    %add3A = arith.constant 80 : i32
    %add3A_0 = arith.addi %arg0, %add3A : i32
    %c0_i32 = arith.constant 0 : i32
    %c0_i32_1 = arith.constant 0 : i32
    return %add3A_0, %c0_i32 : i32, i32
  }
  func.func @transform_2(%arg0: i32) -> (i32, i32) {
    %c0_i32 = arith.constant 0 : i32
    %c0_i32_0 = arith.constant 0 : i32
    return %arg0, %c0_i32 : i32, i32
  }
  func.func @transform_3(%arg0: i32) -> (i32, i32) {
    %c0_i32 = arith.constant 0 : i32
    %c0_i32_0 = arith.constant 0 : i32
    %c0_i32_1 = arith.constant 0 : i32
    return %c0_i32, %c0_i32_0 : i32, i32
  }
  func.func @transform_4(%arg0: i32) -> (i32, i32, i32) {
    %c0_i32 = arith.constant 0 : i32
    %c0_i32_0 = arith.constant 0 : i32
    %c0_i32_1 = arith.constant 0 : i32
    %c0_i32_2 = arith.constant 0 : i32
    return %c0_i32, %c0_i32_0, %c0_i32_1 : i32, i32, i32
  }
  func.func @transform_5(%arg0: i32) -> (i32, i32) {
    %c0_i32 = arith.constant 0 : i32
    %c0_i32_0 = arith.constant 0 : i32
    %c0_i32_1 = arith.constant 0 : i32
    return %c0_i32, %c0_i32_0 : i32, i32
  }
  func.func @transform_6(%arg0: i32) -> (i32, i32) {
    %c0_i32 = arith.constant 0 : i32
    %c0_i32_0 = arith.constant 0 : i32
    %c0_i32_1 = arith.constant 0 : i32
    return %c0_i32, %c0_i32_0 : i32, i32
  }
  func.func @transform_7(%arg0: i32) -> (i32, i32) {
    %c0_i32 = arith.constant 0 : i32
    %c0_i32_0 = arith.constant 0 : i32
    %c0_i32_1 = arith.constant 0 : i32
    return %c0_i32, %c0_i32_0 : i32, i32
  }
  func.func @transform_8(%arg0: i32) -> (i32, i32) {
    %c0_i32 = arith.constant 0 : i32
    %c0_i32_0 = arith.constant 0 : i32
    %c0_i32_1 = arith.constant 0 : i32
    return %c0_i32, %c0_i32_0 : i32, i32
  }
  func.func @transform_9(%arg0: i32) -> (i32, i32) {
    %c0_i32 = arith.constant 0 : i32
    %c0_i32_0 = arith.constant 0 : i32
    %c0_i32_1 = arith.constant 0 : i32
    return %c0_i32, %c0_i32_0 : i32, i32
  }
  func.func @transform_10(%arg0: i32) -> (i32, i32) {
    %c0_i32 = arith.constant 0 : i32
    %c0_i32_0 = arith.constant 0 : i32
    return %arg0, %c0_i32 : i32, i32
  }
  func.func @transform_11(%arg0: i32) -> (i32, i32) {
    %c0_i32 = arith.constant 0 : i32
    %c0_i32_0 = arith.constant 0 : i32
    %c0_i32_1 = arith.constant 0 : i32
    return %c0_i32, %c0_i32_0 : i32, i32
  }
}

</mosaic_0001>

<sc_bundles>
// kernel: kernel.19.cloned.1.call-start
scs
__scs_entry_jumppad:
0x0: {  	(pc) =	sbr.rel $0x88, $3  }
0x1: {  	(tag) =	ssettag $0x0;
	lr =	simm.s32 $0x1  }
0x2: {  	[smem:$0x3F68] =	sst lr;
	_ =	strace $0xD0000000  }
0x3: {  	_ = 	snop  }
0x4: {  	_ = 	snop  }
0x5: {  	_ = 	snop  }
0x6: {  	_ = 	snop  }
0x7: {  	_ = 	snop  }
__scs_overlays_trampoline_lowered:
0x8: {  	[smem:$0x3F77] =	sst s0  }
0x9: {  	[smem:$0x3F78] =	sst s1  }
0xa: {  	[smem:$0x3F79] =	sst s2  }
0xb: {  	[smem:$0x3F7A] =	sst s3  }
0xc: {  	[smem:$0x3F7B] =	sst s4  }
0xd: {  	[smem:$0x3F7C] =	sst s5  }
0xe: {  	[smem:$0x3F7D] =	sst s6  }
0xf: {  	[smem:$0x3F7E] =	sst s7  }
0x10: {  	[smem:$0x3F7F] =	sst s8  }
0x11: {  	[smem:$0x3F80] =	sst s9;
	s0 =	simm.s32 @!p0 $0x0  }
0x12: {  	s1 =	sld [smem:$0x3F66];
	s0 =	simm.s32 @p0 $0x1  }
0x13: {  	[smem:$0x3F81] =	sst s0;
	s0 =	simm.s32 @!p1 $0x0  }
0x14: {  	s2 =	sld [smem:$0x3F65];
	s0 =	simm.s32 @p1 $0x1  }
0x15: {  	[smem:$0x3F82] =	sst s0;
	s0 =	simm.s32 @!p2 $0x0  }
0x16: {  	s3 =	sld [smem:$0x3FDB];
	s0 =	simm.s32 @p2 $0x1  }
0x17: {  	s4 =	simm.s32 $0x1BF5;
	[smem:$0x3F84] =	sst s0  }
0x18: {  	s0 =	sld [smem:$0x3F67];
	_ =	swait.ge [sflag:s4], $0x0  }
0x19: {  	s7 =	sld [smem:$0x3F68]  }
0x1a: {  	s8 =	sadd.s32 $0xFFFFE003, lr  }
0x1b: {  	s9 =	sadd.s32 $0xFFFFFEF7, lr;
	s5 =	simm.s32 $0xFFFFFFFF;
	p2 =	slt.u32 s8, $0xFFFFF086  }
0x1c: {  	p1 =	slt.u32 s9, $0xF7A;
	s5 =	simm.s32 @!p2 $0x0  }
0x1d: {  	s5 =	simm.s32 @p1 $0x1;
	p0 =	seq.s32 s7, s2  }
0x1e: {  	s7 =	smul.u32 @!p0 $0xF7A, s2;
	p2 =	seq.s32 @!p0 s5, $0x0  }
0x1f: {  	s9 =	smul.u32 $0xF7A, s1;
	s8 =	simm.s32 @!p0 $0x1BF5;
	p2 =	por !p2, p0  }
0x20: {  	[sflag:s8] =	ssyncset.s32 @!p0 $0xFFFFF086;
	s6 =	sadd.s32 @!p0 s3, s7;
	s7 =	simm.s32 @!p0 $0x108  }
0x21: {  	s3 =	sadd.s32 s3, s9;
	s6 =	sadd.s32 @!p0 $0x88, s6;
	s7 =	simm.s32 @p2 $0x1082  }
0x22: {  	[simem:s7], [sflag:s8] =	dma.local @!p0 [hbm:s6], $0xF7A  }
0x23: {  	s9 =	sor.u32 $0xD0000000, s2;
	s6 =	simm.s32 $0x108;
	_ =	swait.ge @!p0 [sflag:s8], $0x0  }
0x24: {  	s3 =	sadd.s32 $0x88, s3;
	s6 =	simm.s32 @!p1 $0x1082;
	[sflag:s4] =	ssyncset.s32 $0xFFFFF086  }
0x25: {  	[simem:s6], [sflag:s4] =	dma.local [hbm:s3], $0xF7A  }
0x26: {  	[smem:$0x3F68] =	sst s1;
	(tag) =	ssettag s2;
	_ =	strace s9  }
0x27: {  	s1 =	sld [smem:$0x3F78]  }
0x28: {  	s2 =	sld [smem:$0x3F79]  }
0x29: {  	s4 =	sld [smem:$0x3F7B]  }
0x2a: {  	p0 =	seq.s32 s5, $0x0;
	s5 =	sld [smem:$0x3F7C]  }
0x2b: {  	s6 =	sld [smem:$0x3F7D]  }
0x2c: {  	s7 =	sld [smem:$0x3F7E]  }
0x2d: {  	s3 =	simm.s32 $0x108;
	s8 =	sld [smem:$0x3F7F]  }
0x2e: {  	s3 =	simm.s32 @!p0 $0x1082;
	s9 =	sld [smem:$0x3F80]  }
0x2f: {  	lr =	sadd.s32 s0, s3;
	s0 =	sld [smem:$0x3F77]  }
0x30: {  	s3 =	sld [smem:$0x3F7A]  }
0x31: {  	[smem:$0x3F83] =	sst s10  }
0x32: {  	s10 =	sld [smem:$0x3F81];
	_ =	sdelay $0x3  }
0x33: {  	p0 =	seq.s32 s10, $0x1;
	s10 =	sld [smem:$0x3F83];
	_ =	sdelay $0x3  }
0x34: {  	[smem:$0x3F83] =	sst s10  }
0x35: {  	s10 =	sld [smem:$0x3F82];
	_ =	sdelay $0x3  }
0x36: {  	p1 =	seq.s32 s10, $0x1;
	s10 =	sld [smem:$0x3F83];
	_ =	sdelay $0x3  }
0x37: {  	[smem:$0x3F83] =	sst s10  }
0x38: {  	s10 =	sld [smem:$0x3F84]  }
0x39: {  	_ = 	snop;
	(pc) =	sbr.ind lr, $3  }
0x3a: {  	_ = 	snop  }
0x3b: {  	_ = 	snop  }
0x3c: {  	p2 =	seq.s32 s10, $0x1;
	s10 =	sld [smem:$0x3F83]  }
0x3d: {  	_ =	shalt  }
0x3e: {  	_ =	shalt  }
0x3f: {  	_ =	shalt  }
0x40: {  	_ =	shalt  }
0x41: {  	_ =	shalt  }
0x42: {  	_ =	shalt  }
0x43: {  	_ =	shalt  }
0x44: {  	_ =	shalt  }
0x45: {  	_ =	shalt  }
0x46: {  	_ =	shalt  }
0x47: {  	_ =	shalt  }
0x48: {  	_ =	shalt  }
0x49: {  	_ =	shalt  }
0x4a: {  	_ =	shalt  }
0x4b: {  	_ =	shalt  }
0x4c: {  	_ =	shalt  }
0x4d: {  	_ =	shalt  }
0x4e: {  	_ =	shalt  }
0x4f: {  	_ =	shalt  }
0x50: {  	_ =	shalt  }
0x51: {  	_ =	shalt  }
0x52: {  	_ =	shalt  }
0x53: {  	_ =	shalt  }
0x54: {  	_ =	shalt  }
0x55: {  	_ =	shalt  }
0x56: {  	_ =	shalt  }
0x57: {  	_ =	shalt  }
0x58: {  	_ =	shalt  }
0x59: {  	_ =	shalt  }
0x5a: {  	_ =	shalt  }
0x5b: {  	_ =	shalt  }
0x5c: {  	_ =	shalt  }
0x5d: {  	_ =	shalt  }
0x5e: {  	_ =	shalt  }
0x5f: {  	_ =	shalt  }
0x60: {  	_ =	shalt  }
0x61: {  	_ =	shalt  }
0x62: {  	_ =	shalt  }
0x63: {  	_ =	shalt  }
0x64: {  	_ =	shalt  }
0x65: {  	_ =	shalt  }
0x66: {  	_ =	shalt  }
0x67: {  	_ =	shalt  }
0x68: {  	_ =	shalt  }
0x69: {  	_ =	shalt  }
0x6a: {  	_ =	shalt  }
0x6b: {  	_ =	shalt  }
0x6c: {  	_ =	shalt  }
0x6d: {  	_ =	shalt  }
0x6e: {  	_ =	shalt  }
0x6f: {  	_ =	shalt  }
0x70: {  	_ =	shalt  }
0x71: {  	_ =	shalt  }
0x72: {  	_ =	shalt  }
0x73: {  	_ =	shalt  }
0x74: {  	_ =	shalt  }
0x75: {  	_ =	shalt  }
0x76: {  	_ =	shalt  }
0x77: {  	_ =	shalt  }
0x78: {  	_ =	shalt  }
0x79: {  	_ =	shalt  }
0x7a: {  	_ =	shalt  }
0x7b: {  	_ =	shalt  }
0x7c: {  	_ =	shalt  }
0x7d: {  	_ =	shalt  }
0x7e: {  	_ =	shalt  }
0x7f: {  	_ =	shalt  }
0x80: {  	_ =	shalt  }
0x81: {  	_ =	shalt  }
0x82: {  	_ =	shalt  }
0x83: {  	_ =	shalt  }
0x84: {  	_ =	shalt  }
0x85: {  	_ =	shalt  }
0x86: {  	_ =	shalt  }
0x87: {  	_ =	shalt  }
.Lfunc_end0:
.L_simem_size_0:
called_computation_lowered:
.L_overlay_start_0:
0x88: {  	s2 =	sld [smem:$0x3FD9]  }
0x89: {  	s3 =	sld [smem:$0x3FFE];
	_ =	sdelay $0x1  }
0x8a: {  	s1 =	srdreg.scid  }
0x8b: {  	s0 =	sand.u32 $0x1, s1  }
0x8c: {  	s17 =	sshll.u32 s0, $0xA;
	s2 =	sadd.s32 s3, s2  }
0x8d: {  	s2 =	sadd.s32 s2, s17  }
0x8e: {  	[smem:$0x3F8F] =	sst s2  }
0x8f: {  	_ = 	snop  }
0x90: {  	(tm) =	ssettm $0x1  }
0x91: {  	s18 =	sld [smem:$0x3FFB];
	_ =	sdelay $0x3  }
0x92: {  	_ =	strace s18  }
0x93: {  	s2 =	sld [smem:$0x3FFC];
	_ =	sdelay $0x3  }
0x94: {  	_ =	strace s2  }
0x95: {  	s2 =	sld [smem:$0x3FFD];
	_ =	sdelay $0x3  }
0x96: {  	_ =	strace s2  }
0x97: {  	_ =	strace $0x8FFFFFFF  }
0x98: {  	s19 =	sld [smem:$0x3FDB];
	_ =	sdelay $0x1  }
0x99: {  	s20 =	simm.s32 $_scs_section_size  }
0x9a: {  	s4 =	simm.s32 $_size__tile_overlayer_lowered;
	s5 =	simm.s32 $_tile_overlayer_lowered  }
0x9b: {  	s6 =	simm.s32 $0x1BFF;
	s21 =	sshll.u32 s5, $0x1;
	s3 =	sadd.s32 s20, s19  }
0x9c: {  	s22 =	simm.s32 $0x0;
	s4 =	sshll.u32 s4, $0x1;
	s5 =	sadd.s32 s21, s3  }
0x9d: {  	[timem:s22], [sflag:s6] =	dma.local [hbm:s5], s4  }
0x9e: {  	_ =	swait.ge [sflag:s6], s4  }
0x9f: {  	s4 =	ssub.s32 $0x0, s4;
	[sflag:s6] =	ssyncset.done $0x0  }
0xa0: {  	[sflag:s6] =	ssyncadd.s32 s4;
	_ =	sdelay $0x1  }
0xa1: {  	s23 =	simm.s32 $0x1B8B  }
0xa2: {  	_ =	swait.ge [sflag:s23], $0x1  }
0xa3: {  	[sflag:s23] =	ssyncset.done $0x0  }
0xa4: {  	[sflag:s23] =	ssyncadd.s32 $0xFFFFFFFF  }
0xa5: {  	s4 =	sld [smem:$0x0]  }
0xa6: {  	s5 =	sand.u32 $0xFFFFFFFE, s1  }
0xa7: {  	p0 =	sne.s32 s1, s5  }
0xa8: {  	s5 =	sshll.u32 @p0 s5, $0xE  }
0xa9: {  	s5 =	sadd.s32 @p0 $0x11B8D, s5;
	s6 =	sshll.u32 @p0 s4, $0x11  }
0xaa: {  	s5 =	sor.u32 @p0 s6, s5  }
0xab: {  	[sflag:s5] =	ssyncadd.remote.s32 @p0 $0x1;
	_ =	sdelay $0x1  }
0xac: {  	s5 =	simm.s32 @p0 $0x1B8D  }
0xad: {  	_ =	swait.eq @p0 [sflag:s5], $0x1  }
0xae: {  	[sflag:s5] =	ssyncadd.s32 @p0 $0xFFFFFFFF  }
0xaf: {  	s6 =	sshll.u32 @!p0 s1, $0xE  }
0xb0: {  	s6 =	sor.u32 @!p0 $0x4000, s6;
	s5 =	simm.s32 @!p0 $0x1B8D  }
0xb1: {  	s4 =	sshll.u32 @!p0 s4, $0x11;
	s6 =	sadd.s32 @!p0 $0x11B8D, s6;
	_ =	swait.eq @!p0 [sflag:s5], $0x1  }
0xb2: {  	s4 =	sor.u32 @!p0 s4, s6;
	[sflag:s5] =	ssyncadd.s32 @!p0 $0xFFFFFFFF  }
0xb3: {  	s25 =	simm.s32 $0x1B8E;
	s24 =	sld [smem:$0x3FFE];
	[sflag:s4] =	ssyncadd.remote.s32 @!p0 $0x1  }
0xb4: {  	s26 =	simm.s32 $execute0_lowered;
	[smem:$0x3FD2] =	sst s25  }
0xb5: {  	s5 =	sshll.u32 s26, $0x1;
	_ =	strace $0x8000004C;
	[dreg:$0x1] =	wrdreg $0xFFFFFFFF  }
0xb6: {  	s28 =	simm.s32 $_size_execute0_lowered;
	s3 =	sadd.s32 s3, s5;
	[dreg:$0x0] =	wrdreg $0x0  }
0xb7: {  	s5 =	sshll.u32 s28, $0x1;
	[dreg:$0x2] =	wrdreg s3  }
0xb8: {  	[dreg:$0x3] =	wrdreg s5  }
0xb9: {  	[dreg:$0x4] =	wrdreg $0xC0  }
0xba: {  	_ =	task [dreg:s22], $0x5FFFF  }
0xbb: {  	[dreg:$0x1] =	wrdreg $0xFFFFFFFF  }
0xbc: {  	[dreg:$0x0] =	wrdreg $0x60  }
0xbd: {  	[dreg:$0x2] =	wrdreg s24  }
0xbe: {  	[dreg:$0x3] =	wrdreg $0x54000  }
0xbf: {  	[dreg:$0x4] =	wrdreg $0x9  }
0xc0: {  	_ =	task.clear_ibuf [dreg:s22], $0x5FFFF;
	_ =	strace $0x9000004C  }
0xc1: {  	s29 =	simm.s32 $0x9;
	_ =	strace $0x8000004E  }
0xc2: {  	_ =	swait.ge [sflag:s29], $0x1  }
0xc3: {  	[sflag:s29] =	ssyncadd.s32 $0xFFFFFFFF  }
0xc4: {  	_ =	strace $0x9000004E  }
0xc5: {  	_ =	sfence  }
0xc6: {  	s30 =	sld [smem:$0x0];
	_ =	sdelay $0x2  }
0xc7: {  	s31 =	sshll.u32 s1, $0xD;
	s1 =	sshrl.u32 s1, $0x2  }
0xc8: {  	s4 =	sand.u32 $0x4000, s31;
	s1 =	sadd.s32 s1, s30  }
0xc9: {  	s0 =	sor.u32 s4, s0;
	s1 =	sshll.u32 s1, $0x11  }
0xca: {  	s0 =	sor.u32 s1, s0  }
0xcb: {  	s0 =	sadd.s32 $0x8F2B, s0  }
0xcc: {  	[sflag:s0] =	ssyncadd.remote.s32 $0x1  }
0xcd: {  	_ =	sfence.sel $0xFFFF  }
0xce: {  	[dreg:$0x0] =	wrdreg $0xFFFFFFFF;
	(pc) =	sbr.abs _section_cstart, $3  }
0xcf: {  	[dreg:$0x1] =	wrdreg $0xFFFFFFFF  }
0xd0: {  	_ =	task.clear_ibuf [dreg:s22], $0x2FFFF;
	_ =	strace $0x9FFFFFFF  }
0xd1: {  	(tm) =	ssettm $0x7FFFFFFF  }
tec
execute0_lowered:
.L_overlay_start_1:
0x0: {  	(tag) =	ssettag $0x1  }
0x1: {  	s1 =	srdreg.scid  }
0x2: {  	s0 =	stileid.u32;
	s9 =	rddreg [dreg:$0x0]  }
0x3: {  	s2 =	rddreg [dreg:$0x1];
	s3 =	simm.s32 $0x0;
	s17 =	simm.s32 $0x1  }
0x4: {  	s18 =	simm.s32 $0x0;
	s6 =	sand.u32 $0x1, s1;
	s7 =	smul.u32 $0x2700, s0  }
0x5: {  	s26 =	sshll.u32 s0, $0x1;
	s1 =	rddreg [dreg:$0x2];
	s28 =	smul.u32 $0x4E000, s0  }
0x6: {  	[smem:$0x7FF] =	sst s3;
	s12 =	sadd.s32 $0x52DE00, s9;
	s31 =	smul.u32 $0x13800, s0  }
0x7: {  	s14 =	sadd.s32 $0x124800, s2;
	p1 =	seq.s32 s0, $0xF;
	s5 =	sor.u32 s6, s26  }
0x8: {  	_ =	strace $0x8000004D;
	s10 =	ssub.s32 $0x2, s6;
	s29 =	smul.u32 $0x138800, s6  }
0x9: {  	s16 =	sshll.u32 @!p1 s0, $0x6;
	s4 =	smul.u32 $0x280, s5;
	s7 =	sadd.s32 s7, s9  }
0xa: {  	s11 =	sshrl.u32 s10, $0x1;
	p0 =	seq.s32 s5, $0x1F;
	s5 =	simm.s32 $0xA  }
0xb: {  	s30 =	sshrl.u32 s28, $0x2;
	s13 =	ssub.s32 s10, s11;
	s5 =	simm.s32 @!p0 $0x28  }
0xc: {  	s15 =	sadd.s32 s30, s2;
	s6 =	sadd.s32 $0x506C00, s7;
	s7 =	sadd.s32 $0x52B500, s9  }
0xd: {  	s10 =	sadd.s32 s31, s29;
	s11 =	sshrl.u32 s29, $0x3;
	s8 =	sadd.s32 s4, s9  }
0xe: {  	s4 =	sadd.s32 $0x506400, s9;
	s9 =	sadd.s32 $0x506180, s9;
	s10 =	sshrl.u32 s10, $0x3  }
0xf: {  	s11 =	sadd.s32 s12, s11;
	s15 =	sshrl.u32 @!p1 s15, $0x3;
	s8 =	sadd.s32 $0x501400, s8  }
0x10: {  	s10 =	sadd.s32 s12, s10;
	s11 =	sadd.s32 $0x24900, s11;
	s12 =	smax.u32 s13, $0x1  }
0x11: {  	s13 =	sshrl.u32 @p1 s14, $0x3;
	s14 =	sor.u32 @!p1 $0x1C01, s16;
	s16 =	simm.s32 $0x1400  }
.LBB2_1:
0x12: {  	s19 =	simm.s32 @p1 $0x1FC1  }
0x13: {  	[spmem:s13], [sflag:s19] =	dma.local @p1 [hbm:s7], $0x2800  }
0x14: {  	s19 =	simm.s32 @p1 $0x1  }
0x15: {  	_ =	swait.ge @p1 [sflag:s19], $0x2800  }
0x16: {  	[sflag:s19] =	ssyncset.done @p1 $0x0  }
0x17: {  	[sflag:s19] =	ssyncadd.s32 @p1 $0xFFFFD800;
	s19 =	simm.s32 @!p1 $0x1  }
0x18: {  	[spmem:s15], [sflag:s14] =	dma.local @!p1 [hbm:s6], $0x2700  }
0x19: {  	_ =	swait.ge @!p1 [sflag:s19], $0x2700  }
0x1a: {  	[sflag:s19] =	ssyncset.done @!p1 $0x0  }
0x1b: {  	[sflag:s19] =	ssyncadd.s32 @!p1 $0xFFFFD900  }
0x1c: {  	[tilespmem:s16], [sflag:$0x1] =	stream.linear.gather [hbm4b:s4+s3], $0x4000, $0x38;
	[tilespmem:$0x18C80] =	vst v63  }
0x1d: {  	_ =	swait.ge [sflag:s17], $0x4000  }
0x1e: {  	[sflag:s17] =	ssyncset.done $0x0  }
0x1f: {  	s19 =	simm.s32 @p0 $0x0;
	[sflag:s17] =	ssyncadd.s32 $0xFFFFC000  }
0x20: {  	[tilespmem:s19], [sflag:$0x1] =	stream.linear.gather @p0 [hbm4b:s9+s19], $0x800, $0x38;
	[tilespmem:$0x18C80] =	vst v63  }
0x21: {  	s19 =	simm.s32 @p0 $0x1  }
0x22: {  	_ =	swait.ge @p0 [sflag:s19], $0x800  }
0x23: {  	[sflag:s19] =	ssyncset.done @p0 $0x0  }
0x24: {  	[sflag:s19] =	ssyncadd.s32 @p0 $0xFFFFF800;
	s19 =	simm.s32 @!p0 $0x0  }
0x25: {  	[tilespmem:s19], [sflag:$0x1] =	stream.linear.gather @!p0 [hbm4b:s8+s19], $0x1400, $0x38;
	[tilespmem:$0x18C80] =	vst v63  }
0x26: {  	s19 =	simm.s32 @!p0 $0x1  }
0x27: {  	_ =	swait.ge @!p0 [sflag:s19], $0x1400  }
0x28: {  	p2 =	sle.u32 s5, $0x0;
	[sflag:s19] =	ssyncset.done @!p0 $0x0  }
0x29: {  	s20 =	simm.s32 @!p2 $0x1400;
	[sflag:s19] =	ssyncadd.s32 @!p0 $0xFFFFEC00  }
0x2a: {  	s21 =	simm.s32 @!p2 $0x1;
	s19 =	simm.s32 @!p2 $0x80;
	[bflag:$0x0] =	sbarrier.arrive $0xFFFF  }
0x2b: {  	[spmem:s2] =	stream.indirect.scatter.add.f32 @!p2 [tilespmem:s20], [sflag:$0x1], $0x80, s3, s19, $0xb8;
	[tilespmem:$0x18C80] =	vst v63  }
0x2c: {  	_ =	swait.ge @!p2 [sflag:s21], $0x4000  }
0x2d: {  	s19 =	simm.s32 $0x1;
	s20 =	simm.s32 $0x0;
	[sflag:s21] =	ssyncset.done @!p2 $0x0  }
.LBB2_2:
0x2e: {  	[sflag:s21] =	ssyncadd.s32 @!p2 $0xFFFFC000;
	s21 =	smov.u32 s19;
	s19 =	sadd.s32 $0x1, s19  }
0x2f: {  	s20 =	sadd.s32 $0x80, s20;
	p3 =	sne.s32 s19, $0x28  }
.Ltmp0:
0x30: {  	p2 =	sge.u32 s21, s5;
	(pc) =	sbr.rel @p3 .LBB2_2-.Ltmp0, $4  }
0x31: {  	s22 =	simm.s32 @!p2 $0x80;
	s23 =	simm.s32 @!p2 $0x1400;
	s21 =	simm.s32 @!p2 $0x1  }
0x32: {  	[spmem:s2] =	stream.indirect.scatter.add.f32 @!p2 [tilespmem:s23], [sflag:$0x1], $0x80, s20, s22, $0xb8;
	[tilespmem:$0x18C80] =	vst v63  }
0x33: {  	_ =	swait.ge @!p2 [sflag:s21], $0x4000  }
0x34: {  	[sflag:s21] =	ssyncset.done @!p2 $0x0  }
0x35: {  	[sflag:s21] =	ssyncadd.s32 @!p2 $0xFFFFC000  }
0x36: {  	s19 =	simm.s32 @p1 $0x1FC1;
	[bflag:$0x0] =	sbarrier.arrive $0xFFFF  }
0x37: {  	[hbm:s11], [sflag:s19] =	dma.local @p1 [spmem:s13], $0x2800  }
0x38: {  	s19 =	simm.s32 @p1 $0x1  }
0x39: {  	s18 =	sadd.s32 $0x1, s18;
	_ =	swait.ge @p1 [sflag:s19], $0x2800  }
0x3a: {  	p2 =	sne.s32 s18, s12;
	[sflag:s19] =	ssyncset.done @p1 $0x0  }
.Ltmp1:
0x3b: {  	[sflag:s19] =	ssyncadd.s32 @p1 $0xFFFFD800;
	s19 =	simm.s32 @!p1 $0x1;
	(pc) =	sbr.rel @p2 .LBB2_1-.Ltmp1, $4  }
0x3c: {  	[hbm:s10], [sflag:s14] =	dma.local @!p1 [spmem:s15], $0x2700  }
0x3d: {  	_ =	swait.ge @!p1 [sflag:s19], $0x2700  }
0x3e: {  	[sflag:s19] =	ssyncset.done @!p1 $0x0  }
0x3f: {  	[sflag:s19] =	ssyncadd.s32 @!p1 $0xFFFFD900  }
0x40: {  	_ =	sfence.sel $0x180000  }
0x41: {  	[bflag:$0x0] =	sbarrier.arrive $0xFFFF  }
0x42: {  	p0 =	sne.s32 s0, $0x0;
	_ =	strace $0x9000004D  }
0x43: {  	s0 =	sadd.s32 @!p0 $0x100000, s1;
	[bflag:$0x2] =	sbarrier.arrive $0xFFFF  }
0x44: {  	[sflag:s0] =	ssyncadd.tile.s32 @!p0 $0x1;
	_ =	shalt  }
.Lfunc_end2:
_tile_overlayer_lowered:
.L_overlay_start_2:
0x45: {  	(tag) =	ssettag $0x2  }
0x46: {  	s0 =	rddreg [dreg:$0x0];
	s2 =	stileid.u32  }
0x47: {  	s1 =	rddreg [dreg:$0x1];
	p0 =	sne.s32 s2, $0x0  }
0x48: {  	s3 =	rddreg [dreg:$0x2];
	[bflag:$0x3] =	sbarrier.arrive $0xFFFF;
	s2 =	simm.s32 @!p0 $0x1C01  }
0x49: {  	[timem:s3], [sflag:s2] =	dma.local @!p0 [hbm:s0], s1  }
0x4a: {  	s0 =	simm.s32 @!p0 $0x1  }
0x4b: {  	_ =	swait.ge @!p0 [sflag:s0], s1  }
0x4c: {  	s1 =	ssub.s32 @!p0 $0x0, s1;
	[sflag:s0] =	ssyncset.done @!p0 $0x0  }
0x4d: {  	[sflag:s0] =	ssyncadd.s32 @!p0 s1  }
0x4e: {  	[bflag:$0x3] =	sbarrier.arrive $0xFFFF  }
0x4f: {  	_ =	shalt  }

// kernel: kernel.22.cloned.1.call-start
scs
__scs_entry_jumppad:
0x0: {  	(pc) =	sbr.rel $0x88, $3  }
0x1: {  	(tag) =	ssettag $0x0;
	lr =	simm.s32 $0x1  }
0x2: {  	[smem:$0x3F68] =	sst lr;
	_ =	strace $0xD0000000  }
0x3: {  	_ = 	snop  }
0x4: {  	_ = 	snop  }
0x5: {  	_ = 	snop  }
0x6: {  	_ = 	snop  }
0x7: {  	_ = 	snop  }
__scs_overlays_trampoline_lowered:
0x8: {  	[smem:$0x3F77] =	sst s0  }
0x9: {  	[smem:$0x3F78] =	sst s1  }
0xa: {  	[smem:$0x3F79] =	sst s2  }
0xb: {  	[smem:$0x3F7A] =	sst s3  }
0xc: {  	[smem:$0x3F7B] =	sst s4  }
0xd: {  	[smem:$0x3F7C] =	sst s5  }
0xe: {  	[smem:$0x3F7D] =	sst s6  }
0xf: {  	[smem:$0x3F7E] =	sst s7  }
0x10: {  	[smem:$0x3F7F] =	sst s8  }
0x11: {  	[smem:$0x3F80] =	sst s9;
	s0 =	simm.s32 @!p0 $0x0  }
0x12: {  	s1 =	sld [smem:$0x3F66];
	s0 =	simm.s32 @p0 $0x1  }
0x13: {  	[smem:$0x3F81] =	sst s0;
	s0 =	simm.s32 @!p1 $0x0  }
0x14: {  	s2 =	sld [smem:$0x3F65];
	s0 =	simm.s32 @p1 $0x1  }
0x15: {  	[smem:$0x3F82] =	sst s0;
	s0 =	simm.s32 @!p2 $0x0  }
0x16: {  	s3 =	sld [smem:$0x3FDB];
	s0 =	simm.s32 @p2 $0x1  }
0x17: {  	s4 =	simm.s32 $0x1BF5;
	[smem:$0x3F84] =	sst s0  }
0x18: {  	s0 =	sld [smem:$0x3F67];
	_ =	swait.ge [sflag:s4], $0x0  }
0x19: {  	s7 =	sld [smem:$0x3F68]  }
0x1a: {  	s8 =	sadd.s32 $0xFFFFE003, lr  }
0x1b: {  	s9 =	sadd.s32 $0xFFFFFEF7, lr;
	s5 =	simm.s32 $0xFFFFFFFF;
	p2 =	slt.u32 s8, $0xFFFFF086  }
0x1c: {  	p1 =	slt.u32 s9, $0xF7A;
	s5 =	simm.s32 @!p2 $0x0  }
0x1d: {  	s5 =	simm.s32 @p1 $0x1;
	p0 =	seq.s32 s7, s2  }
0x1e: {  	s7 =	smul.u32 @!p0 $0xF7A, s2;
	p2 =	seq.s32 @!p0 s5, $0x0  }
0x1f: {  	s9 =	smul.u32 $0xF7A, s1;
	s8 =	simm.s32 @!p0 $0x1BF5;
	p2 =	por !p2, p0  }
0x20: {  	[sflag:s8] =	ssyncset.s32 @!p0 $0xFFFFF086;
	s6 =	sadd.s32 @!p0 s3, s7;
	s7 =	simm.s32 @!p0 $0x108  }
0x21: {  	s3 =	sadd.s32 s3, s9;
	s6 =	sadd.s32 @!p0 $0x88, s6;
	s7 =	simm.s32 @p2 $0x1082  }
0x22: {  	[simem:s7], [sflag:s8] =	dma.local @!p0 [hbm:s6], $0xF7A  }
0x23: {  	s9 =	sor.u32 $0xD0000000, s2;
	s6 =	simm.s32 $0x108;
	_ =	swait.ge @!p0 [sflag:s8], $0x0  }
0x24: {  	s3 =	sadd.s32 $0x88, s3;
	s6 =	simm.s32 @!p1 $0x1082;
	[sflag:s4] =	ssyncset.s32 $0xFFFFF086  }
0x25: {  	[simem:s6], [sflag:s4] =	dma.local [hbm:s3], $0xF7A  }
0x26: {  	[smem:$0x3F68] =	sst s1;
	(tag) =	ssettag s2;
	_ =	strace s9  }
0x27: {  	s1 =	sld [smem:$0x3F78]  }
0x28: {  	s2 =	sld [smem:$0x3F79]  }
0x29: {  	s4 =	sld [smem:$0x3F7B]  }
0x2a: {  	p0 =	seq.s32 s5, $0x0;
	s5 =	sld [smem:$0x3F7C]  }
0x2b: {  	s6 =	sld [smem:$0x3F7D]  }
0x2c: {  	s7 =	sld [smem:$0x3F7E]  }
0x2d: {  	s3 =	simm.s32 $0x108;
	s8 =	sld [smem:$0x3F7F]  }
0x2e: {  	s3 =	simm.s32 @!p0 $0x1082;
	s9 =	sld [smem:$0x3F80]  }
0x2f: {  	lr =	sadd.s32 s0, s3;
	s0 =	sld [smem:$0x3F77]  }
0x30: {  	s3 =	sld [smem:$0x3F7A]  }
0x31: {  	[smem:$0x3F83] =	sst s10  }
0x32: {  	s10 =	sld [smem:$0x3F81];
	_ =	sdelay $0x3  }
0x33: {  	p0 =	seq.s32 s10, $0x1;
	s10 =	sld [smem:$0x3F83];
	_ =	sdelay $0x3  }
0x34: {  	[smem:$0x3F83] =	sst s10  }
0x35: {  	s10 =	sld [smem:$0x3F82];
	_ =	sdelay $0x3  }
0x36: {  	p1 =	seq.s32 s10, $0x1;
	s10 =	sld [smem:$0x3F83];
	_ =	sdelay $0x3  }
0x37: {  	[smem:$0x3F83] =	sst s10  }
0x38: {  	s10 =	sld [smem:$0x3F84]  }
0x39: {  	_ = 	snop;
	(pc) =	sbr.ind lr, $3  }
0x3a: {  	_ = 	snop  }
0x3b: {  	_ = 	snop  }
0x3c: {  	p2 =	seq.s32 s10, $0x1;
	s10 =	sld [smem:$0x3F83]  }
0x3d: {  	_ =	shalt  }
0x3e: {  	_ =	shalt  }
0x3f: {  	_ =	shalt  }
0x40: {  	_ =	shalt  }
0x41: {  	_ =	shalt  }
0x42: {  	_ =	shalt  }
0x43: {  	_ =	shalt  }
0x44: {  	_ =	shalt  }
0x45: {  	_ =	shalt  }
0x46: {  	_ =	shalt  }
0x47: {  	_ =	shalt  }
0x48: {  	_ =	shalt  }
0x49: {  	_ =	shalt  }
0x4a: {  	_ =	shalt  }
0x4b: {  	_ =	shalt  }
0x4c: {  	_ =	shalt  }
0x4d: {  	_ =	shalt  }
0x4e: {  	_ =	shalt  }
0x4f: {  	_ =	shalt  }
0x50: {  	_ =	shalt  }
0x51: {  	_ =	shalt  }
0x52: {  	_ =	shalt  }
0x53: {  	_ =	shalt  }
0x54: {  	_ =	shalt  }
0x55: {  	_ =	shalt  }
0x56: {  	_ =	shalt  }
0x57: {  	_ =	shalt  }
0x58: {  	_ =	shalt  }
0x59: {  	_ =	shalt  }
0x5a: {  	_ =	shalt  }
0x5b: {  	_ =	shalt  }
0x5c: {  	_ =	shalt  }
0x5d: {  	_ =	shalt  }
0x5e: {  	_ =	shalt  }
0x5f: {  	_ =	shalt  }
0x60: {  	_ =	shalt  }
0x61: {  	_ =	shalt  }
0x62: {  	_ =	shalt  }
0x63: {  	_ =	shalt  }
0x64: {  	_ =	shalt  }
0x65: {  	_ =	shalt  }
0x66: {  	_ =	shalt  }
0x67: {  	_ =	shalt  }
0x68: {  	_ =	shalt  }
0x69: {  	_ =	shalt  }
0x6a: {  	_ =	shalt  }
0x6b: {  	_ =	shalt  }
0x6c: {  	_ =	shalt  }
0x6d: {  	_ =	shalt  }
0x6e: {  	_ =	shalt  }
0x6f: {  	_ =	shalt  }
0x70: {  	_ =	shalt  }
0x71: {  	_ =	shalt  }
0x72: {  	_ =	shalt  }
0x73: {  	_ =	shalt  }
0x74: {  	_ =	shalt  }
0x75: {  	_ =	shalt  }
0x76: {  	_ =	shalt  }
0x77: {  	_ =	shalt  }
0x78: {  	_ =	shalt  }
0x79: {  	_ =	shalt  }
0x7a: {  	_ =	shalt  }
0x7b: {  	_ =	shalt  }
0x7c: {  	_ =	shalt  }
0x7d: {  	_ =	shalt  }
0x7e: {  	_ =	shalt  }
0x7f: {  	_ =	shalt  }
0x80: {  	_ =	shalt  }
0x81: {  	_ =	shalt  }
0x82: {  	_ =	shalt  }
0x83: {  	_ =	shalt  }
0x84: {  	_ =	shalt  }
0x85: {  	_ =	shalt  }
0x86: {  	_ =	shalt  }
0x87: {  	_ =	shalt  }
.Lfunc_end0:
.L_simem_size_0:
called_computation.1_lowered:
.L_overlay_start_0:
0x88: {  	s2 =	sld [smem:$0x3FD9]  }
0x89: {  	s3 =	sld [smem:$0x3FFE];
	_ =	sdelay $0x1  }
0x8a: {  	s1 =	srdreg.scid  }
0x8b: {  	s0 =	sand.u32 $0x1, s1  }
0x8c: {  	s17 =	sshll.u32 s0, $0xA;
	s2 =	sadd.s32 s3, s2  }
0x8d: {  	s2 =	sadd.s32 s2, s17  }
0x8e: {  	[smem:$0x3F8F] =	sst s2  }
0x8f: {  	_ = 	snop  }
0x90: {  	s18 =	sld [smem:$0x3FC9];
	(tm) =	ssettm $0x1  }
0x91: {  	s19 =	sld [smem:$0x3FFB];
	_ =	sdelay $0x3  }
0x92: {  	_ =	strace s19  }
0x93: {  	s2 =	sld [smem:$0x3FFC];
	_ =	sdelay $0x3  }
0x94: {  	_ =	strace s2  }
0x95: {  	s2 =	sld [smem:$0x3FFD];
	_ =	sdelay $0x3  }
0x96: {  	_ =	strace s2  }
0x97: {  	_ =	strace $0x8FFFFFFF  }
0x98: {  	s20 =	sld [smem:$0x3FDB];
	_ =	sdelay $0x1  }
0x99: {  	s4 =	simm.s32 $_scs_section_size  }
0x9a: {  	s5 =	simm.s32 $_size__tile_overlayer_lowered;
	s6 =	simm.s32 $_tile_overlayer_lowered  }
0x9b: {  	s7 =	simm.s32 $0x1BFF;
	s21 =	sshll.u32 s6, $0x1;
	s4 =	sadd.s32 s4, s20  }
0x9c: {  	s22 =	simm.s32 $0x0;
	s5 =	sshll.u32 s5, $0x1;
	s6 =	sadd.s32 s21, s4  }
0x9d: {  	[timem:s22], [sflag:s7] =	dma.local [hbm:s6], s5  }
0x9e: {  	_ =	swait.ge [sflag:s7], s5  }
0x9f: {  	s5 =	ssub.s32 $0x0, s5;
	[sflag:s7] =	ssyncset.done $0x0  }
0xa0: {  	[sflag:s7] =	ssyncadd.s32 s5;
	_ =	sdelay $0x1  }
0xa1: {  	s23 =	simm.s32 $0x1B8B  }
0xa2: {  	_ =	swait.ge [sflag:s23], $0x1  }
0xa3: {  	[sflag:s23] =	ssyncset.done $0x0  }
0xa4: {  	[sflag:s23] =	ssyncadd.s32 $0xFFFFFFFF  }
0xa5: {  	s5 =	sld [smem:$0x0]  }
0xa6: {  	s6 =	sand.u32 $0xFFFFFFFE, s1  }
0xa7: {  	p0 =	sne.s32 s1, s6  }
0xa8: {  	s6 =	sshll.u32 @p0 s6, $0xE  }
0xa9: {  	s6 =	sadd.s32 @p0 $0x11B8D, s6;
	s7 =	sshll.u32 @p0 s5, $0x11  }
0xaa: {  	s6 =	sor.u32 @p0 s7, s6  }
0xab: {  	[sflag:s6] =	ssyncadd.remote.s32 @p0 $0x1;
	_ =	sdelay $0x1  }
0xac: {  	s6 =	simm.s32 @p0 $0x1B8D  }
0xad: {  	_ =	swait.eq @p0 [sflag:s6], $0x1  }
0xae: {  	[sflag:s6] =	ssyncadd.s32 @p0 $0xFFFFFFFF  }
0xaf: {  	s7 =	sshll.u32 @!p0 s1, $0xE  }
0xb0: {  	s7 =	sor.u32 @!p0 $0x4000, s7;
	s6 =	simm.s32 @!p0 $0x1B8D  }
0xb1: {  	s5 =	sshll.u32 @!p0 s5, $0x11;
	s7 =	sadd.s32 @!p0 $0x11B8D, s7;
	_ =	swait.eq @!p0 [sflag:s6], $0x1  }
0xb2: {  	s5 =	sor.u32 @!p0 s5, s7;
	[sflag:s6] =	ssyncadd.s32 @!p0 $0xFFFFFFFF  }
0xb3: {  	s25 =	simm.s32 $0x1B8E;
	s24 =	sld [smem:$0x3FFE];
	[sflag:s5] =	ssyncadd.remote.s32 @!p0 $0x1  }
0xb4: {  	s26 =	simm.s32 $execute0_lowered;
	[smem:$0x3FD2] =	sst s25  }
0xb5: {  	s6 =	sshll.u32 s26, $0x1;
	_ =	strace $0x80000049;
	[dreg:$0x1] =	wrdreg $0xFFFFFFFF  }
0xb6: {  	s28 =	simm.s32 $_size_execute0_lowered;
	s4 =	sadd.s32 s4, s6;
	[dreg:$0x0] =	wrdreg $0x0  }
0xb7: {  	s6 =	sshll.u32 s28, $0x1;
	[dreg:$0x2] =	wrdreg s4  }
0xb8: {  	[dreg:$0x3] =	wrdreg s6  }
0xb9: {  	[dreg:$0x4] =	wrdreg $0xC0  }
0xba: {  	_ =	task [dreg:s22], $0x5FFFF  }
0xbb: {  	[dreg:$0x1] =	wrdreg $0xFFFFFFFF  }
0xbc: {  	[dreg:$0x0] =	wrdreg $0x60  }
0xbd: {  	[dreg:$0x2] =	wrdreg s18  }
0xbe: {  	[dreg:$0x3] =	wrdreg s24  }
0xbf: {  	[dreg:$0x4] =	wrdreg $0xA  }
0xc0: {  	_ =	task.clear_ibuf [dreg:s22], $0x5FFFF;
	_ =	strace $0x90000049  }
0xc1: {  	s29 =	simm.s32 $0xA;
	_ =	strace $0x8000004B  }
0xc2: {  	_ =	swait.ge [sflag:s29], $0x1  }
0xc3: {  	[sflag:s29] =	ssyncadd.s32 $0xFFFFFFFF  }
0xc4: {  	_ =	strace $0x9000004B  }
0xc5: {  	_ =	sfence  }
0xc6: {  	s30 =	sld [smem:$0x0];
	_ =	sdelay $0x2  }
0xc7: {  	s31 =	sshll.u32 s1, $0xD;
	s1 =	sshrl.u32 s1, $0x2  }
0xc8: {  	s4 =	sand.u32 $0x4000, s31;
	s1 =	sadd.s32 s1, s30  }
0xc9: {  	s0 =	sor.u32 s4, s0;
	s1 =	sshll.u32 s1, $0x11  }
0xca: {  	s0 =	sor.u32 s1, s0  }
0xcb: {  	s0 =	sadd.s32 $0x8F2B, s0  }
0xcc: {  	[sflag:s0] =	ssyncadd.remote.s32 $0x1  }
0xcd: {  	_ =	sfence.sel $0xFFFF  }
0xce: {  	[dreg:$0x0] =	wrdreg $0xFFFFFFFF;
	(pc) =	sbr.abs _section_cstart, $3  }
0xcf: {  	[dreg:$0x1] =	wrdreg $0xFFFFFFFF  }
0xd0: {  	_ =	task.clear_ibuf [dreg:s22], $0x2FFFF;
	_ =	strace $0x9FFFFFFF  }
0xd1: {  	(tm) =	ssettm $0x7FFFFFFF  }
tec
execute0_lowered:
.L_overlay_start_1:
0x0: {  	(tag) =	ssettag $0x1  }
0x1: {  	s1 =	srdreg.scid;
	s2 =	rddreg [dreg:$0x0]  }
0x2: {  	s0 =	stileid.u32;
	s6 =	rddreg [dreg:$0x1]  }
0x3: {  	s3 =	simm.s32 $0x0;
	s15 =	simm.s32 $0x1;
	s16 =	simm.s32 $0x2  }
0x4: {  	s17 =	simm.s32 $0x3;
	s18 =	simm.s32 $0x0;
	s30 =	smul.u32 $0x50, s0  }
0x5: {  	s8 =	sand.u32 $0x1, s1;
	s29 =	sshll.u32 s0, $0x1;
	s13 =	smul.u32 $0x28000, s0  }
0x6: {  	[smem:$0x7FF] =	sst s3;
	s10 =	sadd.s32 $0x290400, s6;
	s12 =	smul.u32 $0x28, s8  }
0x7: {  	s4 =	sor.u32 s8, s29;
	s7 =	ssub.s32 $0x2, s8;
	s14 =	smul.u32 $0x14000, s8  }
0x8: {  	_ =	strace $0x8000004A;
	s5 =	smul.u32 $0x280, s4;
	s9 =	sshrl.u32 s7, $0x1  }
0x9: {  	s11 =	smul.u32 $0x14000, s4;
	p0 =	seq.s32 s4, $0x1F;
	s4 =	simm.s32 $0xA  }
0xa: {  	s31 =	sadd.s32 s13, s10;
	s13 =	simm.s32 $0x1400;
	s7 =	ssub.s32 s7, s9  }
0xb: {  	s4 =	simm.s32 @!p0 $0x28;
	s9 =	sadd.s32 s12, s30;
	s5 =	sadd.s32 s5, s6  }
0xc: {  	s6 =	sadd.s32 $0x290180, s6;
	s7 =	smax.u32 s7, $0x1;
	s8 =	sadd.s32 s10, s11  }
0xd: {  	s12 =	sshll.u32 s9, $0xB;
	s11 =	sadd.s32 s14, s31;
	s14 =	simm.s32 $0x5400  }
0xe: {  	s5 =	sadd.s32 $0x28B400, s5;
	s9 =	sadd.s32 $0x800, s8;
	s12 =	sadd.s32 s12, s10  }
0xf: {  	s10 =	sadd.s32 $0x1000, s11;
	s11 =	sadd.s32 $0x1800, s12;
	s12 =	simm.s32 $0x80  }
.LBB2_1:
0x10: {  	s19 =	simm.s32 @p0 $0x0  }
0x11: {  	[tilespmem:s19], [sflag:$0x4] =	stream.linear.gather @p0 [hbm4b:s6+s19], $0x500, $0x38;
	[tilespmem:$0x9400] =	vst v63  }
0x12: {  	s19 =	simm.s32 @p0 $0x4  }
0x13: {  	_ =	swait.ge @p0 [sflag:s19], $0x500  }
0x14: {  	[sflag:s19] =	ssyncset.done @p0 $0x0  }
0x15: {  	[sflag:s19] =	ssyncadd.s32 @p0 $0xFFFFFB00;
	s19 =	simm.s32 @!p0 $0x0  }
0x16: {  	[tilespmem:s19], [sflag:$0x4] =	stream.linear.gather @!p0 [hbm4b:s5+s19], $0x1400, $0x38;
	[tilespmem:$0x9400] =	vst v63  }
0x17: {  	s19 =	simm.s32 @!p0 $0x4  }
0x18: {  	_ =	swait.ge @!p0 [sflag:s19], $0x1400  }
0x19: {  	[sflag:s19] =	ssyncset.done @!p0 $0x0  }
0x1a: {  	[sflag:s19] =	ssyncadd.s32 @!p0 $0xFFFFEC00  }
0x1b: {  	[tilespmem:s13], [sflag:$0x1] =	stream.indirect.gather [hbm4b:s2+s12], $0x80, s3, s12, $0xb8;
	[tilespmem:$0x9400] =	vst v63  }
0x1c: {  	_ = 	snop  }
0x1d: {  	[tilespmem:s14], [sflag:$0x1] =	stream.indirect.gather [hbm4b:s2+s12], $0x80, s12, s12, $0xb8;
	[tilespmem:$0x9400] =	vst v63  }
0x1e: {  	_ =	swait.ge [sflag:s15], $0x4000  }
0x1f: {  	[sflag:s15] =	ssyncset.done $0x0  }
0x20: {  	[sflag:s15] =	ssyncadd.s32 $0xFFFFC000  }
0x21: {  	_ =	swait.ge [sflag:s15], $0x4000  }
0x22: {  	[sflag:s15] =	ssyncset.done $0x0  }
0x23: {  	p2 =	sle.u32 s4, $0x2;
	[sflag:s15] =	ssyncadd.s32 $0xFFFFC000  }
0x24: {  	[hbm4b:s8+s3] =	stream.linear.scatter [tilespmem:s13], [sflag:$0x2], $0x4000, $0x38;
	[tilespmem:$0x9400] =	vst v63  }
0x25: {  	s19 =	simm.s32 @!p2 $0x2  }
0x26: {  	[hbm4b:s9+s3] =	stream.linear.scatter [tilespmem:s14], [sflag:$0x3], $0x4000, $0x38;
	[tilespmem:$0x9400] =	vst v63  }
0x27: {  	_ =	swait.ge @!p2 [sflag:s19], $0x4000  }
0x28: {  	p1 =	sle.u32 s4, $0x3;
	[sflag:s19] =	ssyncset.done @!p2 $0x0  }
0x29: {  	[sflag:s19] =	ssyncadd.s32 @!p2 $0xFFFFC000;
	s19 =	simm.s32 @!p1 $0x3  }
0x2a: {  	s20 =	simm.s32 $0x100;
	_ =	swait.ge @!p1 [sflag:s19], $0x4000  }
0x2b: {  	s24 =	simm.s32 @!p1 $0x5400;
	p2 =	por p2, p2;
	[sflag:s19] =	ssyncset.done @!p1 $0x0  }
0x2c: {  	s26 =	simm.s32 @!p2 $0x1400;
	[sflag:s19] =	ssyncadd.s32 @!p1 $0xFFFFC000;
	s19 =	simm.s32 @!p2 $0x80  }
0x2d: {  	[tilespmem:s26], [sflag:$0x1] =	stream.indirect.gather @!p2 [hbm4b:s2+s19], $0x80, s20, s19, $0xb8;
	[tilespmem:$0x9400] =	vst v63  }
0x2e: {  	s22 =	simm.s32 @!p2 $0x1;
	s19 =	simm.s32 @!p1 $0x180;
	s20 =	simm.s32 @!p1 $0x80  }
0x2f: {  	[tilespmem:s24], [sflag:$0x1] =	stream.indirect.gather @!p1 [hbm4b:s2+s20], $0x80, s19, s20, $0xb8;
	[tilespmem:$0x9400] =	vst v63  }
0x30: {  	s21 =	simm.s32 $0x5;
	_ =	swait.ge @!p2 [sflag:s22], $0x4000  }
0x31: {  	s23 =	simm.s32 $0x7;
	p4 =	sle.u32 s4, $0x4;
	[sflag:s22] =	ssyncset.done @!p2 $0x0  }
0x32: {  	s28 =	smov.u32 s10;
	[sflag:s22] =	ssyncadd.s32 @!p2 $0xFFFFC000;
	s22 =	simm.s32 @!p1 $0x1  }
0x33: {  	s29 =	smov.u32 s11;
	s25 =	simm.s32 @!p1 $0x0;
	_ =	swait.ge @!p1 [sflag:s22], $0x4000  }
0x34: {  	s30 =	simm.s32 @!p2 $0x0;
	s20 =	sadd.s32 $0x1000, s10;
	[sflag:s22] =	ssyncset.done @!p1 $0x0  }
0x35: {  	s19 =	sadd.s32 $0x1000, s11;
	[sflag:s22] =	ssyncadd.s32 @!p1 $0xFFFFC000;
	s22 =	simm.s32 $0x200  }
.LBB2_2:
0x36: {  	[hbm4b:s28+s30] =	stream.linear.scatter @!p2 [tilespmem:s26], [sflag:$0x2], $0x4000, $0x38;
	[tilespmem:$0x9400] =	vst v63  }
0x37: {  	s26 =	simm.s32 @!p4 $0x2;
	s30 =	smov.u32 s23;
	s23 =	sadd.s32 $0x2, s23  }
0x38: {  	[hbm4b:s29+s25] =	stream.linear.scatter @!p1 [tilespmem:s24], [sflag:$0x3], $0x4000, $0x38;
	[tilespmem:$0x9400] =	vst v63  }
0x39: {  	s28 =	smov.u32 s20;
	p3 =	sne.s32 s23, $0x29;
	_ =	swait.ge @!p4 [sflag:s26], $0x4000  }
0x3a: {  	p1 =	sge.u32 s21, s4;
	s21 =	smov.u32 s30;
	[sflag:s26] =	ssyncset.done @!p4 $0x0  }
0x3b: {  	s25 =	simm.s32 @!p1 $0x0;
	[sflag:s26] =	ssyncadd.s32 @!p4 $0xFFFFC000;
	s26 =	simm.s32 @!p1 $0x3  }
0x3c: {  	p2 =	por p4, p4;
	s29 =	smov.u32 s19;
	_ =	swait.ge @!p1 [sflag:s26], $0x4000  }
0x3d: {  	s24 =	simm.s32 @!p1 $0x5400;
	[sflag:s26] =	ssyncset.done @!p1 $0x0  }
0x3e: {  	s30 =	simm.s32 @!p2 $0x80;
	[sflag:s26] =	ssyncadd.s32 @!p1 $0xFFFFC000;
	s26 =	simm.s32 @!p2 $0x1400  }
0x3f: {  	[tilespmem:s26], [sflag:$0x1] =	stream.indirect.gather @!p2 [hbm4b:s2+s30], $0x80, s22, s30, $0xb8;
	[tilespmem:$0x9400] =	vst v63  }
0x40: {  	s1 =	simm.s32 @!p2 $0x1;
	s31 =	simm.s32 @!p1 $0x80;
	s30 =	sadd.s32 @!p1 $0x80, s22  }
0x41: {  	[tilespmem:s24], [sflag:$0x1] =	stream.indirect.gather @!p1 [hbm4b:s2+s31], $0x80, s30, s31, $0xb8;
	[tilespmem:$0x9400] =	vst v63  }
0x42: {  	_ =	swait.ge @!p2 [sflag:s1], $0x4000  }
.Ltmp0:
0x43: {  	[sflag:s1] =	ssyncset.done @!p2 $0x0;
	(pc) =	sbr.rel @p3 .LBB2_2-.Ltmp0, $4  }
0x44: {  	[sflag:s1] =	ssyncadd.s32 @!p2 $0xFFFFC000;
	s1 =	simm.s32 @!p1 $0x1  }
0x45: {  	s20 =	sadd.s32 $0x1000, s20;
	s19 =	sadd.s32 $0x1000, s19;
	_ =	swait.ge @!p1 [sflag:s1], $0x4000  }
0x46: {  	s31 =	sadd.s32 $0xFFFFFFFF, s21;
	s30 =	simm.s32 @!p2 $0x0;
	[sflag:s1] =	ssyncset.done @!p1 $0x0  }
0x47: {  	s22 =	sadd.s32 $0x100, s22;
	p4 =	sge.u32 s31, s4;
	[sflag:s1] =	ssyncadd.s32 @!p1 $0xFFFFC000  }
0x48: {  	[hbm4b:s28+s30] =	stream.linear.scatter @!p2 [tilespmem:s26], [sflag:$0x2], $0x4000, $0x38;
	[tilespmem:$0x9400] =	vst v63  }
0x49: {  	s1 =	simm.s32 @!p4 $0x2  }
0x4a: {  	[hbm4b:s29+s25] =	stream.linear.scatter @!p1 [tilespmem:s24], [sflag:$0x3], $0x4000, $0x38;
	[tilespmem:$0x9400] =	vst v63  }
0x4b: {  	_ =	swait.ge @!p4 [sflag:s1], $0x4000  }
0x4c: {  	p1 =	sge.u32 s21, s4;
	[sflag:s1] =	ssyncset.done @!p4 $0x0  }
0x4d: {  	[sflag:s1] =	ssyncadd.s32 @!p4 $0xFFFFC000;
	s1 =	simm.s32 @!p1 $0x3  }
0x4e: {  	p2 =	por p4, p4;
	_ =	swait.ge @!p1 [sflag:s1], $0x4000  }
0x4f: {  	s23 =	simm.s32 @!p2 $0x1400;
	[sflag:s1] =	ssyncset.done @!p1 $0x0  }
0x50: {  	s24 =	simm.s32 @!p2 $0x1;
	[sflag:s1] =	ssyncadd.s32 @!p1 $0xFFFFC000;
	s1 =	simm.s32 @!p2 $0x80  }
0x51: {  	[tilespmem:s23], [sflag:$0x1] =	stream.indirect.gather @!p2 [hbm4b:s2+s1], $0x80, s22, s1, $0xb8;
	[tilespmem:$0x9400] =	vst v63  }
0x52: {  	s21 =	simm.s32 @!p1 $0x5400;
	s1 =	sadd.s32 @!p1 $0x80, s22;
	s22 =	simm.s32 @!p1 $0x80  }
0x53: {  	[tilespmem:s21], [sflag:$0x1] =	stream.indirect.gather @!p1 [hbm4b:s2+s22], $0x80, s1, s22, $0xb8;
	[tilespmem:$0x9400] =	vst v63  }
0x54: {  	_ =	swait.ge @!p2 [sflag:s24], $0x4000  }
0x55: {  	[sflag:s24] =	ssyncset.done @!p2 $0x0  }
0x56: {  	s1 =	simm.s32 @!p1 $0x1;
	[sflag:s24] =	ssyncadd.s32 @!p2 $0xFFFFC000  }
0x57: {  	_ =	swait.ge @!p1 [sflag:s1], $0x4000  }
0x58: {  	[sflag:s1] =	ssyncset.done @!p1 $0x0  }
0x59: {  	s22 =	simm.s32 @!p2 $0x0;
	[sflag:s1] =	ssyncadd.s32 @!p1 $0xFFFFC000  }
0x5a: {  	[hbm4b:s20+s22] =	stream.linear.scatter @!p2 [tilespmem:s23], [sflag:$0x2], $0x4000, $0x38;
	[tilespmem:$0x9400] =	vst v63  }
0x5b: {  	s18 =	sadd.s32 $0x1, s18;
	s1 =	simm.s32 @!p1 $0x0  }
0x5c: {  	[hbm4b:s19+s1] =	stream.linear.scatter @!p1 [tilespmem:s21], [sflag:$0x3], $0x4000, $0x38;
	[tilespmem:$0x9400] =	vst v63  }
0x5d: {  	p1 =	sne.s32 s18, s7;
	_ =	swait.ge [sflag:s16], $0x4000  }
.Ltmp1:
0x5e: {  	[sflag:s16] =	ssyncset.done $0x0;
	(pc) =	sbr.rel @p1 .LBB2_1-.Ltmp1, $4  }
0x5f: {  	[sflag:s16] =	ssyncadd.s32 $0xFFFFC000  }
0x60: {  	_ =	swait.ge [sflag:s17], $0x4000  }
0x61: {  	[sflag:s17] =	ssyncset.done $0x0  }
0x62: {  	[sflag:s17] =	ssyncadd.s32 $0xFFFFC000  }
0x63: {  	_ =	sfence.sel $0x180000  }
0x64: {  	[bflag:$0x0] =	sbarrier.arrive $0xFFFF  }
0x65: {  	_ =	strace $0x9000004A  }
0x66: {  	[bflag:$0x2] =	sbarrier.arrive $0xFFFF  }
0x67: {  	p0 =	sne.s32 s0, $0x0;
	s0 =	rddreg [dreg:$0x2]  }
0x68: {  	s0 =	sadd.s32 @!p0 $0x100000, s0  }
0x69: {  	[sflag:s0] =	ssyncadd.tile.s32 @!p0 $0x1;
	_ =	shalt  }
.Lfunc_end2:
_tile_overlayer_lowered:
.L_overlay_start_2:
0x6a: {  	(tag) =	ssettag $0x2  }
0x6b: {  	s0 =	rddreg [dreg:$0x0];
	s2 =	stileid.u32  }
0x6c: {  	s1 =	rddreg [dreg:$0x1];
	p0 =	sne.s32 s2, $0x0  }
0x6d: {  	s3 =	rddreg [dreg:$0x2];
	[bflag:$0x3] =	sbarrier.arrive $0xFFFF;
	s2 =	simm.s32 @!p0 $0x1C04  }
0x6e: {  	[timem:s3], [sflag:s2] =	dma.local @!p0 [hbm:s0], s1  }
0x6f: {  	s0 =	simm.s32 @!p0 $0x4  }
0x70: {  	_ =	swait.ge @!p0 [sflag:s0], s1  }
0x71: {  	s1 =	ssub.s32 @!p0 $0x0, s1;
	[sflag:s0] =	ssyncset.done @!p0 $0x0  }
0x72: {  	[sflag:s0] =	ssyncadd.s32 @!p0 s1  }
0x73: {  	[bflag:$0x3] =	sbarrier.arrive $0xFFFF  }
0x74: {  	_ =	shalt  }

// kernel: kernel.25.cloned.1.call-start
scs
__scs_entry_jumppad:
0x0: {  	(pc) =	sbr.rel $0x88, $3  }
0x1: {  	(tag) =	ssettag $0x0;
	lr =	simm.s32 $0x1  }
0x2: {  	[smem:$0x3F68] =	sst lr;
	_ =	strace $0xD0000000  }
0x3: {  	_ = 	snop  }
0x4: {  	_ = 	snop  }
0x5: {  	_ = 	snop  }
0x6: {  	_ = 	snop  }
0x7: {  	_ = 	snop  }
__scs_overlays_trampoline_lowered:
0x8: {  	[smem:$0x3F77] =	sst s0  }
0x9: {  	[smem:$0x3F78] =	sst s1  }
0xa: {  	[smem:$0x3F79] =	sst s2  }
0xb: {  	[smem:$0x3F7A] =	sst s3  }
0xc: {  	[smem:$0x3F7B] =	sst s4  }
0xd: {  	[smem:$0x3F7C] =	sst s5  }
0xe: {  	[smem:$0x3F7D] =	sst s6  }
0xf: {  	[smem:$0x3F7E] =	sst s7  }
0x10: {  	[smem:$0x3F7F] =	sst s8  }
0x11: {  	[smem:$0x3F80] =	sst s9;
	s0 =	simm.s32 @!p0 $0x0  }
0x12: {  	s1 =	sld [smem:$0x3F66];
	s0 =	simm.s32 @p0 $0x1  }
0x13: {  	[smem:$0x3F81] =	sst s0;
	s0 =	simm.s32 @!p1 $0x0  }
0x14: {  	s2 =	sld [smem:$0x3F65];
	s0 =	simm.s32 @p1 $0x1  }
0x15: {  	[smem:$0x3F82] =	sst s0;
	s0 =	simm.s32 @!p2 $0x0  }
0x16: {  	s3 =	sld [smem:$0x3FDB];
	s0 =	simm.s32 @p2 $0x1  }
0x17: {  	s4 =	simm.s32 $0x1BF5;
	[smem:$0x3F84] =	sst s0  }
0x18: {  	s0 =	sld [smem:$0x3F67];
	_ =	swait.ge [sflag:s4], $0x0  }
0x19: {  	s7 =	sld [smem:$0x3F68]  }
0x1a: {  	s8 =	sadd.s32 $0xFFFFE003, lr  }
0x1b: {  	s9 =	sadd.s32 $0xFFFFFEF7, lr;
	s5 =	simm.s32 $0xFFFFFFFF;
	p2 =	slt.u32 s8, $0xFFFFF086  }
0x1c: {  	p1 =	slt.u32 s9, $0xF7A;
	s5 =	simm.s32 @!p2 $0x0  }
0x1d: {  	s5 =	simm.s32 @p1 $0x1;
	p0 =	seq.s32 s7, s2  }
0x1e: {  	s7 =	smul.u32 @!p0 $0xF7A, s2;
	p2 =	seq.s32 @!p0 s5, $0x0  }
0x1f: {  	s9 =	smul.u32 $0xF7A, s1;
	s8 =	simm.s32 @!p0 $0x1BF5;
	p2 =	por !p2, p0  }
0x20: {  	[sflag:s8] =	ssyncset.s32 @!p0 $0xFFFFF086;
	s6 =	sadd.s32 @!p0 s3, s7;
	s7 =	simm.s32 @!p0 $0x108  }
0x21: {  	s3 =	sadd.s32 s3, s9;
	s6 =	sadd.s32 @!p0 $0x88, s6;
	s7 =	simm.s32 @p2 $0x1082  }
0x22: {  	[simem:s7], [sflag:s8] =	dma.local @!p0 [hbm:s6], $0xF7A  }
0x23: {  	s9 =	sor.u32 $0xD0000000, s2;
	s6 =	simm.s32 $0x108;
	_ =	swait.ge @!p0 [sflag:s8], $0x0  }
0x24: {  	s3 =	sadd.s32 $0x88, s3;
	s6 =	simm.s32 @!p1 $0x1082;
	[sflag:s4] =	ssyncset.s32 $0xFFFFF086  }
0x25: {  	[simem:s6], [sflag:s4] =	dma.local [hbm:s3], $0xF7A  }
0x26: {  	[smem:$0x3F68] =	sst s1;
	(tag) =	ssettag s2;
	_ =	strace s9  }
0x27: {  	s1 =	sld [smem:$0x3F78]  }
0x28: {  	s2 =	sld [smem:$0x3F79]  }
0x29: {  	s4 =	sld [smem:$0x3F7B]  }
0x2a: {  	p0 =	seq.s32 s5, $0x0;
	s5 =	sld [smem:$0x3F7C]  }
0x2b: {  	s6 =	sld [smem:$0x3F7D]  }
0x2c: {  	s7 =	sld [smem:$0x3F7E]  }
0x2d: {  	s3 =	simm.s32 $0x108;
	s8 =	sld [smem:$0x3F7F]  }
0x2e: {  	s3 =	simm.s32 @!p0 $0x1082;
	s9 =	sld [smem:$0x3F80]  }
0x2f: {  	lr =	sadd.s32 s0, s3;
	s0 =	sld [smem:$0x3F77]  }
0x30: {  	s3 =	sld [smem:$0x3F7A]  }
0x31: {  	[smem:$0x3F83] =	sst s10  }
0x32: {  	s10 =	sld [smem:$0x3F81];
	_ =	sdelay $0x3  }
0x33: {  	p0 =	seq.s32 s10, $0x1;
	s10 =	sld [smem:$0x3F83];
	_ =	sdelay $0x3  }
0x34: {  	[smem:$0x3F83] =	sst s10  }
0x35: {  	s10 =	sld [smem:$0x3F82];
	_ =	sdelay $0x3  }
0x36: {  	p1 =	seq.s32 s10, $0x1;
	s10 =	sld [smem:$0x3F83];
	_ =	sdelay $0x3  }
0x37: {  	[smem:$0x3F83] =	sst s10  }
0x38: {  	s10 =	sld [smem:$0x3F84]  }
0x39: {  	_ = 	snop;
	(pc) =	sbr.ind lr, $3  }
0x3a: {  	_ = 	snop  }
0x3b: {  	_ = 	snop  }
0x3c: {  	p2 =	seq.s32 s10, $0x1;
	s10 =	sld [smem:$0x3F83]  }
0x3d: {  	_ =	shalt  }
0x3e: {  	_ =	shalt  }
0x3f: {  	_ =	shalt  }
0x40: {  	_ =	shalt  }
0x41: {  	_ =	shalt  }
0x42: {  	_ =	shalt  }
0x43: {  	_ =	shalt  }
0x44: {  	_ =	shalt  }
0x45: {  	_ =	shalt  }
0x46: {  	_ =	shalt  }
0x47: {  	_ =	shalt  }
0x48: {  	_ =	shalt  }
0x49: {  	_ =	shalt  }
0x4a: {  	_ =	shalt  }
0x4b: {  	_ =	shalt  }
0x4c: {  	_ =	shalt  }
0x4d: {  	_ =	shalt  }
0x4e: {  	_ =	shalt  }
0x4f: {  	_ =	shalt  }
0x50: {  	_ =	shalt  }
0x51: {  	_ =	shalt  }
0x52: {  	_ =	shalt  }
0x53: {  	_ =	shalt  }
0x54: {  	_ =	shalt  }
0x55: {  	_ =	shalt  }
0x56: {  	_ =	shalt  }
0x57: {  	_ =	shalt  }
0x58: {  	_ =	shalt  }
0x59: {  	_ =	shalt  }
0x5a: {  	_ =	shalt  }
0x5b: {  	_ =	shalt  }
0x5c: {  	_ =	shalt  }
0x5d: {  	_ =	shalt  }
0x5e: {  	_ =	shalt  }
0x5f: {  	_ =	shalt  }
0x60: {  	_ =	shalt  }
0x61: {  	_ =	shalt  }
0x62: {  	_ =	shalt  }
0x63: {  	_ =	shalt  }
0x64: {  	_ =	shalt  }
0x65: {  	_ =	shalt  }
0x66: {  	_ =	shalt  }
0x67: {  	_ =	shalt  }
0x68: {  	_ =	shalt  }
0x69: {  	_ =	shalt  }
0x6a: {  	_ =	shalt  }
0x6b: {  	_ =	shalt  }
0x6c: {  	_ =	shalt  }
0x6d: {  	_ =	shalt  }
0x6e: {  	_ =	shalt  }
0x6f: {  	_ =	shalt  }
0x70: {  	_ =	shalt  }
0x71: {  	_ =	shalt  }
0x72: {  	_ =	shalt  }
0x73: {  	_ =	shalt  }
0x74: {  	_ =	shalt  }
0x75: {  	_ =	shalt  }
0x76: {  	_ =	shalt  }
0x77: {  	_ =	shalt  }
0x78: {  	_ =	shalt  }
0x79: {  	_ =	shalt  }
0x7a: {  	_ =	shalt  }
0x7b: {  	_ =	shalt  }
0x7c: {  	_ =	shalt  }
0x7d: {  	_ =	shalt  }
0x7e: {  	_ =	shalt  }
0x7f: {  	_ =	shalt  }
0x80: {  	_ =	shalt  }
0x81: {  	_ =	shalt  }
0x82: {  	_ =	shalt  }
0x83: {  	_ =	shalt  }
0x84: {  	_ =	shalt  }
0x85: {  	_ =	shalt  }
0x86: {  	_ =	shalt  }
0x87: {  	_ =	shalt  }
.Lfunc_end0:
.L_simem_size_0:
called_computation.2_lowered:
.L_overlay_start_0:
0x88: {  	s2 =	sld [smem:$0x3FD9]  }
0x89: {  	s3 =	sld [smem:$0x3FFE];
	_ =	sdelay $0x1  }
0x8a: {  	s1 =	srdreg.scid  }
0x8b: {  	s0 =	sand.u32 $0x1, s1  }
0x8c: {  	s17 =	sshll.u32 s0, $0xA;
	s2 =	sadd.s32 s3, s2  }
0x8d: {  	s2 =	sadd.s32 s2, s17  }
0x8e: {  	[smem:$0x3F8F] =	sst s2  }
0x8f: {  	_ = 	snop  }
0x90: {  	s2 =	sld [smem:$0x3FC9];
	(tm) =	ssettm $0x1  }
0x91: {  	s18 =	sld [smem:$0x3FFB];
	_ =	sdelay $0x3  }
0x92: {  	_ =	strace s18  }
0x93: {  	s3 =	sld [smem:$0x3FFC];
	_ =	sdelay $0x3  }
0x94: {  	_ =	strace s3  }
0x95: {  	s3 =	sld [smem:$0x3FFD];
	_ =	sdelay $0x3  }
0x96: {  	_ =	strace s3  }
0x97: {  	_ =	strace $0x8FFFFFFF  }
0x98: {  	s19 =	sld [smem:$0x3FDB];
	_ =	sdelay $0x1  }
0x99: {  	s4 =	simm.s32 $_scs_section_size  }
0x9a: {  	s5 =	simm.s32 $_size__tile_overlayer_lowered;
	s6 =	simm.s32 $_tile_overlayer_lowered  }
0x9b: {  	s22 =	simm.s32 $0x1BFF;
	s21 =	sshll.u32 s6, $0x1;
	s3 =	sadd.s32 s4, s19  }
0x9c: {  	s7 =	simm.s32 $0x0;
	s20 =	sshll.u32 s5, $0x1;
	s5 =	sadd.s32 s21, s3  }
0x9d: {  	[timem:s7], [sflag:s22] =	dma.local [hbm:s5], s20  }
0x9e: {  	_ =	swait.ge [sflag:s22], s20  }
0x9f: {  	s4 =	ssub.s32 $0x0, s20;
	[sflag:s22] =	ssyncset.done $0x0  }
0xa0: {  	[sflag:s22] =	ssyncadd.s32 s4;
	_ =	sdelay $0x1  }
0xa1: {  	s23 =	simm.s32 $0x1B8B  }
0xa2: {  	_ =	swait.ge [sflag:s23], $0x1  }
0xa3: {  	[sflag:s23] =	ssyncset.done $0x0  }
0xa4: {  	s25 =	simm.s32 $0x1B8E;
	s24 =	sld [smem:$0x3FFE];
	[sflag:s23] =	ssyncadd.s32 $0xFFFFFFFF  }
0xa5: {  	s26 =	simm.s32 $execute0_lowered;
	[smem:$0x3FD2] =	sst s25  }
0xa6: {  	s5 =	sshll.u32 s26, $0x1;
	_ =	strace $0x80000046;
	[dreg:$0x1] =	wrdreg $0xFFFFFFFF  }
0xa7: {  	s28 =	simm.s32 $_size_execute0_lowered;
	s3 =	sadd.s32 s3, s5;
	[dreg:$0x0] =	wrdreg $0x0  }
0xa8: {  	s5 =	sshll.u32 s28, $0x1;
	[dreg:$0x2] =	wrdreg s3  }
0xa9: {  	[dreg:$0x3] =	wrdreg s5  }
0xaa: {  	[dreg:$0x4] =	wrdreg $0xC0  }
0xab: {  	_ =	task [dreg:s7], $0x5FFFF  }
0xac: {  	[dreg:$0x1] =	wrdreg $0xFFFFFFFF  }
0xad: {  	[dreg:$0x0] =	wrdreg $0x60  }
0xae: {  	[dreg:$0x2] =	wrdreg s2  }
0xaf: {  	[dreg:$0x3] =	wrdreg s24  }
0xb0: {  	[dreg:$0x4] =	wrdreg $0xB  }
0xb1: {  	_ =	task.clear_ibuf [dreg:s7], $0x5FFFF;
	_ =	strace $0x90000046  }
0xb2: {  	s29 =	simm.s32 $0xB;
	_ =	strace $0x80000048  }
0xb3: {  	_ =	swait.ge [sflag:s29], $0x1  }
0xb4: {  	[sflag:s29] =	ssyncadd.s32 $0xFFFFFFFF  }
0xb5: {  	_ =	strace $0x90000048  }
0xb6: {  	_ =	sfence  }
0xb7: {  	s30 =	sld [smem:$0x0];
	_ =	sdelay $0x2  }
0xb8: {  	s31 =	sshll.u32 s1, $0xD;
	s1 =	sshrl.u32 s1, $0x2  }
0xb9: {  	s3 =	sand.u32 $0x4000, s31;
	s1 =	sadd.s32 s1, s30  }
0xba: {  	s0 =	sor.u32 s3, s0;
	s1 =	sshll.u32 s1, $0x11  }
0xbb: {  	s0 =	sor.u32 s1, s0  }
0xbc: {  	s0 =	sadd.s32 $0x8F2B, s0  }
0xbd: {  	[sflag:s0] =	ssyncadd.remote.s32 $0x1  }
0xbe: {  	_ =	sfence.sel $0xFFFF  }
0xbf: {  	[dreg:$0x0] =	wrdreg $0xFFFFFFFF;
	(pc) =	sbr.abs _section_cstart, $3  }
0xc0: {  	[dreg:$0x1] =	wrdreg $0xFFFFFFFF  }
0xc1: {  	_ =	task.clear_ibuf [dreg:s7], $0x2FFFF;
	_ =	strace $0x9FFFFFFF  }
0xc2: {  	(tm) =	ssettm $0x7FFFFFFF  }
0xc3: {  	_ =	shalt  }
tec
execute0_lowered:
.L_overlay_start_1:
0x0: {  	(tag) =	ssettag $0x1  }
0x1: {  	s1 =	srdreg.scid;
	s2 =	rddreg [dreg:$0x0]  }
0x2: {  	s0 =	stileid.u32;
	s6 =	rddreg [dreg:$0x1]  }
0x3: {  	s3 =	simm.s32 $0x0;
	s15 =	simm.s32 $0x1;
	s16 =	simm.s32 $0x2  }
0x4: {  	s17 =	simm.s32 $0x3;
	s18 =	simm.s32 $0x0;
	s12 =	smul.u32 $0x50, s0  }
0x5: {  	s8 =	sand.u32 $0x1, s1;
	s29 =	sshll.u32 s0, $0x1;
	s13 =	smul.u32 $0x28000, s0  }
0x6: {  	[smem:$0x7FF] =	sst s3;
	s10 =	sadd.s32 $0x1A400, s6;
	s30 =	smul.u32 $0x28, s8  }
0x7: {  	s4 =	sor.u32 s8, s29;
	s7 =	ssub.s32 $0x2, s8;
	s14 =	smul.u32 $0x14000, s8  }
0x8: {  	_ =	strace $0x80000047;
	s5 =	smul.u32 $0x280, s4;
	s9 =	sshrl.u32 s7, $0x1  }
0x9: {  	s11 =	smul.u32 $0x14000, s4;
	p0 =	seq.s32 s4, $0x1F;
	s4 =	simm.s32 $0xA  }
0xa: {  	s31 =	sadd.s32 s13, s10;
	s13 =	simm.s32 $0x1400;
	s7 =	ssub.s32 s7, s9  }
0xb: {  	s4 =	simm.s32 @!p0 $0x28;
	s9 =	sadd.s32 s30, s12;
	s5 =	sadd.s32 s5, s6  }
0xc: {  	s6 =	sadd.s32 $0x1A180, s6;
	s7 =	smax.u32 s7, $0x1;
	s8 =	sadd.s32 s10, s11  }
0xd: {  	s12 =	sshll.u32 s9, $0xB;
	s11 =	sadd.s32 s14, s31;
	s14 =	simm.s32 $0x5400  }
0xe: {  	s5 =	sadd.s32 $0x15400, s5;
	s9 =	sadd.s32 $0x800, s8;
	s12 =	sadd.s32 s12, s10  }
0xf: {  	s10 =	sadd.s32 $0x1000, s11;
	s11 =	sadd.s32 $0x1800, s12;
	s12 =	simm.s32 $0x80  }
.LBB2_1:
0x10: {  	s19 =	simm.s32 @p0 $0x0  }
0x11: {  	[tilespmem:s19], [sflag:$0x4] =	stream.linear.gather @p0 [hbm4b:s6+s19], $0x500, $0x38;
	[tilespmem:$0x9400] =	vst v63  }
0x12: {  	s19 =	simm.s32 @p0 $0x4  }
0x13: {  	_ =	swait.ge @p0 [sflag:s19], $0x500  }
0x14: {  	[sflag:s19] =	ssyncset.done @p0 $0x0  }
0x15: {  	[sflag:s19] =	ssyncadd.s32 @p0 $0xFFFFFB00;
	s19 =	simm.s32 @!p0 $0x0  }
0x16: {  	[tilespmem:s19], [sflag:$0x4] =	stream.linear.gather @!p0 [hbm4b:s5+s19], $0x1400, $0x38;
	[tilespmem:$0x9400] =	vst v63  }
0x17: {  	s19 =	simm.s32 @!p0 $0x4  }
0x18: {  	_ =	swait.ge @!p0 [sflag:s19], $0x1400  }
0x19: {  	[sflag:s19] =	ssyncset.done @!p0 $0x0  }
0x1a: {  	[sflag:s19] =	ssyncadd.s32 @!p0 $0xFFFFEC00  }
0x1b: {  	[tilespmem:s13], [sflag:$0x1] =	stream.indirect.gather [hbm4b:s2+s12], $0x80, s3, s12, $0xb8;
	[tilespmem:$0x9400] =	vst v63  }
0x1c: {  	_ = 	snop  }
0x1d: {  	[tilespmem:s14], [sflag:$0x1] =	stream.indirect.gather [hbm4b:s2+s12], $0x80, s12, s12, $0xb8;
	[tilespmem:$0x9400] =	vst v63  }
0x1e: {  	_ =	swait.ge [sflag:s15], $0x4000  }
0x1f: {  	[sflag:s15] =	ssyncset.done $0x0  }
0x20: {  	[sflag:s15] =	ssyncadd.s32 $0xFFFFC000  }
0x21: {  	_ =	swait.ge [sflag:s15], $0x4000  }
0x22: {  	[sflag:s15] =	ssyncset.done $0x0  }
0x23: {  	p2 =	sle.u32 s4, $0x2;
	[sflag:s15] =	ssyncadd.s32 $0xFFFFC000  }
0x24: {  	[hbm4b:s8+s3] =	stream.linear.scatter [tilespmem:s13], [sflag:$0x2], $0x4000, $0x38;
	[tilespmem:$0x9400] =	vst v63  }
0x25: {  	s19 =	simm.s32 @!p2 $0x2  }
0x26: {  	[hbm4b:s9+s3] =	stream.linear.scatter [tilespmem:s14], [sflag:$0x3], $0x4000, $0x38;
	[tilespmem:$0x9400] =	vst v63  }
0x27: {  	_ =	swait.ge @!p2 [sflag:s19], $0x4000  }
0x28: {  	p1 =	sle.u32 s4, $0x3;
	[sflag:s19] =	ssyncset.done @!p2 $0x0  }
0x29: {  	[sflag:s19] =	ssyncadd.s32 @!p2 $0xFFFFC000;
	s19 =	simm.s32 @!p1 $0x3  }
0x2a: {  	s20 =	simm.s32 $0x100;
	_ =	swait.ge @!p1 [sflag:s19], $0x4000  }
0x2b: {  	s24 =	simm.s32 @!p1 $0x5400;
	p2 =	por p2, p2;
	[sflag:s19] =	ssyncset.done @!p1 $0x0  }
0x2c: {  	s26 =	simm.s32 @!p2 $0x1400;
	[sflag:s19] =	ssyncadd.s32 @!p1 $0xFFFFC000;
	s19 =	simm.s32 @!p2 $0x80  }
0x2d: {  	[tilespmem:s26], [sflag:$0x1] =	stream.indirect.gather @!p2 [hbm4b:s2+s19], $0x80, s20, s19, $0xb8;
	[tilespmem:$0x9400] =	vst v63  }
0x2e: {  	s22 =	simm.s32 @!p2 $0x1;
	s19 =	simm.s32 @!p1 $0x180;
	s20 =	simm.s32 @!p1 $0x80  }
0x2f: {  	[tilespmem:s24], [sflag:$0x1] =	stream.indirect.gather @!p1 [hbm4b:s2+s20], $0x80, s19, s20, $0xb8;
	[tilespmem:$0x9400] =	vst v63  }
0x30: {  	s21 =	simm.s32 $0x5;
	_ =	swait.ge @!p2 [sflag:s22], $0x4000  }
0x31: {  	s23 =	simm.s32 $0x7;
	p4 =	sle.u32 s4, $0x4;
	[sflag:s22] =	ssyncset.done @!p2 $0x0  }
0x32: {  	s28 =	smov.u32 s10;
	[sflag:s22] =	ssyncadd.s32 @!p2 $0xFFFFC000;
	s22 =	simm.s32 @!p1 $0x1  }
0x33: {  	s29 =	smov.u32 s11;
	s25 =	simm.s32 @!p1 $0x0;
	_ =	swait.ge @!p1 [sflag:s22], $0x4000  }
0x34: {  	s30 =	simm.s32 @!p2 $0x0;
	s20 =	sadd.s32 $0x1000, s10;
	[sflag:s22] =	ssyncset.done @!p1 $0x0  }
0x35: {  	s19 =	sadd.s32 $0x1000, s11;
	[sflag:s22] =	ssyncadd.s32 @!p1 $0xFFFFC000;
	s22 =	simm.s32 $0x200  }
.LBB2_2:
0x36: {  	[hbm4b:s28+s30] =	stream.linear.scatter @!p2 [tilespmem:s26], [sflag:$0x2], $0x4000, $0x38;
	[tilespmem:$0x9400] =	vst v63  }
0x37: {  	s26 =	simm.s32 @!p4 $0x2;
	s30 =	smov.u32 s23;
	s23 =	sadd.s32 $0x2, s23  }
0x38: {  	[hbm4b:s29+s25] =	stream.linear.scatter @!p1 [tilespmem:s24], [sflag:$0x3], $0x4000, $0x38;
	[tilespmem:$0x9400] =	vst v63  }
0x39: {  	s28 =	smov.u32 s20;
	p3 =	sne.s32 s23, $0x29;
	_ =	swait.ge @!p4 [sflag:s26], $0x4000  }
0x3a: {  	p1 =	sge.u32 s21, s4;
	s21 =	smov.u32 s30;
	[sflag:s26] =	ssyncset.done @!p4 $0x0  }
0x3b: {  	s25 =	simm.s32 @!p1 $0x0;
	[sflag:s26] =	ssyncadd.s32 @!p4 $0xFFFFC000;
	s26 =	simm.s32 @!p1 $0x3  }
0x3c: {  	p2 =	por p4, p4;
	s29 =	smov.u32 s19;
	_ =	swait.ge @!p1 [sflag:s26], $0x4000  }
0x3d: {  	s24 =	simm.s32 @!p1 $0x5400;
	[sflag:s26] =	ssyncset.done @!p1 $0x0  }
0x3e: {  	s30 =	simm.s32 @!p2 $0x80;
	[sflag:s26] =	ssyncadd.s32 @!p1 $0xFFFFC000;
	s26 =	simm.s32 @!p2 $0x1400  }
0x3f: {  	[tilespmem:s26], [sflag:$0x1] =	stream.indirect.gather @!p2 [hbm4b:s2+s30], $0x80, s22, s30, $0xb8;
	[tilespmem:$0x9400] =	vst v63  }
0x40: {  	s1 =	simm.s32 @!p2 $0x1;
	s31 =	simm.s32 @!p1 $0x80;
	s30 =	sadd.s32 @!p1 $0x80, s22  }
0x41: {  	[tilespmem:s24], [sflag:$0x1] =	stream.indirect.gather @!p1 [hbm4b:s2+s31], $0x80, s30, s31, $0xb8;
	[tilespmem:$0x9400] =	vst v63  }
0x42: {  	_ =	swait.ge @!p2 [sflag:s1], $0x4000  }
.Ltmp0:
0x43: {  	[sflag:s1] =	ssyncset.done @!p2 $0x0;
	(pc) =	sbr.rel @p3 .LBB2_2-.Ltmp0, $4  }
0x44: {  	[sflag:s1] =	ssyncadd.s32 @!p2 $0xFFFFC000;
	s1 =	simm.s32 @!p1 $0x1  }
0x45: {  	s20 =	sadd.s32 $0x1000, s20;
	s19 =	sadd.s32 $0x1000, s19;
	_ =	swait.ge @!p1 [sflag:s1], $0x4000  }
0x46: {  	s31 =	sadd.s32 $0xFFFFFFFF, s21;
	s30 =	simm.s32 @!p2 $0x0;
	[sflag:s1] =	ssyncset.done @!p1 $0x0  }
0x47: {  	s22 =	sadd.s32 $0x100, s22;
	p4 =	sge.u32 s31, s4;
	[sflag:s1] =	ssyncadd.s32 @!p1 $0xFFFFC000  }
0x48: {  	[hbm4b:s28+s30] =	stream.linear.scatter @!p2 [tilespmem:s26], [sflag:$0x2], $0x4000, $0x38;
	[tilespmem:$0x9400] =	vst v63  }
0x49: {  	s1 =	simm.s32 @!p4 $0x2  }
0x4a: {  	[hbm4b:s29+s25] =	stream.linear.scatter @!p1 [tilespmem:s24], [sflag:$0x3], $0x4000, $0x38;
	[tilespmem:$0x9400] =	vst v63  }
0x4b: {  	_ =	swait.ge @!p4 [sflag:s1], $0x4000  }
0x4c: {  	p1 =	sge.u32 s21, s4;
	[sflag:s1] =	ssyncset.done @!p4 $0x0  }
0x4d: {  	[sflag:s1] =	ssyncadd.s32 @!p4 $0xFFFFC000;
	s1 =	simm.s32 @!p1 $0x3  }
0x4e: {  	p2 =	por p4, p4;
	_ =	swait.ge @!p1 [sflag:s1], $0x4000  }
0x4f: {  	s23 =	simm.s32 @!p2 $0x1400;
	[sflag:s1] =	ssyncset.done @!p1 $0x0  }
0x50: {  	s24 =	simm.s32 @!p2 $0x1;
	[sflag:s1] =	ssyncadd.s32 @!p1 $0xFFFFC000;
	s1 =	simm.s32 @!p2 $0x80  }
0x51: {  	[tilespmem:s23], [sflag:$0x1] =	stream.indirect.gather @!p2 [hbm4b:s2+s1], $0x80, s22, s1, $0xb8;
	[tilespmem:$0x9400] =	vst v63  }
0x52: {  	s21 =	simm.s32 @!p1 $0x5400;
	s1 =	sadd.s32 @!p1 $0x80, s22;
	s22 =	simm.s32 @!p1 $0x80  }
0x53: {  	[tilespmem:s21], [sflag:$0x1] =	stream.indirect.gather @!p1 [hbm4b:s2+s22], $0x80, s1, s22, $0xb8;
	[tilespmem:$0x9400] =	vst v63  }
0x54: {  	_ =	swait.ge @!p2 [sflag:s24], $0x4000  }
0x55: {  	[sflag:s24] =	ssyncset.done @!p2 $0x0  }
0x56: {  	s1 =	simm.s32 @!p1 $0x1;
	[sflag:s24] =	ssyncadd.s32 @!p2 $0xFFFFC000  }
0x57: {  	_ =	swait.ge @!p1 [sflag:s1], $0x4000  }
0x58: {  	[sflag:s1] =	ssyncset.done @!p1 $0x0  }
0x59: {  	s22 =	simm.s32 @!p2 $0x0;
	[sflag:s1] =	ssyncadd.s32 @!p1 $0xFFFFC000  }
0x5a: {  	[hbm4b:s20+s22] =	stream.linear.scatter @!p2 [tilespmem:s23], [sflag:$0x2], $0x4000, $0x38;
	[tilespmem:$0x9400] =	vst v63  }
0x5b: {  	s18 =	sadd.s32 $0x1, s18;
	s1 =	simm.s32 @!p1 $0x0  }
0x5c: {  	[hbm4b:s19+s1] =	stream.linear.scatter @!p1 [tilespmem:s21], [sflag:$0x3], $0x4000, $0x38;
	[tilespmem:$0x9400] =	vst v63  }
0x5d: {  	p1 =	sne.s32 s18, s7;
	_ =	swait.ge [sflag:s16], $0x4000  }
.Ltmp1:
0x5e: {  	[sflag:s16] =	ssyncset.done $0x0;
	(pc) =	sbr.rel @p1 .LBB2_1-.Ltmp1, $4  }
0x5f: {  	[sflag:s16] =	ssyncadd.s32 $0xFFFFC000  }
0x60: {  	_ =	swait.ge [sflag:s17], $0x4000  }
0x61: {  	[sflag:s17] =	ssyncset.done $0x0  }
0x62: {  	[sflag:s17] =	ssyncadd.s32 $0xFFFFC000  }
0x63: {  	_ =	sfence.sel $0x180000  }
0x64: {  	[bflag:$0x0] =	sbarrier.arrive $0xFFFF  }
0x65: {  	_ =	strace $0x90000047  }
0x66: {  	[bflag:$0x2] =	sbarrier.arrive $0xFFFF  }
0x67: {  	p0 =	sne.s32 s0, $0x0;
	s0 =	rddreg [dreg:$0x2]  }
0x68: {  	s0 =	sadd.s32 @!p0 $0x100000, s0  }
0x69: {  	[sflag:s0] =	ssyncadd.tile.s32 @!p0 $0x1;
	_ =	shalt  }
.Lfunc_end2:
_tile_overlayer_lowered:
.L_overlay_start_2:
0x6a: {  	(tag) =	ssettag $0x2  }
0x6b: {  	s0 =	rddreg [dreg:$0x0];
	s2 =	stileid.u32  }
0x6c: {  	s1 =	rddreg [dreg:$0x1];
	p0 =	sne.s32 s2, $0x0  }
0x6d: {  	s3 =	rddreg [dreg:$0x2];
	[bflag:$0x3] =	sbarrier.arrive $0xFFFF;
	s2 =	simm.s32 @!p0 $0x1C04  }
0x6e: {  	[timem:s3], [sflag:s2] =	dma.local @!p0 [hbm:s0], s1  }
0x6f: {  	s0 =	simm.s32 @!p0 $0x4  }
0x70: {  	_ =	swait.ge @!p0 [sflag:s0], s1  }
0x71: {  	s1 =	ssub.s32 @!p0 $0x0, s1;
	[sflag:s0] =	ssyncset.done @!p0 $0x0  }
0x72: {  	[sflag:s0] =	ssyncadd.s32 @!p0 s1  }
0x73: {  	[bflag:$0x3] =	sbarrier.arrive $0xFFFF  }
0x74: {  	_ =	shalt  }

// kernel: kernel.28.cloned.1.call-start
scs
__scs_entry_jumppad:
0x0: {  	(pc) =	sbr.rel $0x88, $3  }
0x1: {  	(tag) =	ssettag $0x0;
	lr =	simm.s32 $0x1  }
0x2: {  	[smem:$0x3F68] =	sst lr;
	_ =	strace $0xD0000000  }
0x3: {  	_ = 	snop  }
0x4: {  	_ = 	snop  }
0x5: {  	_ = 	snop  }
0x6: {  	_ = 	snop  }
0x7: {  	_ = 	snop  }
__scs_overlays_trampoline_lowered:
0x8: {  	[smem:$0x3F77] =	sst s0  }
0x9: {  	[smem:$0x3F78] =	sst s1  }
0xa: {  	[smem:$0x3F79] =	sst s2  }
0xb: {  	[smem:$0x3F7A] =	sst s3  }
0xc: {  	[smem:$0x3F7B] =	sst s4  }
0xd: {  	[smem:$0x3F7C] =	sst s5  }
0xe: {  	[smem:$0x3F7D] =	sst s6  }
0xf: {  	[smem:$0x3F7E] =	sst s7  }
0x10: {  	[smem:$0x3F7F] =	sst s8  }
0x11: {  	[smem:$0x3F80] =	sst s9;
	s0 =	simm.s32 @!p0 $0x0  }
0x12: {  	s1 =	sld [smem:$0x3F66];
	s0 =	simm.s32 @p0 $0x1  }
0x13: {  	[smem:$0x3F81] =	sst s0;
	s0 =	simm.s32 @!p1 $0x0  }
0x14: {  	s2 =	sld [smem:$0x3F65];
	s0 =	simm.s32 @p1 $0x1  }
0x15: {  	[smem:$0x3F82] =	sst s0;
	s0 =	simm.s32 @!p2 $0x0  }
0x16: {  	s3 =	sld [smem:$0x3FDB];
	s0 =	simm.s32 @p2 $0x1  }
0x17: {  	s4 =	simm.s32 $0x1BF5;
	[smem:$0x3F84] =	sst s0  }
0x18: {  	s0 =	sld [smem:$0x3F67];
	_ =	swait.ge [sflag:s4], $0x0  }
0x19: {  	s7 =	sld [smem:$0x3F68]  }
0x1a: {  	s8 =	sadd.s32 $0xFFFFE003, lr  }
0x1b: {  	s9 =	sadd.s32 $0xFFFFFEF7, lr;
	s5 =	simm.s32 $0xFFFFFFFF;
	p2 =	slt.u32 s8, $0xFFFFF086  }
0x1c: {  	p1 =	slt.u32 s9, $0xF7A;
	s5 =	simm.s32 @!p2 $0x0  }
0x1d: {  	s5 =	simm.s32 @p1 $0x1;
	p0 =	seq.s32 s7, s2  }
0x1e: {  	s7 =	smul.u32 @!p0 $0xF7A, s2;
	p2 =	seq.s32 @!p0 s5, $0x0  }
0x1f: {  	s9 =	smul.u32 $0xF7A, s1;
	s8 =	simm.s32 @!p0 $0x1BF5;
	p2 =	por !p2, p0  }
0x20: {  	[sflag:s8] =	ssyncset.s32 @!p0 $0xFFFFF086;
	s6 =	sadd.s32 @!p0 s3, s7;
	s7 =	simm.s32 @!p0 $0x108  }
0x21: {  	s3 =	sadd.s32 s3, s9;
	s6 =	sadd.s32 @!p0 $0x88, s6;
	s7 =	simm.s32 @p2 $0x1082  }
0x22: {  	[simem:s7], [sflag:s8] =	dma.local @!p0 [hbm:s6], $0xF7A  }
0x23: {  	s9 =	sor.u32 $0xD0000000, s2;
	s6 =	simm.s32 $0x108;
	_ =	swait.ge @!p0 [sflag:s8], $0x0  }
0x24: {  	s3 =	sadd.s32 $0x88, s3;
	s6 =	simm.s32 @!p1 $0x1082;
	[sflag:s4] =	ssyncset.s32 $0xFFFFF086  }
0x25: {  	[simem:s6], [sflag:s4] =	dma.local [hbm:s3], $0xF7A  }
0x26: {  	[smem:$0x3F68] =	sst s1;
	(tag) =	ssettag s2;
	_ =	strace s9  }
0x27: {  	s1 =	sld [smem:$0x3F78]  }
0x28: {  	s2 =	sld [smem:$0x3F79]  }
0x29: {  	s4 =	sld [smem:$0x3F7B]  }
0x2a: {  	p0 =	seq.s32 s5, $0x0;
	s5 =	sld [smem:$0x3F7C]  }
0x2b: {  	s6 =	sld [smem:$0x3F7D]  }
0x2c: {  	s7 =	sld [smem:$0x3F7E]  }
0x2d: {  	s3 =	simm.s32 $0x108;
	s8 =	sld [smem:$0x3F7F]  }
0x2e: {  	s3 =	simm.s32 @!p0 $0x1082;
	s9 =	sld [smem:$0x3F80]  }
0x2f: {  	lr =	sadd.s32 s0, s3;
	s0 =	sld [smem:$0x3F77]  }
0x30: {  	s3 =	sld [smem:$0x3F7A]  }
0x31: {  	[smem:$0x3F83] =	sst s10  }
0x32: {  	s10 =	sld [smem:$0x3F81];
	_ =	sdelay $0x3  }
0x33: {  	p0 =	seq.s32 s10, $0x1;
	s10 =	sld [smem:$0x3F83];
	_ =	sdelay $0x3  }
0x34: {  	[smem:$0x3F83] =	sst s10  }
0x35: {  	s10 =	sld [smem:$0x3F82];
	_ =	sdelay $0x3  }
0x36: {  	p1 =	seq.s32 s10, $0x1;
	s10 =	sld [smem:$0x3F83];
	_ =	sdelay $0x3  }
0x37: {  	[smem:$0x3F83] =	sst s10  }
0x38: {  	s10 =	sld [smem:$0x3F84]  }
0x39: {  	_ = 	snop;
	(pc) =	sbr.ind lr, $3  }
0x3a: {  	_ = 	snop  }
0x3b: {  	_ = 	snop  }
0x3c: {  	p2 =	seq.s32 s10, $0x1;
	s10 =	sld [smem:$0x3F83]  }
0x3d: {  	_ =	shalt  }
0x3e: {  	_ =	shalt  }
0x3f: {  	_ =	shalt  }
0x40: {  	_ =	shalt  }
0x41: {  	_ =	shalt  }
0x42: {  	_ =	shalt  }
0x43: {  	_ =	shalt  }
0x44: {  	_ =	shalt  }
0x45: {  	_ =	shalt  }
0x46: {  	_ =	shalt  }
0x47: {  	_ =	shalt  }
0x48: {  	_ =	shalt  }
0x49: {  	_ =	shalt  }
0x4a: {  	_ =	shalt  }
0x4b: {  	_ =	shalt  }
0x4c: {  	_ =	shalt  }
0x4d: {  	_ =	shalt  }
0x4e: {  	_ =	shalt  }
0x4f: {  	_ =	shalt  }
0x50: {  	_ =	shalt  }
0x51: {  	_ =	shalt  }
0x52: {  	_ =	shalt  }
0x53: {  	_ =	shalt  }
0x54: {  	_ =	shalt  }
0x55: {  	_ =	shalt  }
0x56: {  	_ =	shalt  }
0x57: {  	_ =	shalt  }
0x58: {  	_ =	shalt  }
0x59: {  	_ =	shalt  }
0x5a: {  	_ =	shalt  }
0x5b: {  	_ =	shalt  }
0x5c: {  	_ =	shalt  }
0x5d: {  	_ =	shalt  }
0x5e: {  	_ =	shalt  }
0x5f: {  	_ =	shalt  }
0x60: {  	_ =	shalt  }
0x61: {  	_ =	shalt  }
0x62: {  	_ =	shalt  }
0x63: {  	_ =	shalt  }
0x64: {  	_ =	shalt  }
0x65: {  	_ =	shalt  }
0x66: {  	_ =	shalt  }
0x67: {  	_ =	shalt  }
0x68: {  	_ =	shalt  }
0x69: {  	_ =	shalt  }
0x6a: {  	_ =	shalt  }
0x6b: {  	_ =	shalt  }
0x6c: {  	_ =	shalt  }
0x6d: {  	_ =	shalt  }
0x6e: {  	_ =	shalt  }
0x6f: {  	_ =	shalt  }
0x70: {  	_ =	shalt  }
0x71: {  	_ =	shalt  }
0x72: {  	_ =	shalt  }
0x73: {  	_ =	shalt  }
0x74: {  	_ =	shalt  }
0x75: {  	_ =	shalt  }
0x76: {  	_ =	shalt  }
0x77: {  	_ =	shalt  }
0x78: {  	_ =	shalt  }
0x79: {  	_ =	shalt  }
0x7a: {  	_ =	shalt  }
0x7b: {  	_ =	shalt  }
0x7c: {  	_ =	shalt  }
0x7d: {  	_ =	shalt  }
0x7e: {  	_ =	shalt  }
0x7f: {  	_ =	shalt  }
0x80: {  	_ =	shalt  }
0x81: {  	_ =	shalt  }
0x82: {  	_ =	shalt  }
0x83: {  	_ =	shalt  }
0x84: {  	_ =	shalt  }
0x85: {  	_ =	shalt  }
0x86: {  	_ =	shalt  }
0x87: {  	_ =	shalt  }
.Lfunc_end0:
.L_simem_size_0:
called_computation.3_lowered:
.L_overlay_start_0:
0x88: {  	s2 =	sld [smem:$0x3FD9]  }
0x89: {  	s3 =	sld [smem:$0x3FFE];
	_ =	sdelay $0x1  }
0x8a: {  	s1 =	srdreg.scid  }
0x8b: {  	s0 =	sand.u32 $0x1, s1  }
0x8c: {  	s17 =	sshll.u32 s0, $0xA;
	s2 =	sadd.s32 s3, s2  }
0x8d: {  	s2 =	sadd.s32 s2, s17  }
0x8e: {  	[smem:$0x3F8F] =	sst s2  }
0x8f: {  	_ = 	snop  }
0x90: {  	(tm) =	ssettm $0x1  }
0x91: {  	s18 =	sld [smem:$0x3FFB];
	_ =	sdelay $0x3  }
0x92: {  	_ =	strace s18  }
0x93: {  	s2 =	sld [smem:$0x3FFC];
	_ =	sdelay $0x3  }
0x94: {  	_ =	strace s2  }
0x95: {  	s2 =	sld [smem:$0x3FFD];
	_ =	sdelay $0x3  }
0x96: {  	_ =	strace s2  }
0x97: {  	_ =	strace $0x8FFFFFFF  }
0x98: {  	s19 =	sld [smem:$0x3FDB];
	_ =	sdelay $0x1  }
0x99: {  	s20 =	simm.s32 $_scs_section_size  }
0x9a: {  	s4 =	simm.s32 $_size__tile_overlayer_lowered;
	s5 =	simm.s32 $_tile_overlayer_lowered  }
0x9b: {  	s6 =	simm.s32 $0x1BFF;
	s21 =	sshll.u32 s5, $0x1;
	s3 =	sadd.s32 s20, s19  }
0x9c: {  	s22 =	simm.s32 $0x0;
	s4 =	sshll.u32 s4, $0x1;
	s5 =	sadd.s32 s21, s3  }
0x9d: {  	[timem:s22], [sflag:s6] =	dma.local [hbm:s5], s4  }
0x9e: {  	_ =	swait.ge [sflag:s6], s4  }
0x9f: {  	s4 =	ssub.s32 $0x0, s4;
	[sflag:s6] =	ssyncset.done $0x0  }
0xa0: {  	[sflag:s6] =	ssyncadd.s32 s4;
	_ =	sdelay $0x1  }
0xa1: {  	s23 =	simm.s32 $0x1B8B  }
0xa2: {  	_ =	swait.ge [sflag:s23], $0x1  }
0xa3: {  	[sflag:s23] =	ssyncset.done $0x0  }
0xa4: {  	[sflag:s23] =	ssyncadd.s32 $0xFFFFFFFF  }
0xa5: {  	s4 =	sld [smem:$0x0]  }
0xa6: {  	s5 =	sand.u32 $0xFFFFFFFE, s1  }
0xa7: {  	p0 =	sne.s32 s1, s5  }
0xa8: {  	s5 =	sshll.u32 @p0 s5, $0xE  }
0xa9: {  	s5 =	sadd.s32 @p0 $0x11B8D, s5;
	s6 =	sshll.u32 @p0 s4, $0x11  }
0xaa: {  	s5 =	sor.u32 @p0 s6, s5  }
0xab: {  	[sflag:s5] =	ssyncadd.remote.s32 @p0 $0x1;
	_ =	sdelay $0x1  }
0xac: {  	s5 =	simm.s32 @p0 $0x1B8D  }
0xad: {  	_ =	swait.eq @p0 [sflag:s5], $0x1  }
0xae: {  	[sflag:s5] =	ssyncadd.s32 @p0 $0xFFFFFFFF  }
0xaf: {  	s6 =	sshll.u32 @!p0 s1, $0xE  }
0xb0: {  	s6 =	sor.u32 @!p0 $0x4000, s6;
	s5 =	simm.s32 @!p0 $0x1B8D  }
0xb1: {  	s4 =	sshll.u32 @!p0 s4, $0x11;
	s6 =	sadd.s32 @!p0 $0x11B8D, s6;
	_ =	swait.eq @!p0 [sflag:s5], $0x1  }
0xb2: {  	s4 =	sor.u32 @!p0 s4, s6;
	[sflag:s5] =	ssyncadd.s32 @!p0 $0xFFFFFFFF  }
0xb3: {  	s25 =	simm.s32 $0x1B8E;
	s24 =	sld [smem:$0x3FFE];
	[sflag:s4] =	ssyncadd.remote.s32 @!p0 $0x1  }
0xb4: {  	s26 =	simm.s32 $execute0_lowered;
	[smem:$0x3FD2] =	sst s25  }
0xb5: {  	s5 =	sshll.u32 s26, $0x1;
	_ =	strace $0x80000052;
	[dreg:$0x1] =	wrdreg $0xFFFFFFFF  }
0xb6: {  	s28 =	simm.s32 $_size_execute0_lowered;
	s3 =	sadd.s32 s3, s5;
	[dreg:$0x0] =	wrdreg $0x0  }
0xb7: {  	s5 =	sshll.u32 s28, $0x1;
	[dreg:$0x2] =	wrdreg s3  }
0xb8: {  	[dreg:$0x3] =	wrdreg s5  }
0xb9: {  	[dreg:$0x4] =	wrdreg $0xC0  }
0xba: {  	_ =	task [dreg:s22], $0x5FFFF  }
0xbb: {  	[dreg:$0x1] =	wrdreg $0xFFFFFFFF  }
0xbc: {  	[dreg:$0x0] =	wrdreg $0x60  }
0xbd: {  	[dreg:$0x2] =	wrdreg s24  }
0xbe: {  	[dreg:$0x3] =	wrdreg $0x8C000  }
0xbf: {  	[dreg:$0x4] =	wrdreg $0xA  }
0xc0: {  	_ =	task.clear_ibuf [dreg:s22], $0x5FFFF;
	_ =	strace $0x90000052  }
0xc1: {  	s29 =	simm.s32 $0xA;
	_ =	strace $0x80000054  }
0xc2: {  	_ =	swait.ge [sflag:s29], $0x1  }
0xc3: {  	[sflag:s29] =	ssyncadd.s32 $0xFFFFFFFF  }
0xc4: {  	_ =	strace $0x90000054  }
0xc5: {  	_ =	sfence  }
0xc6: {  	s30 =	sld [smem:$0x0];
	_ =	sdelay $0x2  }
0xc7: {  	s31 =	sshll.u32 s1, $0xD;
	s1 =	sshrl.u32 s1, $0x2  }
0xc8: {  	s4 =	sand.u32 $0x4000, s31;
	s1 =	sadd.s32 s1, s30  }
0xc9: {  	s0 =	sor.u32 s4, s0;
	s1 =	sshll.u32 s1, $0x11  }
0xca: {  	s0 =	sor.u32 s1, s0  }
0xcb: {  	s0 =	sadd.s32 $0x8F2B, s0  }
0xcc: {  	[sflag:s0] =	ssyncadd.remote.s32 $0x1  }
0xcd: {  	_ =	sfence.sel $0xFFFF  }
0xce: {  	[dreg:$0x0] =	wrdreg $0xFFFFFFFF;
	(pc) =	sbr.abs _section_cstart, $3  }
0xcf: {  	[dreg:$0x1] =	wrdreg $0xFFFFFFFF  }
0xd0: {  	_ =	task.clear_ibuf [dreg:s22], $0x2FFFF;
	_ =	strace $0x9FFFFFFF  }
0xd1: {  	(tm) =	ssettm $0x7FFFFFFF  }
tec
execute0_lowered:
.L_overlay_start_1:
0x0: {  	(tag) =	ssettag $0x1  }
0x1: {  	s0 =	stileid.u32  }
0x2: {  	s6 =	smul.u32 $0x2700, s0  }
0x3: {  	s26 =	smul.u32 $0x4E000, s0  }
0x4: {  	s7 =	rddreg [dreg:$0x0];
	s14 =	smul.u32 $0x13800, s0  }
0x5: {  	s1 =	srdreg.scid;
	s30 =	smul.u32 $0x30, s0  }
0x6: {  	s2 =	rddreg [dreg:$0x1];
	s11 =	sand.u32 $0x1, s1;
	s31 =	smul.u32 $0x18000, s0  }
0x7: {  	s3 =	simm.s32 $0x0;
	s1 =	rddreg [dreg:$0x2];
	s13 =	smul.u32 $0x138800, s11  }
0x8: {  	s4 =	sshll.u32 s0, $0x1;
	[smem:$0x7FF] =	sst s3;
	s17 =	smul.u32 $0x18, s11  }
0x9: {  	s4 =	sor.u32 s11, s4;
	s10 =	ssub.s32 $0x2, s11;
	s11 =	smul.u32 $0xC000, s11  }
0xa: {  	s12 =	sadd.s32 $0x15400, s7;
	s9 =	sadd.s32 $0x5CF600, s7;
	s5 =	smul.u32 $0x180, s4  }
0xb: {  	_ =	strace $0x80000053;
	s4 =	smul.u32 $0x18, s4;
	s28 =	sshrl.u32 s10, $0x1  }
0xc: {  	s25 =	sadd.s32 s6, s7;
	s6 =	sshrl.u32 s26, $0x2;
	s10 =	ssub.s32 s10, s28  }
0xd: {  	s15 =	sadd.s32 s6, s2;
	s29 =	sadd.s32 s14, s13;
	s13 =	sshrl.u32 s13, $0x3  }
0xe: {  	s14 =	sadd.s32 s17, s30;
	s17 =	sadd.s32 s31, s12;
	s8 =	sadd.s32 s5, s7  }
0xf: {  	s16 =	ssub.s32 $0x271, s4;
	s5 =	sadd.s32 $0x506C00, s25;
	s6 =	sshrl.u32 s29, $0x3  }
0x10: {  	s7 =	sadd.s32 $0x52B500, s7;
	s10 =	smax.u32 s10, $0x1;
	s14 =	sshll.u32 s14, $0xB  }
0x11: {  	s11 =	sadd.s32 s11, s17;
	p0 =	sgt.s32 s16, $0x0;
	s6 =	sadd.s32 s9, s6  }
0x12: {  	s9 =	sadd.s32 s9, s13;
	s13 =	sadd.s32 $0x124800, s2;
	s8 =	sadd.s32 $0x5CCC00, s8  }
0x13: {  	s12 =	sadd.s32 s14, s12;
	s16 =	simm.s32 @!p0 $0x0;
	s9 =	sadd.s32 $0x24900, s9  }
0x14: {  	p0 =	seq.s32 s0, $0xF;
	s12 =	sadd.s32 $0x800, s12;
	s4 =	smin.u32 s16, $0x18  }
0x15: {  	s14 =	sshll.u32 @!p0 s0, $0x6;
	s13 =	sshrl.u32 @p0 s13, $0x3;
	s15 =	sshrl.u32 @!p0 s15, $0x3  }
0x16: {  	p1 =	seq.s32 s16, $0x0;
	s16 =	simm.s32 $0x0;
	s14 =	sor.u32 @!p0 $0x1C03, s14  }
.LBB2_1:
0x17: {  	s17 =	simm.s32 @p0 $0x1FC3  }
0x18: {  	[spmem:s13], [sflag:s17] =	dma.local @p0 [hbm:s7], $0x2800  }
0x19: {  	s17 =	simm.s32 @p0 $0x3  }
0x1a: {  	_ =	swait.ge @p0 [sflag:s17], $0x2800  }
0x1b: {  	[sflag:s17] =	ssyncset.done @p0 $0x0  }
0x1c: {  	[sflag:s17] =	ssyncadd.s32 @p0 $0xFFFFD800;
	s17 =	simm.s32 @!p0 $0x3  }
0x1d: {  	[spmem:s15], [sflag:s14] =	dma.local @!p0 [hbm:s5], $0x2700  }
0x1e: {  	_ =	swait.ge @!p0 [sflag:s17], $0x2700  }
0x1f: {  	[sflag:s17] =	ssyncset.done @!p0 $0x0  }
0x20: {  	[sflag:s17] =	ssyncadd.s32 @!p0 $0xFFFFD900;
	s17 =	simm.s32 @!p1 $0x0  }
0x21: {  	[tilespmem:s17], [sflag:$0x3] =	stream.linear.gather @!p1 [hbm4b:s8+s17], $0xC00, $0x38;
	[tilespmem:$0x1C480] =	vst v63  }
0x22: {  	s17 =	simm.s32 @!p1 $0x3  }
0x23: {  	_ =	swait.ge @!p1 [sflag:s17], $0xC00  }
0x24: {  	[sflag:s17] =	ssyncset.done @!p1 $0x0  }
0x25: {  	p3 =	sle.u32 s4, $0x0;
	p2 =	sle.u32 s4, $0x1;
	[sflag:s17] =	ssyncadd.s32 @!p1 $0xFFFFF400  }
0x26: {  	s18 =	simm.s32 @!p3 $0xC00;
	s17 =	simm.s32 @!p3 $0x0;
	[bflag:$0x0] =	sbarrier.arrive $0xFFFF  }
0x27: {  	[tilespmem:s18], [sflag:$0x1] =	stream.linear.gather @!p3 [hbm4b:s11+s17], $0x4000, $0x38;
	[tilespmem:$0x1C480] =	vst v63  }
0x28: {  	s20 =	simm.s32 @!p2 $0x4C00;
	s19 =	simm.s32 @!p3 $0x1;
	s17 =	simm.s32 @!p2 $0x0  }
0x29: {  	[tilespmem:s20], [sflag:$0x2] =	stream.linear.gather @!p2 [hbm4b:s12+s17], $0x4000, $0x38;
	[tilespmem:$0x1C480] =	vst v63  }
0x2a: {  	_ =	swait.ge @!p3 [sflag:s19], $0x4000  }
0x2b: {  	[sflag:s19] =	ssyncset.done @!p3 $0x0  }
0x2c: {  	s17 =	simm.s32 @!p3 $0x80;
	[sflag:s19] =	ssyncadd.s32 @!p3 $0xFFFFC000;
	s19 =	simm.s32 @!p3 $0x4  }
0x2d: {  	[spmem:s2] =	stream.indirect.scatter.add.f32 @!p3 [tilespmem:s18], [sflag:$0x4], $0x80, s3, s17, $0xb8;
	[tilespmem:$0x1C480] =	vst v63  }
0x2e: {  	_ =	swait.ge @!p3 [sflag:s19], $0x4000  }
0x2f: {  	p2 =	por p2, p2;
	[sflag:s19] =	ssyncset.done @!p3 $0x0  }
0x30: {  	s17 =	simm.s32 @!p2 $0x2;
	[sflag:s19] =	ssyncadd.s32 @!p3 $0xFFFFC000  }
0x31: {  	p4 =	sle.u32 s4, $0x3;
	_ =	swait.ge @!p2 [sflag:s17], $0x4000  }
0x32: {  	s21 =	simm.s32 @!p2 $0x3;
	s22 =	simm.s32 @!p2 $0x80;
	[sflag:s17] =	ssyncset.done @!p2 $0x0  }
0x33: {  	s18 =	sadd.s32 $0x1000, s11;
	[sflag:s17] =	ssyncadd.s32 @!p2 $0xFFFFC000;
	s17 =	simm.s32 @!p2 $0x80  }
0x34: {  	[spmem:s2] =	stream.indirect.scatter.add.f32 @!p2 [tilespmem:s20], [sflag:$0x3], $0x80, s17, s22, $0xb8;
	[tilespmem:$0x1C480] =	vst v63  }
0x35: {  	s19 =	simm.s32 $0x5;
	p3 =	sle.u32 s4, $0x2;
	_ =	swait.ge @!p2 [sflag:s21], $0x4000  }
0x36: {  	s20 =	sadd.s32 $0x1000, s12;
	s17 =	simm.s32 $0x100;
	[sflag:s21] =	ssyncset.done @!p2 $0x0  }
.LBB2_2:
0x37: {  	s22 =	simm.s32 @!p3 $0x0;
	s23 =	simm.s32 @!p3 $0xC00;
	[sflag:s21] =	ssyncadd.s32 @!p2 $0xFFFFC000  }
0x38: {  	[tilespmem:s23], [sflag:$0x1] =	stream.linear.gather @!p3 [hbm4b:s18+s22], $0x4000, $0x38;
	[tilespmem:$0x1C480] =	vst v63  }
0x39: {  	s21 =	simm.s32 @!p4 $0x0;
	s24 =	simm.s32 @!p3 $0x1;
	s22 =	simm.s32 @!p4 $0x4C00  }
0x3a: {  	[tilespmem:s22], [sflag:$0x2] =	stream.linear.gather @!p4 [hbm4b:s20+s21], $0x4000, $0x38;
	[tilespmem:$0x1C480] =	vst v63  }
0x3b: {  	s25 =	smov.u32 s19;
	s19 =	sadd.s32 $0x2, s19;
	_ =	swait.ge @!p3 [sflag:s24], $0x4000  }
0x3c: {  	p2 =	por p4, p4;
	p5 =	sne.s32 s19, $0x19;
	[sflag:s24] =	ssyncset.done @!p3 $0x0  }
0x3d: {  	s21 =	simm.s32 @!p3 $0x80;
	[sflag:s24] =	ssyncadd.s32 @!p3 $0xFFFFC000;
	s24 =	simm.s32 @!p3 $0x4  }
0x3e: {  	[spmem:s2] =	stream.indirect.scatter.add.f32 @!p3 [tilespmem:s23], [sflag:$0x4], $0x80, s17, s21, $0xb8;
	[tilespmem:$0x1C480] =	vst v63  }
0x3f: {  	_ =	swait.ge @!p3 [sflag:s24], $0x4000  }
0x40: {  	[sflag:s24] =	ssyncset.done @!p3 $0x0  }
0x41: {  	s23 =	simm.s32 @!p2 $0x2;
	[sflag:s24] =	ssyncadd.s32 @!p3 $0xFFFFC000  }
0x42: {  	s18 =	sadd.s32 $0x1000, s18;
	s20 =	sadd.s32 $0x1000, s20;
	_ =	swait.ge @!p2 [sflag:s23], $0x4000  }
.Ltmp0:
0x43: {  	s21 =	simm.s32 @!p2 $0x3;
	[sflag:s23] =	ssyncset.done @!p2 $0x0;
	(pc) =	sbr.rel @p5 .LBB2_2-.Ltmp0, $4  }
0x44: {  	s24 =	simm.s32 @!p2 $0x80;
	[sflag:s23] =	ssyncadd.s32 @!p2 $0xFFFFC000;
	s23 =	sadd.s32 @!p2 $0x80, s17  }
0x45: {  	[spmem:s2] =	stream.indirect.scatter.add.f32 @!p2 [tilespmem:s22], [sflag:$0x3], $0x80, s23, s24, $0xb8;
	[tilespmem:$0x1C480] =	vst v63  }
0x46: {  	s17 =	sadd.s32 $0x100, s17;
	s22 =	sadd.s32 $0xFFFFFFFF, s25;
	_ =	swait.ge @!p2 [sflag:s21], $0x4000  }
0x47: {  	p4 =	sge.u32 s25, s4;
	p3 =	sge.u32 s22, s4;
	[sflag:s21] =	ssyncset.done @!p2 $0x0  }
0x48: {  	s19 =	simm.s32 @!p3 $0x0;
	s22 =	simm.s32 @!p3 $0xC00;
	[sflag:s21] =	ssyncadd.s32 @!p2 $0xFFFFC000  }
0x49: {  	[tilespmem:s22], [sflag:$0x1] =	stream.linear.gather @!p3 [hbm4b:s18+s19], $0x4000, $0x38;
	[tilespmem:$0x1C480] =	vst v63  }
0x4a: {  	s21 =	simm.s32 @!p3 $0x1;
	s18 =	simm.s32 @!p4 $0x0;
	s19 =	simm.s32 @!p4 $0x4C00  }
0x4b: {  	[tilespmem:s19], [sflag:$0x2] =	stream.linear.gather @!p4 [hbm4b:s20+s18], $0x4000, $0x38;
	[tilespmem:$0x1C480] =	vst v63  }
0x4c: {  	_ =	swait.ge @!p3 [sflag:s21], $0x4000  }
0x4d: {  	[sflag:s21] =	ssyncset.done @!p3 $0x0  }
0x4e: {  	s18 =	simm.s32 @!p3 $0x80;
	s20 =	simm.s32 @!p3 $0x4;
	[sflag:s21] =	ssyncadd.s32 @!p3 $0xFFFFC000  }
0x4f: {  	[spmem:s2] =	stream.indirect.scatter.add.f32 @!p3 [tilespmem:s22], [sflag:$0x4], $0x80, s17, s18, $0xb8;
	[tilespmem:$0x1C480] =	vst v63  }
0x50: {  	_ =	swait.ge @!p3 [sflag:s20], $0x4000  }
0x51: {  	p2 =	por p4, p4;
	[sflag:s20] =	ssyncset.done @!p3 $0x0  }
0x52: {  	s18 =	simm.s32 @!p2 $0x2;
	[sflag:s20] =	ssyncadd.s32 @!p3 $0xFFFFC000  }
0x53: {  	_ =	swait.ge @!p2 [sflag:s18], $0x4000  }
0x54: {  	s17 =	sadd.s32 @!p2 $0x80, s17;
	[sflag:s18] =	ssyncset.done @!p2 $0x0  }
0x55: {  	s20 =	simm.s32 @!p2 $0x3;
	[sflag:s18] =	ssyncadd.s32 @!p2 $0xFFFFC000;
	s18 =	simm.s32 @!p2 $0x80  }
0x56: {  	[spmem:s2] =	stream.indirect.scatter.add.f32 @!p2 [tilespmem:s19], [sflag:$0x3], $0x80, s17, s18, $0xb8;
	[tilespmem:$0x1C480] =	vst v63  }
0x57: {  	_ =	swait.ge @!p2 [sflag:s20], $0x4000  }
0x58: {  	[sflag:s20] =	ssyncset.done @!p2 $0x0  }
0x59: {  	[sflag:s20] =	ssyncadd.s32 @!p2 $0xFFFFC000  }
0x5a: {  	s17 =	simm.s32 @p0 $0x1FC3;
	[bflag:$0x0] =	sbarrier.arrive $0xFFFF  }
0x5b: {  	[hbm:s9], [sflag:s17] =	dma.local @p0 [spmem:s13], $0x2800  }
0x5c: {  	s17 =	simm.s32 @p0 $0x3  }
0x5d: {  	s16 =	sadd.s32 $0x1, s16;
	_ =	swait.ge @p0 [sflag:s17], $0x2800  }
0x5e: {  	p2 =	sne.s32 s16, s10;
	[sflag:s17] =	ssyncset.done @p0 $0x0  }
.Ltmp1:
0x5f: {  	[sflag:s17] =	ssyncadd.s32 @p0 $0xFFFFD800;
	s17 =	simm.s32 @!p0 $0x3;
	(pc) =	sbr.rel @p2 .LBB2_1-.Ltmp1, $4  }
0x60: {  	[hbm:s6], [sflag:s14] =	dma.local @!p0 [spmem:s15], $0x2700  }
0x61: {  	_ =	swait.ge @!p0 [sflag:s17], $0x2700  }
0x62: {  	[sflag:s17] =	ssyncset.done @!p0 $0x0  }
0x63: {  	[sflag:s17] =	ssyncadd.s32 @!p0 $0xFFFFD900  }
0x64: {  	_ =	sfence.sel $0x180000  }
0x65: {  	[bflag:$0x0] =	sbarrier.arrive $0xFFFF  }
0x66: {  	p0 =	sne.s32 s0, $0x0;
	_ =	strace $0x90000053  }
0x67: {  	s0 =	sadd.s32 @!p0 $0x100000, s1;
	[bflag:$0x2] =	sbarrier.arrive $0xFFFF  }
0x68: {  	[sflag:s0] =	ssyncadd.tile.s32 @!p0 $0x1;
	_ =	shalt  }
.Lfunc_end2:
_tile_overlayer_lowered:
.L_overlay_start_2:
0x69: {  	(tag) =	ssettag $0x2  }
0x6a: {  	s0 =	rddreg [dreg:$0x0];
	s2 =	stileid.u32  }
0x6b: {  	s1 =	rddreg [dreg:$0x1];
	p0 =	sne.s32 s2, $0x0  }
0x6c: {  	s3 =	rddreg [dreg:$0x2];
	[bflag:$0x3] =	sbarrier.arrive $0xFFFF;
	s2 =	simm.s32 @!p0 $0x1C03  }
0x6d: {  	[timem:s3], [sflag:s2] =	dma.local @!p0 [hbm:s0], s1  }
0x6e: {  	s0 =	simm.s32 @!p0 $0x3  }
0x6f: {  	_ =	swait.ge @!p0 [sflag:s0], s1  }
0x70: {  	s1 =	ssub.s32 @!p0 $0x0, s1;
	[sflag:s0] =	ssyncset.done @!p0 $0x0  }
0x71: {  	[sflag:s0] =	ssyncadd.s32 @!p0 s1  }
0x72: {  	[bflag:$0x3] =	sbarrier.arrive $0xFFFF  }
0x73: {  	_ =	shalt  }

// kernel: kernel.31.cloned.1.call-start
scs
__scs_entry_jumppad:
0x0: {  	(pc) =	sbr.rel $0x88, $3  }
0x1: {  	(tag) =	ssettag $0x0;
	lr =	simm.s32 $0x1  }
0x2: {  	[smem:$0x3F68] =	sst lr;
	_ =	strace $0xD0000000  }
0x3: {  	_ = 	snop  }
0x4: {  	_ = 	snop  }
0x5: {  	_ = 	snop  }
0x6: {  	_ = 	snop  }
0x7: {  	_ = 	snop  }
__scs_overlays_trampoline_lowered:
0x8: {  	[smem:$0x3F77] =	sst s0  }
0x9: {  	[smem:$0x3F78] =	sst s1  }
0xa: {  	[smem:$0x3F79] =	sst s2  }
0xb: {  	[smem:$0x3F7A] =	sst s3  }
0xc: {  	[smem:$0x3F7B] =	sst s4  }
0xd: {  	[smem:$0x3F7C] =	sst s5  }
0xe: {  	[smem:$0x3F7D] =	sst s6  }
0xf: {  	[smem:$0x3F7E] =	sst s7  }
0x10: {  	[smem:$0x3F7F] =	sst s8  }
0x11: {  	[smem:$0x3F80] =	sst s9;
	s0 =	simm.s32 @!p0 $0x0  }
0x12: {  	s1 =	sld [smem:$0x3F66];
	s0 =	simm.s32 @p0 $0x1  }
0x13: {  	[smem:$0x3F81] =	sst s0;
	s0 =	simm.s32 @!p1 $0x0  }
0x14: {  	s2 =	sld [smem:$0x3F65];
	s0 =	simm.s32 @p1 $0x1  }
0x15: {  	[smem:$0x3F82] =	sst s0;
	s0 =	simm.s32 @!p2 $0x0  }
0x16: {  	s3 =	sld [smem:$0x3FDB];
	s0 =	simm.s32 @p2 $0x1  }
0x17: {  	s4 =	simm.s32 $0x1BF5;
	[smem:$0x3F84] =	sst s0  }
0x18: {  	s0 =	sld [smem:$0x3F67];
	_ =	swait.ge [sflag:s4], $0x0  }
0x19: {  	s7 =	sld [smem:$0x3F68]  }
0x1a: {  	s8 =	sadd.s32 $0xFFFFE003, lr  }
0x1b: {  	s9 =	sadd.s32 $0xFFFFFEF7, lr;
	s5 =	simm.s32 $0xFFFFFFFF;
	p2 =	slt.u32 s8, $0xFFFFF086  }
0x1c: {  	p1 =	slt.u32 s9, $0xF7A;
	s5 =	simm.s32 @!p2 $0x0  }
0x1d: {  	s5 =	simm.s32 @p1 $0x1;
	p0 =	seq.s32 s7, s2  }
0x1e: {  	s7 =	smul.u32 @!p0 $0xF7A, s2;
	p2 =	seq.s32 @!p0 s5, $0x0  }
0x1f: {  	s9 =	smul.u32 $0xF7A, s1;
	s8 =	simm.s32 @!p0 $0x1BF5;
	p2 =	por !p2, p0  }
0x20: {  	[sflag:s8] =	ssyncset.s32 @!p0 $0xFFFFF086;
	s6 =	sadd.s32 @!p0 s3, s7;
	s7 =	simm.s32 @!p0 $0x108  }
0x21: {  	s3 =	sadd.s32 s3, s9;
	s6 =	sadd.s32 @!p0 $0x88, s6;
	s7 =	simm.s32 @p2 $0x1082  }
0x22: {  	[simem:s7], [sflag:s8] =	dma.local @!p0 [hbm:s6], $0xF7A  }
0x23: {  	s9 =	sor.u32 $0xD0000000, s2;
	s6 =	simm.s32 $0x108;
	_ =	swait.ge @!p0 [sflag:s8], $0x0  }
0x24: {  	s3 =	sadd.s32 $0x88, s3;
	s6 =	simm.s32 @!p1 $0x1082;
	[sflag:s4] =	ssyncset.s32 $0xFFFFF086  }
0x25: {  	[simem:s6], [sflag:s4] =	dma.local [hbm:s3], $0xF7A  }
0x26: {  	[smem:$0x3F68] =	sst s1;
	(tag) =	ssettag s2;
	_ =	strace s9  }
0x27: {  	s1 =	sld [smem:$0x3F78]  }
0x28: {  	s2 =	sld [smem:$0x3F79]  }
0x29: {  	s4 =	sld [smem:$0x3F7B]  }
0x2a: {  	p0 =	seq.s32 s5, $0x0;
	s5 =	sld [smem:$0x3F7C]  }
0x2b: {  	s6 =	sld [smem:$0x3F7D]  }
0x2c: {  	s7 =	sld [smem:$0x3F7E]  }
0x2d: {  	s3 =	simm.s32 $0x108;
	s8 =	sld [smem:$0x3F7F]  }
0x2e: {  	s3 =	simm.s32 @!p0 $0x1082;
	s9 =	sld [smem:$0x3F80]  }
0x2f: {  	lr =	sadd.s32 s0, s3;
	s0 =	sld [smem:$0x3F77]  }
0x30: {  	s3 =	sld [smem:$0x3F7A]  }
0x31: {  	[smem:$0x3F83] =	sst s10  }
0x32: {  	s10 =	sld [smem:$0x3F81];
	_ =	sdelay $0x3  }
0x33: {  	p0 =	seq.s32 s10, $0x1;
	s10 =	sld [smem:$0x3F83];
	_ =	sdelay $0x3  }
0x34: {  	[smem:$0x3F83] =	sst s10  }
0x35: {  	s10 =	sld [smem:$0x3F82];
	_ =	sdelay $0x3  }
0x36: {  	p1 =	seq.s32 s10, $0x1;
	s10 =	sld [smem:$0x3F83];
	_ =	sdelay $0x3  }
0x37: {  	[smem:$0x3F83] =	sst s10  }
0x38: {  	s10 =	sld [smem:$0x3F84]  }
0x39: {  	_ = 	snop;
	(pc) =	sbr.ind lr, $3  }
0x3a: {  	_ = 	snop  }
0x3b: {  	_ = 	snop  }
0x3c: {  	p2 =	seq.s32 s10, $0x1;
	s10 =	sld [smem:$0x3F83]  }
0x3d: {  	_ =	shalt  }
0x3e: {  	_ =	shalt  }
0x3f: {  	_ =	shalt  }
0x40: {  	_ =	shalt  }
0x41: {  	_ =	shalt  }
0x42: {  	_ =	shalt  }
0x43: {  	_ =	shalt  }
0x44: {  	_ =	shalt  }
0x45: {  	_ =	shalt  }
0x46: {  	_ =	shalt  }
0x47: {  	_ =	shalt  }
0x48: {  	_ =	shalt  }
0x49: {  	_ =	shalt  }
0x4a: {  	_ =	shalt  }
0x4b: {  	_ =	shalt  }
0x4c: {  	_ =	shalt  }
0x4d: {  	_ =	shalt  }
0x4e: {  	_ =	shalt  }
0x4f: {  	_ =	shalt  }
0x50: {  	_ =	shalt  }
0x51: {  	_ =	shalt  }
0x52: {  	_ =	shalt  }
0x53: {  	_ =	shalt  }
0x54: {  	_ =	shalt  }
0x55: {  	_ =	shalt  }
0x56: {  	_ =	shalt  }
0x57: {  	_ =	shalt  }
0x58: {  	_ =	shalt  }
0x59: {  	_ =	shalt  }
0x5a: {  	_ =	shalt  }
0x5b: {  	_ =	shalt  }
0x5c: {  	_ =	shalt  }
0x5d: {  	_ =	shalt  }
0x5e: {  	_ =	shalt  }
0x5f: {  	_ =	shalt  }
0x60: {  	_ =	shalt  }
0x61: {  	_ =	shalt  }
0x62: {  	_ =	shalt  }
0x63: {  	_ =	shalt  }
0x64: {  	_ =	shalt  }
0x65: {  	_ =	shalt  }
0x66: {  	_ =	shalt  }
0x67: {  	_ =	shalt  }
0x68: {  	_ =	shalt  }
0x69: {  	_ =	shalt  }
0x6a: {  	_ =	shalt  }
0x6b: {  	_ =	shalt  }
0x6c: {  	_ =	shalt  }
0x6d: {  	_ =	shalt  }
0x6e: {  	_ =	shalt  }
0x6f: {  	_ =	shalt  }
0x70: {  	_ =	shalt  }
0x71: {  	_ =	shalt  }
0x72: {  	_ =	shalt  }
0x73: {  	_ =	shalt  }
0x74: {  	_ =	shalt  }
0x75: {  	_ =	shalt  }
0x76: {  	_ =	shalt  }
0x77: {  	_ =	shalt  }
0x78: {  	_ =	shalt  }
0x79: {  	_ =	shalt  }
0x7a: {  	_ =	shalt  }
0x7b: {  	_ =	shalt  }
0x7c: {  	_ =	shalt  }
0x7d: {  	_ =	shalt  }
0x7e: {  	_ =	shalt  }
0x7f: {  	_ =	shalt  }
0x80: {  	_ =	shalt  }
0x81: {  	_ =	shalt  }
0x82: {  	_ =	shalt  }
0x83: {  	_ =	shalt  }
0x84: {  	_ =	shalt  }
0x85: {  	_ =	shalt  }
0x86: {  	_ =	shalt  }
0x87: {  	_ =	shalt  }
.Lfunc_end0:
.L_simem_size_0:
called_computation.4_lowered:
.L_overlay_start_0:
0x88: {  	s2 =	sld [smem:$0x3FD9]  }
0x89: {  	s3 =	sld [smem:$0x3FFE];
	_ =	sdelay $0x1  }
0x8a: {  	s1 =	srdreg.scid  }
0x8b: {  	s0 =	sand.u32 $0x1, s1  }
0x8c: {  	s17 =	sshll.u32 s0, $0xA;
	s2 =	sadd.s32 s3, s2  }
0x8d: {  	s2 =	sadd.s32 s2, s17  }
0x8e: {  	[smem:$0x3F8F] =	sst s2  }
0x8f: {  	_ = 	snop  }
0x90: {  	(tm) =	ssettm $0x1  }
0x91: {  	s18 =	sld [smem:$0x3FFB];
	_ =	sdelay $0x3  }
0x92: {  	_ =	strace s18  }
0x93: {  	s2 =	sld [smem:$0x3FFC];
	_ =	sdelay $0x3  }
0x94: {  	_ =	strace s2  }
0x95: {  	s2 =	sld [smem:$0x3FFD];
	_ =	sdelay $0x3  }
0x96: {  	_ =	strace s2  }
0x97: {  	_ =	strace $0x8FFFFFFF  }
0x98: {  	s19 =	sld [smem:$0x3FDB];
	_ =	sdelay $0x1  }
0x99: {  	s20 =	simm.s32 $_scs_section_size  }
0x9a: {  	s4 =	simm.s32 $_size__tile_overlayer_lowered;
	s5 =	simm.s32 $_tile_overlayer_lowered  }
0x9b: {  	s6 =	simm.s32 $0x1BFF;
	s21 =	sshll.u32 s5, $0x1;
	s3 =	sadd.s32 s20, s19  }
0x9c: {  	s22 =	simm.s32 $0x0;
	s4 =	sshll.u32 s4, $0x1;
	s5 =	sadd.s32 s21, s3  }
0x9d: {  	[timem:s22], [sflag:s6] =	dma.local [hbm:s5], s4  }
0x9e: {  	_ =	swait.ge [sflag:s6], s4  }
0x9f: {  	s4 =	ssub.s32 $0x0, s4;
	[sflag:s6] =	ssyncset.done $0x0  }
0xa0: {  	[sflag:s6] =	ssyncadd.s32 s4;
	_ =	sdelay $0x1  }
0xa1: {  	s23 =	simm.s32 $0x1B8B  }
0xa2: {  	_ =	swait.ge [sflag:s23], $0x1  }
0xa3: {  	[sflag:s23] =	ssyncset.done $0x0  }
0xa4: {  	[sflag:s23] =	ssyncadd.s32 $0xFFFFFFFF  }
0xa5: {  	s4 =	sld [smem:$0x0]  }
0xa6: {  	s5 =	sand.u32 $0xFFFFFFFE, s1  }
0xa7: {  	p0 =	sne.s32 s1, s5  }
0xa8: {  	s5 =	sshll.u32 @p0 s5, $0xE  }
0xa9: {  	s5 =	sadd.s32 @p0 $0x11B8D, s5;
	s6 =	sshll.u32 @p0 s4, $0x11  }
0xaa: {  	s5 =	sor.u32 @p0 s6, s5  }
0xab: {  	[sflag:s5] =	ssyncadd.remote.s32 @p0 $0x1;
	_ =	sdelay $0x1  }
0xac: {  	s5 =	simm.s32 @p0 $0x1B8D  }
0xad: {  	_ =	swait.eq @p0 [sflag:s5], $0x1  }
0xae: {  	[sflag:s5] =	ssyncadd.s32 @p0 $0xFFFFFFFF  }
0xaf: {  	s6 =	sshll.u32 @!p0 s1, $0xE  }
0xb0: {  	s6 =	sor.u32 @!p0 $0x4000, s6;
	s5 =	simm.s32 @!p0 $0x1B8D  }
0xb1: {  	s4 =	sshll.u32 @!p0 s4, $0x11;
	s6 =	sadd.s32 @!p0 $0x11B8D, s6;
	_ =	swait.eq @!p0 [sflag:s5], $0x1  }
0xb2: {  	s4 =	sor.u32 @!p0 s4, s6;
	[sflag:s5] =	ssyncadd.s32 @!p0 $0xFFFFFFFF  }
0xb3: {  	s25 =	simm.s32 $0x1B8E;
	s24 =	sld [smem:$0x3FFE];
	[sflag:s4] =	ssyncadd.remote.s32 @!p0 $0x1  }
0xb4: {  	s26 =	simm.s32 $execute0_lowered;
	[smem:$0x3FD2] =	sst s25  }
0xb5: {  	s5 =	sshll.u32 s26, $0x1;
	_ =	strace $0x8000004F;
	[dreg:$0x1] =	wrdreg $0xFFFFFFFF  }
0xb6: {  	s28 =	simm.s32 $_size_execute0_lowered;
	s3 =	sadd.s32 s3, s5;
	[dreg:$0x0] =	wrdreg $0x0  }
0xb7: {  	s5 =	sshll.u32 s28, $0x1;
	[dreg:$0x2] =	wrdreg s3  }
0xb8: {  	[dreg:$0x3] =	wrdreg s5  }
0xb9: {  	[dreg:$0x4] =	wrdreg $0xC0  }
0xba: {  	_ =	task [dreg:s22], $0x5FFFF  }
0xbb: {  	[dreg:$0x1] =	wrdreg $0xFFFFFFFF  }
0xbc: {  	[dreg:$0x0] =	wrdreg $0x60  }
0xbd: {  	[dreg:$0x2] =	wrdreg s24  }
0xbe: {  	[dreg:$0x3] =	wrdreg $0x8C000  }
0xbf: {  	[dreg:$0x4] =	wrdreg $0xB  }
0xc0: {  	_ =	task.clear_ibuf [dreg:s22], $0x5FFFF;
	_ =	strace $0x9000004F  }
0xc1: {  	s29 =	simm.s32 $0xB;
	_ =	strace $0x80000051  }
0xc2: {  	_ =	swait.ge [sflag:s29], $0x1  }
0xc3: {  	[sflag:s29] =	ssyncadd.s32 $0xFFFFFFFF  }
0xc4: {  	_ =	strace $0x90000051  }
0xc5: {  	_ =	sfence  }
0xc6: {  	s30 =	sld [smem:$0x0];
	_ =	sdelay $0x2  }
0xc7: {  	s31 =	sshll.u32 s1, $0xD;
	s1 =	sshrl.u32 s1, $0x2  }
0xc8: {  	s4 =	sand.u32 $0x4000, s31;
	s1 =	sadd.s32 s1, s30  }
0xc9: {  	s0 =	sor.u32 s4, s0;
	s1 =	sshll.u32 s1, $0x11  }
0xca: {  	s0 =	sor.u32 s1, s0  }
0xcb: {  	s0 =	sadd.s32 $0x8F2B, s0  }
0xcc: {  	[sflag:s0] =	ssyncadd.remote.s32 $0x1  }
0xcd: {  	_ =	sfence.sel $0xFFFF  }
0xce: {  	[dreg:$0x0] =	wrdreg $0xFFFFFFFF;
	(pc) =	sbr.abs _section_cstart, $3  }
0xcf: {  	[dreg:$0x1] =	wrdreg $0xFFFFFFFF  }
0xd0: {  	_ =	task.clear_ibuf [dreg:s22], $0x2FFFF;
	_ =	strace $0x9FFFFFFF  }
0xd1: {  	(tm) =	ssettm $0x7FFFFFFF  }
tec
execute0_lowered:
.L_overlay_start_1:
0x0: {  	(tag) =	ssettag $0x1  }
0x1: {  	s0 =	stileid.u32  }
0x2: {  	s6 =	smul.u32 $0x2700, s0  }
0x3: {  	s26 =	smul.u32 $0x4E000, s0  }
0x4: {  	s7 =	rddreg [dreg:$0x0];
	s14 =	smul.u32 $0x13800, s0  }
0x5: {  	s1 =	srdreg.scid;
	s30 =	smul.u32 $0x30, s0  }
0x6: {  	s2 =	rddreg [dreg:$0x1];
	s11 =	sand.u32 $0x1, s1;
	s31 =	smul.u32 $0x18000, s0  }
0x7: {  	s3 =	simm.s32 $0x0;
	s4 =	sshll.u32 s0, $0x1;
	s13 =	smul.u32 $0x138800, s11  }
0x8: {  	s1 =	rddreg [dreg:$0x2];
	s12 =	sadd.s32 $0x6B7200, s7;
	s17 =	smul.u32 $0x18, s11  }
0x9: {  	s4 =	sor.u32 s11, s4;
	s10 =	ssub.s32 $0x2, s11;
	s11 =	smul.u32 $0xC000, s11  }
0xa: {  	[smem:$0x7FF] =	sst s3;
	s9 =	sadd.s32 $0x57EA00, s7;
	s5 =	smul.u32 $0x180, s4  }
0xb: {  	_ =	strace $0x80000050;
	s4 =	smul.u32 $0x18, s4;
	s28 =	sshrl.u32 s10, $0x1  }
0xc: {  	s25 =	sadd.s32 s6, s7;
	s6 =	sshrl.u32 s26, $0x2;
	s10 =	ssub.s32 s10, s28  }
0xd: {  	s15 =	sadd.s32 s6, s2;
	s29 =	sadd.s32 s14, s13;
	s13 =	sshrl.u32 s13, $0x3  }
0xe: {  	s14 =	sadd.s32 s17, s30;
	s17 =	sadd.s32 s31, s12;
	s8 =	sadd.s32 s5, s7  }
0xf: {  	s16 =	ssub.s32 $0x271, s4;
	s5 =	sadd.s32 $0x506C00, s25;
	s6 =	sshrl.u32 s29, $0x3  }
0x10: {  	s7 =	sadd.s32 $0x52B500, s7;
	s10 =	smax.u32 s10, $0x1;
	s14 =	sshll.u32 s14, $0xB  }
0x11: {  	s11 =	sadd.s32 s11, s17;
	p0 =	sgt.s32 s16, $0x0;
	s6 =	sadd.s32 s9, s6  }
0x12: {  	s9 =	sadd.s32 s9, s13;
	s13 =	sadd.s32 $0x124800, s2;
	s8 =	sadd.s32 $0x57C000, s8  }
0x13: {  	s12 =	sadd.s32 s14, s12;
	s16 =	simm.s32 @!p0 $0x0;
	s9 =	sadd.s32 $0x24900, s9  }
0x14: {  	p0 =	seq.s32 s0, $0xF;
	s12 =	sadd.s32 $0x800, s12;
	s4 =	smin.u32 s16, $0x18  }
0x15: {  	s14 =	sshll.u32 @!p0 s0, $0x6;
	s13 =	sshrl.u32 @p0 s13, $0x3;
	s15 =	sshrl.u32 @!p0 s15, $0x3  }
0x16: {  	p1 =	seq.s32 s16, $0x0;
	s16 =	simm.s32 $0x0;
	s14 =	sor.u32 @!p0 $0x1C03, s14  }
.LBB2_1:
0x17: {  	s17 =	simm.s32 @p0 $0x1FC3  }
0x18: {  	[spmem:s13], [sflag:s17] =	dma.local @p0 [hbm:s7], $0x2800  }
0x19: {  	s17 =	simm.s32 @p0 $0x3  }
0x1a: {  	_ =	swait.ge @p0 [sflag:s17], $0x2800  }
0x1b: {  	[sflag:s17] =	ssyncset.done @p0 $0x0  }
0x1c: {  	[sflag:s17] =	ssyncadd.s32 @p0 $0xFFFFD800;
	s17 =	simm.s32 @!p0 $0x3  }
0x1d: {  	[spmem:s15], [sflag:s14] =	dma.local @!p0 [hbm:s5], $0x2700  }
0x1e: {  	_ =	swait.ge @!p0 [sflag:s17], $0x2700  }
0x1f: {  	[sflag:s17] =	ssyncset.done @!p0 $0x0  }
0x20: {  	[sflag:s17] =	ssyncadd.s32 @!p0 $0xFFFFD900;
	s17 =	simm.s32 @!p1 $0x0  }
0x21: {  	[tilespmem:s17], [sflag:$0x3] =	stream.linear.gather @!p1 [hbm4b:s8+s17], $0xC00, $0x38;
	[tilespmem:$0x1C480] =	vst v63  }
0x22: {  	s17 =	simm.s32 @!p1 $0x3  }
0x23: {  	_ =	swait.ge @!p1 [sflag:s17], $0xC00  }
0x24: {  	[sflag:s17] =	ssyncset.done @!p1 $0x0  }
0x25: {  	p3 =	sle.u32 s4, $0x0;
	p2 =	sle.u32 s4, $0x1;
	[sflag:s17] =	ssyncadd.s32 @!p1 $0xFFFFF400  }
0x26: {  	s18 =	simm.s32 @!p3 $0xC00;
	s17 =	simm.s32 @!p3 $0x0;
	[bflag:$0x0] =	sbarrier.arrive $0xFFFF  }
0x27: {  	[tilespmem:s18], [sflag:$0x1] =	stream.linear.gather @!p3 [hbm4b:s11+s17], $0x4000, $0x38;
	[tilespmem:$0x1C480] =	vst v63  }
0x28: {  	s20 =	simm.s32 @!p2 $0x4C00;
	s19 =	simm.s32 @!p3 $0x1;
	s17 =	simm.s32 @!p2 $0x0  }
0x29: {  	[tilespmem:s20], [sflag:$0x2] =	stream.linear.gather @!p2 [hbm4b:s12+s17], $0x4000, $0x38;
	[tilespmem:$0x1C480] =	vst v63  }
0x2a: {  	_ =	swait.ge @!p3 [sflag:s19], $0x4000  }
0x2b: {  	[sflag:s19] =	ssyncset.done @!p3 $0x0  }
0x2c: {  	s17 =	simm.s32 @!p3 $0x80;
	[sflag:s19] =	ssyncadd.s32 @!p3 $0xFFFFC000;
	s19 =	simm.s32 @!p3 $0x4  }
0x2d: {  	[spmem:s2] =	stream.indirect.scatter.add.f32 @!p3 [tilespmem:s18], [sflag:$0x4], $0x80, s3, s17, $0xb8;
	[tilespmem:$0x1C480] =	vst v63  }
0x2e: {  	_ =	swait.ge @!p3 [sflag:s19], $0x4000  }
0x2f: {  	p2 =	por p2, p2;
	[sflag:s19] =	ssyncset.done @!p3 $0x0  }
0x30: {  	s17 =	simm.s32 @!p2 $0x2;
	[sflag:s19] =	ssyncadd.s32 @!p3 $0xFFFFC000  }
0x31: {  	p4 =	sle.u32 s4, $0x3;
	_ =	swait.ge @!p2 [sflag:s17], $0x4000  }
0x32: {  	s21 =	simm.s32 @!p2 $0x3;
	s22 =	simm.s32 @!p2 $0x80;
	[sflag:s17] =	ssyncset.done @!p2 $0x0  }
0x33: {  	s18 =	sadd.s32 $0x1000, s11;
	[sflag:s17] =	ssyncadd.s32 @!p2 $0xFFFFC000;
	s17 =	simm.s32 @!p2 $0x80  }
0x34: {  	[spmem:s2] =	stream.indirect.scatter.add.f32 @!p2 [tilespmem:s20], [sflag:$0x3], $0x80, s17, s22, $0xb8;
	[tilespmem:$0x1C480] =	vst v63  }
0x35: {  	s19 =	simm.s32 $0x5;
	p3 =	sle.u32 s4, $0x2;
	_ =	swait.ge @!p2 [sflag:s21], $0x4000  }
0x36: {  	s20 =	sadd.s32 $0x1000, s12;
	s17 =	simm.s32 $0x100;
	[sflag:s21] =	ssyncset.done @!p2 $0x0  }
.LBB2_2:
0x37: {  	s22 =	simm.s32 @!p3 $0x0;
	s23 =	simm.s32 @!p3 $0xC00;
	[sflag:s21] =	ssyncadd.s32 @!p2 $0xFFFFC000  }
0x38: {  	[tilespmem:s23], [sflag:$0x1] =	stream.linear.gather @!p3 [hbm4b:s18+s22], $0x4000, $0x38;
	[tilespmem:$0x1C480] =	vst v63  }
0x39: {  	s21 =	simm.s32 @!p4 $0x0;
	s24 =	simm.s32 @!p3 $0x1;
	s22 =	simm.s32 @!p4 $0x4C00  }
0x3a: {  	[tilespmem:s22], [sflag:$0x2] =	stream.linear.gather @!p4 [hbm4b:s20+s21], $0x4000, $0x38;
	[tilespmem:$0x1C480] =	vst v63  }
0x3b: {  	s25 =	smov.u32 s19;
	s19 =	sadd.s32 $0x2, s19;
	_ =	swait.ge @!p3 [sflag:s24], $0x4000  }
0x3c: {  	p2 =	por p4, p4;
	p5 =	sne.s32 s19, $0x19;
	[sflag:s24] =	ssyncset.done @!p3 $0x0  }
0x3d: {  	s21 =	simm.s32 @!p3 $0x80;
	[sflag:s24] =	ssyncadd.s32 @!p3 $0xFFFFC000;
	s24 =	simm.s32 @!p3 $0x4  }
0x3e: {  	[spmem:s2] =	stream.indirect.scatter.add.f32 @!p3 [tilespmem:s23], [sflag:$0x4], $0x80, s17, s21, $0xb8;
	[tilespmem:$0x1C480] =	vst v63  }
0x3f: {  	_ =	swait.ge @!p3 [sflag:s24], $0x4000  }
0x40: {  	[sflag:s24] =	ssyncset.done @!p3 $0x0  }
0x41: {  	s23 =	simm.s32 @!p2 $0x2;
	[sflag:s24] =	ssyncadd.s32 @!p3 $0xFFFFC000  }
0x42: {  	s18 =	sadd.s32 $0x1000, s18;
	s20 =	sadd.s32 $0x1000, s20;
	_ =	swait.ge @!p2 [sflag:s23], $0x4000  }
.Ltmp0:
0x43: {  	s21 =	simm.s32 @!p2 $0x3;
	[sflag:s23] =	ssyncset.done @!p2 $0x0;
	(pc) =	sbr.rel @p5 .LBB2_2-.Ltmp0, $4  }
0x44: {  	s24 =	simm.s32 @!p2 $0x80;
	[sflag:s23] =	ssyncadd.s32 @!p2 $0xFFFFC000;
	s23 =	sadd.s32 @!p2 $0x80, s17  }
0x45: {  	[spmem:s2] =	stream.indirect.scatter.add.f32 @!p2 [tilespmem:s22], [sflag:$0x3], $0x80, s23, s24, $0xb8;
	[tilespmem:$0x1C480] =	vst v63  }
0x46: {  	s17 =	sadd.s32 $0x100, s17;
	s22 =	sadd.s32 $0xFFFFFFFF, s25;
	_ =	swait.ge @!p2 [sflag:s21], $0x4000  }
0x47: {  	p4 =	sge.u32 s25, s4;
	p3 =	sge.u32 s22, s4;
	[sflag:s21] =	ssyncset.done @!p2 $0x0  }
0x48: {  	s19 =	simm.s32 @!p3 $0x0;
	s22 =	simm.s32 @!p3 $0xC00;
	[sflag:s21] =	ssyncadd.s32 @!p2 $0xFFFFC000  }
0x49: {  	[tilespmem:s22], [sflag:$0x1] =	stream.linear.gather @!p3 [hbm4b:s18+s19], $0x4000, $0x38;
	[tilespmem:$0x1C480] =	vst v63  }
0x4a: {  	s21 =	simm.s32 @!p3 $0x1;
	s18 =	simm.s32 @!p4 $0x0;
	s19 =	simm.s32 @!p4 $0x4C00  }
0x4b: {  	[tilespmem:s19], [sflag:$0x2] =	stream.linear.gather @!p4 [hbm4b:s20+s18], $0x4000, $0x38;
	[tilespmem:$0x1C480] =	vst v63  }
0x4c: {  	_ =	swait.ge @!p3 [sflag:s21], $0x4000  }
0x4d: {  	[sflag:s21] =	ssyncset.done @!p3 $0x0  }
0x4e: {  	s18 =	simm.s32 @!p3 $0x80;
	s20 =	simm.s32 @!p3 $0x4;
	[sflag:s21] =	ssyncadd.s32 @!p3 $0xFFFFC000  }
0x4f: {  	[spmem:s2] =	stream.indirect.scatter.add.f32 @!p3 [tilespmem:s22], [sflag:$0x4], $0x80, s17, s18, $0xb8;
	[tilespmem:$0x1C480] =	vst v63  }
0x50: {  	_ =	swait.ge @!p3 [sflag:s20], $0x4000  }
0x51: {  	p2 =	por p4, p4;
	[sflag:s20] =	ssyncset.done @!p3 $0x0  }
0x52: {  	s18 =	simm.s32 @!p2 $0x2;
	[sflag:s20] =	ssyncadd.s32 @!p3 $0xFFFFC000  }
0x53: {  	_ =	swait.ge @!p2 [sflag:s18], $0x4000  }
0x54: {  	s17 =	sadd.s32 @!p2 $0x80, s17;
	[sflag:s18] =	ssyncset.done @!p2 $0x0  }
0x55: {  	s20 =	simm.s32 @!p2 $0x3;
	[sflag:s18] =	ssyncadd.s32 @!p2 $0xFFFFC000;
	s18 =	simm.s32 @!p2 $0x80  }
0x56: {  	[spmem:s2] =	stream.indirect.scatter.add.f32 @!p2 [tilespmem:s19], [sflag:$0x3], $0x80, s17, s18, $0xb8;
	[tilespmem:$0x1C480] =	vst v63  }
0x57: {  	_ =	swait.ge @!p2 [sflag:s20], $0x4000  }
0x58: {  	[sflag:s20] =	ssyncset.done @!p2 $0x0  }
0x59: {  	[sflag:s20] =	ssyncadd.s32 @!p2 $0xFFFFC000  }
0x5a: {  	s17 =	simm.s32 @p0 $0x1FC3;
	[bflag:$0x0] =	sbarrier.arrive $0xFFFF  }
0x5b: {  	[hbm:s9], [sflag:s17] =	dma.local @p0 [spmem:s13], $0x2800  }
0x5c: {  	s17 =	simm.s32 @p0 $0x3  }
0x5d: {  	s16 =	sadd.s32 $0x1, s16;
	_ =	swait.ge @p0 [sflag:s17], $0x2800  }
0x5e: {  	p2 =	sne.s32 s16, s10;
	[sflag:s17] =	ssyncset.done @p0 $0x0  }
.Ltmp1:
0x5f: {  	[sflag:s17] =	ssyncadd.s32 @p0 $0xFFFFD800;
	s17 =	simm.s32 @!p0 $0x3;
	(pc) =	sbr.rel @p2 .LBB2_1-.Ltmp1, $4  }
0x60: {  	[hbm:s6], [sflag:s14] =	dma.local @!p0 [spmem:s15], $0x2700  }
0x61: {  	_ =	swait.ge @!p0 [sflag:s17], $0x2700  }
0x62: {  	[sflag:s17] =	ssyncset.done @!p0 $0x0  }
0x63: {  	[sflag:s17] =	ssyncadd.s32 @!p0 $0xFFFFD900  }
0x64: {  	_ =	sfence.sel $0x180000  }
0x65: {  	[bflag:$0x0] =	sbarrier.arrive $0xFFFF  }
0x66: {  	p0 =	sne.s32 s0, $0x0;
	_ =	strace $0x90000050  }
0x67: {  	s0 =	sadd.s32 @!p0 $0x100000, s1;
	[bflag:$0x2] =	sbarrier.arrive $0xFFFF  }
0x68: {  	[sflag:s0] =	ssyncadd.tile.s32 @!p0 $0x1;
	_ =	shalt  }
.Lfunc_end2:
_tile_overlayer_lowered:
.L_overlay_start_2:
0x69: {  	(tag) =	ssettag $0x2  }
0x6a: {  	s0 =	rddreg [dreg:$0x0];
	s2 =	stileid.u32  }
0x6b: {  	s1 =	rddreg [dreg:$0x1];
	p0 =	sne.s32 s2, $0x0  }
0x6c: {  	s3 =	rddreg [dreg:$0x2];
	[bflag:$0x3] =	sbarrier.arrive $0xFFFF;
	s2 =	simm.s32 @!p0 $0x1C03  }
0x6d: {  	[timem:s3], [sflag:s2] =	dma.local @!p0 [hbm:s0], s1  }
0x6e: {  	s0 =	simm.s32 @!p0 $0x3  }
0x6f: {  	_ =	swait.ge @!p0 [sflag:s0], s1  }
0x70: {  	s1 =	ssub.s32 @!p0 $0x0, s1;
	[sflag:s0] =	ssyncset.done @!p0 $0x0  }
0x71: {  	[sflag:s0] =	ssyncadd.s32 @!p0 s1  }
0x72: {  	[bflag:$0x3] =	sbarrier.arrive $0xFFFF  }
0x73: {  	_ =	shalt  }

// kernel: kernel.34.cloned.1.call-start
scs
__scs_entry_jumppad:
0x0: {  	(pc) =	sbr.rel $0x88, $3  }
0x1: {  	(tag) =	ssettag $0x0;
	lr =	simm.s32 $0x1  }
0x2: {  	[smem:$0x3F68] =	sst lr;
	_ =	strace $0xD0000000  }
0x3: {  	_ = 	snop  }
0x4: {  	_ = 	snop  }
0x5: {  	_ = 	snop  }
0x6: {  	_ = 	snop  }
0x7: {  	_ = 	snop  }
__scs_overlays_trampoline_lowered:
0x8: {  	[smem:$0x3F77] =	sst s0  }
0x9: {  	[smem:$0x3F78] =	sst s1  }
0xa: {  	[smem:$0x3F79] =	sst s2  }
0xb: {  	[smem:$0x3F7A] =	sst s3  }
0xc: {  	[smem:$0x3F7B] =	sst s4  }
0xd: {  	[smem:$0x3F7C] =	sst s5  }
0xe: {  	[smem:$0x3F7D] =	sst s6  }
0xf: {  	[smem:$0x3F7E] =	sst s7  }
0x10: {  	[smem:$0x3F7F] =	sst s8  }
0x11: {  	[smem:$0x3F80] =	sst s9;
	s0 =	simm.s32 @!p0 $0x0  }
0x12: {  	s1 =	sld [smem:$0x3F66];
	s0 =	simm.s32 @p0 $0x1  }
0x13: {  	[smem:$0x3F81] =	sst s0;
	s0 =	simm.s32 @!p1 $0x0  }
0x14: {  	s2 =	sld [smem:$0x3F65];
	s0 =	simm.s32 @p1 $0x1  }
0x15: {  	[smem:$0x3F82] =	sst s0;
	s0 =	simm.s32 @!p2 $0x0  }
0x16: {  	s3 =	sld [smem:$0x3FDB];
	s0 =	simm.s32 @p2 $0x1  }
0x17: {  	s4 =	simm.s32 $0x1BF5;
	[smem:$0x3F84] =	sst s0  }
0x18: {  	s0 =	sld [smem:$0x3F67];
	_ =	swait.ge [sflag:s4], $0x0  }
0x19: {  	s7 =	sld [smem:$0x3F68]  }
0x1a: {  	s8 =	sadd.s32 $0xFFFFE003, lr  }
0x1b: {  	s9 =	sadd.s32 $0xFFFFFEF7, lr;
	s5 =	simm.s32 $0xFFFFFFFF;
	p2 =	slt.u32 s8, $0xFFFFF086  }
0x1c: {  	p1 =	slt.u32 s9, $0xF7A;
	s5 =	simm.s32 @!p2 $0x0  }
0x1d: {  	s5 =	simm.s32 @p1 $0x1;
	p0 =	seq.s32 s7, s2  }
0x1e: {  	s7 =	smul.u32 @!p0 $0xF7A, s2;
	p2 =	seq.s32 @!p0 s5, $0x0  }
0x1f: {  	s9 =	smul.u32 $0xF7A, s1;
	s8 =	simm.s32 @!p0 $0x1BF5;
	p2 =	por !p2, p0  }
0x20: {  	[sflag:s8] =	ssyncset.s32 @!p0 $0xFFFFF086;
	s6 =	sadd.s32 @!p0 s3, s7;
	s7 =	simm.s32 @!p0 $0x108  }
0x21: {  	s3 =	sadd.s32 s3, s9;
	s6 =	sadd.s32 @!p0 $0x88, s6;
	s7 =	simm.s32 @p2 $0x1082  }
0x22: {  	[simem:s7], [sflag:s8] =	dma.local @!p0 [hbm:s6], $0xF7A  }
0x23: {  	s9 =	sor.u32 $0xD0000000, s2;
	s6 =	simm.s32 $0x108;
	_ =	swait.ge @!p0 [sflag:s8], $0x0  }
0x24: {  	s3 =	sadd.s32 $0x88, s3;
	s6 =	simm.s32 @!p1 $0x1082;
	[sflag:s4] =	ssyncset.s32 $0xFFFFF086  }
0x25: {  	[simem:s6], [sflag:s4] =	dma.local [hbm:s3], $0xF7A  }
0x26: {  	[smem:$0x3F68] =	sst s1;
	(tag) =	ssettag s2;
	_ =	strace s9  }
0x27: {  	s1 =	sld [smem:$0x3F78]  }
0x28: {  	s2 =	sld [smem:$0x3F79]  }
0x29: {  	s4 =	sld [smem:$0x3F7B]  }
0x2a: {  	p0 =	seq.s32 s5, $0x0;
	s5 =	sld [smem:$0x3F7C]  }
0x2b: {  	s6 =	sld [smem:$0x3F7D]  }
0x2c: {  	s7 =	sld [smem:$0x3F7E]  }
0x2d: {  	s3 =	simm.s32 $0x108;
	s8 =	sld [smem:$0x3F7F]  }
0x2e: {  	s3 =	simm.s32 @!p0 $0x1082;
	s9 =	sld [smem:$0x3F80]  }
0x2f: {  	lr =	sadd.s32 s0, s3;
	s0 =	sld [smem:$0x3F77]  }
0x30: {  	s3 =	sld [smem:$0x3F7A]  }
0x31: {  	[smem:$0x3F83] =	sst s10  }
0x32: {  	s10 =	sld [smem:$0x3F81];
	_ =	sdelay $0x3  }
0x33: {  	p0 =	seq.s32 s10, $0x1;
	s10 =	sld [smem:$0x3F83];
	_ =	sdelay $0x3  }
0x34: {  	[smem:$0x3F83] =	sst s10  }
0x35: {  	s10 =	sld [smem:$0x3F82];
	_ =	sdelay $0x3  }
0x36: {  	p1 =	seq.s32 s10, $0x1;
	s10 =	sld [smem:$0x3F83];
	_ =	sdelay $0x3  }
0x37: {  	[smem:$0x3F83] =	sst s10  }
0x38: {  	s10 =	sld [smem:$0x3F84]  }
0x39: {  	_ = 	snop;
	(pc) =	sbr.ind lr, $3  }
0x3a: {  	_ = 	snop  }
0x3b: {  	_ = 	snop  }
0x3c: {  	p2 =	seq.s32 s10, $0x1;
	s10 =	sld [smem:$0x3F83]  }
0x3d: {  	_ =	shalt  }
0x3e: {  	_ =	shalt  }
0x3f: {  	_ =	shalt  }
0x40: {  	_ =	shalt  }
0x41: {  	_ =	shalt  }
0x42: {  	_ =	shalt  }
0x43: {  	_ =	shalt  }
0x44: {  	_ =	shalt  }
0x45: {  	_ =	shalt  }
0x46: {  	_ =	shalt  }
0x47: {  	_ =	shalt  }
0x48: {  	_ =	shalt  }
0x49: {  	_ =	shalt  }
0x4a: {  	_ =	shalt  }
0x4b: {  	_ =	shalt  }
0x4c: {  	_ =	shalt  }
0x4d: {  	_ =	shalt  }
0x4e: {  	_ =	shalt  }
0x4f: {  	_ =	shalt  }
0x50: {  	_ =	shalt  }
0x51: {  	_ =	shalt  }
0x52: {  	_ =	shalt  }
0x53: {  	_ =	shalt  }
0x54: {  	_ =	shalt  }
0x55: {  	_ =	shalt  }
0x56: {  	_ =	shalt  }
0x57: {  	_ =	shalt  }
0x58: {  	_ =	shalt  }
0x59: {  	_ =	shalt  }
0x5a: {  	_ =	shalt  }
0x5b: {  	_ =	shalt  }
0x5c: {  	_ =	shalt  }
0x5d: {  	_ =	shalt  }
0x5e: {  	_ =	shalt  }
0x5f: {  	_ =	shalt  }
0x60: {  	_ =	shalt  }
0x61: {  	_ =	shalt  }
0x62: {  	_ =	shalt  }
0x63: {  	_ =	shalt  }
0x64: {  	_ =	shalt  }
0x65: {  	_ =	shalt  }
0x66: {  	_ =	shalt  }
0x67: {  	_ =	shalt  }
0x68: {  	_ =	shalt  }
0x69: {  	_ =	shalt  }
0x6a: {  	_ =	shalt  }
0x6b: {  	_ =	shalt  }
0x6c: {  	_ =	shalt  }
0x6d: {  	_ =	shalt  }
0x6e: {  	_ =	shalt  }
0x6f: {  	_ =	shalt  }
0x70: {  	_ =	shalt  }
0x71: {  	_ =	shalt  }
0x72: {  	_ =	shalt  }
0x73: {  	_ =	shalt  }
0x74: {  	_ =	shalt  }
0x75: {  	_ =	shalt  }
0x76: {  	_ =	shalt  }
0x77: {  	_ =	shalt  }
0x78: {  	_ =	shalt  }
0x79: {  	_ =	shalt  }
0x7a: {  	_ =	shalt  }
0x7b: {  	_ =	shalt  }
0x7c: {  	_ =	shalt  }
0x7d: {  	_ =	shalt  }
0x7e: {  	_ =	shalt  }
0x7f: {  	_ =	shalt  }
0x80: {  	_ =	shalt  }
0x81: {  	_ =	shalt  }
0x82: {  	_ =	shalt  }
0x83: {  	_ =	shalt  }
0x84: {  	_ =	shalt  }
0x85: {  	_ =	shalt  }
0x86: {  	_ =	shalt  }
0x87: {  	_ =	shalt  }
.Lfunc_end0:
.L_simem_size_0:
called_computation.5_lowered:
.L_overlay_start_0:
0x88: {  	s2 =	sld [smem:$0x3FD9]  }
0x89: {  	s3 =	sld [smem:$0x3FFE];
	_ =	sdelay $0x1  }
0x8a: {  	s1 =	srdreg.scid  }
0x8b: {  	s0 =	sand.u32 $0x1, s1  }
0x8c: {  	s16 =	sshll.u32 s0, $0xA;
	s2 =	sadd.s32 s3, s2  }
0x8d: {  	s2 =	sadd.s32 s2, s16  }
0x8e: {  	[smem:$0x3F8F] =	sst s2  }
0x8f: {  	_ = 	snop  }
0x90: {  	(tm) =	ssettm $0x1  }
0x91: {  	s17 =	sld [smem:$0x3FFB];
	_ =	sdelay $0x3  }
0x92: {  	_ =	strace s17  }
0x93: {  	s2 =	sld [smem:$0x3FFC];
	_ =	sdelay $0x3  }
0x94: {  	_ =	strace s2  }
0x95: {  	s2 =	sld [smem:$0x3FFD];
	_ =	sdelay $0x3  }
0x96: {  	_ =	strace s2  }
0x97: {  	_ =	strace $0x8FFFFFFF  }
0x98: {  	s18 =	sld [smem:$0x3FDB];
	_ =	sdelay $0x1  }
0x99: {  	s19 =	simm.s32 $_scs_section_size  }
0x9a: {  	s4 =	simm.s32 $_size__tile_overlayer_lowered;
	s5 =	simm.s32 $_tile_overlayer_lowered  }
0x9b: {  	s22 =	simm.s32 $0x1BFF;
	s21 =	sshll.u32 s5, $0x1;
	s2 =	sadd.s32 s19, s18  }
0x9c: {  	s6 =	simm.s32 $0x0;
	s20 =	sshll.u32 s4, $0x1;
	s4 =	sadd.s32 s21, s2  }
0x9d: {  	[timem:s6], [sflag:s22] =	dma.local [hbm:s4], s20  }
0x9e: {  	_ =	swait.ge [sflag:s22], s20  }
0x9f: {  	s3 =	ssub.s32 $0x0, s20;
	[sflag:s22] =	ssyncset.done $0x0  }
0xa0: {  	[sflag:s22] =	ssyncadd.s32 s3;
	_ =	sdelay $0x1  }
0xa1: {  	s23 =	simm.s32 $0x1B8B  }
0xa2: {  	_ =	swait.ge [sflag:s23], $0x1  }
0xa3: {  	[sflag:s23] =	ssyncset.done $0x0  }
0xa4: {  	s25 =	simm.s32 $0x1B8E;
	s24 =	sld [smem:$0x3FFE];
	[sflag:s23] =	ssyncadd.s32 $0xFFFFFFFF  }
0xa5: {  	s26 =	simm.s32 $execute0_lowered;
	[smem:$0x3FD2] =	sst s25  }
0xa6: {  	s4 =	sshll.u32 s26, $0x1;
	_ =	strace $0x80000055;
	[dreg:$0x1] =	wrdreg $0xFFFFFFFF  }
0xa7: {  	s28 =	simm.s32 $_size_execute0_lowered;
	s2 =	sadd.s32 s2, s4;
	[dreg:$0x0] =	wrdreg $0x0  }
0xa8: {  	s4 =	sshll.u32 s28, $0x1;
	[dreg:$0x2] =	wrdreg s2  }
0xa9: {  	[dreg:$0x3] =	wrdreg s4  }
0xaa: {  	[dreg:$0x4] =	wrdreg $0xC0  }
0xab: {  	_ =	task [dreg:s6], $0x5FFFF  }
0xac: {  	[dreg:$0x1] =	wrdreg $0xFFFFFFFF  }
0xad: {  	[dreg:$0x0] =	wrdreg $0x60  }
0xae: {  	[dreg:$0x2] =	wrdreg s24  }
0xaf: {  	[dreg:$0x3] =	wrdreg $0x9  }
0xb0: {  	_ =	task.clear_ibuf [dreg:s6], $0x4FFFF;
	_ =	strace $0x90000055  }
0xb1: {  	s29 =	simm.s32 $0x9;
	_ =	strace $0x80000057  }
0xb2: {  	_ =	swait.ge [sflag:s29], $0x1  }
0xb3: {  	[sflag:s29] =	ssyncadd.s32 $0xFFFFFFFF  }
0xb4: {  	_ =	strace $0x90000057  }
0xb5: {  	_ =	sfence  }
0xb6: {  	s30 =	sld [smem:$0x0];
	_ =	sdelay $0x2  }
0xb7: {  	s31 =	sshll.u32 s1, $0xD;
	s1 =	sshrl.u32 s1, $0x2  }
0xb8: {  	s3 =	sand.u32 $0x4000, s31;
	s1 =	sadd.s32 s1, s30  }
0xb9: {  	s0 =	sor.u32 s3, s0;
	s1 =	sshll.u32 s1, $0x11  }
0xba: {  	s0 =	sor.u32 s1, s0  }
0xbb: {  	s0 =	sadd.s32 $0x8F2B, s0  }
0xbc: {  	[sflag:s0] =	ssyncadd.remote.s32 $0x1  }
0xbd: {  	_ =	sfence.sel $0xFFFF  }
0xbe: {  	[dreg:$0x0] =	wrdreg $0xFFFFFFFF;
	(pc) =	sbr.abs _section_cstart, $3  }
0xbf: {  	[dreg:$0x1] =	wrdreg $0xFFFFFFFF  }
0xc0: {  	_ =	task.clear_ibuf [dreg:s6], $0x2FFFF;
	_ =	strace $0x9FFFFFFF  }
0xc1: {  	(tm) =	ssettm $0x7FFFFFFF  }
tec
execute0_lowered:
.L_overlay_start_1:
0x0: {  	(tag) =	ssettag $0x1  }
0x1: {  	s1 =	srdreg.scid  }
0x2: {  	s0 =	stileid.u32;
	s6 =	rddreg [dreg:$0x0];
	s2 =	simm.s32 $0x0  }
0x3: {  	s15 =	simm.s32 $0x1;
	s16 =	simm.s32 $0x2;
	s17 =	simm.s32 $0x3  }
0x4: {  	s18 =	simm.s32 $0x0;
	s8 =	sand.u32 $0x1, s1;
	s12 =	smul.u32 $0x9E, s0  }
0x5: {  	s3 =	sshll.u32 s0, $0x1;
	[smem:$0x7FF] =	sst s2;
	s13 =	smul.u32 $0x4F000, s0  }
0x6: {  	s10 =	sadd.s32 $0x15200, s6;
	s4 =	sor.u32 s8, s3;
	s30 =	smul.u32 $0x4F, s8  }
0x7: {  	_ =	strace $0x80000056;
	s7 =	ssub.s32 $0x2, s8;
	s14 =	smul.u32 $0x27800, s8  }
0x8: {  	s3 =	sadd.s32 $0x57EA00, s6;
	s5 =	smul.u32 $0x4F0, s4;
	s9 =	sshrl.u32 s7, $0x1  }
0x9: {  	s11 =	smul.u32 $0x27800, s4;
	p0 =	seq.s32 s4, $0x1F;
	s4 =	simm.s32 $0x33  }
0xa: {  	s31 =	sadd.s32 s13, s10;
	s13 =	simm.s32 $0x2780;
	s7 =	ssub.s32 s7, s9  }
0xb: {  	s4 =	simm.s32 @!p0 $0x4F;
	s9 =	sadd.s32 s30, s12;
	s5 =	sadd.s32 s5, s6  }
0xc: {  	s6 =	sadd.s32 $0x14D10, s6;
	s7 =	smax.u32 s7, $0x1;
	s8 =	sadd.s32 s10, s11  }
0xd: {  	s12 =	sshll.u32 s9, $0xB;
	s11 =	sadd.s32 s14, s31;
	s14 =	simm.s32 $0x6780  }
0xe: {  	s5 =	sadd.s32 $0xB400, s5;
	s9 =	sadd.s32 $0x800, s8;
	s12 =	sadd.s32 s10, s12  }
0xf: {  	s10 =	sadd.s32 $0x1000, s11;
	s11 =	sadd.s32 $0x1800, s12;
	s12 =	simm.s32 $0x80  }
.LBB2_1:
0x10: {  	s19 =	simm.s32 @p0 $0x0  }
0x11: {  	[tilespmem:s19], [sflag:$0x4] =	stream.linear.gather @p0 [hbm4b:s6+s19], $0x1980, $0x38;
	[tilespmem:$0xA780] =	vst v63  }
0x12: {  	s19 =	simm.s32 @p0 $0x4  }
0x13: {  	_ =	swait.ge @p0 [sflag:s19], $0x1980  }
0x14: {  	[sflag:s19] =	ssyncset.done @p0 $0x0  }
0x15: {  	[sflag:s19] =	ssyncadd.s32 @p0 $0xFFFFE680;
	s19 =	simm.s32 @!p0 $0x0  }
0x16: {  	[tilespmem:s19], [sflag:$0x4] =	stream.linear.gather @!p0 [hbm4b:s5+s19], $0x2780, $0x38;
	[tilespmem:$0xA780] =	vst v63  }
0x17: {  	s19 =	simm.s32 @!p0 $0x4  }
0x18: {  	_ =	swait.ge @!p0 [sflag:s19], $0x2780  }
0x19: {  	[sflag:s19] =	ssyncset.done @!p0 $0x0  }
0x1a: {  	[sflag:s19] =	ssyncadd.s32 @!p0 $0xFFFFD880  }
0x1b: {  	[tilespmem:s13], [sflag:$0x1] =	stream.indirect.gather [hbm4b:s3+s12], $0x80, s2, s12, $0xb8;
	[tilespmem:$0xA780] =	vst v63  }
0x1c: {  	_ = 	snop  }
0x1d: {  	[tilespmem:s14], [sflag:$0x1] =	stream.indirect.gather [hbm4b:s3+s12], $0x80, s12, s12, $0xb8;
	[tilespmem:$0xA780] =	vst v63  }
0x1e: {  	_ =	swait.ge [sflag:s15], $0x4000  }
0x1f: {  	[sflag:s15] =	ssyncset.done $0x0  }
0x20: {  	[sflag:s15] =	ssyncadd.s32 $0xFFFFC000  }
0x21: {  	_ =	swait.ge [sflag:s15], $0x4000  }
0x22: {  	[sflag:s15] =	ssyncset.done $0x0  }
0x23: {  	p2 =	sle.u32 s4, $0x2;
	[sflag:s15] =	ssyncadd.s32 $0xFFFFC000  }
0x24: {  	[hbm4b:s8+s2] =	stream.linear.scatter [tilespmem:s13], [sflag:$0x2], $0x4000, $0x38;
	[tilespmem:$0xA780] =	vst v63  }
0x25: {  	s19 =	simm.s32 @!p2 $0x2  }
0x26: {  	[hbm4b:s9+s2] =	stream.linear.scatter [tilespmem:s14], [sflag:$0x3], $0x4000, $0x38;
	[tilespmem:$0xA780] =	vst v63  }
0x27: {  	_ =	swait.ge @!p2 [sflag:s19], $0x4000  }
0x28: {  	p1 =	sle.u32 s4, $0x3;
	[sflag:s19] =	ssyncset.done @!p2 $0x0  }
0x29: {  	[sflag:s19] =	ssyncadd.s32 @!p2 $0xFFFFC000;
	s19 =	simm.s32 @!p1 $0x3  }
0x2a: {  	s20 =	simm.s32 $0x100;
	_ =	swait.ge @!p1 [sflag:s19], $0x4000  }
0x2b: {  	s24 =	simm.s32 @!p1 $0x6780;
	p2 =	por p2, p2;
	[sflag:s19] =	ssyncset.done @!p1 $0x0  }
0x2c: {  	s26 =	simm.s32 @!p2 $0x2780;
	[sflag:s19] =	ssyncadd.s32 @!p1 $0xFFFFC000;
	s19 =	simm.s32 @!p2 $0x80  }
0x2d: {  	[tilespmem:s26], [sflag:$0x1] =	stream.indirect.gather @!p2 [hbm4b:s3+s19], $0x80, s20, s19, $0xb8;
	[tilespmem:$0xA780] =	vst v63  }
0x2e: {  	s22 =	simm.s32 @!p2 $0x1;
	s19 =	simm.s32 @!p1 $0x180;
	s20 =	simm.s32 @!p1 $0x80  }
0x2f: {  	[tilespmem:s24], [sflag:$0x1] =	stream.indirect.gather @!p1 [hbm4b:s3+s20], $0x80, s19, s20, $0xb8;
	[tilespmem:$0xA780] =	vst v63  }
0x30: {  	s21 =	simm.s32 $0x5;
	_ =	swait.ge @!p2 [sflag:s22], $0x4000  }
0x31: {  	s23 =	simm.s32 $0x7;
	p4 =	sle.u32 s4, $0x4;
	[sflag:s22] =	ssyncset.done @!p2 $0x0  }
0x32: {  	s28 =	smov.u32 s10;
	[sflag:s22] =	ssyncadd.s32 @!p2 $0xFFFFC000;
	s22 =	simm.s32 @!p1 $0x1  }
0x33: {  	s29 =	smov.u32 s11;
	s25 =	simm.s32 @!p1 $0x0;
	_ =	swait.ge @!p1 [sflag:s22], $0x4000  }
0x34: {  	s30 =	simm.s32 @!p2 $0x0;
	s20 =	sadd.s32 $0x1000, s10;
	[sflag:s22] =	ssyncset.done @!p1 $0x0  }
0x35: {  	s19 =	sadd.s32 $0x1000, s11;
	[sflag:s22] =	ssyncadd.s32 @!p1 $0xFFFFC000;
	s22 =	simm.s32 $0x200  }
.LBB2_2:
0x36: {  	[hbm4b:s28+s30] =	stream.linear.scatter @!p2 [tilespmem:s26], [sflag:$0x2], $0x4000, $0x38;
	[tilespmem:$0xA780] =	vst v63  }
0x37: {  	s26 =	simm.s32 @!p4 $0x2;
	s30 =	smov.u32 s23;
	s23 =	sadd.s32 $0x2, s23  }
0x38: {  	[hbm4b:s29+s25] =	stream.linear.scatter @!p1 [tilespmem:s24], [sflag:$0x3], $0x4000, $0x38;
	[tilespmem:$0xA780] =	vst v63  }
0x39: {  	s28 =	smov.u32 s20;
	p3 =	sne.s32 s23, $0x51;
	_ =	swait.ge @!p4 [sflag:s26], $0x4000  }
0x3a: {  	p1 =	sge.u32 s21, s4;
	s21 =	smov.u32 s30;
	[sflag:s26] =	ssyncset.done @!p4 $0x0  }
0x3b: {  	s25 =	simm.s32 @!p1 $0x0;
	[sflag:s26] =	ssyncadd.s32 @!p4 $0xFFFFC000;
	s26 =	simm.s32 @!p1 $0x3  }
0x3c: {  	p2 =	por p4, p4;
	s29 =	smov.u32 s19;
	_ =	swait.ge @!p1 [sflag:s26], $0x4000  }
0x3d: {  	s24 =	simm.s32 @!p1 $0x6780;
	[sflag:s26] =	ssyncset.done @!p1 $0x0  }
0x3e: {  	s30 =	simm.s32 @!p2 $0x80;
	[sflag:s26] =	ssyncadd.s32 @!p1 $0xFFFFC000;
	s26 =	simm.s32 @!p2 $0x2780  }
0x3f: {  	[tilespmem:s26], [sflag:$0x1] =	stream.indirect.gather @!p2 [hbm4b:s3+s30], $0x80, s22, s30, $0xb8;
	[tilespmem:$0xA780] =	vst v63  }
0x40: {  	s1 =	simm.s32 @!p2 $0x1;
	s31 =	simm.s32 @!p1 $0x80;
	s30 =	sadd.s32 @!p1 $0x80, s22  }
0x41: {  	[tilespmem:s24], [sflag:$0x1] =	stream.indirect.gather @!p1 [hbm4b:s3+s31], $0x80, s30, s31, $0xb8;
	[tilespmem:$0xA780] =	vst v63  }
0x42: {  	_ =	swait.ge @!p2 [sflag:s1], $0x4000  }
.Ltmp0:
0x43: {  	[sflag:s1] =	ssyncset.done @!p2 $0x0;
	(pc) =	sbr.rel @p3 .LBB2_2-.Ltmp0, $4  }
0x44: {  	[sflag:s1] =	ssyncadd.s32 @!p2 $0xFFFFC000;
	s1 =	simm.s32 @!p1 $0x1  }
0x45: {  	s20 =	sadd.s32 $0x1000, s20;
	s19 =	sadd.s32 $0x1000, s19;
	_ =	swait.ge @!p1 [sflag:s1], $0x4000  }
0x46: {  	s31 =	sadd.s32 $0xFFFFFFFF, s21;
	s30 =	simm.s32 @!p2 $0x0;
	[sflag:s1] =	ssyncset.done @!p1 $0x0  }
0x47: {  	s22 =	sadd.s32 $0x100, s22;
	p4 =	sge.u32 s31, s4;
	[sflag:s1] =	ssyncadd.s32 @!p1 $0xFFFFC000  }
0x48: {  	[hbm4b:s28+s30] =	stream.linear.scatter @!p2 [tilespmem:s26], [sflag:$0x2], $0x4000, $0x38;
	[tilespmem:$0xA780] =	vst v63  }
0x49: {  	s1 =	simm.s32 @!p4 $0x2  }
0x4a: {  	[hbm4b:s29+s25] =	stream.linear.scatter @!p1 [tilespmem:s24], [sflag:$0x3], $0x4000, $0x38;
	[tilespmem:$0xA780] =	vst v63  }
0x4b: {  	_ =	swait.ge @!p4 [sflag:s1], $0x4000  }
0x4c: {  	p1 =	sge.u32 s21, s4;
	[sflag:s1] =	ssyncset.done @!p4 $0x0  }
0x4d: {  	[sflag:s1] =	ssyncadd.s32 @!p4 $0xFFFFC000;
	s1 =	simm.s32 @!p1 $0x3  }
0x4e: {  	p2 =	por p4, p4;
	_ =	swait.ge @!p1 [sflag:s1], $0x4000  }
0x4f: {  	s23 =	simm.s32 @!p2 $0x2780;
	[sflag:s1] =	ssyncset.done @!p1 $0x0  }
0x50: {  	s24 =	simm.s32 @!p2 $0x1;
	[sflag:s1] =	ssyncadd.s32 @!p1 $0xFFFFC000;
	s1 =	simm.s32 @!p2 $0x80  }
0x51: {  	[tilespmem:s23], [sflag:$0x1] =	stream.indirect.gather @!p2 [hbm4b:s3+s1], $0x80, s22, s1, $0xb8;
	[tilespmem:$0xA780] =	vst v63  }
0x52: {  	s21 =	simm.s32 @!p1 $0x6780;
	s1 =	sadd.s32 @!p1 $0x80, s22;
	s22 =	simm.s32 @!p1 $0x80  }
0x53: {  	[tilespmem:s21], [sflag:$0x1] =	stream.indirect.gather @!p1 [hbm4b:s3+s22], $0x80, s1, s22, $0xb8;
	[tilespmem:$0xA780] =	vst v63  }
0x54: {  	_ =	swait.ge @!p2 [sflag:s24], $0x4000  }
0x55: {  	[sflag:s24] =	ssyncset.done @!p2 $0x0  }
0x56: {  	s1 =	simm.s32 @!p1 $0x1;
	[sflag:s24] =	ssyncadd.s32 @!p2 $0xFFFFC000  }
0x57: {  	_ =	swait.ge @!p1 [sflag:s1], $0x4000  }
0x58: {  	[sflag:s1] =	ssyncset.done @!p1 $0x0  }
0x59: {  	s22 =	simm.s32 @!p2 $0x0;
	[sflag:s1] =	ssyncadd.s32 @!p1 $0xFFFFC000  }
0x5a: {  	[hbm4b:s20+s22] =	stream.linear.scatter @!p2 [tilespmem:s23], [sflag:$0x2], $0x4000, $0x38;
	[tilespmem:$0xA780] =	vst v63  }
0x5b: {  	s18 =	sadd.s32 $0x1, s18;
	s1 =	simm.s32 @!p1 $0x0  }
0x5c: {  	[hbm4b:s19+s1] =	stream.linear.scatter @!p1 [tilespmem:s21], [sflag:$0x3], $0x4000, $0x38;
	[tilespmem:$0xA780] =	vst v63  }
0x5d: {  	p1 =	sne.s32 s18, s7;
	_ =	swait.ge [sflag:s16], $0x4000  }
.Ltmp1:
0x5e: {  	[sflag:s16] =	ssyncset.done $0x0;
	(pc) =	sbr.rel @p1 .LBB2_1-.Ltmp1, $4  }
0x5f: {  	[sflag:s16] =	ssyncadd.s32 $0xFFFFC000  }
0x60: {  	_ =	swait.ge [sflag:s17], $0x4000  }
0x61: {  	[sflag:s17] =	ssyncset.done $0x0  }
0x62: {  	[sflag:s17] =	ssyncadd.s32 $0xFFFFC000  }
0x63: {  	_ =	sfence.sel $0x180000  }
0x64: {  	[bflag:$0x0] =	sbarrier.arrive $0xFFFF  }
0x65: {  	_ =	strace $0x90000056  }
0x66: {  	[bflag:$0x2] =	sbarrier.arrive $0xFFFF  }
0x67: {  	p0 =	sne.s32 s0, $0x0;
	s0 =	rddreg [dreg:$0x1]  }
0x68: {  	s0 =	sadd.s32 @!p0 $0x100000, s0  }
0x69: {  	[sflag:s0] =	ssyncadd.tile.s32 @!p0 $0x1;
	_ =	shalt  }
.Lfunc_end2:
_tile_overlayer_lowered:
.L_overlay_start_2:
0x6a: {  	(tag) =	ssettag $0x2  }
0x6b: {  	s0 =	rddreg [dreg:$0x0];
	s2 =	stileid.u32  }
0x6c: {  	s1 =	rddreg [dreg:$0x1];
	p0 =	sne.s32 s2, $0x0  }
0x6d: {  	s3 =	rddreg [dreg:$0x2];
	[bflag:$0x3] =	sbarrier.arrive $0xFFFF;
	s2 =	simm.s32 @!p0 $0x1C04  }
0x6e: {  	[timem:s3], [sflag:s2] =	dma.local @!p0 [hbm:s0], s1  }
0x6f: {  	s0 =	simm.s32 @!p0 $0x4  }
0x70: {  	_ =	swait.ge @!p0 [sflag:s0], s1  }
0x71: {  	s1 =	ssub.s32 @!p0 $0x0, s1;
	[sflag:s0] =	ssyncset.done @!p0 $0x0  }
0x72: {  	[sflag:s0] =	ssyncadd.s32 @!p0 s1  }
0x73: {  	[bflag:$0x3] =	sbarrier.arrive $0xFFFF  }
0x74: {  	_ =	shalt  }

// kernel: kernel.37.cloned.1.call-start
scs
__scs_entry_jumppad:
0x0: {  	(pc) =	sbr.rel $0x88, $3  }
0x1: {  	(tag) =	ssettag $0x0;
	lr =	simm.s32 $0x1  }
0x2: {  	[smem:$0x3F68] =	sst lr;
	_ =	strace $0xD0000000  }
0x3: {  	_ = 	snop  }
0x4: {  	_ = 	snop  }
0x5: {  	_ = 	snop  }
0x6: {  	_ = 	snop  }
0x7: {  	_ = 	snop  }
__scs_overlays_trampoline_lowered:
0x8: {  	[smem:$0x3F77] =	sst s0  }
0x9: {  	[smem:$0x3F78] =	sst s1  }
0xa: {  	[smem:$0x3F79] =	sst s2  }
0xb: {  	[smem:$0x3F7A] =	sst s3  }
0xc: {  	[smem:$0x3F7B] =	sst s4  }
0xd: {  	[smem:$0x3F7C] =	sst s5  }
0xe: {  	[smem:$0x3F7D] =	sst s6  }
0xf: {  	[smem:$0x3F7E] =	sst s7  }
0x10: {  	[smem:$0x3F7F] =	sst s8  }
0x11: {  	[smem:$0x3F80] =	sst s9;
	s0 =	simm.s32 @!p0 $0x0  }
0x12: {  	s1 =	sld [smem:$0x3F66];
	s0 =	simm.s32 @p0 $0x1  }
0x13: {  	[smem:$0x3F81] =	sst s0;
	s0 =	simm.s32 @!p1 $0x0  }
0x14: {  	s2 =	sld [smem:$0x3F65];
	s0 =	simm.s32 @p1 $0x1  }
0x15: {  	[smem:$0x3F82] =	sst s0;
	s0 =	simm.s32 @!p2 $0x0  }
0x16: {  	s3 =	sld [smem:$0x3FDB];
	s0 =	simm.s32 @p2 $0x1  }
0x17: {  	s4 =	simm.s32 $0x1BF5;
	[smem:$0x3F84] =	sst s0  }
0x18: {  	s0 =	sld [smem:$0x3F67];
	_ =	swait.ge [sflag:s4], $0x0  }
0x19: {  	s7 =	sld [smem:$0x3F68]  }
0x1a: {  	s8 =	sadd.s32 $0xFFFFE003, lr  }
0x1b: {  	s9 =	sadd.s32 $0xFFFFFEF7, lr;
	s5 =	simm.s32 $0xFFFFFFFF;
	p2 =	slt.u32 s8, $0xFFFFF086  }
0x1c: {  	p1 =	slt.u32 s9, $0xF7A;
	s5 =	simm.s32 @!p2 $0x0  }
0x1d: {  	s5 =	simm.s32 @p1 $0x1;
	p0 =	seq.s32 s7, s2  }
0x1e: {  	s7 =	smul.u32 @!p0 $0xF7A, s2;
	p2 =	seq.s32 @!p0 s5, $0x0  }
0x1f: {  	s9 =	smul.u32 $0xF7A, s1;
	s8 =	simm.s32 @!p0 $0x1BF5;
	p2 =	por !p2, p0  }
0x20: {  	[sflag:s8] =	ssyncset.s32 @!p0 $0xFFFFF086;
	s6 =	sadd.s32 @!p0 s3, s7;
	s7 =	simm.s32 @!p0 $0x108  }
0x21: {  	s3 =	sadd.s32 s3, s9;
	s6 =	sadd.s32 @!p0 $0x88, s6;
	s7 =	simm.s32 @p2 $0x1082  }
0x22: {  	[simem:s7], [sflag:s8] =	dma.local @!p0 [hbm:s6], $0xF7A  }
0x23: {  	s9 =	sor.u32 $0xD0000000, s2;
	s6 =	simm.s32 $0x108;
	_ =	swait.ge @!p0 [sflag:s8], $0x0  }
0x24: {  	s3 =	sadd.s32 $0x88, s3;
	s6 =	simm.s32 @!p1 $0x1082;
	[sflag:s4] =	ssyncset.s32 $0xFFFFF086  }
0x25: {  	[simem:s6], [sflag:s4] =	dma.local [hbm:s3], $0xF7A  }
0x26: {  	[smem:$0x3F68] =	sst s1;
	(tag) =	ssettag s2;
	_ =	strace s9  }
0x27: {  	s1 =	sld [smem:$0x3F78]  }
0x28: {  	s2 =	sld [smem:$0x3F79]  }
0x29: {  	s4 =	sld [smem:$0x3F7B]  }
0x2a: {  	p0 =	seq.s32 s5, $0x0;
	s5 =	sld [smem:$0x3F7C]  }
0x2b: {  	s6 =	sld [smem:$0x3F7D]  }
0x2c: {  	s7 =	sld [smem:$0x3F7E]  }
0x2d: {  	s3 =	simm.s32 $0x108;
	s8 =	sld [smem:$0x3F7F]  }
0x2e: {  	s3 =	simm.s32 @!p0 $0x1082;
	s9 =	sld [smem:$0x3F80]  }
0x2f: {  	lr =	sadd.s32 s0, s3;
	s0 =	sld [smem:$0x3F77]  }
0x30: {  	s3 =	sld [smem:$0x3F7A]  }
0x31: {  	[smem:$0x3F83] =	sst s10  }
0x32: {  	s10 =	sld [smem:$0x3F81];
	_ =	sdelay $0x3  }
0x33: {  	p0 =	seq.s32 s10, $0x1;
	s10 =	sld [smem:$0x3F83];
	_ =	sdelay $0x3  }
0x34: {  	[smem:$0x3F83] =	sst s10  }
0x35: {  	s10 =	sld [smem:$0x3F82];
	_ =	sdelay $0x3  }
0x36: {  	p1 =	seq.s32 s10, $0x1;
	s10 =	sld [smem:$0x3F83];
	_ =	sdelay $0x3  }
0x37: {  	[smem:$0x3F83] =	sst s10  }
0x38: {  	s10 =	sld [smem:$0x3F84]  }
0x39: {  	_ = 	snop;
	(pc) =	sbr.ind lr, $3  }
0x3a: {  	_ = 	snop  }
0x3b: {  	_ = 	snop  }
0x3c: {  	p2 =	seq.s32 s10, $0x1;
	s10 =	sld [smem:$0x3F83]  }
0x3d: {  	_ =	shalt  }
0x3e: {  	_ =	shalt  }
0x3f: {  	_ =	shalt  }
0x40: {  	_ =	shalt  }
0x41: {  	_ =	shalt  }
0x42: {  	_ =	shalt  }
0x43: {  	_ =	shalt  }
0x44: {  	_ =	shalt  }
0x45: {  	_ =	shalt  }
0x46: {  	_ =	shalt  }
0x47: {  	_ =	shalt  }
0x48: {  	_ =	shalt  }
0x49: {  	_ =	shalt  }
0x4a: {  	_ =	shalt  }
0x4b: {  	_ =	shalt  }
0x4c: {  	_ =	shalt  }
0x4d: {  	_ =	shalt  }
0x4e: {  	_ =	shalt  }
0x4f: {  	_ =	shalt  }
0x50: {  	_ =	shalt  }
0x51: {  	_ =	shalt  }
0x52: {  	_ =	shalt  }
0x53: {  	_ =	shalt  }
0x54: {  	_ =	shalt  }
0x55: {  	_ =	shalt  }
0x56: {  	_ =	shalt  }
0x57: {  	_ =	shalt  }
0x58: {  	_ =	shalt  }
0x59: {  	_ =	shalt  }
0x5a: {  	_ =	shalt  }
0x5b: {  	_ =	shalt  }
0x5c: {  	_ =	shalt  }
0x5d: {  	_ =	shalt  }
0x5e: {  	_ =	shalt  }
0x5f: {  	_ =	shalt  }
0x60: {  	_ =	shalt  }
0x61: {  	_ =	shalt  }
0x62: {  	_ =	shalt  }
0x63: {  	_ =	shalt  }
0x64: {  	_ =	shalt  }
0x65: {  	_ =	shalt  }
0x66: {  	_ =	shalt  }
0x67: {  	_ =	shalt  }
0x68: {  	_ =	shalt  }
0x69: {  	_ =	shalt  }
0x6a: {  	_ =	shalt  }
0x6b: {  	_ =	shalt  }
0x6c: {  	_ =	shalt  }
0x6d: {  	_ =	shalt  }
0x6e: {  	_ =	shalt  }
0x6f: {  	_ =	shalt  }
0x70: {  	_ =	shalt  }
0x71: {  	_ =	shalt  }
0x72: {  	_ =	shalt  }
0x73: {  	_ =	shalt  }
0x74: {  	_ =	shalt  }
0x75: {  	_ =	shalt  }
0x76: {  	_ =	shalt  }
0x77: {  	_ =	shalt  }
0x78: {  	_ =	shalt  }
0x79: {  	_ =	shalt  }
0x7a: {  	_ =	shalt  }
0x7b: {  	_ =	shalt  }
0x7c: {  	_ =	shalt  }
0x7d: {  	_ =	shalt  }
0x7e: {  	_ =	shalt  }
0x7f: {  	_ =	shalt  }
0x80: {  	_ =	shalt  }
0x81: {  	_ =	shalt  }
0x82: {  	_ =	shalt  }
0x83: {  	_ =	shalt  }
0x84: {  	_ =	shalt  }
0x85: {  	_ =	shalt  }
0x86: {  	_ =	shalt  }
0x87: {  	_ =	shalt  }
.Lfunc_end0:
.L_simem_size_0:
called_computation.6_lowered:
.L_overlay_start_0:
0x88: {  	s2 =	sld [smem:$0x3FD9]  }
0x89: {  	s3 =	sld [smem:$0x3FFE];
	_ =	sdelay $0x1  }
0x8a: {  	s1 =	srdreg.scid  }
0x8b: {  	s0 =	sand.u32 $0x1, s1  }
0x8c: {  	s16 =	sshll.u32 s0, $0xA;
	s2 =	sadd.s32 s3, s2  }
0x8d: {  	s2 =	sadd.s32 s2, s16  }
0x8e: {  	[smem:$0x3F8F] =	sst s2  }
0x8f: {  	_ = 	snop  }
0x90: {  	(tm) =	ssettm $0x1  }
0x91: {  	s17 =	sld [smem:$0x3FFB];
	_ =	sdelay $0x3  }
0x92: {  	_ =	strace s17  }
0x93: {  	s2 =	sld [smem:$0x3FFC];
	_ =	sdelay $0x3  }
0x94: {  	_ =	strace s2  }
0x95: {  	s2 =	sld [smem:$0x3FFD];
	_ =	sdelay $0x3  }
0x96: {  	_ =	strace s2  }
0x97: {  	_ =	strace $0x8FFFFFFF  }
0x98: {  	s18 =	sld [smem:$0x3FDB];
	_ =	sdelay $0x1  }
0x99: {  	s19 =	simm.s32 $_scs_section_size  }
0x9a: {  	s4 =	simm.s32 $_size__tile_overlayer_lowered;
	s5 =	simm.s32 $_tile_overlayer_lowered  }
0x9b: {  	s22 =	simm.s32 $0x1BFF;
	s21 =	sshll.u32 s5, $0x1;
	s2 =	sadd.s32 s19, s18  }
0x9c: {  	s6 =	simm.s32 $0x0;
	s20 =	sshll.u32 s4, $0x1;
	s4 =	sadd.s32 s21, s2  }
0x9d: {  	[timem:s6], [sflag:s22] =	dma.local [hbm:s4], s20  }
0x9e: {  	_ =	swait.ge [sflag:s22], s20  }
0x9f: {  	s3 =	ssub.s32 $0x0, s20;
	[sflag:s22] =	ssyncset.done $0x0  }
0xa0: {  	[sflag:s22] =	ssyncadd.s32 s3;
	_ =	sdelay $0x1  }
0xa1: {  	s23 =	simm.s32 $0x1B8B  }
0xa2: {  	_ =	swait.ge [sflag:s23], $0x1  }
0xa3: {  	[sflag:s23] =	ssyncset.done $0x0  }
0xa4: {  	s25 =	simm.s32 $0x1B8E;
	s24 =	sld [smem:$0x3FFE];
	[sflag:s23] =	ssyncadd.s32 $0xFFFFFFFF  }
0xa5: {  	s26 =	simm.s32 $execute0_lowered;
	[smem:$0x3FD2] =	sst s25  }
0xa6: {  	s4 =	sshll.u32 s26, $0x1;
	_ =	strace $0x80000058;
	[dreg:$0x1] =	wrdreg $0xFFFFFFFF  }
0xa7: {  	s28 =	simm.s32 $_size_execute0_lowered;
	s2 =	sadd.s32 s2, s4;
	[dreg:$0x0] =	wrdreg $0x0  }
0xa8: {  	s4 =	sshll.u32 s28, $0x1;
	[dreg:$0x2] =	wrdreg s2  }
0xa9: {  	[dreg:$0x3] =	wrdreg s4  }
0xaa: {  	[dreg:$0x4] =	wrdreg $0xC0  }
0xab: {  	_ =	task [dreg:s6], $0x5FFFF  }
0xac: {  	[dreg:$0x1] =	wrdreg $0xFFFFFFFF  }
0xad: {  	[dreg:$0x0] =	wrdreg $0x60  }
0xae: {  	[dreg:$0x2] =	wrdreg s24  }
0xaf: {  	[dreg:$0x3] =	wrdreg $0x8C000  }
0xb0: {  	[dreg:$0x4] =	wrdreg $0x9  }
0xb1: {  	_ =	task.clear_ibuf [dreg:s6], $0x5FFFF;
	_ =	strace $0x90000058  }
0xb2: {  	s29 =	simm.s32 $0x9;
	_ =	strace $0x8000005A  }
0xb3: {  	_ =	swait.ge [sflag:s29], $0x1  }
0xb4: {  	[sflag:s29] =	ssyncadd.s32 $0xFFFFFFFF  }
0xb5: {  	_ =	strace $0x9000005A  }
0xb6: {  	_ =	sfence  }
0xb7: {  	s30 =	sld [smem:$0x0];
	_ =	sdelay $0x2  }
0xb8: {  	s31 =	sshll.u32 s1, $0xD;
	s1 =	sshrl.u32 s1, $0x2  }
0xb9: {  	s3 =	sand.u32 $0x4000, s31;
	s1 =	sadd.s32 s1, s30  }
0xba: {  	s0 =	sor.u32 s3, s0;
	s1 =	sshll.u32 s1, $0x11  }
0xbb: {  	s0 =	sor.u32 s1, s0  }
0xbc: {  	s0 =	sadd.s32 $0x8F2B, s0  }
0xbd: {  	[sflag:s0] =	ssyncadd.remote.s32 $0x1  }
0xbe: {  	_ =	sfence.sel $0xFFFF  }
0xbf: {  	[dreg:$0x0] =	wrdreg $0xFFFFFFFF;
	(pc) =	sbr.abs _section_cstart, $3  }
0xc0: {  	[dreg:$0x1] =	wrdreg $0xFFFFFFFF  }
0xc1: {  	_ =	task.clear_ibuf [dreg:s6], $0x2FFFF;
	_ =	strace $0x9FFFFFFF  }
0xc2: {  	(tm) =	ssettm $0x7FFFFFFF  }
0xc3: {  	_ =	shalt  }
tec
execute0_lowered:
.L_overlay_start_1:
0x0: {  	(tag) =	ssettag $0x1  }
0x1: {  	s0 =	stileid.u32  }
0x2: {  	s6 =	smul.u32 $0x2700, s0  }
0x3: {  	s26 =	smul.u32 $0x4E000, s0  }
0x4: {  	s7 =	rddreg [dreg:$0x0];
	s14 =	smul.u32 $0x13800, s0  }
0x5: {  	s1 =	srdreg.scid;
	s30 =	smul.u32 $0x30, s0  }
0x6: {  	s2 =	rddreg [dreg:$0x1];
	s11 =	sand.u32 $0x1, s1;
	s31 =	smul.u32 $0x18000, s0  }
0x7: {  	s3 =	simm.s32 $0x0;
	s4 =	sshll.u32 s0, $0x1;
	s13 =	smul.u32 $0x138800, s11  }
0x8: {  	s1 =	rddreg [dreg:$0x2];
	s12 =	sadd.s32 $0x5CF600, s7;
	s17 =	smul.u32 $0x18, s11  }
0x9: {  	s4 =	sor.u32 s11, s4;
	s10 =	ssub.s32 $0x2, s11;
	s11 =	smul.u32 $0xC000, s11  }
0xa: {  	[smem:$0x7FF] =	sst s3;
	s9 =	sadd.s32 $0x707E00, s7;
	s5 =	smul.u32 $0x180, s4  }
0xb: {  	_ =	strace $0x80000059;
	s4 =	smul.u32 $0x18, s4;
	s28 =	sshrl.u32 s10, $0x1  }
0xc: {  	s25 =	sadd.s32 s6, s7;
	s6 =	sshrl.u32 s26, $0x2;
	s10 =	ssub.s32 s10, s28  }
0xd: {  	s15 =	sadd.s32 s6, s2;
	s29 =	sadd.s32 s14, s13;
	s13 =	sshrl.u32 s13, $0x3  }
0xe: {  	s14 =	sadd.s32 s17, s30;
	s17 =	sadd.s32 s31, s12;
	s8 =	sadd.s32 s5, s7  }
0xf: {  	s16 =	ssub.s32 $0x271, s4;
	s5 =	sadd.s32 $0x506C00, s25;
	s6 =	sshrl.u32 s29, $0x3  }
0x10: {  	s7 =	sadd.s32 $0x52B500, s7;
	s10 =	smax.u32 s10, $0x1;
	s14 =	sshll.u32 s14, $0xB  }
0x11: {  	s11 =	sadd.s32 s11, s17;
	p0 =	sgt.s32 s16, $0x0;
	s6 =	sadd.s32 s9, s6  }
0x12: {  	s9 =	sadd.s32 s9, s13;
	s13 =	sadd.s32 $0x124800, s2;
	s8 =	sadd.s32 $0x5CCC00, s8  }
0x13: {  	s12 =	sadd.s32 s14, s12;
	s16 =	simm.s32 @!p0 $0x0;
	s9 =	sadd.s32 $0x24900, s9  }
0x14: {  	p0 =	seq.s32 s0, $0xF;
	s12 =	sadd.s32 $0x800, s12;
	s4 =	smin.u32 s16, $0x18  }
0x15: {  	s14 =	sshll.u32 @!p0 s0, $0x6;
	s13 =	sshrl.u32 @p0 s13, $0x3;
	s15 =	sshrl.u32 @!p0 s15, $0x3  }
0x16: {  	p1 =	seq.s32 s16, $0x0;
	s16 =	simm.s32 $0x0;
	s14 =	sor.u32 @!p0 $0x1C03, s14  }
.LBB2_1:
0x17: {  	s17 =	simm.s32 @p0 $0x1FC3  }
0x18: {  	[spmem:s13], [sflag:s17] =	dma.local @p0 [hbm:s7], $0x2800  }
0x19: {  	s17 =	simm.s32 @p0 $0x3  }
0x1a: {  	_ =	swait.ge @p0 [sflag:s17], $0x2800  }
0x1b: {  	[sflag:s17] =	ssyncset.done @p0 $0x0  }
0x1c: {  	[sflag:s17] =	ssyncadd.s32 @p0 $0xFFFFD800;
	s17 =	simm.s32 @!p0 $0x3  }
0x1d: {  	[spmem:s15], [sflag:s14] =	dma.local @!p0 [hbm:s5], $0x2700  }
0x1e: {  	_ =	swait.ge @!p0 [sflag:s17], $0x2700  }
0x1f: {  	[sflag:s17] =	ssyncset.done @!p0 $0x0  }
0x20: {  	[sflag:s17] =	ssyncadd.s32 @!p0 $0xFFFFD900;
	s17 =	simm.s32 @!p1 $0x0  }
0x21: {  	[tilespmem:s17], [sflag:$0x3] =	stream.linear.gather @!p1 [hbm4b:s8+s17], $0xC00, $0x38;
	[tilespmem:$0x1C480] =	vst v63  }
0x22: {  	s17 =	simm.s32 @!p1 $0x3  }
0x23: {  	_ =	swait.ge @!p1 [sflag:s17], $0xC00  }
0x24: {  	[sflag:s17] =	ssyncset.done @!p1 $0x0  }
0x25: {  	p3 =	sle.u32 s4, $0x0;
	p2 =	sle.u32 s4, $0x1;
	[sflag:s17] =	ssyncadd.s32 @!p1 $0xFFFFF400  }
0x26: {  	s18 =	simm.s32 @!p3 $0xC00;
	s17 =	simm.s32 @!p3 $0x0;
	[bflag:$0x0] =	sbarrier.arrive $0xFFFF  }
0x27: {  	[tilespmem:s18], [sflag:$0x1] =	stream.linear.gather @!p3 [hbm4b:s11+s17], $0x4000, $0x38;
	[tilespmem:$0x1C480] =	vst v63  }
0x28: {  	s20 =	simm.s32 @!p2 $0x4C00;
	s19 =	simm.s32 @!p3 $0x1;
	s17 =	simm.s32 @!p2 $0x0  }
0x29: {  	[tilespmem:s20], [sflag:$0x2] =	stream.linear.gather @!p2 [hbm4b:s12+s17], $0x4000, $0x38;
	[tilespmem:$0x1C480] =	vst v63  }
0x2a: {  	_ =	swait.ge @!p3 [sflag:s19], $0x4000  }
0x2b: {  	[sflag:s19] =	ssyncset.done @!p3 $0x0  }
0x2c: {  	s17 =	simm.s32 @!p3 $0x80;
	[sflag:s19] =	ssyncadd.s32 @!p3 $0xFFFFC000;
	s19 =	simm.s32 @!p3 $0x4  }
0x2d: {  	[spmem:s2] =	stream.indirect.scatter.add.f32 @!p3 [tilespmem:s18], [sflag:$0x4], $0x80, s3, s17, $0xb8;
	[tilespmem:$0x1C480] =	vst v63  }
0x2e: {  	_ =	swait.ge @!p3 [sflag:s19], $0x4000  }
0x2f: {  	p2 =	por p2, p2;
	[sflag:s19] =	ssyncset.done @!p3 $0x0  }
0x30: {  	s17 =	simm.s32 @!p2 $0x2;
	[sflag:s19] =	ssyncadd.s32 @!p3 $0xFFFFC000  }
0x31: {  	p4 =	sle.u32 s4, $0x3;
	_ =	swait.ge @!p2 [sflag:s17], $0x4000  }
0x32: {  	s21 =	simm.s32 @!p2 $0x3;
	s22 =	simm.s32 @!p2 $0x80;
	[sflag:s17] =	ssyncset.done @!p2 $0x0  }
0x33: {  	s18 =	sadd.s32 $0x1000, s11;
	[sflag:s17] =	ssyncadd.s32 @!p2 $0xFFFFC000;
	s17 =	simm.s32 @!p2 $0x80  }
0x34: {  	[spmem:s2] =	stream.indirect.scatter.add.f32 @!p2 [tilespmem:s20], [sflag:$0x3], $0x80, s17, s22, $0xb8;
	[tilespmem:$0x1C480] =	vst v63  }
0x35: {  	s19 =	simm.s32 $0x5;
	p3 =	sle.u32 s4, $0x2;
	_ =	swait.ge @!p2 [sflag:s21], $0x4000  }
0x36: {  	s20 =	sadd.s32 $0x1000, s12;
	s17 =	simm.s32 $0x100;
	[sflag:s21] =	ssyncset.done @!p2 $0x0  }
.LBB2_2:
0x37: {  	s22 =	simm.s32 @!p3 $0x0;
	s23 =	simm.s32 @!p3 $0xC00;
	[sflag:s21] =	ssyncadd.s32 @!p2 $0xFFFFC000  }
0x38: {  	[tilespmem:s23], [sflag:$0x1] =	stream.linear.gather @!p3 [hbm4b:s18+s22], $0x4000, $0x38;
	[tilespmem:$0x1C480] =	vst v63  }
0x39: {  	s21 =	simm.s32 @!p4 $0x0;
	s24 =	simm.s32 @!p3 $0x1;
	s22 =	simm.s32 @!p4 $0x4C00  }
0x3a: {  	[tilespmem:s22], [sflag:$0x2] =	stream.linear.gather @!p4 [hbm4b:s20+s21], $0x4000, $0x38;
	[tilespmem:$0x1C480] =	vst v63  }
0x3b: {  	s25 =	smov.u32 s19;
	s19 =	sadd.s32 $0x2, s19;
	_ =	swait.ge @!p3 [sflag:s24], $0x4000  }
0x3c: {  	p2 =	por p4, p4;
	p5 =	sne.s32 s19, $0x19;
	[sflag:s24] =	ssyncset.done @!p3 $0x0  }
0x3d: {  	s21 =	simm.s32 @!p3 $0x80;
	[sflag:s24] =	ssyncadd.s32 @!p3 $0xFFFFC000;
	s24 =	simm.s32 @!p3 $0x4  }
0x3e: {  	[spmem:s2] =	stream.indirect.scatter.add.f32 @!p3 [tilespmem:s23], [sflag:$0x4], $0x80, s17, s21, $0xb8;
	[tilespmem:$0x1C480] =	vst v63  }
0x3f: {  	_ =	swait.ge @!p3 [sflag:s24], $0x4000  }
0x40: {  	[sflag:s24] =	ssyncset.done @!p3 $0x0  }
0x41: {  	s23 =	simm.s32 @!p2 $0x2;
	[sflag:s24] =	ssyncadd.s32 @!p3 $0xFFFFC000  }
0x42: {  	s18 =	sadd.s32 $0x1000, s18;
	s20 =	sadd.s32 $0x1000, s20;
	_ =	swait.ge @!p2 [sflag:s23], $0x4000  }
.Ltmp0:
0x43: {  	s21 =	simm.s32 @!p2 $0x3;
	[sflag:s23] =	ssyncset.done @!p2 $0x0;
	(pc) =	sbr.rel @p5 .LBB2_2-.Ltmp0, $4  }
0x44: {  	s24 =	simm.s32 @!p2 $0x80;
	[sflag:s23] =	ssyncadd.s32 @!p2 $0xFFFFC000;
	s23 =	sadd.s32 @!p2 $0x80, s17  }
0x45: {  	[spmem:s2] =	stream.indirect.scatter.add.f32 @!p2 [tilespmem:s22], [sflag:$0x3], $0x80, s23, s24, $0xb8;
	[tilespmem:$0x1C480] =	vst v63  }
0x46: {  	s17 =	sadd.s32 $0x100, s17;
	s22 =	sadd.s32 $0xFFFFFFFF, s25;
	_ =	swait.ge @!p2 [sflag:s21], $0x4000  }
0x47: {  	p4 =	sge.u32 s25, s4;
	p3 =	sge.u32 s22, s4;
	[sflag:s21] =	ssyncset.done @!p2 $0x0  }
0x48: {  	s19 =	simm.s32 @!p3 $0x0;
	s22 =	simm.s32 @!p3 $0xC00;
	[sflag:s21] =	ssyncadd.s32 @!p2 $0xFFFFC000  }
0x49: {  	[tilespmem:s22], [sflag:$0x1] =	stream.linear.gather @!p3 [hbm4b:s18+s19], $0x4000, $0x38;
	[tilespmem:$0x1C480] =	vst v63  }
0x4a: {  	s21 =	simm.s32 @!p3 $0x1;
	s18 =	simm.s32 @!p4 $0x0;
	s19 =	simm.s32 @!p4 $0x4C00  }
0x4b: {  	[tilespmem:s19], [sflag:$0x2] =	stream.linear.gather @!p4 [hbm4b:s20+s18], $0x4000, $0x38;
	[tilespmem:$0x1C480] =	vst v63  }
0x4c: {  	_ =	swait.ge @!p3 [sflag:s21], $0x4000  }
0x4d: {  	[sflag:s21] =	ssyncset.done @!p3 $0x0  }
0x4e: {  	s18 =	simm.s32 @!p3 $0x80;
	s20 =	simm.s32 @!p3 $0x4;
	[sflag:s21] =	ssyncadd.s32 @!p3 $0xFFFFC000  }
0x4f: {  	[spmem:s2] =	stream.indirect.scatter.add.f32 @!p3 [tilespmem:s22], [sflag:$0x4], $0x80, s17, s18, $0xb8;
	[tilespmem:$0x1C480] =	vst v63  }
0x50: {  	_ =	swait.ge @!p3 [sflag:s20], $0x4000  }
0x51: {  	p2 =	por p4, p4;
	[sflag:s20] =	ssyncset.done @!p3 $0x0  }
0x52: {  	s18 =	simm.s32 @!p2 $0x2;
	[sflag:s20] =	ssyncadd.s32 @!p3 $0xFFFFC000  }
0x53: {  	_ =	swait.ge @!p2 [sflag:s18], $0x4000  }
0x54: {  	s17 =	sadd.s32 @!p2 $0x80, s17;
	[sflag:s18] =	ssyncset.done @!p2 $0x0  }
0x55: {  	s20 =	simm.s32 @!p2 $0x3;
	[sflag:s18] =	ssyncadd.s32 @!p2 $0xFFFFC000;
	s18 =	simm.s32 @!p2 $0x80  }
0x56: {  	[spmem:s2] =	stream.indirect.scatter.add.f32 @!p2 [tilespmem:s19], [sflag:$0x3], $0x80, s17, s18, $0xb8;
	[tilespmem:$0x1C480] =	vst v63  }
0x57: {  	_ =	swait.ge @!p2 [sflag:s20], $0x4000  }
0x58: {  	[sflag:s20] =	ssyncset.done @!p2 $0x0  }
0x59: {  	[sflag:s20] =	ssyncadd.s32 @!p2 $0xFFFFC000  }
0x5a: {  	s17 =	simm.s32 @p0 $0x1FC3;
	[bflag:$0x0] =	sbarrier.arrive $0xFFFF  }
0x5b: {  	[hbm:s9], [sflag:s17] =	dma.local @p0 [spmem:s13], $0x2800  }
0x5c: {  	s17 =	simm.s32 @p0 $0x3  }
0x5d: {  	s16 =	sadd.s32 $0x1, s16;
	_ =	swait.ge @p0 [sflag:s17], $0x2800  }
0x5e: {  	p2 =	sne.s32 s16, s10;
	[sflag:s17] =	ssyncset.done @p0 $0x0  }
.Ltmp1:
0x5f: {  	[sflag:s17] =	ssyncadd.s32 @p0 $0xFFFFD800;
	s17 =	simm.s32 @!p0 $0x3;
	(pc) =	sbr.rel @p2 .LBB2_1-.Ltmp1, $4  }
0x60: {  	[hbm:s6], [sflag:s14] =	dma.local @!p0 [spmem:s15], $0x2700  }
0x61: {  	_ =	swait.ge @!p0 [sflag:s17], $0x2700  }
0x62: {  	[sflag:s17] =	ssyncset.done @!p0 $0x0  }
0x63: {  	[sflag:s17] =	ssyncadd.s32 @!p0 $0xFFFFD900  }
0x64: {  	_ =	sfence.sel $0x180000  }
0x65: {  	[bflag:$0x0] =	sbarrier.arrive $0xFFFF  }
0x66: {  	p0 =	sne.s32 s0, $0x0;
	_ =	strace $0x90000059  }
0x67: {  	s0 =	sadd.s32 @!p0 $0x100000, s1;
	[bflag:$0x2] =	sbarrier.arrive $0xFFFF  }
0x68: {  	[sflag:s0] =	ssyncadd.tile.s32 @!p0 $0x1;
	_ =	shalt  }
.Lfunc_end2:
_tile_overlayer_lowered:
.L_overlay_start_2:
0x69: {  	(tag) =	ssettag $0x2  }
0x6a: {  	s0 =	rddreg [dreg:$0x0];
	s2 =	stileid.u32  }
0x6b: {  	s1 =	rddreg [dreg:$0x1];
	p0 =	sne.s32 s2, $0x0  }
0x6c: {  	s3 =	rddreg [dreg:$0x2];
	[bflag:$0x3] =	sbarrier.arrive $0xFFFF;
	s2 =	simm.s32 @!p0 $0x1C03  }
0x6d: {  	[timem:s3], [sflag:s2] =	dma.local @!p0 [hbm:s0], s1  }
0x6e: {  	s0 =	simm.s32 @!p0 $0x3  }
0x6f: {  	_ =	swait.ge @!p0 [sflag:s0], s1  }
0x70: {  	s1 =	ssub.s32 @!p0 $0x0, s1;
	[sflag:s0] =	ssyncset.done @!p0 $0x0  }
0x71: {  	[sflag:s0] =	ssyncadd.s32 @!p0 s1  }
0x72: {  	[bflag:$0x3] =	sbarrier.arrive $0xFFFF  }
0x73: {  	_ =	shalt  }

// kernel: kernel.40.cloned.1.call-start
scs
__scs_entry_jumppad:
0x0: {  	(pc) =	sbr.rel $0x88, $3  }
0x1: {  	(tag) =	ssettag $0x0;
	lr =	simm.s32 $0x1  }
0x2: {  	[smem:$0x3F68] =	sst lr;
	_ =	strace $0xD0000000  }
0x3: {  	_ = 	snop  }
0x4: {  	_ = 	snop  }
0x5: {  	_ = 	snop  }
0x6: {  	_ = 	snop  }
0x7: {  	_ = 	snop  }
__scs_overlays_trampoline_lowered:
0x8: {  	[smem:$0x3F77] =	sst s0  }
0x9: {  	[smem:$0x3F78] =	sst s1  }
0xa: {  	[smem:$0x3F79] =	sst s2  }
0xb: {  	[smem:$0x3F7A] =	sst s3  }
0xc: {  	[smem:$0x3F7B] =	sst s4  }
0xd: {  	[smem:$0x3F7C] =	sst s5  }
0xe: {  	[smem:$0x3F7D] =	sst s6  }
0xf: {  	[smem:$0x3F7E] =	sst s7  }
0x10: {  	[smem:$0x3F7F] =	sst s8  }
0x11: {  	[smem:$0x3F80] =	sst s9;
	s0 =	simm.s32 @!p0 $0x0  }
0x12: {  	s1 =	sld [smem:$0x3F66];
	s0 =	simm.s32 @p0 $0x1  }
0x13: {  	[smem:$0x3F81] =	sst s0;
	s0 =	simm.s32 @!p1 $0x0  }
0x14: {  	s2 =	sld [smem:$0x3F65];
	s0 =	simm.s32 @p1 $0x1  }
0x15: {  	[smem:$0x3F82] =	sst s0;
	s0 =	simm.s32 @!p2 $0x0  }
0x16: {  	s3 =	sld [smem:$0x3FDB];
	s0 =	simm.s32 @p2 $0x1  }
0x17: {  	s4 =	simm.s32 $0x1BF5;
	[smem:$0x3F84] =	sst s0  }
0x18: {  	s0 =	sld [smem:$0x3F67];
	_ =	swait.ge [sflag:s4], $0x0  }
0x19: {  	s7 =	sld [smem:$0x3F68]  }
0x1a: {  	s8 =	sadd.s32 $0xFFFFE003, lr  }
0x1b: {  	s9 =	sadd.s32 $0xFFFFFEF7, lr;
	s5 =	simm.s32 $0xFFFFFFFF;
	p2 =	slt.u32 s8, $0xFFFFF086  }
0x1c: {  	p1 =	slt.u32 s9, $0xF7A;
	s5 =	simm.s32 @!p2 $0x0  }
0x1d: {  	s5 =	simm.s32 @p1 $0x1;
	p0 =	seq.s32 s7, s2  }
0x1e: {  	s7 =	smul.u32 @!p0 $0xF7A, s2;
	p2 =	seq.s32 @!p0 s5, $0x0  }
0x1f: {  	s9 =	smul.u32 $0xF7A, s1;
	s8 =	simm.s32 @!p0 $0x1BF5;
	p2 =	por !p2, p0  }
0x20: {  	[sflag:s8] =	ssyncset.s32 @!p0 $0xFFFFF086;
	s6 =	sadd.s32 @!p0 s3, s7;
	s7 =	simm.s32 @!p0 $0x108  }
0x21: {  	s3 =	sadd.s32 s3, s9;
	s6 =	sadd.s32 @!p0 $0x88, s6;
	s7 =	simm.s32 @p2 $0x1082  }
0x22: {  	[simem:s7], [sflag:s8] =	dma.local @!p0 [hbm:s6], $0xF7A  }
0x23: {  	s9 =	sor.u32 $0xD0000000, s2;
	s6 =	simm.s32 $0x108;
	_ =	swait.ge @!p0 [sflag:s8], $0x0  }
0x24: {  	s3 =	sadd.s32 $0x88, s3;
	s6 =	simm.s32 @!p1 $0x1082;
	[sflag:s4] =	ssyncset.s32 $0xFFFFF086  }
0x25: {  	[simem:s6], [sflag:s4] =	dma.local [hbm:s3], $0xF7A  }
0x26: {  	[smem:$0x3F68] =	sst s1;
	(tag) =	ssettag s2;
	_ =	strace s9  }
0x27: {  	s1 =	sld [smem:$0x3F78]  }
0x28: {  	s2 =	sld [smem:$0x3F79]  }
0x29: {  	s4 =	sld [smem:$0x3F7B]  }
0x2a: {  	p0 =	seq.s32 s5, $0x0;
	s5 =	sld [smem:$0x3F7C]  }
0x2b: {  	s6 =	sld [smem:$0x3F7D]  }
0x2c: {  	s7 =	sld [smem:$0x3F7E]  }
0x2d: {  	s3 =	simm.s32 $0x108;
	s8 =	sld [smem:$0x3F7F]  }
0x2e: {  	s3 =	simm.s32 @!p0 $0x1082;
	s9 =	sld [smem:$0x3F80]  }
0x2f: {  	lr =	sadd.s32 s0, s3;
	s0 =	sld [smem:$0x3F77]  }
0x30: {  	s3 =	sld [smem:$0x3F7A]  }
0x31: {  	[smem:$0x3F83] =	sst s10  }
0x32: {  	s10 =	sld [smem:$0x3F81];
	_ =	sdelay $0x3  }
0x33: {  	p0 =	seq.s32 s10, $0x1;
	s10 =	sld [smem:$0x3F83];
	_ =	sdelay $0x3  }
0x34: {  	[smem:$0x3F83] =	sst s10  }
0x35: {  	s10 =	sld [smem:$0x3F82];
	_ =	sdelay $0x3  }
0x36: {  	p1 =	seq.s32 s10, $0x1;
	s10 =	sld [smem:$0x3F83];
	_ =	sdelay $0x3  }
0x37: {  	[smem:$0x3F83] =	sst s10  }
0x38: {  	s10 =	sld [smem:$0x3F84]  }
0x39: {  	_ = 	snop;
	(pc) =	sbr.ind lr, $3  }
0x3a: {  	_ = 	snop  }
0x3b: {  	_ = 	snop  }
0x3c: {  	p2 =	seq.s32 s10, $0x1;
	s10 =	sld [smem:$0x3F83]  }
0x3d: {  	_ =	shalt  }
0x3e: {  	_ =	shalt  }
0x3f: {  	_ =	shalt  }
0x40: {  	_ =	shalt  }
0x41: {  	_ =	shalt  }
0x42: {  	_ =	shalt  }
0x43: {  	_ =	shalt  }
0x44: {  	_ =	shalt  }
0x45: {  	_ =	shalt  }
0x46: {  	_ =	shalt  }
0x47: {  	_ =	shalt  }
0x48: {  	_ =	shalt  }
0x49: {  	_ =	shalt  }
0x4a: {  	_ =	shalt  }
0x4b: {  	_ =	shalt  }
0x4c: {  	_ =	shalt  }
0x4d: {  	_ =	shalt  }
0x4e: {  	_ =	shalt  }
0x4f: {  	_ =	shalt  }
0x50: {  	_ =	shalt  }
0x51: {  	_ =	shalt  }
0x52: {  	_ =	shalt  }
0x53: {  	_ =	shalt  }
0x54: {  	_ =	shalt  }
0x55: {  	_ =	shalt  }
0x56: {  	_ =	shalt  }
0x57: {  	_ =	shalt  }
0x58: {  	_ =	shalt  }
0x59: {  	_ =	shalt  }
0x5a: {  	_ =	shalt  }
0x5b: {  	_ =	shalt  }
0x5c: {  	_ =	shalt  }
0x5d: {  	_ =	shalt  }
0x5e: {  	_ =	shalt  }
0x5f: {  	_ =	shalt  }
0x60: {  	_ =	shalt  }
0x61: {  	_ =	shalt  }
0x62: {  	_ =	shalt  }
0x63: {  	_ =	shalt  }
0x64: {  	_ =	shalt  }
0x65: {  	_ =	shalt  }
0x66: {  	_ =	shalt  }
0x67: {  	_ =	shalt  }
0x68: {  	_ =	shalt  }
0x69: {  	_ =	shalt  }
0x6a: {  	_ =	shalt  }
0x6b: {  	_ =	shalt  }
0x6c: {  	_ =	shalt  }
0x6d: {  	_ =	shalt  }
0x6e: {  	_ =	shalt  }
0x6f: {  	_ =	shalt  }
0x70: {  	_ =	shalt  }
0x71: {  	_ =	shalt  }
0x72: {  	_ =	shalt  }
0x73: {  	_ =	shalt  }
0x74: {  	_ =	shalt  }
0x75: {  	_ =	shalt  }
0x76: {  	_ =	shalt  }
0x77: {  	_ =	shalt  }
0x78: {  	_ =	shalt  }
0x79: {  	_ =	shalt  }
0x7a: {  	_ =	shalt  }
0x7b: {  	_ =	shalt  }
0x7c: {  	_ =	shalt  }
0x7d: {  	_ =	shalt  }
0x7e: {  	_ =	shalt  }
0x7f: {  	_ =	shalt  }
0x80: {  	_ =	shalt  }
0x81: {  	_ =	shalt  }
0x82: {  	_ =	shalt  }
0x83: {  	_ =	shalt  }
0x84: {  	_ =	shalt  }
0x85: {  	_ =	shalt  }
0x86: {  	_ =	shalt  }
0x87: {  	_ =	shalt  }
.Lfunc_end0:
.L_simem_size_0:
called_computation.7_lowered:
.L_overlay_start_0:
0x88: {  	s2 =	sld [smem:$0x3FD9]  }
0x89: {  	s3 =	sld [smem:$0x3FFE];
	_ =	sdelay $0x1  }
0x8a: {  	s1 =	srdreg.scid  }
0x8b: {  	s0 =	sand.u32 $0x1, s1  }
0x8c: {  	s15 =	sshll.u32 s0, $0xA;
	s2 =	sadd.s32 s3, s2  }
0x8d: {  	s2 =	sadd.s32 s2, s15  }
0x8e: {  	[smem:$0x3F8F] =	sst s2  }
0x8f: {  	_ = 	snop  }
0x90: {  	s2 =	sld [smem:$0x3FD0];
	_ =	sdelay $0x2  }
0x91: {  	s16 =	simm.s32 $0xC;
	s4 =	simm.s32 $0x10  }
0x92: {  	[smem:s4], [sflag:s16] =	dma.local [hbm:s2], $0x1  }
0x93: {  	_ =	swait.eq [sflag:s16], $0x1  }
0x94: {  	[sflag:s16] =	ssyncset.done $0x0  }
0x95: {  	[sflag:s16] =	ssyncadd.s32 $0xFFFFFFFF  }
0x96: {  	s17 =	sld [smem:$0x10];
	(tm) =	ssettm $0x1  }
0x97: {  	s18 =	sld [smem:$0x3FFB];
	_ =	sdelay $0x3  }
0x98: {  	_ =	strace s18  }
0x99: {  	s2 =	sld [smem:$0x3FFC];
	_ =	sdelay $0x3  }
0x9a: {  	_ =	strace s2  }
0x9b: {  	s2 =	sld [smem:$0x3FFD];
	_ =	sdelay $0x3  }
0x9c: {  	_ =	strace s2  }
0x9d: {  	_ =	strace $0x8FFFFFFF  }
0x9e: {  	s19 =	sld [smem:$0x3FDB];
	_ =	sdelay $0x1  }
0x9f: {  	s20 =	simm.s32 $_scs_section_size  }
0xa0: {  	s5 =	simm.s32 $_size__tile_overlayer_lowered;
	s6 =	simm.s32 $_tile_overlayer_lowered  }
0xa1: {  	s7 =	simm.s32 $0x1BFF;
	s21 =	sshll.u32 s6, $0x1;
	s4 =	sadd.s32 s20, s19  }
0xa2: {  	s22 =	simm.s32 $0x0;
	s5 =	sshll.u32 s5, $0x1;
	s6 =	sadd.s32 s21, s4  }
0xa3: {  	[timem:s22], [sflag:s7] =	dma.local [hbm:s6], s5  }
0xa4: {  	_ =	swait.ge [sflag:s7], s5  }
0xa5: {  	s5 =	ssub.s32 $0x0, s5;
	[sflag:s7] =	ssyncset.done $0x0  }
0xa6: {  	[sflag:s7] =	ssyncadd.s32 s5;
	_ =	sdelay $0x1  }
0xa7: {  	s23 =	simm.s32 $0x1B8B  }
0xa8: {  	_ =	swait.ge [sflag:s23], $0x1  }
0xa9: {  	[sflag:s23] =	ssyncset.done $0x0  }
0xaa: {  	[sflag:s23] =	ssyncadd.s32 $0xFFFFFFFF  }
0xab: {  	s5 =	sld [smem:$0x0]  }
0xac: {  	s6 =	sand.u32 $0xFFFFFFFE, s1  }
0xad: {  	p0 =	sne.s32 s1, s6  }
0xae: {  	s6 =	sshll.u32 @p0 s6, $0xE  }
0xaf: {  	s6 =	sadd.s32 @p0 $0x11B8D, s6;
	s7 =	sshll.u32 @p0 s5, $0x11  }
0xb0: {  	s6 =	sor.u32 @p0 s7, s6  }
0xb1: {  	[sflag:s6] =	ssyncadd.remote.s32 @p0 $0x1;
	_ =	sdelay $0x1  }
0xb2: {  	s6 =	simm.s32 @p0 $0x1B8D  }
0xb3: {  	_ =	swait.eq @p0 [sflag:s6], $0x1  }
0xb4: {  	[sflag:s6] =	ssyncadd.s32 @p0 $0xFFFFFFFF  }
0xb5: {  	s7 =	sshll.u32 @!p0 s1, $0xE  }
0xb6: {  	s7 =	sor.u32 @!p0 $0x4000, s7;
	s6 =	simm.s32 @!p0 $0x1B8D  }
0xb7: {  	s5 =	sshll.u32 @!p0 s5, $0x11;
	s7 =	sadd.s32 @!p0 $0x11B8D, s7;
	_ =	swait.eq @!p0 [sflag:s6], $0x1  }
0xb8: {  	s5 =	sor.u32 @!p0 s5, s7;
	[sflag:s6] =	ssyncadd.s32 @!p0 $0xFFFFFFFF  }
0xb9: {  	s25 =	simm.s32 $0x1B8E;
	s24 =	sld [smem:$0x3FFE];
	[sflag:s5] =	ssyncadd.remote.s32 @!p0 $0x1  }
0xba: {  	s26 =	simm.s32 $execute0_lowered;
	[smem:$0x3FD2] =	sst s25  }
0xbb: {  	s6 =	sshll.u32 s26, $0x1;
	_ =	strace $0x8000005B;
	[dreg:$0x1] =	wrdreg $0xFFFFFFFF  }
0xbc: {  	s28 =	simm.s32 $_size_execute0_lowered;
	s4 =	sadd.s32 s4, s6;
	[dreg:$0x0] =	wrdreg $0x0  }
0xbd: {  	s6 =	sshll.u32 s28, $0x1;
	[dreg:$0x2] =	wrdreg s4  }
0xbe: {  	[dreg:$0x3] =	wrdreg s6  }
0xbf: {  	[dreg:$0x4] =	wrdreg $0xC0  }
0xc0: {  	_ =	task [dreg:s22], $0x5FFFF  }
0xc1: {  	[dreg:$0x1] =	wrdreg $0xFFFFFFFF  }
0xc2: {  	[dreg:$0x0] =	wrdreg $0x60  }
0xc3: {  	[dreg:$0x2] =	wrdreg s24  }
0xc4: {  	[dreg:$0x3] =	wrdreg s17  }
0xc5: {  	[dreg:$0x4] =	wrdreg $0x8C000  }
0xc6: {  	[dreg:$0x5] =	wrdreg $0xA  }
0xc7: {  	_ =	task.clear_ibuf [dreg:s22], $0x6FFFF;
	_ =	strace $0x9000005B  }
0xc8: {  	s29 =	simm.s32 $0xA;
	_ =	strace $0x8000005D  }
0xc9: {  	_ =	swait.ge [sflag:s29], $0x1  }
0xca: {  	[sflag:s29] =	ssyncadd.s32 $0xFFFFFFFF  }
0xcb: {  	_ =	strace $0x9000005D  }
0xcc: {  	_ =	sfence  }
0xcd: {  	s30 =	sld [smem:$0x0];
	_ =	sdelay $0x2  }
0xce: {  	s31 =	sshll.u32 s1, $0xD;
	s1 =	sshrl.u32 s1, $0x2  }
0xcf: {  	s4 =	sand.u32 $0x4000, s31;
	s1 =	sadd.s32 s1, s30  }
0xd0: {  	s0 =	sor.u32 s4, s0;
	s1 =	sshll.u32 s1, $0x11  }
0xd1: {  	s0 =	sor.u32 s1, s0  }
0xd2: {  	s0 =	sadd.s32 $0x8F2B, s0  }
0xd3: {  	[sflag:s0] =	ssyncadd.remote.s32 $0x1  }
0xd4: {  	_ =	sfence.sel $0xFFFF  }
0xd5: {  	[dreg:$0x0] =	wrdreg $0xFFFFFFFF;
	(pc) =	sbr.abs _section_cstart, $3  }
0xd6: {  	[dreg:$0x1] =	wrdreg $0xFFFFFFFF  }
0xd7: {  	_ =	task.clear_ibuf [dreg:s22], $0x2FFFF;
	_ =	strace $0x9FFFFFFF  }
0xd8: {  	(tm) =	ssettm $0x7FFFFFFF  }
0xd9: {  	_ =	shalt  }
tec
execute0_lowered:
.L_overlay_start_1:
0x0: {  	(tag) =	ssettag $0x1  }
0x1: {  	s0 =	stileid.u32  }
0x2: {  	s6 =	smul.u32 $0x2700, s0  }
0x3: {  	s25 =	smul.u32 $0x4E000, s0  }
0x4: {  	s7 =	rddreg [dreg:$0x0];
	s14 =	smul.u32 $0x13800, s0  }
0x5: {  	s1 =	srdreg.scid;
	s29 =	smul.u32 $0x30, s0  }
0x6: {  	s8 =	rddreg [dreg:$0x1];
	s11 =	sand.u32 $0x1, s1;
	s30 =	smul.u32 $0x18000, s0  }
0x7: {  	s2 =	rddreg [dreg:$0x2];
	s3 =	simm.s32 $0x0;
	s13 =	smul.u32 $0x138800, s11  }
0x8: {  	s23 =	sshll.u32 s0, $0x1;
	s1 =	rddreg [dreg:$0x3];
	s17 =	smul.u32 $0x18, s11  }
0x9: {  	s4 =	sor.u32 s11, s23;
	s10 =	ssub.s32 $0x2, s11;
	s11 =	smul.u32 $0xC000, s11  }
0xa: {  	[smem:$0x7FF] =	sst s3;
	s12 =	sadd.s32 $0x756000, s7;
	s5 =	smul.u32 $0x180, s4  }
0xb: {  	s18 =	sadd.s32 $0x124800, s2;
	_ =	strace $0x8000005C;
	s4 =	smul.u32 $0x18, s4  }
0xc: {  	s24 =	sadd.s32 s6, s7;
	s26 =	sshrl.u32 s10, $0x1;
	s6 =	sshrl.u32 s25, $0x2  }
0xd: {  	s31 =	sadd.s32 s30, s12;
	s10 =	ssub.s32 s10, s26;
	s15 =	sadd.s32 s6, s2  }
0xe: {  	s28 =	sadd.s32 s14, s13;
	s13 =	sshrl.u32 s13, $0x3;
	s14 =	sadd.s32 s17, s29  }
0xf: {  	s11 =	sadd.s32 s11, s31;
	s9 =	sadd.s32 s5, s7;
	s16 =	ssub.s32 $0x271, s4  }
0x10: {  	s5 =	sadd.s32 $0x506C00, s24;
	s6 =	sshrl.u32 s28, $0x3;
	s13 =	sadd.s32 s8, s13  }
0x11: {  	s7 =	sadd.s32 $0x52B500, s7;
	s10 =	smax.u32 s10, $0x1;
	s14 =	sshll.u32 s14, $0xB  }
0x12: {  	p0 =	sgt.s32 s16, $0x0;
	s6 =	sadd.s32 s8, s6;
	s8 =	sadd.s32 $0x57C000, s9  }
0x13: {  	s9 =	sadd.s32 $0x24900, s13;
	s12 =	sadd.s32 s14, s12;
	s16 =	simm.s32 @!p0 $0x0  }
0x14: {  	p0 =	seq.s32 s0, $0xF;
	s12 =	sadd.s32 $0x800, s12;
	s4 =	smin.u32 s16, $0x18  }
0x15: {  	s14 =	sshll.u32 @!p0 s0, $0x6;
	s13 =	sshrl.u32 @p0 s18, $0x3;
	s15 =	sshrl.u32 @!p0 s15, $0x3  }
0x16: {  	p1 =	seq.s32 s16, $0x0;
	s16 =	simm.s32 $0x0;
	s14 =	sor.u32 @!p0 $0x1C03, s14  }
.LBB2_1:
0x17: {  	s17 =	simm.s32 @p0 $0x1FC3  }
0x18: {  	[spmem:s13], [sflag:s17] =	dma.local @p0 [hbm:s7], $0x2800  }
0x19: {  	s17 =	simm.s32 @p0 $0x3  }
0x1a: {  	_ =	swait.ge @p0 [sflag:s17], $0x2800  }
0x1b: {  	[sflag:s17] =	ssyncset.done @p0 $0x0  }
0x1c: {  	[sflag:s17] =	ssyncadd.s32 @p0 $0xFFFFD800;
	s17 =	simm.s32 @!p0 $0x3  }
0x1d: {  	[spmem:s15], [sflag:s14] =	dma.local @!p0 [hbm:s5], $0x2700  }
0x1e: {  	_ =	swait.ge @!p0 [sflag:s17], $0x2700  }
0x1f: {  	[sflag:s17] =	ssyncset.done @!p0 $0x0  }
0x20: {  	[sflag:s17] =	ssyncadd.s32 @!p0 $0xFFFFD900;
	s17 =	simm.s32 @!p1 $0x0  }
0x21: {  	[tilespmem:s17], [sflag:$0x3] =	stream.linear.gather @!p1 [hbm4b:s8+s17], $0xC00, $0x38;
	[tilespmem:$0x1C480] =	vst v63  }
0x22: {  	s17 =	simm.s32 @!p1 $0x3  }
0x23: {  	_ =	swait.ge @!p1 [sflag:s17], $0xC00  }
0x24: {  	[sflag:s17] =	ssyncset.done @!p1 $0x0  }
0x25: {  	p3 =	sle.u32 s4, $0x0;
	p2 =	sle.u32 s4, $0x1;
	[sflag:s17] =	ssyncadd.s32 @!p1 $0xFFFFF400  }
0x26: {  	s18 =	simm.s32 @!p3 $0xC00;
	s17 =	simm.s32 @!p3 $0x0;
	[bflag:$0x0] =	sbarrier.arrive $0xFFFF  }
0x27: {  	[tilespmem:s18], [sflag:$0x1] =	stream.linear.gather @!p3 [hbm4b:s11+s17], $0x4000, $0x38;
	[tilespmem:$0x1C480] =	vst v63  }
0x28: {  	s20 =	simm.s32 @!p2 $0x4C00;
	s19 =	simm.s32 @!p3 $0x1;
	s17 =	simm.s32 @!p2 $0x0  }
0x29: {  	[tilespmem:s20], [sflag:$0x2] =	stream.linear.gather @!p2 [hbm4b:s12+s17], $0x4000, $0x38;
	[tilespmem:$0x1C480] =	vst v63  }
0x2a: {  	_ =	swait.ge @!p3 [sflag:s19], $0x4000  }
0x2b: {  	[sflag:s19] =	ssyncset.done @!p3 $0x0  }
0x2c: {  	s17 =	simm.s32 @!p3 $0x80;
	[sflag:s19] =	ssyncadd.s32 @!p3 $0xFFFFC000;
	s19 =	simm.s32 @!p3 $0x4  }
0x2d: {  	[spmem:s2] =	stream.indirect.scatter.add.f32 @!p3 [tilespmem:s18], [sflag:$0x4], $0x80, s3, s17, $0xb8;
	[tilespmem:$0x1C480] =	vst v63  }
0x2e: {  	_ =	swait.ge @!p3 [sflag:s19], $0x4000  }
0x2f: {  	p2 =	por p2, p2;
	[sflag:s19] =	ssyncset.done @!p3 $0x0  }
0x30: {  	s17 =	simm.s32 @!p2 $0x2;
	[sflag:s19] =	ssyncadd.s32 @!p3 $0xFFFFC000  }
0x31: {  	p4 =	sle.u32 s4, $0x3;
	_ =	swait.ge @!p2 [sflag:s17], $0x4000  }
0x32: {  	s21 =	simm.s32 @!p2 $0x3;
	s22 =	simm.s32 @!p2 $0x80;
	[sflag:s17] =	ssyncset.done @!p2 $0x0  }
0x33: {  	s18 =	sadd.s32 $0x1000, s11;
	[sflag:s17] =	ssyncadd.s32 @!p2 $0xFFFFC000;
	s17 =	simm.s32 @!p2 $0x80  }
0x34: {  	[spmem:s2] =	stream.indirect.scatter.add.f32 @!p2 [tilespmem:s20], [sflag:$0x3], $0x80, s17, s22, $0xb8;
	[tilespmem:$0x1C480] =	vst v63  }
0x35: {  	s19 =	simm.s32 $0x5;
	p3 =	sle.u32 s4, $0x2;
	_ =	swait.ge @!p2 [sflag:s21], $0x4000  }
0x36: {  	s20 =	sadd.s32 $0x1000, s12;
	s17 =	simm.s32 $0x100;
	[sflag:s21] =	ssyncset.done @!p2 $0x0  }
.LBB2_2:
0x37: {  	s22 =	simm.s32 @!p3 $0x0;
	s23 =	simm.s32 @!p3 $0xC00;
	[sflag:s21] =	ssyncadd.s32 @!p2 $0xFFFFC000  }
0x38: {  	[tilespmem:s23], [sflag:$0x1] =	stream.linear.gather @!p3 [hbm4b:s18+s22], $0x4000, $0x38;
	[tilespmem:$0x1C480] =	vst v63  }
0x39: {  	s21 =	simm.s32 @!p4 $0x0;
	s24 =	simm.s32 @!p3 $0x1;
	s22 =	simm.s32 @!p4 $0x4C00  }
0x3a: {  	[tilespmem:s22], [sflag:$0x2] =	stream.linear.gather @!p4 [hbm4b:s20+s21], $0x4000, $0x38;
	[tilespmem:$0x1C480] =	vst v63  }
0x3b: {  	s25 =	smov.u32 s19;
	s19 =	sadd.s32 $0x2, s19;
	_ =	swait.ge @!p3 [sflag:s24], $0x4000  }
0x3c: {  	p2 =	por p4, p4;
	p5 =	sne.s32 s19, $0x19;
	[sflag:s24] =	ssyncset.done @!p3 $0x0  }
0x3d: {  	s21 =	simm.s32 @!p3 $0x80;
	[sflag:s24] =	ssyncadd.s32 @!p3 $0xFFFFC000;
	s24 =	simm.s32 @!p3 $0x4  }
0x3e: {  	[spmem:s2] =	stream.indirect.scatter.add.f32 @!p3 [tilespmem:s23], [sflag:$0x4], $0x80, s17, s21, $0xb8;
	[tilespmem:$0x1C480] =	vst v63  }
0x3f: {  	_ =	swait.ge @!p3 [sflag:s24], $0x4000  }
0x40: {  	[sflag:s24] =	ssyncset.done @!p3 $0x0  }
0x41: {  	s23 =	simm.s32 @!p2 $0x2;
	[sflag:s24] =	ssyncadd.s32 @!p3 $0xFFFFC000  }
0x42: {  	s18 =	sadd.s32 $0x1000, s18;
	s20 =	sadd.s32 $0x1000, s20;
	_ =	swait.ge @!p2 [sflag:s23], $0x4000  }
.Ltmp0:
0x43: {  	s21 =	simm.s32 @!p2 $0x3;
	[sflag:s23] =	ssyncset.done @!p2 $0x0;
	(pc) =	sbr.rel @p5 .LBB2_2-.Ltmp0, $4  }
0x44: {  	s24 =	simm.s32 @!p2 $0x80;
	[sflag:s23] =	ssyncadd.s32 @!p2 $0xFFFFC000;
	s23 =	sadd.s32 @!p2 $0x80, s17  }
0x45: {  	[spmem:s2] =	stream.indirect.scatter.add.f32 @!p2 [tilespmem:s22], [sflag:$0x3], $0x80, s23, s24, $0xb8;
	[tilespmem:$0x1C480] =	vst v63  }
0x46: {  	s17 =	sadd.s32 $0x100, s17;
	s22 =	sadd.s32 $0xFFFFFFFF, s25;
	_ =	swait.ge @!p2 [sflag:s21], $0x4000  }
0x47: {  	p4 =	sge.u32 s25, s4;
	p3 =	sge.u32 s22, s4;
	[sflag:s21] =	ssyncset.done @!p2 $0x0  }
0x48: {  	s19 =	simm.s32 @!p3 $0x0;
	s22 =	simm.s32 @!p3 $0xC00;
	[sflag:s21] =	ssyncadd.s32 @!p2 $0xFFFFC000  }
0x49: {  	[tilespmem:s22], [sflag:$0x1] =	stream.linear.gather @!p3 [hbm4b:s18+s19], $0x4000, $0x38;
	[tilespmem:$0x1C480] =	vst v63  }
0x4a: {  	s21 =	simm.s32 @!p3 $0x1;
	s18 =	simm.s32 @!p4 $0x0;
	s19 =	simm.s32 @!p4 $0x4C00  }
0x4b: {  	[tilespmem:s19], [sflag:$0x2] =	stream.linear.gather @!p4 [hbm4b:s20+s18], $0x4000, $0x38;
	[tilespmem:$0x1C480] =	vst v63  }
0x4c: {  	_ =	swait.ge @!p3 [sflag:s21], $0x4000  }
0x4d: {  	[sflag:s21] =	ssyncset.done @!p3 $0x0  }
0x4e: {  	s18 =	simm.s32 @!p3 $0x80;
	s20 =	simm.s32 @!p3 $0x4;
	[sflag:s21] =	ssyncadd.s32 @!p3 $0xFFFFC000  }
0x4f: {  	[spmem:s2] =	stream.indirect.scatter.add.f32 @!p3 [tilespmem:s22], [sflag:$0x4], $0x80, s17, s18, $0xb8;
	[tilespmem:$0x1C480] =	vst v63  }
0x50: {  	_ =	swait.ge @!p3 [sflag:s20], $0x4000  }
0x51: {  	p2 =	por p4, p4;
	[sflag:s20] =	ssyncset.done @!p3 $0x0  }
0x52: {  	s18 =	simm.s32 @!p2 $0x2;
	[sflag:s20] =	ssyncadd.s32 @!p3 $0xFFFFC000  }
0x53: {  	_ =	swait.ge @!p2 [sflag:s18], $0x4000  }
0x54: {  	s17 =	sadd.s32 @!p2 $0x80, s17;
	[sflag:s18] =	ssyncset.done @!p2 $0x0  }
0x55: {  	s20 =	simm.s32 @!p2 $0x3;
	[sflag:s18] =	ssyncadd.s32 @!p2 $0xFFFFC000;
	s18 =	simm.s32 @!p2 $0x80  }
0x56: {  	[spmem:s2] =	stream.indirect.scatter.add.f32 @!p2 [tilespmem:s19], [sflag:$0x3], $0x80, s17, s18, $0xb8;
	[tilespmem:$0x1C480] =	vst v63  }
0x57: {  	_ =	swait.ge @!p2 [sflag:s20], $0x4000  }
0x58: {  	[sflag:s20] =	ssyncset.done @!p2 $0x0  }
0x59: {  	[sflag:s20] =	ssyncadd.s32 @!p2 $0xFFFFC000  }
0x5a: {  	s17 =	simm.s32 @p0 $0x1FC3;
	[bflag:$0x0] =	sbarrier.arrive $0xFFFF  }
0x5b: {  	[hbm:s9], [sflag:s17] =	dma.local @p0 [spmem:s13], $0x2800  }
0x5c: {  	s17 =	simm.s32 @p0 $0x3  }
0x5d: {  	s16 =	sadd.s32 $0x1, s16;
	_ =	swait.ge @p0 [sflag:s17], $0x2800  }
0x5e: {  	p2 =	sne.s32 s16, s10;
	[sflag:s17] =	ssyncset.done @p0 $0x0  }
.Ltmp1:
0x5f: {  	[sflag:s17] =	ssyncadd.s32 @p0 $0xFFFFD800;
	s17 =	simm.s32 @!p0 $0x3;
	(pc) =	sbr.rel @p2 .LBB2_1-.Ltmp1, $4  }
0x60: {  	[hbm:s6], [sflag:s14] =	dma.local @!p0 [spmem:s15], $0x2700  }
0x61: {  	_ =	swait.ge @!p0 [sflag:s17], $0x2700  }
0x62: {  	[sflag:s17] =	ssyncset.done @!p0 $0x0  }
0x63: {  	[sflag:s17] =	ssyncadd.s32 @!p0 $0xFFFFD900  }
0x64: {  	_ =	sfence.sel $0x180000  }
0x65: {  	[bflag:$0x0] =	sbarrier.arrive $0xFFFF  }
0x66: {  	p0 =	sne.s32 s0, $0x0;
	_ =	strace $0x9000005C  }
0x67: {  	s0 =	sadd.s32 @!p0 $0x100000, s1;
	[bflag:$0x2] =	sbarrier.arrive $0xFFFF  }
0x68: {  	[sflag:s0] =	ssyncadd.tile.s32 @!p0 $0x1;
	_ =	shalt  }
.Lfunc_end2:
_tile_overlayer_lowered:
.L_overlay_start_2:
0x69: {  	(tag) =	ssettag $0x2  }
0x6a: {  	s0 =	rddreg [dreg:$0x0];
	s2 =	stileid.u32  }
0x6b: {  	s1 =	rddreg [dreg:$0x1];
	p0 =	sne.s32 s2, $0x0  }
0x6c: {  	s3 =	rddreg [dreg:$0x2];
	[bflag:$0x3] =	sbarrier.arrive $0xFFFF;
	s2 =	simm.s32 @!p0 $0x1C03  }
0x6d: {  	[timem:s3], [sflag:s2] =	dma.local @!p0 [hbm:s0], s1  }
0x6e: {  	s0 =	simm.s32 @!p0 $0x3  }
0x6f: {  	_ =	swait.ge @!p0 [sflag:s0], s1  }
0x70: {  	s1 =	ssub.s32 @!p0 $0x0, s1;
	[sflag:s0] =	ssyncset.done @!p0 $0x0  }
0x71: {  	[sflag:s0] =	ssyncadd.s32 @!p0 s1  }
0x72: {  	[bflag:$0x3] =	sbarrier.arrive $0xFFFF  }
0x73: {  	_ =	shalt  }

// kernel: kernel.43.cloned.1.call-start
scs
__scs_entry_jumppad:
0x0: {  	(pc) =	sbr.rel $0x88, $3  }
0x1: {  	(tag) =	ssettag $0x0;
	lr =	simm.s32 $0x1  }
0x2: {  	[smem:$0x3F68] =	sst lr;
	_ =	strace $0xD0000000  }
0x3: {  	_ = 	snop  }
0x4: {  	_ = 	snop  }
0x5: {  	_ = 	snop  }
0x6: {  	_ = 	snop  }
0x7: {  	_ = 	snop  }
__scs_overlays_trampoline_lowered:
0x8: {  	[smem:$0x3F77] =	sst s0  }
0x9: {  	[smem:$0x3F78] =	sst s1  }
0xa: {  	[smem:$0x3F79] =	sst s2  }
0xb: {  	[smem:$0x3F7A] =	sst s3  }
0xc: {  	[smem:$0x3F7B] =	sst s4  }
0xd: {  	[smem:$0x3F7C] =	sst s5  }
0xe: {  	[smem:$0x3F7D] =	sst s6  }
0xf: {  	[smem:$0x3F7E] =	sst s7  }
0x10: {  	[smem:$0x3F7F] =	sst s8  }
0x11: {  	[smem:$0x3F80] =	sst s9;
	s0 =	simm.s32 @!p0 $0x0  }
0x12: {  	s1 =	sld [smem:$0x3F66];
	s0 =	simm.s32 @p0 $0x1  }
0x13: {  	[smem:$0x3F81] =	sst s0;
	s0 =	simm.s32 @!p1 $0x0  }
0x14: {  	s2 =	sld [smem:$0x3F65];
	s0 =	simm.s32 @p1 $0x1  }
0x15: {  	[smem:$0x3F82] =	sst s0;
	s0 =	simm.s32 @!p2 $0x0  }
0x16: {  	s3 =	sld [smem:$0x3FDB];
	s0 =	simm.s32 @p2 $0x1  }
0x17: {  	s4 =	simm.s32 $0x1BF5;
	[smem:$0x3F84] =	sst s0  }
0x18: {  	s0 =	sld [smem:$0x3F67];
	_ =	swait.ge [sflag:s4], $0x0  }
0x19: {  	s7 =	sld [smem:$0x3F68]  }
0x1a: {  	s8 =	sadd.s32 $0xFFFFE003, lr  }
0x1b: {  	s9 =	sadd.s32 $0xFFFFFEF7, lr;
	s5 =	simm.s32 $0xFFFFFFFF;
	p2 =	slt.u32 s8, $0xFFFFF086  }
0x1c: {  	p1 =	slt.u32 s9, $0xF7A;
	s5 =	simm.s32 @!p2 $0x0  }
0x1d: {  	s5 =	simm.s32 @p1 $0x1;
	p0 =	seq.s32 s7, s2  }
0x1e: {  	s7 =	smul.u32 @!p0 $0xF7A, s2;
	p2 =	seq.s32 @!p0 s5, $0x0  }
0x1f: {  	s9 =	smul.u32 $0xF7A, s1;
	s8 =	simm.s32 @!p0 $0x1BF5;
	p2 =	por !p2, p0  }
0x20: {  	[sflag:s8] =	ssyncset.s32 @!p0 $0xFFFFF086;
	s6 =	sadd.s32 @!p0 s3, s7;
	s7 =	simm.s32 @!p0 $0x108  }
0x21: {  	s3 =	sadd.s32 s3, s9;
	s6 =	sadd.s32 @!p0 $0x88, s6;
	s7 =	simm.s32 @p2 $0x1082  }
0x22: {  	[simem:s7], [sflag:s8] =	dma.local @!p0 [hbm:s6], $0xF7A  }
0x23: {  	s9 =	sor.u32 $0xD0000000, s2;
	s6 =	simm.s32 $0x108;
	_ =	swait.ge @!p0 [sflag:s8], $0x0  }
0x24: {  	s3 =	sadd.s32 $0x88, s3;
	s6 =	simm.s32 @!p1 $0x1082;
	[sflag:s4] =	ssyncset.s32 $0xFFFFF086  }
0x25: {  	[simem:s6], [sflag:s4] =	dma.local [hbm:s3], $0xF7A  }
0x26: {  	[smem:$0x3F68] =	sst s1;
	(tag) =	ssettag s2;
	_ =	strace s9  }
0x27: {  	s1 =	sld [smem:$0x3F78]  }
0x28: {  	s2 =	sld [smem:$0x3F79]  }
0x29: {  	s4 =	sld [smem:$0x3F7B]  }
0x2a: {  	p0 =	seq.s32 s5, $0x0;
	s5 =	sld [smem:$0x3F7C]  }
0x2b: {  	s6 =	sld [smem:$0x3F7D]  }
0x2c: {  	s7 =	sld [smem:$0x3F7E]  }
0x2d: {  	s3 =	simm.s32 $0x108;
	s8 =	sld [smem:$0x3F7F]  }
0x2e: {  	s3 =	simm.s32 @!p0 $0x1082;
	s9 =	sld [smem:$0x3F80]  }
0x2f: {  	lr =	sadd.s32 s0, s3;
	s0 =	sld [smem:$0x3F77]  }
0x30: {  	s3 =	sld [smem:$0x3F7A]  }
0x31: {  	[smem:$0x3F83] =	sst s10  }
0x32: {  	s10 =	sld [smem:$0x3F81];
	_ =	sdelay $0x3  }
0x33: {  	p0 =	seq.s32 s10, $0x1;
	s10 =	sld [smem:$0x3F83];
	_ =	sdelay $0x3  }
0x34: {  	[smem:$0x3F83] =	sst s10  }
0x35: {  	s10 =	sld [smem:$0x3F82];
	_ =	sdelay $0x3  }
0x36: {  	p1 =	seq.s32 s10, $0x1;
	s10 =	sld [smem:$0x3F83];
	_ =	sdelay $0x3  }
0x37: {  	[smem:$0x3F83] =	sst s10  }
0x38: {  	s10 =	sld [smem:$0x3F84]  }
0x39: {  	_ = 	snop;
	(pc) =	sbr.ind lr, $3  }
0x3a: {  	_ = 	snop  }
0x3b: {  	_ = 	snop  }
0x3c: {  	p2 =	seq.s32 s10, $0x1;
	s10 =	sld [smem:$0x3F83]  }
0x3d: {  	_ =	shalt  }
0x3e: {  	_ =	shalt  }
0x3f: {  	_ =	shalt  }
0x40: {  	_ =	shalt  }
0x41: {  	_ =	shalt  }
0x42: {  	_ =	shalt  }
0x43: {  	_ =	shalt  }
0x44: {  	_ =	shalt  }
0x45: {  	_ =	shalt  }
0x46: {  	_ =	shalt  }
0x47: {  	_ =	shalt  }
0x48: {  	_ =	shalt  }
0x49: {  	_ =	shalt  }
0x4a: {  	_ =	shalt  }
0x4b: {  	_ =	shalt  }
0x4c: {  	_ =	shalt  }
0x4d: {  	_ =	shalt  }
0x4e: {  	_ =	shalt  }
0x4f: {  	_ =	shalt  }
0x50: {  	_ =	shalt  }
0x51: {  	_ =	shalt  }
0x52: {  	_ =	shalt  }
0x53: {  	_ =	shalt  }
0x54: {  	_ =	shalt  }
0x55: {  	_ =	shalt  }
0x56: {  	_ =	shalt  }
0x57: {  	_ =	shalt  }
0x58: {  	_ =	shalt  }
0x59: {  	_ =	shalt  }
0x5a: {  	_ =	shalt  }
0x5b: {  	_ =	shalt  }
0x5c: {  	_ =	shalt  }
0x5d: {  	_ =	shalt  }
0x5e: {  	_ =	shalt  }
0x5f: {  	_ =	shalt  }
0x60: {  	_ =	shalt  }
0x61: {  	_ =	shalt  }
0x62: {  	_ =	shalt  }
0x63: {  	_ =	shalt  }
0x64: {  	_ =	shalt  }
0x65: {  	_ =	shalt  }
0x66: {  	_ =	shalt  }
0x67: {  	_ =	shalt  }
0x68: {  	_ =	shalt  }
0x69: {  	_ =	shalt  }
0x6a: {  	_ =	shalt  }
0x6b: {  	_ =	shalt  }
0x6c: {  	_ =	shalt  }
0x6d: {  	_ =	shalt  }
0x6e: {  	_ =	shalt  }
0x6f: {  	_ =	shalt  }
0x70: {  	_ =	shalt  }
0x71: {  	_ =	shalt  }
0x72: {  	_ =	shalt  }
0x73: {  	_ =	shalt  }
0x74: {  	_ =	shalt  }
0x75: {  	_ =	shalt  }
0x76: {  	_ =	shalt  }
0x77: {  	_ =	shalt  }
0x78: {  	_ =	shalt  }
0x79: {  	_ =	shalt  }
0x7a: {  	_ =	shalt  }
0x7b: {  	_ =	shalt  }
0x7c: {  	_ =	shalt  }
0x7d: {  	_ =	shalt  }
0x7e: {  	_ =	shalt  }
0x7f: {  	_ =	shalt  }
0x80: {  	_ =	shalt  }
0x81: {  	_ =	shalt  }
0x82: {  	_ =	shalt  }
0x83: {  	_ =	shalt  }
0x84: {  	_ =	shalt  }
0x85: {  	_ =	shalt  }
0x86: {  	_ =	shalt  }
0x87: {  	_ =	shalt  }
.Lfunc_end0:
.L_simem_size_0:
called_computation.8_lowered:
.L_overlay_start_0:
0x88: {  	s2 =	sld [smem:$0x3FD9]  }
0x89: {  	s3 =	sld [smem:$0x3FFE];
	_ =	sdelay $0x1  }
0x8a: {  	s1 =	srdreg.scid  }
0x8b: {  	s0 =	sand.u32 $0x1, s1  }
0x8c: {  	s14 =	sshll.u32 s0, $0xA;
	s2 =	sadd.s32 s3, s2  }
0x8d: {  	s2 =	sadd.s32 s2, s14  }
0x8e: {  	[smem:$0x3F8F] =	sst s2  }
0x8f: {  	_ = 	snop  }
0x90: {  	s2 =	sld [smem:$0x3FD0];
	_ =	sdelay $0x2  }
0x91: {  	s15 =	simm.s32 $0xC;
	s4 =	simm.s32 $0x10  }
0x92: {  	[smem:s4], [sflag:s15] =	dma.local [hbm:s2], $0x1  }
0x93: {  	_ =	swait.eq [sflag:s15], $0x1  }
0x94: {  	[sflag:s15] =	ssyncset.done $0x0  }
0x95: {  	[sflag:s15] =	ssyncadd.s32 $0xFFFFFFFF  }
0x96: {  	s16 =	sld [smem:$0x10];
	(tm) =	ssettm $0x1  }
0x97: {  	s17 =	sld [smem:$0x3FFB];
	_ =	sdelay $0x3  }
0x98: {  	_ =	strace s17  }
0x99: {  	s3 =	sld [smem:$0x3FFC];
	_ =	sdelay $0x3  }
0x9a: {  	_ =	strace s3  }
0x9b: {  	s3 =	sld [smem:$0x3FFD];
	_ =	sdelay $0x3  }
0x9c: {  	_ =	strace s3  }
0x9d: {  	_ =	strace $0x8FFFFFFF  }
0x9e: {  	s18 =	sld [smem:$0x3FDB];
	_ =	sdelay $0x1  }
0x9f: {  	s19 =	simm.s32 $_scs_section_size  }
0xa0: {  	s5 =	simm.s32 $_size__tile_overlayer_lowered;
	s6 =	simm.s32 $_tile_overlayer_lowered  }
0xa1: {  	s22 =	simm.s32 $0x1BFF;
	s21 =	sshll.u32 s6, $0x1;
	s3 =	sadd.s32 s19, s18  }
0xa2: {  	s7 =	simm.s32 $0x0;
	s20 =	sshll.u32 s5, $0x1;
	s5 =	sadd.s32 s21, s3  }
0xa3: {  	[timem:s7], [sflag:s22] =	dma.local [hbm:s5], s20  }
0xa4: {  	_ =	swait.ge [sflag:s22], s20  }
0xa5: {  	s4 =	ssub.s32 $0x0, s20;
	[sflag:s22] =	ssyncset.done $0x0  }
0xa6: {  	[sflag:s22] =	ssyncadd.s32 s4;
	_ =	sdelay $0x1  }
0xa7: {  	s23 =	simm.s32 $0x1B8B  }
0xa8: {  	_ =	swait.ge [sflag:s23], $0x1  }
0xa9: {  	[sflag:s23] =	ssyncset.done $0x0  }
0xaa: {  	s25 =	simm.s32 $0x1B8E;
	s24 =	sld [smem:$0x3FFE];
	[sflag:s23] =	ssyncadd.s32 $0xFFFFFFFF  }
0xab: {  	s26 =	simm.s32 $execute0_lowered;
	[smem:$0x3FD2] =	sst s25  }
0xac: {  	s5 =	sshll.u32 s26, $0x1;
	_ =	strace $0x8000005E;
	[dreg:$0x1] =	wrdreg $0xFFFFFFFF  }
0xad: {  	s28 =	simm.s32 $_size_execute0_lowered;
	s3 =	sadd.s32 s3, s5;
	[dreg:$0x0] =	wrdreg $0x0  }
0xae: {  	s5 =	sshll.u32 s28, $0x1;
	[dreg:$0x2] =	wrdreg s3  }
0xaf: {  	[dreg:$0x3] =	wrdreg s5  }
0xb0: {  	[dreg:$0x4] =	wrdreg $0xC0  }
0xb1: {  	_ =	task [dreg:s7], $0x5FFFF  }
0xb2: {  	[dreg:$0x1] =	wrdreg $0xFFFFFFFF  }
0xb3: {  	[dreg:$0x0] =	wrdreg $0x60  }
0xb4: {  	[dreg:$0x2] =	wrdreg s16  }
0xb5: {  	[dreg:$0x3] =	wrdreg s24  }
0xb6: {  	[dreg:$0x4] =	wrdreg $0x9  }
0xb7: {  	_ =	task.clear_ibuf [dreg:s7], $0x5FFFF;
	_ =	strace $0x9000005E  }
0xb8: {  	s29 =	simm.s32 $0x9;
	_ =	strace $0x80000060  }
0xb9: {  	_ =	swait.ge [sflag:s29], $0x1  }
0xba: {  	[sflag:s29] =	ssyncadd.s32 $0xFFFFFFFF  }
0xbb: {  	_ =	strace $0x90000060  }
0xbc: {  	_ =	sfence  }
0xbd: {  	s30 =	sld [smem:$0x0];
	_ =	sdelay $0x2  }
0xbe: {  	s31 =	sshll.u32 s1, $0xD;
	s1 =	sshrl.u32 s1, $0x2  }
0xbf: {  	s3 =	sand.u32 $0x4000, s31;
	s1 =	sadd.s32 s1, s30  }
0xc0: {  	s0 =	sor.u32 s3, s0;
	s1 =	sshll.u32 s1, $0x11  }
0xc1: {  	s0 =	sor.u32 s1, s0  }
0xc2: {  	s0 =	sadd.s32 $0x8F2B, s0  }
0xc3: {  	[sflag:s0] =	ssyncadd.remote.s32 $0x1  }
0xc4: {  	_ =	sfence.sel $0xFFFF  }
0xc5: {  	[dreg:$0x0] =	wrdreg $0xFFFFFFFF;
	(pc) =	sbr.abs _section_cstart, $3  }
0xc6: {  	[dreg:$0x1] =	wrdreg $0xFFFFFFFF  }
0xc7: {  	_ =	task.clear_ibuf [dreg:s7], $0x2FFFF;
	_ =	strace $0x9FFFFFFF  }
0xc8: {  	(tm) =	ssettm $0x7FFFFFFF  }
0xc9: {  	_ =	shalt  }
tec
execute0_lowered:
.L_overlay_start_1:
0x0: {  	(tag) =	ssettag $0x1  }
0x1: {  	s1 =	srdreg.scid;
	s2 =	rddreg [dreg:$0x0]  }
0x2: {  	s0 =	stileid.u32;
	s6 =	rddreg [dreg:$0x1]  }
0x3: {  	s3 =	simm.s32 $0x0;
	s15 =	simm.s32 $0x1;
	s16 =	simm.s32 $0x2  }
0x4: {  	s17 =	simm.s32 $0x3;
	s18 =	simm.s32 $0x0;
	s12 =	smul.u32 $0x9E, s0  }
0x5: {  	s8 =	sand.u32 $0x1, s1;
	s29 =	sshll.u32 s0, $0x1;
	s13 =	smul.u32 $0x4F000, s0  }
0x6: {  	[smem:$0x7FF] =	sst s3;
	s10 =	sadd.s32 $0x4F7200, s6;
	s30 =	smul.u32 $0x4F, s8  }
0x7: {  	s4 =	sor.u32 s8, s29;
	s7 =	ssub.s32 $0x2, s8;
	s14 =	smul.u32 $0x27800, s8  }
0x8: {  	_ =	strace $0x8000005F;
	s5 =	smul.u32 $0x4F0, s4;
	s9 =	sshrl.u32 s7, $0x1  }
0x9: {  	s11 =	smul.u32 $0x27800, s4;
	p0 =	seq.s32 s4, $0x1F;
	s4 =	simm.s32 $0x33  }
0xa: {  	s31 =	sadd.s32 s13, s10;
	s13 =	simm.s32 $0x2780;
	s7 =	ssub.s32 s7, s9  }
0xb: {  	s4 =	simm.s32 @!p0 $0x4F;
	s9 =	sadd.s32 s30, s12;
	s5 =	sadd.s32 s5, s6  }
0xc: {  	s6 =	sadd.s32 $0x14D10, s6;
	s7 =	smax.u32 s7, $0x1;
	s8 =	sadd.s32 s10, s11  }
0xd: {  	s12 =	sshll.u32 s9, $0xB;
	s11 =	sadd.s32 s14, s31;
	s14 =	simm.s32 $0x6780  }
0xe: {  	s5 =	sadd.s32 $0xB400, s5;
	s9 =	sadd.s32 $0x800, s8;
	s12 =	sadd.s32 s10, s12  }
0xf: {  	s10 =	sadd.s32 $0x1000, s11;
	s11 =	sadd.s32 $0x1800, s12;
	s12 =	simm.s32 $0x80  }
.LBB2_1:
0x10: {  	s19 =	simm.s32 @p0 $0x0  }
0x11: {  	[tilespmem:s19], [sflag:$0x4] =	stream.linear.gather @p0 [hbm4b:s6+s19], $0x1980, $0x38;
	[tilespmem:$0xA780] =	vst v63  }
0x12: {  	s19 =	simm.s32 @p0 $0x4  }
0x13: {  	_ =	swait.ge @p0 [sflag:s19], $0x1980  }
0x14: {  	[sflag:s19] =	ssyncset.done @p0 $0x0  }
0x15: {  	[sflag:s19] =	ssyncadd.s32 @p0 $0xFFFFE680;
	s19 =	simm.s32 @!p0 $0x0  }
0x16: {  	[tilespmem:s19], [sflag:$0x4] =	stream.linear.gather @!p0 [hbm4b:s5+s19], $0x2780, $0x38;
	[tilespmem:$0xA780] =	vst v63  }
0x17: {  	s19 =	simm.s32 @!p0 $0x4  }
0x18: {  	_ =	swait.ge @!p0 [sflag:s19], $0x2780  }
0x19: {  	[sflag:s19] =	ssyncset.done @!p0 $0x0  }
0x1a: {  	[sflag:s19] =	ssyncadd.s32 @!p0 $0xFFFFD880  }
0x1b: {  	[tilespmem:s13], [sflag:$0x1] =	stream.indirect.gather [hbm4b:s2+s12], $0x80, s3, s12, $0xb8;
	[tilespmem:$0xA780] =	vst v63  }
0x1c: {  	_ = 	snop  }
0x1d: {  	[tilespmem:s14], [sflag:$0x1] =	stream.indirect.gather [hbm4b:s2+s12], $0x80, s12, s12, $0xb8;
	[tilespmem:$0xA780] =	vst v63  }
0x1e: {  	_ =	swait.ge [sflag:s15], $0x4000  }
0x1f: {  	[sflag:s15] =	ssyncset.done $0x0  }
0x20: {  	[sflag:s15] =	ssyncadd.s32 $0xFFFFC000  }
0x21: {  	_ =	swait.ge [sflag:s15], $0x4000  }
0x22: {  	[sflag:s15] =	ssyncset.done $0x0  }
0x23: {  	p2 =	sle.u32 s4, $0x2;
	[sflag:s15] =	ssyncadd.s32 $0xFFFFC000  }
0x24: {  	[hbm4b:s8+s3] =	stream.linear.scatter [tilespmem:s13], [sflag:$0x2], $0x4000, $0x38;
	[tilespmem:$0xA780] =	vst v63  }
0x25: {  	s19 =	simm.s32 @!p2 $0x2  }
0x26: {  	[hbm4b:s9+s3] =	stream.linear.scatter [tilespmem:s14], [sflag:$0x3], $0x4000, $0x38;
	[tilespmem:$0xA780] =	vst v63  }
0x27: {  	_ =	swait.ge @!p2 [sflag:s19], $0x4000  }
0x28: {  	p1 =	sle.u32 s4, $0x3;
	[sflag:s19] =	ssyncset.done @!p2 $0x0  }
0x29: {  	[sflag:s19] =	ssyncadd.s32 @!p2 $0xFFFFC000;
	s19 =	simm.s32 @!p1 $0x3  }
0x2a: {  	s20 =	simm.s32 $0x100;
	_ =	swait.ge @!p1 [sflag:s19], $0x4000  }
0x2b: {  	s24 =	simm.s32 @!p1 $0x6780;
	p2 =	por p2, p2;
	[sflag:s19] =	ssyncset.done @!p1 $0x0  }
0x2c: {  	s26 =	simm.s32 @!p2 $0x2780;
	[sflag:s19] =	ssyncadd.s32 @!p1 $0xFFFFC000;
	s19 =	simm.s32 @!p2 $0x80  }
0x2d: {  	[tilespmem:s26], [sflag:$0x1] =	stream.indirect.gather @!p2 [hbm4b:s2+s19], $0x80, s20, s19, $0xb8;
	[tilespmem:$0xA780] =	vst v63  }
0x2e: {  	s22 =	simm.s32 @!p2 $0x1;
	s19 =	simm.s32 @!p1 $0x180;
	s20 =	simm.s32 @!p1 $0x80  }
0x2f: {  	[tilespmem:s24], [sflag:$0x1] =	stream.indirect.gather @!p1 [hbm4b:s2+s20], $0x80, s19, s20, $0xb8;
	[tilespmem:$0xA780] =	vst v63  }
0x30: {  	s21 =	simm.s32 $0x5;
	_ =	swait.ge @!p2 [sflag:s22], $0x4000  }
0x31: {  	s23 =	simm.s32 $0x7;
	p4 =	sle.u32 s4, $0x4;
	[sflag:s22] =	ssyncset.done @!p2 $0x0  }
0x32: {  	s28 =	smov.u32 s10;
	[sflag:s22] =	ssyncadd.s32 @!p2 $0xFFFFC000;
	s22 =	simm.s32 @!p1 $0x1  }
0x33: {  	s29 =	smov.u32 s11;
	s25 =	simm.s32 @!p1 $0x0;
	_ =	swait.ge @!p1 [sflag:s22], $0x4000  }
0x34: {  	s30 =	simm.s32 @!p2 $0x0;
	s20 =	sadd.s32 $0x1000, s10;
	[sflag:s22] =	ssyncset.done @!p1 $0x0  }
0x35: {  	s19 =	sadd.s32 $0x1000, s11;
	[sflag:s22] =	ssyncadd.s32 @!p1 $0xFFFFC000;
	s22 =	simm.s32 $0x200  }
.LBB2_2:
0x36: {  	[hbm4b:s28+s30] =	stream.linear.scatter @!p2 [tilespmem:s26], [sflag:$0x2], $0x4000, $0x38;
	[tilespmem:$0xA780] =	vst v63  }
0x37: {  	s26 =	simm.s32 @!p4 $0x2;
	s30 =	smov.u32 s23;
	s23 =	sadd.s32 $0x2, s23  }
0x38: {  	[hbm4b:s29+s25] =	stream.linear.scatter @!p1 [tilespmem:s24], [sflag:$0x3], $0x4000, $0x38;
	[tilespmem:$0xA780] =	vst v63  }
0x39: {  	s28 =	smov.u32 s20;
	p3 =	sne.s32 s23, $0x51;
	_ =	swait.ge @!p4 [sflag:s26], $0x4000  }
0x3a: {  	p1 =	sge.u32 s21, s4;
	s21 =	smov.u32 s30;
	[sflag:s26] =	ssyncset.done @!p4 $0x0  }
0x3b: {  	s25 =	simm.s32 @!p1 $0x0;
	[sflag:s26] =	ssyncadd.s32 @!p4 $0xFFFFC000;
	s26 =	simm.s32 @!p1 $0x3  }
0x3c: {  	p2 =	por p4, p4;
	s29 =	smov.u32 s19;
	_ =	swait.ge @!p1 [sflag:s26], $0x4000  }
0x3d: {  	s24 =	simm.s32 @!p1 $0x6780;
	[sflag:s26] =	ssyncset.done @!p1 $0x0  }
0x3e: {  	s30 =	simm.s32 @!p2 $0x80;
	[sflag:s26] =	ssyncadd.s32 @!p1 $0xFFFFC000;
	s26 =	simm.s32 @!p2 $0x2780  }
0x3f: {  	[tilespmem:s26], [sflag:$0x1] =	stream.indirect.gather @!p2 [hbm4b:s2+s30], $0x80, s22, s30, $0xb8;
	[tilespmem:$0xA780] =	vst v63  }
0x40: {  	s1 =	simm.s32 @!p2 $0x1;
	s31 =	simm.s32 @!p1 $0x80;
	s30 =	sadd.s32 @!p1 $0x80, s22  }
0x41: {  	[tilespmem:s24], [sflag:$0x1] =	stream.indirect.gather @!p1 [hbm4b:s2+s31], $0x80, s30, s31, $0xb8;
	[tilespmem:$0xA780] =	vst v63  }
0x42: {  	_ =	swait.ge @!p2 [sflag:s1], $0x4000  }
.Ltmp0:
0x43: {  	[sflag:s1] =	ssyncset.done @!p2 $0x0;
	(pc) =	sbr.rel @p3 .LBB2_2-.Ltmp0, $4  }
0x44: {  	[sflag:s1] =	ssyncadd.s32 @!p2 $0xFFFFC000;
	s1 =	simm.s32 @!p1 $0x1  }
0x45: {  	s20 =	sadd.s32 $0x1000, s20;
	s19 =	sadd.s32 $0x1000, s19;
	_ =	swait.ge @!p1 [sflag:s1], $0x4000  }
0x46: {  	s31 =	sadd.s32 $0xFFFFFFFF, s21;
	s30 =	simm.s32 @!p2 $0x0;
	[sflag:s1] =	ssyncset.done @!p1 $0x0  }
0x47: {  	s22 =	sadd.s32 $0x100, s22;
	p4 =	sge.u32 s31, s4;
	[sflag:s1] =	ssyncadd.s32 @!p1 $0xFFFFC000  }
0x48: {  	[hbm4b:s28+s30] =	stream.linear.scatter @!p2 [tilespmem:s26], [sflag:$0x2], $0x4000, $0x38;
	[tilespmem:$0xA780] =	vst v63  }
0x49: {  	s1 =	simm.s32 @!p4 $0x2  }
0x4a: {  	[hbm4b:s29+s25] =	stream.linear.scatter @!p1 [tilespmem:s24], [sflag:$0x3], $0x4000, $0x38;
	[tilespmem:$0xA780] =	vst v63  }
0x4b: {  	_ =	swait.ge @!p4 [sflag:s1], $0x4000  }
0x4c: {  	p1 =	sge.u32 s21, s4;
	[sflag:s1] =	ssyncset.done @!p4 $0x0  }
0x4d: {  	[sflag:s1] =	ssyncadd.s32 @!p4 $0xFFFFC000;
	s1 =	simm.s32 @!p1 $0x3  }
0x4e: {  	p2 =	por p4, p4;
	_ =	swait.ge @!p1 [sflag:s1], $0x4000  }
0x4f: {  	s23 =	simm.s32 @!p2 $0x2780;
	[sflag:s1] =	ssyncset.done @!p1 $0x0  }
0x50: {  	s24 =	simm.s32 @!p2 $0x1;
	[sflag:s1] =	ssyncadd.s32 @!p1 $0xFFFFC000;
	s1 =	simm.s32 @!p2 $0x80  }
0x51: {  	[tilespmem:s23], [sflag:$0x1] =	stream.indirect.gather @!p2 [hbm4b:s2+s1], $0x80, s22, s1, $0xb8;
	[tilespmem:$0xA780] =	vst v63  }
0x52: {  	s21 =	simm.s32 @!p1 $0x6780;
	s1 =	sadd.s32 @!p1 $0x80, s22;
	s22 =	simm.s32 @!p1 $0x80  }
0x53: {  	[tilespmem:s21], [sflag:$0x1] =	stream.indirect.gather @!p1 [hbm4b:s2+s22], $0x80, s1, s22, $0xb8;
	[tilespmem:$0xA780] =	vst v63  }
0x54: {  	_ =	swait.ge @!p2 [sflag:s24], $0x4000  }
0x55: {  	[sflag:s24] =	ssyncset.done @!p2 $0x0  }
0x56: {  	s1 =	simm.s32 @!p1 $0x1;
	[sflag:s24] =	ssyncadd.s32 @!p2 $0xFFFFC000  }
0x57: {  	_ =	swait.ge @!p1 [sflag:s1], $0x4000  }
0x58: {  	[sflag:s1] =	ssyncset.done @!p1 $0x0  }
0x59: {  	s22 =	simm.s32 @!p2 $0x0;
	[sflag:s1] =	ssyncadd.s32 @!p1 $0xFFFFC000  }
0x5a: {  	[hbm4b:s20+s22] =	stream.linear.scatter @!p2 [tilespmem:s23], [sflag:$0x2], $0x4000, $0x38;
	[tilespmem:$0xA780] =	vst v63  }
0x5b: {  	s18 =	sadd.s32 $0x1, s18;
	s1 =	simm.s32 @!p1 $0x0  }
0x5c: {  	[hbm4b:s19+s1] =	stream.linear.scatter @!p1 [tilespmem:s21], [sflag:$0x3], $0x4000, $0x38;
	[tilespmem:$0xA780] =	vst v63  }
0x5d: {  	p1 =	sne.s32 s18, s7;
	_ =	swait.ge [sflag:s16], $0x4000  }
.Ltmp1:
0x5e: {  	[sflag:s16] =	ssyncset.done $0x0;
	(pc) =	sbr.rel @p1 .LBB2_1-.Ltmp1, $4  }
0x5f: {  	[sflag:s16] =	ssyncadd.s32 $0xFFFFC000  }
0x60: {  	_ =	swait.ge [sflag:s17], $0x4000  }
0x61: {  	[sflag:s17] =	ssyncset.done $0x0  }
0x62: {  	[sflag:s17] =	ssyncadd.s32 $0xFFFFC000  }
0x63: {  	_ =	sfence.sel $0x180000  }
0x64: {  	[bflag:$0x0] =	sbarrier.arrive $0xFFFF  }
0x65: {  	_ =	strace $0x9000005F  }
0x66: {  	[bflag:$0x2] =	sbarrier.arrive $0xFFFF  }
0x67: {  	p0 =	sne.s32 s0, $0x0;
	s0 =	rddreg [dreg:$0x2]  }
0x68: {  	s0 =	sadd.s32 @!p0 $0x100000, s0  }
0x69: {  	[sflag:s0] =	ssyncadd.tile.s32 @!p0 $0x1;
	_ =	shalt  }
.Lfunc_end2:
_tile_overlayer_lowered:
.L_overlay_start_2:
0x6a: {  	(tag) =	ssettag $0x2  }
0x6b: {  	s0 =	rddreg [dreg:$0x0];
	s2 =	stileid.u32  }
0x6c: {  	s1 =	rddreg [dreg:$0x1];
	p0 =	sne.s32 s2, $0x0  }
0x6d: {  	s3 =	rddreg [dreg:$0x2];
	[bflag:$0x3] =	sbarrier.arrive $0xFFFF;
	s2 =	simm.s32 @!p0 $0x1C04  }
0x6e: {  	[timem:s3], [sflag:s2] =	dma.local @!p0 [hbm:s0], s1  }
0x6f: {  	s0 =	simm.s32 @!p0 $0x4  }
0x70: {  	_ =	swait.ge @!p0 [sflag:s0], s1  }
0x71: {  	s1 =	ssub.s32 @!p0 $0x0, s1;
	[sflag:s0] =	ssyncset.done @!p0 $0x0  }
0x72: {  	[sflag:s0] =	ssyncadd.s32 @!p0 s1  }
0x73: {  	[bflag:$0x3] =	sbarrier.arrive $0xFFFF  }
0x74: {  	_ =	shalt  }

</sc_bundles>
